<compile_context>
chip_gen: v7x
topology: tpu7x:2x2x1
jax: 0.10.2.dev20260603
libtpu: 0.0.44.dev20260713+nightly
codegen_flags: <defaults>
</compile_context>

<pallas_src>
import functools

import jax
import jax.numpy as jnp
from jax import lax
from jax.experimental import pallas as pl
from jax.experimental.pallas import tpu as pltpu
from jax.experimental.pallas import tpu_sc as plsc

M_ROWS = 1048576
D = 64
B = 16384
D_IN = 128

NS = 16
ITEMS = B // NS
J = ITEMS // 128


def _matmul_body(x_ref, w_ref, o_ref):
    o_ref[...] = jnp.dot(x_ref[...], w_ref[...],
                         preferred_element_type=jnp.float32)


def _embed(x, w):
    blk = 512
    return pl.pallas_call(
        _matmul_body,
        grid=(B // blk,),
        in_specs=[
            pl.BlockSpec((blk, D_IN), lambda i: (i, 0)),
            pl.BlockSpec((D_IN, D), lambda i: (0, 0)),
        ],
        out_specs=pl.BlockSpec((blk, D), lambda i: (i, 0)),
        out_shape=jax.ShapeDtypeStruct((B, D), jnp.float32),
    )(x, w)


def _copy_row(src2d, j, dst1):
    for c in range(128 // 16):
        sl = pl.ds(c * 16, 16)
        dst1[sl] = src2d[j, sl]


def _sc_body(idx2d, zeros, emb, sarr, tag, acc,
             idxb, gb, embb, sb, zb, idx1, gb1, posw, gbw):
    wid = lax.axis_index("s")
    base = wid * ITEMS
    iota = lax.iota(jnp.int32, 16)
    zero16 = iota * 0

    pltpu.sync_copy(idx2d.at[pl.ds(wid * J, J)], idxb)
    pltpu.sync_copy(zeros, zb)

    for j in range(J):
        _copy_row(idxb, j, idx1)
        for c in range(128 // 16):
            plsc.store_scatter(posw, [iota + c * 16, zero16],
                               iota + (base + j * 128 + c * 16))
        pltpu.sync_copy(posw, tag.at[idx1])
        pltpu.sync_copy(zb, acc.at[pl.ds(base + j * 128, 128)])
    plsc.subcore_barrier()

    for j in range(J):
        _copy_row(idxb, j, idx1)
        pltpu.sync_copy(tag.at[idx1], gbw)
        for c in range(128 // 16):
            sl = pl.ds(c * 16, 16)
            gb[j, sl] = plsc.load_gather(gbw, [iota + c * 16, zero16])

    for j in range(J):
        _copy_row(gb, j, gb1)
        pltpu.sync_copy(emb.at[pl.ds(base + j * 128, 128)], embb)
        pltpu.sync_copy(embb, acc.at[gb1], add=True)
    plsc.subcore_barrier()

    for j in range(J):
        _copy_row(gb, j, gb1)
        pltpu.sync_copy(acc.at[gb1], sb)
        pltpu.sync_copy(sb, sarr.at[pl.ds(base + j * 128, 128)])


@functools.partial(
    pl.kernel,
    out_type=(
        jax.ShapeDtypeStruct((B, D), jnp.float32),
        jax.ShapeDtypeStruct((M_ROWS, 16), jnp.int32),
    ),
    mesh=plsc.VectorSubcoreMesh(core_axis_name="c", subcore_axis_name="s",
                                num_cores=1),
    compiler_params=pltpu.CompilerParams(use_tc_tiling_on_sc=False,
                                         needs_layout_passes=False),
    scratch_types=(
        pltpu.VMEM_SHARED((B, D), jnp.float32),
        pltpu.VMEM((J, 128), jnp.int32),
        pltpu.VMEM((J, 128), jnp.int32),
        pltpu.VMEM((128, D), jnp.float32),
        pltpu.VMEM((128, D), jnp.float32),
        pltpu.VMEM((128, D), jnp.float32),
        pltpu.VMEM((128,), jnp.int32),
        pltpu.VMEM((128,), jnp.int32),
        pltpu.VMEM((128, 16), jnp.int32),
        pltpu.VMEM((128, 16), jnp.int32),
    ),
)
def _sc_groupsums(idx2d, zeros, emb, sarr, tag, *scratch):
    _sc_body(idx2d, zeros, emb, sarr, tag, *scratch)


def _combine_body(mr_ref, s_ref, e_ref, o_ref):
    read = mr_ref[...] + s_ref[...]
    o_ref[...] = read * (e_ref[...] + 1.0)


def _combine(memrows, s, emb):
    blk = 2048
    spec = pl.BlockSpec((blk, D), lambda i: (i, 0))
    return pl.pallas_call(
        _combine_body,
        grid=(B // blk,),
        in_specs=[spec, spec, spec],
        out_specs=spec,
        out_shape=jax.ShapeDtypeStruct((B, D), jnp.float32),
    )(memrows, s, emb)


def kernel(mem, idx, x, W_emb):
    emb = _embed(x, W_emb)
    idx2d = idx.reshape(NS * J, 128)
    zeros = jnp.zeros((128, D), jnp.float32)
    s, _ = _sc_groupsums(idx2d, zeros, emb)
    memrows = jnp.take(mem, idx, axis=0)
    return _combine(memrows, s, emb)

# --- scband reference (transcript-rebuilt; emitter-appended) ---
"""Pipeline reference for scband-model-59356448031031 (READ-ONLY COPY).

The authoritative reference and input builder live on the scoring server;
editing this copy changes nothing except your own understanding.
"""

import jax, jax.numpy as jnp
import numpy as np

M, D, B, D_IN = 1048576, 64, 16384, 128

def setup_inputs(seed: int = 0) -> dict:
    key = jax.random.key(seed)
    k1, k2, k3, k4 = jax.random.split(key, 4)
    mem = jax.random.normal(k1, (M, D), dtype=jnp.float32) * 0.02
    idx = jax.random.randint(k2, (B,), 0, M, dtype=jnp.int32)
    x = jax.random.normal(k3, (B, D_IN), dtype=jnp.float32)
    # learned parameter of the embedding_module (basis matrix / linear projection)
    W_emb = jax.random.normal(k4, (D_IN, D), dtype=jnp.float32) * (1.0 / np.sqrt(D_IN))
    return {"mem": mem, "idx": idx, "x": x, "W_emb": W_emb}

def reference(mem, idx, x, W_emb):
    # embedding_module: project raw input to memory-width embedding
    emb = x @ W_emb                                  # [B, D]
    # memory_module.write / batch_write: scatter-add embeddings into the
    # addressed rows of the memory matrix (address_module output = idx)
    new_mem = mem.at[idx].add(emb)                   # scatter-add [M, D]
    # memory_module.read / single_read: gather the addressed rows back
    # (basic_read_info / cm_readhead)
    read = jnp.take(new_mem, idx, axis=0)            # gather [B, D]
    # decode_module consumes set_info = stack((read, emb), -1); its core
    # interaction is the elementwise product of read-head and embedding
    set_info = jnp.stack((read, emb), axis=-1)       # [B, D, 2]
    out = set_info[..., 0] * set_info[..., 1] + read # [B, D]
    return out

if __name__ == "__main__":
    import jax
    _d = setup_inputs()
    print(jax.jit(kernel)(*tuple(_d.values())))

</pallas_src>

<mosaic_0001>
#map = affine_map<(d0, d1) -> (0, 0)>
module attributes {stable_mosaic.version = 14 : i64} {
  func.func @_sc_groupsums(%arg0: i32, %arg1: i32, %arg2: memref<128x128xi32, #tpu.memory_space<hbm>>, %arg3: memref<128x64xf32, #tpu.memory_space<hbm>>, %arg4: memref<16384x64xf32, #tpu.memory_space<hbm>>, %arg5: memref<16384x64xf32, #tpu.memory_space<hbm>>, %arg6: memref<1048576x16xi32, #tpu.memory_space<hbm>>, %arg7: memref<16384x64xf32, #tpu.memory_space<vmem_shared>>, %arg8: memref<8x128xi32, #tpu.memory_space<vmem>>, %arg9: memref<8x128xi32, #tpu.memory_space<vmem>>, %arg10: memref<128x64xf32, #tpu.memory_space<vmem>>, %arg11: memref<128x64xf32, #tpu.memory_space<vmem>>, %arg12: memref<128x64xf32, #tpu.memory_space<vmem>>, %arg13: memref<128xi32, #tpu.memory_space<vmem>>, %arg14: memref<128xi32, #tpu.memory_space<vmem>>, %arg15: memref<128x16xi32, #tpu.memory_space<vmem>>, %arg16: memref<128x16xi32, #tpu.memory_space<vmem>>) attributes {dimension_semantics = [#tpu.dimension_semantics<core_parallel>, #tpu.dimension_semantics<subcore_parallel>], iteration_bounds = array<i64: 1, 16>, scalar_prefetch = 0 : i64, scratch_operands = 10 : i64, tpu.core_type = #tpu.core_type<sc_vector_subcore>, window_params = [{transform_indices = #map}, {transform_indices = #map}, {transform_indices = #map}, {transform_indices = #map}, {transform_indices = #map}]} {
    %mul3A = arith.constant 1024 : i32
    %mul3A_0 = arith.muli %arg1, %mul3A : i32
    %iota3A = tpu.iota {dimensions = array<i32: 0>} : vector<16xi32>
    %mul3A_1 = arith.constant 0 : i32
    %mul3A_2 = vector.broadcast %mul3A_1 : i32 to vector<16xi32>
    %mul3A_3 = arith.muli %iota3A, %mul3A_2 : vector<16xi32>
    %mul3A_4 = arith.constant 8 : i32
    %mul3A_5 = arith.muli %arg1, %mul3A_4 : i32
    "tpu.region"() ({
      %run_scoped3A = tpu.sem_alloc : memref<!tpu.dma_semaphore, #tpu.memory_space<semaphore_mem>>
      %dma_start3A = arith.constant 0 : i32
      %dma_start3A_2675 = tpu.memref_slice %arg2[%mul3A_5, %dma_start3A] : memref<128x128xi32, #tpu.memory_space<hbm>> -> memref<8x128xi32, #tpu.memory_space<hbm>>
      %dma_start3A_2676 = arith.constant 0 : i32
      %dma_start3A_2677 = tpu.memref_slice %arg2[%mul3A_5, %dma_start3A_2676] : memref<128x128xi32, #tpu.memory_space<hbm>> -> memref<8x128xi32, #tpu.memory_space<hbm>>
      tpu.enqueue_dma source(%dma_start3A_2677 : memref<8x128xi32, #tpu.memory_space<hbm>>) target(%arg8 : memref<8x128xi32, #tpu.memory_space<vmem>>) target_semaphore(%run_scoped3A : memref<!tpu.dma_semaphore, #tpu.memory_space<semaphore_mem>>)
      %dma_wait3A = arith.constant 0 : i32
      %dma_wait3A_2678 = tpu.memref_slice %arg2[%mul3A_5, %dma_wait3A] : memref<128x128xi32, #tpu.memory_space<hbm>> -> memref<8x128xi32, #tpu.memory_space<hbm>>
      %dma_wait3A_2679 = arith.constant 0 : i32
      %dma_wait3A_2680 = tpu.memref_slice %arg2[%mul3A_5, %dma_wait3A_2679] : memref<128x128xi32, #tpu.memory_space<hbm>> -> memref<8x128xi32, #tpu.memory_space<hbm>>
      tpu.wait_dma2 semaphore(%run_scoped3A : memref<!tpu.dma_semaphore, #tpu.memory_space<semaphore_mem>>) src(%dma_wait3A_2680 : memref<8x128xi32, #tpu.memory_space<hbm>>) dst(%arg8 : memref<8x128xi32, #tpu.memory_space<vmem>>)
      tpu.yield
    }) : () -> ()
    "tpu.region"() ({
      %run_scoped3A = tpu.sem_alloc : memref<!tpu.dma_semaphore, #tpu.memory_space<semaphore_mem>>
      tpu.enqueue_dma source(%arg3 : memref<128x64xf32, #tpu.memory_space<hbm>>) target(%arg12 : memref<128x64xf32, #tpu.memory_space<vmem>>) target_semaphore(%run_scoped3A : memref<!tpu.dma_semaphore, #tpu.memory_space<semaphore_mem>>)
      tpu.wait_dma2 semaphore(%run_scoped3A : memref<!tpu.dma_semaphore, #tpu.memory_space<semaphore_mem>>) src(%arg3 : memref<128x64xf32, #tpu.memory_space<hbm>>) dst(%arg12 : memref<128x64xf32, #tpu.memory_space<vmem>>)
      tpu.yield
    }) : () -> ()
    %get3A = arith.constant 0 : i32
    %get3A_6 = arith.index_cast %get3A : i32 to index
    %get3A_7 = arith.constant 0 : index
    %get3A_8 = tpu.vector_load %arg8[%get3A_6, %get3A_7] {strides = array<i32>} : memref<8x128xi32, #tpu.memory_space<vmem>>, vector<16xi32>,
    %swap3A = arith.constant 0 : index
    %swap3A_9 = tpu.vector_load %arg13[%swap3A] {strides = array<i32>} : memref<128xi32, #tpu.memory_space<vmem>>, vector<16xi32>,
    tpu.vector_store %arg13[%swap3A], %get3A_8 {strides = array<i32>} : memref<128xi32, #tpu.memory_space<vmem>>, vector<16xi32>,
    %get3A_10 = arith.constant 0 : i32
    %get3A_11 = arith.index_cast %get3A_10 : i32 to index
    %get3A_12 = arith.constant 16 : index
    %get3A_13 = tpu.vector_load %arg8[%get3A_11, %get3A_12] {strides = array<i32>} : memref<8x128xi32, #tpu.memory_space<vmem>>, vector<16xi32>,
    %swap3A_14 = arith.constant 16 : index
    %swap3A_15 = tpu.vector_load %arg13[%swap3A_14] {strides = array<i32>} : memref<128xi32, #tpu.memory_space<vmem>>, vector<16xi32>,
    tpu.vector_store %arg13[%swap3A_14], %get3A_13 {strides = array<i32>} : memref<128xi32, #tpu.memory_space<vmem>>, vector<16xi32>,
    %get3A_16 = arith.constant 0 : i32
    %get3A_17 = arith.index_cast %get3A_16 : i32 to index
    %get3A_18 = arith.constant 32 : index
    %get3A_19 = tpu.vector_load %arg8[%get3A_17, %get3A_18] {strides = array<i32>} : memref<8x128xi32, #tpu.memory_space<vmem>>, vector<16xi32>,
    %swap3A_20 = arith.constant 32 : index
    %swap3A_21 = tpu.vector_load %arg13[%swap3A_20] {strides = array<i32>} : memref<128xi32, #tpu.memory_space<vmem>>, vector<16xi32>,
    tpu.vector_store %arg13[%swap3A_20], %get3A_19 {strides = array<i32>} : memref<128xi32, #tpu.memory_space<vmem>>, vector<16xi32>,
    %get3A_22 = arith.constant 0 : i32
    %get3A_23 = arith.index_cast %get3A_22 : i32 to index
    %get3A_24 = arith.constant 48 : index
    %get3A_25 = tpu.vector_load %arg8[%get3A_23, %get3A_24] {strides = array<i32>} : memref<8x128xi32, #tpu.memory_space<vmem>>, vector<16xi32>,
    %swap3A_26 = arith.constant 48 : index
    %swap3A_27 = tpu.vector_load %arg13[%swap3A_26] {strides = array<i32>} : memref<128xi32, #tpu.memory_space<vmem>>, vector<16xi32>,
    tpu.vector_store %arg13[%swap3A_26], %get3A_25 {strides = array<i32>} : memref<128xi32, #tpu.memory_space<vmem>>, vector<16xi32>,
    %get3A_28 = arith.constant 0 : i32
    %get3A_29 = arith.index_cast %get3A_28 : i32 to index
    %get3A_30 = arith.constant 64 : index
    %get3A_31 = tpu.vector_load %arg8[%get3A_29, %get3A_30] {strides = array<i32>} : memref<8x128xi32, #tpu.memory_space<vmem>>, vector<16xi32>,
    %swap3A_32 = arith.constant 64 : index
    %swap3A_33 = tpu.vector_load %arg13[%swap3A_32] {strides = array<i32>} : memref<128xi32, #tpu.memory_space<vmem>>, vector<16xi32>,
    tpu.vector_store %arg13[%swap3A_32], %get3A_31 {strides = array<i32>} : memref<128xi32, #tpu.memory_space<vmem>>, vector<16xi32>,
    %get3A_34 = arith.constant 0 : i32
    %get3A_35 = arith.index_cast %get3A_34 : i32 to index
    %get3A_36 = arith.constant 80 : index
    %get3A_37 = tpu.vector_load %arg8[%get3A_35, %get3A_36] {strides = array<i32>} : memref<8x128xi32, #tpu.memory_space<vmem>>, vector<16xi32>,
    %swap3A_38 = arith.constant 80 : index
    %swap3A_39 = tpu.vector_load %arg13[%swap3A_38] {strides = array<i32>} : memref<128xi32, #tpu.memory_space<vmem>>, vector<16xi32>,
    tpu.vector_store %arg13[%swap3A_38], %get3A_37 {strides = array<i32>} : memref<128xi32, #tpu.memory_space<vmem>>, vector<16xi32>,
    %get3A_40 = arith.constant 0 : i32
    %get3A_41 = arith.index_cast %get3A_40 : i32 to index
    %get3A_42 = arith.constant 96 : index
    %get3A_43 = tpu.vector_load %arg8[%get3A_41, %get3A_42] {strides = array<i32>} : memref<8x128xi32, #tpu.memory_space<vmem>>, vector<16xi32>,
    %swap3A_44 = arith.constant 96 : index
    %swap3A_45 = tpu.vector_load %arg13[%swap3A_44] {strides = array<i32>} : memref<128xi32, #tpu.memory_space<vmem>>, vector<16xi32>,
    tpu.vector_store %arg13[%swap3A_44], %get3A_43 {strides = array<i32>} : memref<128xi32, #tpu.memory_space<vmem>>, vector<16xi32>,
    %get3A_46 = arith.constant 0 : i32
    %get3A_47 = arith.index_cast %get3A_46 : i32 to index
    %get3A_48 = arith.constant 112 : index
    %get3A_49 = tpu.vector_load %arg8[%get3A_47, %get3A_48] {strides = array<i32>} : memref<8x128xi32, #tpu.memory_space<vmem>>, vector<16xi32>,
    %swap3A_50 = arith.constant 112 : index
    %swap3A_51 = tpu.vector_load %arg13[%swap3A_50] {strides = array<i32>} : memref<128xi32, #tpu.memory_space<vmem>>, vector<16xi32>,
    tpu.vector_store %arg13[%swap3A_50], %get3A_49 {strides = array<i32>} : memref<128xi32, #tpu.memory_space<vmem>>, vector<16xi32>,
    %add3A = arith.constant 0 : i32
    %add3A_52 = vector.broadcast %add3A : i32 to vector<16xi32>
    %add3A_53 = arith.addi %iota3A, %add3A_52 : vector<16xi32>
    %add3A_54 = arith.constant 0 : i32
    %add3A_55 = arith.addi %mul3A_0, %add3A_54 : i32
    %add3A_56 = arith.constant 0 : i32
    %add3A_57 = arith.addi %add3A_55, %add3A_56 : i32
    %add3A_58 = vector.broadcast %add3A_57 : i32 to vector<16xi32>
    %add3A_59 = arith.addi %iota3A, %add3A_58 : vector<16xi32>
    tpu.vector_store_idx %arg15[%add3A_53, %mul3A_3], %add3A_59 : memref<128x16xi32, #tpu.memory_space<vmem>>[vector<16xi32>, vector<16xi32>], vector<16xi32>,
    %add3A_60 = arith.constant 16 : i32
    %add3A_61 = vector.broadcast %add3A_60 : i32 to vector<16xi32>
    %add3A_62 = arith.addi %iota3A, %add3A_61 : vector<16xi32>
    %add3A_63 = arith.constant 0 : i32
    %add3A_64 = arith.addi %mul3A_0, %add3A_63 : i32
    %add3A_65 = arith.constant 16 : i32
    %add3A_66 = arith.addi %add3A_64, %add3A_65 : i32
    %add3A_67 = vector.broadcast %add3A_66 : i32 to vector<16xi32>
    %add3A_68 = arith.addi %iota3A, %add3A_67 : vector<16xi32>
    tpu.vector_store_idx %arg15[%add3A_62, %mul3A_3], %add3A_68 : memref<128x16xi32, #tpu.memory_space<vmem>>[vector<16xi32>, vector<16xi32>], vector<16xi32>,
    %add3A_69 = arith.constant 32 : i32
    %add3A_70 = vector.broadcast %add3A_69 : i32 to vector<16xi32>
    %add3A_71 = arith.addi %iota3A, %add3A_70 : vector<16xi32>
    %add3A_72 = arith.constant 0 : i32
    %add3A_73 = arith.addi %mul3A_0, %add3A_72 : i32
    %add3A_74 = arith.constant 32 : i32
    %add3A_75 = arith.addi %add3A_73, %add3A_74 : i32
    %add3A_76 = vector.broadcast %add3A_75 : i32 to vector<16xi32>
    %add3A_77 = arith.addi %iota3A, %add3A_76 : vector<16xi32>
    tpu.vector_store_idx %arg15[%add3A_71, %mul3A_3], %add3A_77 : memref<128x16xi32, #tpu.memory_space<vmem>>[vector<16xi32>, vector<16xi32>], vector<16xi32>,
    %add3A_78 = arith.constant 48 : i32
    %add3A_79 = vector.broadcast %add3A_78 : i32 to vector<16xi32>
    %add3A_80 = arith.addi %iota3A, %add3A_79 : vector<16xi32>
    %add3A_81 = arith.constant 0 : i32
    %add3A_82 = arith.addi %mul3A_0, %add3A_81 : i32
    %add3A_83 = arith.constant 48 : i32
    %add3A_84 = arith.addi %add3A_82, %add3A_83 : i32
    %add3A_85 = vector.broadcast %add3A_84 : i32 to vector<16xi32>
    %add3A_86 = arith.addi %iota3A, %add3A_85 : vector<16xi32>
    tpu.vector_store_idx %arg15[%add3A_80, %mul3A_3], %add3A_86 : memref<128x16xi32, #tpu.memory_space<vmem>>[vector<16xi32>, vector<16xi32>], vector<16xi32>,
    %add3A_87 = arith.constant 64 : i32
    %add3A_88 = vector.broadcast %add3A_87 : i32 to vector<16xi32>
    %add3A_89 = arith.addi %iota3A, %add3A_88 : vector<16xi32>
    %add3A_90 = arith.constant 0 : i32
    %add3A_91 = arith.addi %mul3A_0, %add3A_90 : i32
    %add3A_92 = arith.constant 64 : i32
    %add3A_93 = arith.addi %add3A_91, %add3A_92 : i32
    %add3A_94 = vector.broadcast %add3A_93 : i32 to vector<16xi32>
    %add3A_95 = arith.addi %iota3A, %add3A_94 : vector<16xi32>
    tpu.vector_store_idx %arg15[%add3A_89, %mul3A_3], %add3A_95 : memref<128x16xi32, #tpu.memory_space<vmem>>[vector<16xi32>, vector<16xi32>], vector<16xi32>,
    %add3A_96 = arith.constant 80 : i32
    %add3A_97 = vector.broadcast %add3A_96 : i32 to vector<16xi32>
    %add3A_98 = arith.addi %iota3A, %add3A_97 : vector<16xi32>
    %add3A_99 = arith.constant 0 : i32
    %add3A_100 = arith.addi %mul3A_0, %add3A_99 : i32
    %add3A_101 = arith.constant 80 : i32
    %add3A_102 = arith.addi %add3A_100, %add3A_101 : i32
    %add3A_103 = vector.broadcast %add3A_102 : i32 to vector<16xi32>
    %add3A_104 = arith.addi %iota3A, %add3A_103 : vector<16xi32>
    tpu.vector_store_idx %arg15[%add3A_98, %mul3A_3], %add3A_104 : memref<128x16xi32, #tpu.memory_space<vmem>>[vector<16xi32>, vector<16xi32>], vector<16xi32>,
    %add3A_105 = arith.constant 96 : i32
    %add3A_106 = vector.broadcast %add3A_105 : i32 to vector<16xi32>
    %add3A_107 = arith.addi %iota3A, %add3A_106 : vector<16xi32>
    %add3A_108 = arith.constant 0 : i32
    %add3A_109 = arith.addi %mul3A_0, %add3A_108 : i32
    %add3A_110 = arith.constant 96 : i32
    %add3A_111 = arith.addi %add3A_109, %add3A_110 : i32
    %add3A_112 = vector.broadcast %add3A_111 : i32 to vector<16xi32>
    %add3A_113 = arith.addi %iota3A, %add3A_112 : vector<16xi32>
    tpu.vector_store_idx %arg15[%add3A_107, %mul3A_3], %add3A_113 : memref<128x16xi32, #tpu.memory_space<vmem>>[vector<16xi32>, vector<16xi32>], vector<16xi32>,
    %add3A_114 = arith.constant 112 : i32
    %add3A_115 = vector.broadcast %add3A_114 : i32 to vector<16xi32>
    %add3A_116 = arith.addi %iota3A, %add3A_115 : vector<16xi32>
    %add3A_117 = arith.constant 0 : i32
    %add3A_118 = arith.addi %mul3A_0, %add3A_117 : i32
    %add3A_119 = arith.constant 112 : i32
    %add3A_120 = arith.addi %add3A_118, %add3A_119 : i32
    %add3A_121 = vector.broadcast %add3A_120 : i32 to vector<16xi32>
    %add3A_122 = arith.addi %iota3A, %add3A_121 : vector<16xi32>
    tpu.vector_store_idx %arg15[%add3A_116, %mul3A_3], %add3A_122 : memref<128x16xi32, #tpu.memory_space<vmem>>[vector<16xi32>, vector<16xi32>], vector<16xi32>,
    "tpu.region"() ({
      %run_scoped3A = tpu.sem_alloc : memref<!tpu.dma_semaphore, #tpu.memory_space<semaphore_mem>>
      %dma_start3A = arith.constant 0 : i32
      %dma_start3A_2675 = arith.constant 0 : i32
      %dma_start3A_2676 = tpu.memref_slice %arg6[%dma_start3A, %dma_start3A_2675] : memref<1048576x16xi32, #tpu.memory_space<hbm>> -> memref<1048576x16xi32, #tpu.memory_space<hbm>>
      tpu.enqueue_indirect_dma source(%arg15 : memref<128x16xi32, #tpu.memory_space<vmem>>) target(%dma_start3A_2676 : memref<1048576x16xi32, #tpu.memory_space<hbm>>) offsets(%arg13 : memref<128xi32, #tpu.memory_space<vmem>>) semaphore(%run_scoped3A : memref<!tpu.dma_semaphore, #tpu.memory_space<semaphore_mem>>)
      %dma_wait3A = arith.constant 0 : i32
      %dma_wait3A_2677 = arith.constant 0 : i32
      %dma_wait3A_2678 = tpu.memref_slice %arg6[%dma_wait3A, %dma_wait3A_2677] : memref<1048576x16xi32, #tpu.memory_space<hbm>> -> memref<1048576x16xi32, #tpu.memory_space<hbm>>
      tpu.wait_indirect_dma semaphore(%run_scoped3A : memref<!tpu.dma_semaphore, #tpu.memory_space<semaphore_mem>>) src(%arg15 : memref<128x16xi32, #tpu.memory_space<vmem>>) dst(%dma_wait3A_2678 : memref<1048576x16xi32, #tpu.memory_space<hbm>>)
      tpu.yield
    }) : () -> ()
    %add3A_123 = arith.constant 0 : i32
    %add3A_124 = arith.addi %mul3A_0, %add3A_123 : i32
    "tpu.region"() ({
      %run_scoped3A = tpu.sem_alloc : memref<!tpu.dma_semaphore, #tpu.memory_space<semaphore_mem>>
      %dma_start3A = arith.constant 0 : i32
      %dma_start3A_2675 = tpu.memref_slice %arg7[%add3A_124, %dma_start3A] : memref<16384x64xf32, #tpu.memory_space<vmem_shared>> -> memref<128x64xf32, #tpu.memory_space<vmem_shared>>
      %dma_start3A_2676 = arith.constant 0 : i32
      %dma_start3A_2677 = tpu.memref_slice %arg7[%add3A_124, %dma_start3A_2676] : memref<16384x64xf32, #tpu.memory_space<vmem_shared>> -> memref<128x64xf32, #tpu.memory_space<vmem_shared>>
      tpu.enqueue_dma source(%arg12 : memref<128x64xf32, #tpu.memory_space<vmem>>) target(%dma_start3A_2677 : memref<128x64xf32, #tpu.memory_space<vmem_shared>>) target_semaphore(%run_scoped3A : memref<!tpu.dma_semaphore, #tpu.memory_space<semaphore_mem>>)
      %dma_wait3A = arith.constant 0 : i32
      %dma_wait3A_2678 = tpu.memref_slice %arg7[%add3A_124, %dma_wait3A] : memref<16384x64xf32, #tpu.memory_space<vmem_shared>> -> memref<128x64xf32, #tpu.memory_space<vmem_shared>>
      %dma_wait3A_2679 = arith.constant 0 : i32
      %dma_wait3A_2680 = tpu.memref_slice %arg7[%add3A_124, %dma_wait3A_2679] : memref<16384x64xf32, #tpu.memory_space<vmem_shared>> -> memref<128x64xf32, #tpu.memory_space<vmem_shared>>
      tpu.wait_dma2 semaphore(%run_scoped3A : memref<!tpu.dma_semaphore, #tpu.memory_space<semaphore_mem>>) src(%arg12 : memref<128x64xf32, #tpu.memory_space<vmem>>) dst(%dma_wait3A_2680 : memref<128x64xf32, #tpu.memory_space<vmem_shared>>)
      tpu.yield
    }) : () -> ()
    %get3A_125 = arith.constant 1 : i32
    %get3A_126 = arith.index_cast %get3A_125 : i32 to index
    %get3A_127 = arith.constant 0 : index
    %get3A_128 = tpu.vector_load %arg8[%get3A_126, %get3A_127] {strides = array<i32>} : memref<8x128xi32, #tpu.memory_space<vmem>>, vector<16xi32>,
    %swap3A_129 = arith.constant 0 : index
    %swap3A_130 = tpu.vector_load %arg13[%swap3A_129] {strides = array<i32>} : memref<128xi32, #tpu.memory_space<vmem>>, vector<16xi32>,
    tpu.vector_store %arg13[%swap3A_129], %get3A_128 {strides = array<i32>} : memref<128xi32, #tpu.memory_space<vmem>>, vector<16xi32>,
    %get3A_131 = arith.constant 1 : i32
    %get3A_132 = arith.index_cast %get3A_131 : i32 to index
    %get3A_133 = arith.constant 16 : index
    %get3A_134 = tpu.vector_load %arg8[%get3A_132, %get3A_133] {strides = array<i32>} : memref<8x128xi32, #tpu.memory_space<vmem>>, vector<16xi32>,
    %swap3A_135 = arith.constant 16 : index
    %swap3A_136 = tpu.vector_load %arg13[%swap3A_135] {strides = array<i32>} : memref<128xi32, #tpu.memory_space<vmem>>, vector<16xi32>,
    tpu.vector_store %arg13[%swap3A_135], %get3A_134 {strides = array<i32>} : memref<128xi32, #tpu.memory_space<vmem>>, vector<16xi32>,
    %get3A_137 = arith.constant 1 : i32
    %get3A_138 = arith.index_cast %get3A_137 : i32 to index
    %get3A_139 = arith.constant 32 : index
    %get3A_140 = tpu.vector_load %arg8[%get3A_138, %get3A_139] {strides = array<i32>} : memref<8x128xi32, #tpu.memory_space<vmem>>, vector<16xi32>,
    %swap3A_141 = arith.constant 32 : index
    %swap3A_142 = tpu.vector_load %arg13[%swap3A_141] {strides = array<i32>} : memref<128xi32, #tpu.memory_space<vmem>>, vector<16xi32>,
    tpu.vector_store %arg13[%swap3A_141], %get3A_140 {strides = array<i32>} : memref<128xi32, #tpu.memory_space<vmem>>, vector<16xi32>,
    %get3A_143 = arith.constant 1 : i32
    %get3A_144 = arith.index_cast %get3A_143 : i32 to index
    %get3A_145 = arith.constant 48 : index
    %get3A_146 = tpu.vector_load %arg8[%get3A_144, %get3A_145] {strides = array<i32>} : memref<8x128xi32, #tpu.memory_space<vmem>>, vector<16xi32>,
    %swap3A_147 = arith.constant 48 : index
    %swap3A_148 = tpu.vector_load %arg13[%swap3A_147] {strides = array<i32>} : memref<128xi32, #tpu.memory_space<vmem>>, vector<16xi32>,
    tpu.vector_store %arg13[%swap3A_147], %get3A_146 {strides = array<i32>} : memref<128xi32, #tpu.memory_space<vmem>>, vector<16xi32>,
    %get3A_149 = arith.constant 1 : i32
    %get3A_150 = arith.index_cast %get3A_149 : i32 to index
    %get3A_151 = arith.constant 64 : index
    %get3A_152 = tpu.vector_load %arg8[%get3A_150, %get3A_151] {strides = array<i32>} : memref<8x128xi32, #tpu.memory_space<vmem>>, vector<16xi32>,
    %swap3A_153 = arith.constant 64 : index
    %swap3A_154 = tpu.vector_load %arg13[%swap3A_153] {strides = array<i32>} : memref<128xi32, #tpu.memory_space<vmem>>, vector<16xi32>,
    tpu.vector_store %arg13[%swap3A_153], %get3A_152 {strides = array<i32>} : memref<128xi32, #tpu.memory_space<vmem>>, vector<16xi32>,
    %get3A_155 = arith.constant 1 : i32
    %get3A_156 = arith.index_cast %get3A_155 : i32 to index
    %get3A_157 = arith.constant 80 : index
    %get3A_158 = tpu.vector_load %arg8[%get3A_156, %get3A_157] {strides = array<i32>} : memref<8x128xi32, #tpu.memory_space<vmem>>, vector<16xi32>,
    %swap3A_159 = arith.constant 80 : index
    %swap3A_160 = tpu.vector_load %arg13[%swap3A_159] {strides = array<i32>} : memref<128xi32, #tpu.memory_space<vmem>>, vector<16xi32>,
    tpu.vector_store %arg13[%swap3A_159], %get3A_158 {strides = array<i32>} : memref<128xi32, #tpu.memory_space<vmem>>, vector<16xi32>,
    %get3A_161 = arith.constant 1 : i32
    %get3A_162 = arith.index_cast %get3A_161 : i32 to index
    %get3A_163 = arith.constant 96 : index
    %get3A_164 = tpu.vector_load %arg8[%get3A_162, %get3A_163] {strides = array<i32>} : memref<8x128xi32, #tpu.memory_space<vmem>>, vector<16xi32>,
    %swap3A_165 = arith.constant 96 : index
    %swap3A_166 = tpu.vector_load %arg13[%swap3A_165] {strides = array<i32>} : memref<128xi32, #tpu.memory_space<vmem>>, vector<16xi32>,
    tpu.vector_store %arg13[%swap3A_165], %get3A_164 {strides = array<i32>} : memref<128xi32, #tpu.memory_space<vmem>>, vector<16xi32>,
    %get3A_167 = arith.constant 1 : i32
    %get3A_168 = arith.index_cast %get3A_167 : i32 to index
    %get3A_169 = arith.constant 112 : index
    %get3A_170 = tpu.vector_load %arg8[%get3A_168, %get3A_169] {strides = array<i32>} : memref<8x128xi32, #tpu.memory_space<vmem>>, vector<16xi32>,
    %swap3A_171 = arith.constant 112 : index
    %swap3A_172 = tpu.vector_load %arg13[%swap3A_171] {strides = array<i32>} : memref<128xi32, #tpu.memory_space<vmem>>, vector<16xi32>,
    tpu.vector_store %arg13[%swap3A_171], %get3A_170 {strides = array<i32>} : memref<128xi32, #tpu.memory_space<vmem>>, vector<16xi32>,
    %add3A_173 = arith.constant 0 : i32
    %add3A_174 = vector.broadcast %add3A_173 : i32 to vector<16xi32>
    %add3A_175 = arith.addi %iota3A, %add3A_174 : vector<16xi32>
    %add3A_176 = arith.constant 128 : i32
    %add3A_177 = arith.addi %mul3A_0, %add3A_176 : i32
    %add3A_178 = arith.constant 0 : i32
    %add3A_179 = arith.addi %add3A_177, %add3A_178 : i32
    %add3A_180 = vector.broadcast %add3A_179 : i32 to vector<16xi32>
    %add3A_181 = arith.addi %iota3A, %add3A_180 : vector<16xi32>
    tpu.vector_store_idx %arg15[%add3A_175, %mul3A_3], %add3A_181 : memref<128x16xi32, #tpu.memory_space<vmem>>[vector<16xi32>, vector<16xi32>], vector<16xi32>,
    %add3A_182 = arith.constant 16 : i32
    %add3A_183 = vector.broadcast %add3A_182 : i32 to vector<16xi32>
    %add3A_184 = arith.addi %iota3A, %add3A_183 : vector<16xi32>
    %add3A_185 = arith.constant 128 : i32
    %add3A_186 = arith.addi %mul3A_0, %add3A_185 : i32
    %add3A_187 = arith.constant 16 : i32
    %add3A_188 = arith.addi %add3A_186, %add3A_187 : i32
    %add3A_189 = vector.broadcast %add3A_188 : i32 to vector<16xi32>
    %add3A_190 = arith.addi %iota3A, %add3A_189 : vector<16xi32>
    tpu.vector_store_idx %arg15[%add3A_184, %mul3A_3], %add3A_190 : memref<128x16xi32, #tpu.memory_space<vmem>>[vector<16xi32>, vector<16xi32>], vector<16xi32>,
    %add3A_191 = arith.constant 32 : i32
    %add3A_192 = vector.broadcast %add3A_191 : i32 to vector<16xi32>
    %add3A_193 = arith.addi %iota3A, %add3A_192 : vector<16xi32>
    %add3A_194 = arith.constant 128 : i32
    %add3A_195 = arith.addi %mul3A_0, %add3A_194 : i32
    %add3A_196 = arith.constant 32 : i32
    %add3A_197 = arith.addi %add3A_195, %add3A_196 : i32
    %add3A_198 = vector.broadcast %add3A_197 : i32 to vector<16xi32>
    %add3A_199 = arith.addi %iota3A, %add3A_198 : vector<16xi32>
    tpu.vector_store_idx %arg15[%add3A_193, %mul3A_3], %add3A_199 : memref<128x16xi32, #tpu.memory_space<vmem>>[vector<16xi32>, vector<16xi32>], vector<16xi32>,
    %add3A_200 = arith.constant 48 : i32
    %add3A_201 = vector.broadcast %add3A_200 : i32 to vector<16xi32>
    %add3A_202 = arith.addi %iota3A, %add3A_201 : vector<16xi32>
    %add3A_203 = arith.constant 128 : i32
    %add3A_204 = arith.addi %mul3A_0, %add3A_203 : i32
    %add3A_205 = arith.constant 48 : i32
    %add3A_206 = arith.addi %add3A_204, %add3A_205 : i32
    %add3A_207 = vector.broadcast %add3A_206 : i32 to vector<16xi32>
    %add3A_208 = arith.addi %iota3A, %add3A_207 : vector<16xi32>
    tpu.vector_store_idx %arg15[%add3A_202, %mul3A_3], %add3A_208 : memref<128x16xi32, #tpu.memory_space<vmem>>[vector<16xi32>, vector<16xi32>], vector<16xi32>,
    %add3A_209 = arith.constant 64 : i32
    %add3A_210 = vector.broadcast %add3A_209 : i32 to vector<16xi32>
    %add3A_211 = arith.addi %iota3A, %add3A_210 : vector<16xi32>
    %add3A_212 = arith.constant 128 : i32
    %add3A_213 = arith.addi %mul3A_0, %add3A_212 : i32
    %add3A_214 = arith.constant 64 : i32
    %add3A_215 = arith.addi %add3A_213, %add3A_214 : i32
    %add3A_216 = vector.broadcast %add3A_215 : i32 to vector<16xi32>
    %add3A_217 = arith.addi %iota3A, %add3A_216 : vector<16xi32>
    tpu.vector_store_idx %arg15[%add3A_211, %mul3A_3], %add3A_217 : memref<128x16xi32, #tpu.memory_space<vmem>>[vector<16xi32>, vector<16xi32>], vector<16xi32>,
    %add3A_218 = arith.constant 80 : i32
    %add3A_219 = vector.broadcast %add3A_218 : i32 to vector<16xi32>
    %add3A_220 = arith.addi %iota3A, %add3A_219 : vector<16xi32>
    %add3A_221 = arith.constant 128 : i32
    %add3A_222 = arith.addi %mul3A_0, %add3A_221 : i32
    %add3A_223 = arith.constant 80 : i32
    %add3A_224 = arith.addi %add3A_222, %add3A_223 : i32
    %add3A_225 = vector.broadcast %add3A_224 : i32 to vector<16xi32>
    %add3A_226 = arith.addi %iota3A, %add3A_225 : vector<16xi32>
    tpu.vector_store_idx %arg15[%add3A_220, %mul3A_3], %add3A_226 : memref<128x16xi32, #tpu.memory_space<vmem>>[vector<16xi32>, vector<16xi32>], vector<16xi32>,
    %add3A_227 = arith.constant 96 : i32
    %add3A_228 = vector.broadcast %add3A_227 : i32 to vector<16xi32>
    %add3A_229 = arith.addi %iota3A, %add3A_228 : vector<16xi32>
    %add3A_230 = arith.constant 128 : i32
    %add3A_231 = arith.addi %mul3A_0, %add3A_230 : i32
    %add3A_232 = arith.constant 96 : i32
    %add3A_233 = arith.addi %add3A_231, %add3A_232 : i32
    %add3A_234 = vector.broadcast %add3A_233 : i32 to vector<16xi32>
    %add3A_235 = arith.addi %iota3A, %add3A_234 : vector<16xi32>
    tpu.vector_store_idx %arg15[%add3A_229, %mul3A_3], %add3A_235 : memref<128x16xi32, #tpu.memory_space<vmem>>[vector<16xi32>, vector<16xi32>], vector<16xi32>,
    %add3A_236 = arith.constant 112 : i32
    %add3A_237 = vector.broadcast %add3A_236 : i32 to vector<16xi32>
    %add3A_238 = arith.addi %iota3A, %add3A_237 : vector<16xi32>
    %add3A_239 = arith.constant 128 : i32
    %add3A_240 = arith.addi %mul3A_0, %add3A_239 : i32
    %add3A_241 = arith.constant 112 : i32
    %add3A_242 = arith.addi %add3A_240, %add3A_241 : i32
    %add3A_243 = vector.broadcast %add3A_242 : i32 to vector<16xi32>
    %add3A_244 = arith.addi %iota3A, %add3A_243 : vector<16xi32>
    tpu.vector_store_idx %arg15[%add3A_238, %mul3A_3], %add3A_244 : memref<128x16xi32, #tpu.memory_space<vmem>>[vector<16xi32>, vector<16xi32>], vector<16xi32>,
    "tpu.region"() ({
      %run_scoped3A = tpu.sem_alloc : memref<!tpu.dma_semaphore, #tpu.memory_space<semaphore_mem>>
      %dma_start3A = arith.constant 0 : i32
      %dma_start3A_2675 = arith.constant 0 : i32
      %dma_start3A_2676 = tpu.memref_slice %arg6[%dma_start3A, %dma_start3A_2675] : memref<1048576x16xi32, #tpu.memory_space<hbm>> -> memref<1048576x16xi32, #tpu.memory_space<hbm>>
      tpu.enqueue_indirect_dma source(%arg15 : memref<128x16xi32, #tpu.memory_space<vmem>>) target(%dma_start3A_2676 : memref<1048576x16xi32, #tpu.memory_space<hbm>>) offsets(%arg13 : memref<128xi32, #tpu.memory_space<vmem>>) semaphore(%run_scoped3A : memref<!tpu.dma_semaphore, #tpu.memory_space<semaphore_mem>>)
      %dma_wait3A = arith.constant 0 : i32
      %dma_wait3A_2677 = arith.constant 0 : i32
      %dma_wait3A_2678 = tpu.memref_slice %arg6[%dma_wait3A, %dma_wait3A_2677] : memref<1048576x16xi32, #tpu.memory_space<hbm>> -> memref<1048576x16xi32, #tpu.memory_space<hbm>>
      tpu.wait_indirect_dma semaphore(%run_scoped3A : memref<!tpu.dma_semaphore, #tpu.memory_space<semaphore_mem>>) src(%arg15 : memref<128x16xi32, #tpu.memory_space<vmem>>) dst(%dma_wait3A_2678 : memref<1048576x16xi32, #tpu.memory_space<hbm>>)
      tpu.yield
    }) : () -> ()
    %add3A_245 = arith.constant 128 : i32
    %add3A_246 = arith.addi %mul3A_0, %add3A_245 : i32
    "tpu.region"() ({
      %run_scoped3A = tpu.sem_alloc : memref<!tpu.dma_semaphore, #tpu.memory_space<semaphore_mem>>
      %dma_start3A = arith.constant 0 : i32
      %dma_start3A_2675 = tpu.memref_slice %arg7[%add3A_246, %dma_start3A] : memref<16384x64xf32, #tpu.memory_space<vmem_shared>> -> memref<128x64xf32, #tpu.memory_space<vmem_shared>>
      %dma_start3A_2676 = arith.constant 0 : i32
      %dma_start3A_2677 = tpu.memref_slice %arg7[%add3A_246, %dma_start3A_2676] : memref<16384x64xf32, #tpu.memory_space<vmem_shared>> -> memref<128x64xf32, #tpu.memory_space<vmem_shared>>
      tpu.enqueue_dma source(%arg12 : memref<128x64xf32, #tpu.memory_space<vmem>>) target(%dma_start3A_2677 : memref<128x64xf32, #tpu.memory_space<vmem_shared>>) target_semaphore(%run_scoped3A : memref<!tpu.dma_semaphore, #tpu.memory_space<semaphore_mem>>)
      %dma_wait3A = arith.constant 0 : i32
      %dma_wait3A_2678 = tpu.memref_slice %arg7[%add3A_246, %dma_wait3A] : memref<16384x64xf32, #tpu.memory_space<vmem_shared>> -> memref<128x64xf32, #tpu.memory_space<vmem_shared>>
      %dma_wait3A_2679 = arith.constant 0 : i32
      %dma_wait3A_2680 = tpu.memref_slice %arg7[%add3A_246, %dma_wait3A_2679] : memref<16384x64xf32, #tpu.memory_space<vmem_shared>> -> memref<128x64xf32, #tpu.memory_space<vmem_shared>>
      tpu.wait_dma2 semaphore(%run_scoped3A : memref<!tpu.dma_semaphore, #tpu.memory_space<semaphore_mem>>) src(%arg12 : memref<128x64xf32, #tpu.memory_space<vmem>>) dst(%dma_wait3A_2680 : memref<128x64xf32, #tpu.memory_space<vmem_shared>>)
      tpu.yield
    }) : () -> ()
    %get3A_247 = arith.constant 2 : i32
    %get3A_248 = arith.index_cast %get3A_247 : i32 to index
    %get3A_249 = arith.constant 0 : index
    %get3A_250 = tpu.vector_load %arg8[%get3A_248, %get3A_249] {strides = array<i32>} : memref<8x128xi32, #tpu.memory_space<vmem>>, vector<16xi32>,
    %swap3A_251 = arith.constant 0 : index
    %swap3A_252 = tpu.vector_load %arg13[%swap3A_251] {strides = array<i32>} : memref<128xi32, #tpu.memory_space<vmem>>, vector<16xi32>,
    tpu.vector_store %arg13[%swap3A_251], %get3A_250 {strides = array<i32>} : memref<128xi32, #tpu.memory_space<vmem>>, vector<16xi32>,
    %get3A_253 = arith.constant 2 : i32
    %get3A_254 = arith.index_cast %get3A_253 : i32 to index
    %get3A_255 = arith.constant 16 : index
    %get3A_256 = tpu.vector_load %arg8[%get3A_254, %get3A_255] {strides = array<i32>} : memref<8x128xi32, #tpu.memory_space<vmem>>, vector<16xi32>,
    %swap3A_257 = arith.constant 16 : index
    %swap3A_258 = tpu.vector_load %arg13[%swap3A_257] {strides = array<i32>} : memref<128xi32, #tpu.memory_space<vmem>>, vector<16xi32>,
    tpu.vector_store %arg13[%swap3A_257], %get3A_256 {strides = array<i32>} : memref<128xi32, #tpu.memory_space<vmem>>, vector<16xi32>,
    %get3A_259 = arith.constant 2 : i32
    %get3A_260 = arith.index_cast %get3A_259 : i32 to index
    %get3A_261 = arith.constant 32 : index
    %get3A_262 = tpu.vector_load %arg8[%get3A_260, %get3A_261] {strides = array<i32>} : memref<8x128xi32, #tpu.memory_space<vmem>>, vector<16xi32>,
    %swap3A_263 = arith.constant 32 : index
    %swap3A_264 = tpu.vector_load %arg13[%swap3A_263] {strides = array<i32>} : memref<128xi32, #tpu.memory_space<vmem>>, vector<16xi32>,
    tpu.vector_store %arg13[%swap3A_263], %get3A_262 {strides = array<i32>} : memref<128xi32, #tpu.memory_space<vmem>>, vector<16xi32>,
    %get3A_265 = arith.constant 2 : i32
    %get3A_266 = arith.index_cast %get3A_265 : i32 to index
    %get3A_267 = arith.constant 48 : index
    %get3A_268 = tpu.vector_load %arg8[%get3A_266, %get3A_267] {strides = array<i32>} : memref<8x128xi32, #tpu.memory_space<vmem>>, vector<16xi32>,
    %swap3A_269 = arith.constant 48 : index
    %swap3A_270 = tpu.vector_load %arg13[%swap3A_269] {strides = array<i32>} : memref<128xi32, #tpu.memory_space<vmem>>, vector<16xi32>,
    tpu.vector_store %arg13[%swap3A_269], %get3A_268 {strides = array<i32>} : memref<128xi32, #tpu.memory_space<vmem>>, vector<16xi32>,
    %get3A_271 = arith.constant 2 : i32
    %get3A_272 = arith.index_cast %get3A_271 : i32 to index
    %get3A_273 = arith.constant 64 : index
    %get3A_274 = tpu.vector_load %arg8[%get3A_272, %get3A_273] {strides = array<i32>} : memref<8x128xi32, #tpu.memory_space<vmem>>, vector<16xi32>,
    %swap3A_275 = arith.constant 64 : index
    %swap3A_276 = tpu.vector_load %arg13[%swap3A_275] {strides = array<i32>} : memref<128xi32, #tpu.memory_space<vmem>>, vector<16xi32>,
    tpu.vector_store %arg13[%swap3A_275], %get3A_274 {strides = array<i32>} : memref<128xi32, #tpu.memory_space<vmem>>, vector<16xi32>,
    %get3A_277 = arith.constant 2 : i32
    %get3A_278 = arith.index_cast %get3A_277 : i32 to index
    %get3A_279 = arith.constant 80 : index
    %get3A_280 = tpu.vector_load %arg8[%get3A_278, %get3A_279] {strides = array<i32>} : memref<8x128xi32, #tpu.memory_space<vmem>>, vector<16xi32>,
    %swap3A_281 = arith.constant 80 : index
    %swap3A_282 = tpu.vector_load %arg13[%swap3A_281] {strides = array<i32>} : memref<128xi32, #tpu.memory_space<vmem>>, vector<16xi32>,
    tpu.vector_store %arg13[%swap3A_281], %get3A_280 {strides = array<i32>} : memref<128xi32, #tpu.memory_space<vmem>>, vector<16xi32>,
    %get3A_283 = arith.constant 2 : i32
    %get3A_284 = arith.index_cast %get3A_283 : i32 to index
    %get3A_285 = arith.constant 96 : index
    %get3A_286 = tpu.vector_load %arg8[%get3A_284, %get3A_285] {strides = array<i32>} : memref<8x128xi32, #tpu.memory_space<vmem>>, vector<16xi32>,
    %swap3A_287 = arith.constant 96 : index
    %swap3A_288 = tpu.vector_load %arg13[%swap3A_287] {strides = array<i32>} : memref<128xi32, #tpu.memory_space<vmem>>, vector<16xi32>,
    tpu.vector_store %arg13[%swap3A_287], %get3A_286 {strides = array<i32>} : memref<128xi32, #tpu.memory_space<vmem>>, vector<16xi32>,
    %get3A_289 = arith.constant 2 : i32
    %get3A_290 = arith.index_cast %get3A_289 : i32 to index
    %get3A_291 = arith.constant 112 : index
    %get3A_292 = tpu.vector_load %arg8[%get3A_290, %get3A_291] {strides = array<i32>} : memref<8x128xi32, #tpu.memory_space<vmem>>, vector<16xi32>,
    %swap3A_293 = arith.constant 112 : index
    %swap3A_294 = tpu.vector_load %arg13[%swap3A_293] {strides = array<i32>} : memref<128xi32, #tpu.memory_space<vmem>>, vector<16xi32>,
    tpu.vector_store %arg13[%swap3A_293], %get3A_292 {strides = array<i32>} : memref<128xi32, #tpu.memory_space<vmem>>, vector<16xi32>,
    %add3A_295 = arith.constant 0 : i32
    %add3A_296 = vector.broadcast %add3A_295 : i32 to vector<16xi32>
    %add3A_297 = arith.addi %iota3A, %add3A_296 : vector<16xi32>
    %add3A_298 = arith.constant 256 : i32
    %add3A_299 = arith.addi %mul3A_0, %add3A_298 : i32
    %add3A_300 = arith.constant 0 : i32
    %add3A_301 = arith.addi %add3A_299, %add3A_300 : i32
    %add3A_302 = vector.broadcast %add3A_301 : i32 to vector<16xi32>
    %add3A_303 = arith.addi %iota3A, %add3A_302 : vector<16xi32>
    tpu.vector_store_idx %arg15[%add3A_297, %mul3A_3], %add3A_303 : memref<128x16xi32, #tpu.memory_space<vmem>>[vector<16xi32>, vector<16xi32>], vector<16xi32>,
    %add3A_304 = arith.constant 16 : i32
    %add3A_305 = vector.broadcast %add3A_304 : i32 to vector<16xi32>
    %add3A_306 = arith.addi %iota3A, %add3A_305 : vector<16xi32>
    %add3A_307 = arith.constant 256 : i32
    %add3A_308 = arith.addi %mul3A_0, %add3A_307 : i32
    %add3A_309 = arith.constant 16 : i32
    %add3A_310 = arith.addi %add3A_308, %add3A_309 : i32
    %add3A_311 = vector.broadcast %add3A_310 : i32 to vector<16xi32>
    %add3A_312 = arith.addi %iota3A, %add3A_311 : vector<16xi32>
    tpu.vector_store_idx %arg15[%add3A_306, %mul3A_3], %add3A_312 : memref<128x16xi32, #tpu.memory_space<vmem>>[vector<16xi32>, vector<16xi32>], vector<16xi32>,
    %add3A_313 = arith.constant 32 : i32
    %add3A_314 = vector.broadcast %add3A_313 : i32 to vector<16xi32>
    %add3A_315 = arith.addi %iota3A, %add3A_314 : vector<16xi32>
    %add3A_316 = arith.constant 256 : i32
    %add3A_317 = arith.addi %mul3A_0, %add3A_316 : i32
    %add3A_318 = arith.constant 32 : i32
    %add3A_319 = arith.addi %add3A_317, %add3A_318 : i32
    %add3A_320 = vector.broadcast %add3A_319 : i32 to vector<16xi32>
    %add3A_321 = arith.addi %iota3A, %add3A_320 : vector<16xi32>
    tpu.vector_store_idx %arg15[%add3A_315, %mul3A_3], %add3A_321 : memref<128x16xi32, #tpu.memory_space<vmem>>[vector<16xi32>, vector<16xi32>], vector<16xi32>,
    %add3A_322 = arith.constant 48 : i32
    %add3A_323 = vector.broadcast %add3A_322 : i32 to vector<16xi32>
    %add3A_324 = arith.addi %iota3A, %add3A_323 : vector<16xi32>
    %add3A_325 = arith.constant 256 : i32
    %add3A_326 = arith.addi %mul3A_0, %add3A_325 : i32
    %add3A_327 = arith.constant 48 : i32
    %add3A_328 = arith.addi %add3A_326, %add3A_327 : i32
    %add3A_329 = vector.broadcast %add3A_328 : i32 to vector<16xi32>
    %add3A_330 = arith.addi %iota3A, %add3A_329 : vector<16xi32>
    tpu.vector_store_idx %arg15[%add3A_324, %mul3A_3], %add3A_330 : memref<128x16xi32, #tpu.memory_space<vmem>>[vector<16xi32>, vector<16xi32>], vector<16xi32>,
    %add3A_331 = arith.constant 64 : i32
    %add3A_332 = vector.broadcast %add3A_331 : i32 to vector<16xi32>
    %add3A_333 = arith.addi %iota3A, %add3A_332 : vector<16xi32>
    %add3A_334 = arith.constant 256 : i32
    %add3A_335 = arith.addi %mul3A_0, %add3A_334 : i32
    %add3A_336 = arith.constant 64 : i32
    %add3A_337 = arith.addi %add3A_335, %add3A_336 : i32
    %add3A_338 = vector.broadcast %add3A_337 : i32 to vector<16xi32>
    %add3A_339 = arith.addi %iota3A, %add3A_338 : vector<16xi32>
    tpu.vector_store_idx %arg15[%add3A_333, %mul3A_3], %add3A_339 : memref<128x16xi32, #tpu.memory_space<vmem>>[vector<16xi32>, vector<16xi32>], vector<16xi32>,
    %add3A_340 = arith.constant 80 : i32
    %add3A_341 = vector.broadcast %add3A_340 : i32 to vector<16xi32>
    %add3A_342 = arith.addi %iota3A, %add3A_341 : vector<16xi32>
    %add3A_343 = arith.constant 256 : i32
    %add3A_344 = arith.addi %mul3A_0, %add3A_343 : i32
    %add3A_345 = arith.constant 80 : i32
    %add3A_346 = arith.addi %add3A_344, %add3A_345 : i32
    %add3A_347 = vector.broadcast %add3A_346 : i32 to vector<16xi32>
    %add3A_348 = arith.addi %iota3A, %add3A_347 : vector<16xi32>
    tpu.vector_store_idx %arg15[%add3A_342, %mul3A_3], %add3A_348 : memref<128x16xi32, #tpu.memory_space<vmem>>[vector<16xi32>, vector<16xi32>], vector<16xi32>,
    %add3A_349 = arith.constant 96 : i32
    %add3A_350 = vector.broadcast %add3A_349 : i32 to vector<16xi32>
    %add3A_351 = arith.addi %iota3A, %add3A_350 : vector<16xi32>
    %add3A_352 = arith.constant 256 : i32
    %add3A_353 = arith.addi %mul3A_0, %add3A_352 : i32
    %add3A_354 = arith.constant 96 : i32
    %add3A_355 = arith.addi %add3A_353, %add3A_354 : i32
    %add3A_356 = vector.broadcast %add3A_355 : i32 to vector<16xi32>
    %add3A_357 = arith.addi %iota3A, %add3A_356 : vector<16xi32>
    tpu.vector_store_idx %arg15[%add3A_351, %mul3A_3], %add3A_357 : memref<128x16xi32, #tpu.memory_space<vmem>>[vector<16xi32>, vector<16xi32>], vector<16xi32>,
    %add3A_358 = arith.constant 112 : i32
    %add3A_359 = vector.broadcast %add3A_358 : i32 to vector<16xi32>
    %add3A_360 = arith.addi %iota3A, %add3A_359 : vector<16xi32>
    %add3A_361 = arith.constant 256 : i32
    %add3A_362 = arith.addi %mul3A_0, %add3A_361 : i32
    %add3A_363 = arith.constant 112 : i32
    %add3A_364 = arith.addi %add3A_362, %add3A_363 : i32
    %add3A_365 = vector.broadcast %add3A_364 : i32 to vector<16xi32>
    %add3A_366 = arith.addi %iota3A, %add3A_365 : vector<16xi32>
    tpu.vector_store_idx %arg15[%add3A_360, %mul3A_3], %add3A_366 : memref<128x16xi32, #tpu.memory_space<vmem>>[vector<16xi32>, vector<16xi32>], vector<16xi32>,
    "tpu.region"() ({
      %run_scoped3A = tpu.sem_alloc : memref<!tpu.dma_semaphore, #tpu.memory_space<semaphore_mem>>
      %dma_start3A = arith.constant 0 : i32
      %dma_start3A_2675 = arith.constant 0 : i32
      %dma_start3A_2676 = tpu.memref_slice %arg6[%dma_start3A, %dma_start3A_2675] : memref<1048576x16xi32, #tpu.memory_space<hbm>> -> memref<1048576x16xi32, #tpu.memory_space<hbm>>
      tpu.enqueue_indirect_dma source(%arg15 : memref<128x16xi32, #tpu.memory_space<vmem>>) target(%dma_start3A_2676 : memref<1048576x16xi32, #tpu.memory_space<hbm>>) offsets(%arg13 : memref<128xi32, #tpu.memory_space<vmem>>) semaphore(%run_scoped3A : memref<!tpu.dma_semaphore, #tpu.memory_space<semaphore_mem>>)
      %dma_wait3A = arith.constant 0 : i32
      %dma_wait3A_2677 = arith.constant 0 : i32
      %dma_wait3A_2678 = tpu.memref_slice %arg6[%dma_wait3A, %dma_wait3A_2677] : memref<1048576x16xi32, #tpu.memory_space<hbm>> -> memref<1048576x16xi32, #tpu.memory_space<hbm>>
      tpu.wait_indirect_dma semaphore(%run_scoped3A : memref<!tpu.dma_semaphore, #tpu.memory_space<semaphore_mem>>) src(%arg15 : memref<128x16xi32, #tpu.memory_space<vmem>>) dst(%dma_wait3A_2678 : memref<1048576x16xi32, #tpu.memory_space<hbm>>)
      tpu.yield
    }) : () -> ()
    %add3A_367 = arith.constant 256 : i32
    %add3A_368 = arith.addi %mul3A_0, %add3A_367 : i32
    "tpu.region"() ({
      %run_scoped3A = tpu.sem_alloc : memref<!tpu.dma_semaphore, #tpu.memory_space<semaphore_mem>>
      %dma_start3A = arith.constant 0 : i32
      %dma_start3A_2675 = tpu.memref_slice %arg7[%add3A_368, %dma_start3A] : memref<16384x64xf32, #tpu.memory_space<vmem_shared>> -> memref<128x64xf32, #tpu.memory_space<vmem_shared>>
      %dma_start3A_2676 = arith.constant 0 : i32
      %dma_start3A_2677 = tpu.memref_slice %arg7[%add3A_368, %dma_start3A_2676] : memref<16384x64xf32, #tpu.memory_space<vmem_shared>> -> memref<128x64xf32, #tpu.memory_space<vmem_shared>>
      tpu.enqueue_dma source(%arg12 : memref<128x64xf32, #tpu.memory_space<vmem>>) target(%dma_start3A_2677 : memref<128x64xf32, #tpu.memory_space<vmem_shared>>) target_semaphore(%run_scoped3A : memref<!tpu.dma_semaphore, #tpu.memory_space<semaphore_mem>>)
      %dma_wait3A = arith.constant 0 : i32
      %dma_wait3A_2678 = tpu.memref_slice %arg7[%add3A_368, %dma_wait3A] : memref<16384x64xf32, #tpu.memory_space<vmem_shared>> -> memref<128x64xf32, #tpu.memory_space<vmem_shared>>
      %dma_wait3A_2679 = arith.constant 0 : i32
      %dma_wait3A_2680 = tpu.memref_slice %arg7[%add3A_368, %dma_wait3A_2679] : memref<16384x64xf32, #tpu.memory_space<vmem_shared>> -> memref<128x64xf32, #tpu.memory_space<vmem_shared>>
      tpu.wait_dma2 semaphore(%run_scoped3A : memref<!tpu.dma_semaphore, #tpu.memory_space<semaphore_mem>>) src(%arg12 : memref<128x64xf32, #tpu.memory_space<vmem>>) dst(%dma_wait3A_2680 : memref<128x64xf32, #tpu.memory_space<vmem_shared>>)
      tpu.yield
    }) : () -> ()
    %get3A_369 = arith.constant 3 : i32
    %get3A_370 = arith.index_cast %get3A_369 : i32 to index
    %get3A_371 = arith.constant 0 : index
    %get3A_372 = tpu.vector_load %arg8[%get3A_370, %get3A_371] {strides = array<i32>} : memref<8x128xi32, #tpu.memory_space<vmem>>, vector<16xi32>,
    %swap3A_373 = arith.constant 0 : index
    %swap3A_374 = tpu.vector_load %arg13[%swap3A_373] {strides = array<i32>} : memref<128xi32, #tpu.memory_space<vmem>>, vector<16xi32>,
    tpu.vector_store %arg13[%swap3A_373], %get3A_372 {strides = array<i32>} : memref<128xi32, #tpu.memory_space<vmem>>, vector<16xi32>,
    %get3A_375 = arith.constant 3 : i32
    %get3A_376 = arith.index_cast %get3A_375 : i32 to index
    %get3A_377 = arith.constant 16 : index
    %get3A_378 = tpu.vector_load %arg8[%get3A_376, %get3A_377] {strides = array<i32>} : memref<8x128xi32, #tpu.memory_space<vmem>>, vector<16xi32>,
    %swap3A_379 = arith.constant 16 : index
    %swap3A_380 = tpu.vector_load %arg13[%swap3A_379] {strides = array<i32>} : memref<128xi32, #tpu.memory_space<vmem>>, vector<16xi32>,
    tpu.vector_store %arg13[%swap3A_379], %get3A_378 {strides = array<i32>} : memref<128xi32, #tpu.memory_space<vmem>>, vector<16xi32>,
    %get3A_381 = arith.constant 3 : i32
    %get3A_382 = arith.index_cast %get3A_381 : i32 to index
    %get3A_383 = arith.constant 32 : index
    %get3A_384 = tpu.vector_load %arg8[%get3A_382, %get3A_383] {strides = array<i32>} : memref<8x128xi32, #tpu.memory_space<vmem>>, vector<16xi32>,
    %swap3A_385 = arith.constant 32 : index
    %swap3A_386 = tpu.vector_load %arg13[%swap3A_385] {strides = array<i32>} : memref<128xi32, #tpu.memory_space<vmem>>, vector<16xi32>,
    tpu.vector_store %arg13[%swap3A_385], %get3A_384 {strides = array<i32>} : memref<128xi32, #tpu.memory_space<vmem>>, vector<16xi32>,
    %get3A_387 = arith.constant 3 : i32
    %get3A_388 = arith.index_cast %get3A_387 : i32 to index
    %get3A_389 = arith.constant 48 : index
    %get3A_390 = tpu.vector_load %arg8[%get3A_388, %get3A_389] {strides = array<i32>} : memref<8x128xi32, #tpu.memory_space<vmem>>, vector<16xi32>,
    %swap3A_391 = arith.constant 48 : index
    %swap3A_392 = tpu.vector_load %arg13[%swap3A_391] {strides = array<i32>} : memref<128xi32, #tpu.memory_space<vmem>>, vector<16xi32>,
    tpu.vector_store %arg13[%swap3A_391], %get3A_390 {strides = array<i32>} : memref<128xi32, #tpu.memory_space<vmem>>, vector<16xi32>,
    %get3A_393 = arith.constant 3 : i32
    %get3A_394 = arith.index_cast %get3A_393 : i32 to index
    %get3A_395 = arith.constant 64 : index
    %get3A_396 = tpu.vector_load %arg8[%get3A_394, %get3A_395] {strides = array<i32>} : memref<8x128xi32, #tpu.memory_space<vmem>>, vector<16xi32>,
    %swap3A_397 = arith.constant 64 : index
    %swap3A_398 = tpu.vector_load %arg13[%swap3A_397] {strides = array<i32>} : memref<128xi32, #tpu.memory_space<vmem>>, vector<16xi32>,
    tpu.vector_store %arg13[%swap3A_397], %get3A_396 {strides = array<i32>} : memref<128xi32, #tpu.memory_space<vmem>>, vector<16xi32>,
    %get3A_399 = arith.constant 3 : i32
    %get3A_400 = arith.index_cast %get3A_399 : i32 to index
    %get3A_401 = arith.constant 80 : index
    %get3A_402 = tpu.vector_load %arg8[%get3A_400, %get3A_401] {strides = array<i32>} : memref<8x128xi32, #tpu.memory_space<vmem>>, vector<16xi32>,
    %swap3A_403 = arith.constant 80 : index
    %swap3A_404 = tpu.vector_load %arg13[%swap3A_403] {strides = array<i32>} : memref<128xi32, #tpu.memory_space<vmem>>, vector<16xi32>,
    tpu.vector_store %arg13[%swap3A_403], %get3A_402 {strides = array<i32>} : memref<128xi32, #tpu.memory_space<vmem>>, vector<16xi32>,
    %get3A_405 = arith.constant 3 : i32
    %get3A_406 = arith.index_cast %get3A_405 : i32 to index
    %get3A_407 = arith.constant 96 : index
    %get3A_408 = tpu.vector_load %arg8[%get3A_406, %get3A_407] {strides = array<i32>} : memref<8x128xi32, #tpu.memory_space<vmem>>, vector<16xi32>,
    %swap3A_409 = arith.constant 96 : index
    %swap3A_410 = tpu.vector_load %arg13[%swap3A_409] {strides = array<i32>} : memref<128xi32, #tpu.memory_space<vmem>>, vector<16xi32>,
    tpu.vector_store %arg13[%swap3A_409], %get3A_408 {strides = array<i32>} : memref<128xi32, #tpu.memory_space<vmem>>, vector<16xi32>,
    %get3A_411 = arith.constant 3 : i32
    %get3A_412 = arith.index_cast %get3A_411 : i32 to index
    %get3A_413 = arith.constant 112 : index
    %get3A_414 = tpu.vector_load %arg8[%get3A_412, %get3A_413] {strides = array<i32>} : memref<8x128xi32, #tpu.memory_space<vmem>>, vector<16xi32>,
    %swap3A_415 = arith.constant 112 : index
    %swap3A_416 = tpu.vector_load %arg13[%swap3A_415] {strides = array<i32>} : memref<128xi32, #tpu.memory_space<vmem>>, vector<16xi32>,
    tpu.vector_store %arg13[%swap3A_415], %get3A_414 {strides = array<i32>} : memref<128xi32, #tpu.memory_space<vmem>>, vector<16xi32>,
    %add3A_417 = arith.constant 0 : i32
    %add3A_418 = vector.broadcast %add3A_417 : i32 to vector<16xi32>
    %add3A_419 = arith.addi %iota3A, %add3A_418 : vector<16xi32>
    %add3A_420 = arith.constant 384 : i32
    %add3A_421 = arith.addi %mul3A_0, %add3A_420 : i32
    %add3A_422 = arith.constant 0 : i32
    %add3A_423 = arith.addi %add3A_421, %add3A_422 : i32
    %add3A_424 = vector.broadcast %add3A_423 : i32 to vector<16xi32>
    %add3A_425 = arith.addi %iota3A, %add3A_424 : vector<16xi32>
    tpu.vector_store_idx %arg15[%add3A_419, %mul3A_3], %add3A_425 : memref<128x16xi32, #tpu.memory_space<vmem>>[vector<16xi32>, vector<16xi32>], vector<16xi32>,
    %add3A_426 = arith.constant 16 : i32
    %add3A_427 = vector.broadcast %add3A_426 : i32 to vector<16xi32>
    %add3A_428 = arith.addi %iota3A, %add3A_427 : vector<16xi32>
    %add3A_429 = arith.constant 384 : i32
    %add3A_430 = arith.addi %mul3A_0, %add3A_429 : i32
    %add3A_431 = arith.constant 16 : i32
    %add3A_432 = arith.addi %add3A_430, %add3A_431 : i32
    %add3A_433 = vector.broadcast %add3A_432 : i32 to vector<16xi32>
    %add3A_434 = arith.addi %iota3A, %add3A_433 : vector<16xi32>
    tpu.vector_store_idx %arg15[%add3A_428, %mul3A_3], %add3A_434 : memref<128x16xi32, #tpu.memory_space<vmem>>[vector<16xi32>, vector<16xi32>], vector<16xi32>,
    %add3A_435 = arith.constant 32 : i32
    %add3A_436 = vector.broadcast %add3A_435 : i32 to vector<16xi32>
    %add3A_437 = arith.addi %iota3A, %add3A_436 : vector<16xi32>
    %add3A_438 = arith.constant 384 : i32
    %add3A_439 = arith.addi %mul3A_0, %add3A_438 : i32
    %add3A_440 = arith.constant 32 : i32
    %add3A_441 = arith.addi %add3A_439, %add3A_440 : i32
    %add3A_442 = vector.broadcast %add3A_441 : i32 to vector<16xi32>
    %add3A_443 = arith.addi %iota3A, %add3A_442 : vector<16xi32>
    tpu.vector_store_idx %arg15[%add3A_437, %mul3A_3], %add3A_443 : memref<128x16xi32, #tpu.memory_space<vmem>>[vector<16xi32>, vector<16xi32>], vector<16xi32>,
    %add3A_444 = arith.constant 48 : i32
    %add3A_445 = vector.broadcast %add3A_444 : i32 to vector<16xi32>
    %add3A_446 = arith.addi %iota3A, %add3A_445 : vector<16xi32>
    %add3A_447 = arith.constant 384 : i32
    %add3A_448 = arith.addi %mul3A_0, %add3A_447 : i32
    %add3A_449 = arith.constant 48 : i32
    %add3A_450 = arith.addi %add3A_448, %add3A_449 : i32
    %add3A_451 = vector.broadcast %add3A_450 : i32 to vector<16xi32>
    %add3A_452 = arith.addi %iota3A, %add3A_451 : vector<16xi32>
    tpu.vector_store_idx %arg15[%add3A_446, %mul3A_3], %add3A_452 : memref<128x16xi32, #tpu.memory_space<vmem>>[vector<16xi32>, vector<16xi32>], vector<16xi32>,
    %add3A_453 = arith.constant 64 : i32
    %add3A_454 = vector.broadcast %add3A_453 : i32 to vector<16xi32>
    %add3A_455 = arith.addi %iota3A, %add3A_454 : vector<16xi32>
    %add3A_456 = arith.constant 384 : i32
    %add3A_457 = arith.addi %mul3A_0, %add3A_456 : i32
    %add3A_458 = arith.constant 64 : i32
    %add3A_459 = arith.addi %add3A_457, %add3A_458 : i32
    %add3A_460 = vector.broadcast %add3A_459 : i32 to vector<16xi32>
    %add3A_461 = arith.addi %iota3A, %add3A_460 : vector<16xi32>
    tpu.vector_store_idx %arg15[%add3A_455, %mul3A_3], %add3A_461 : memref<128x16xi32, #tpu.memory_space<vmem>>[vector<16xi32>, vector<16xi32>], vector<16xi32>,
    %add3A_462 = arith.constant 80 : i32
    %add3A_463 = vector.broadcast %add3A_462 : i32 to vector<16xi32>
    %add3A_464 = arith.addi %iota3A, %add3A_463 : vector<16xi32>
    %add3A_465 = arith.constant 384 : i32
    %add3A_466 = arith.addi %mul3A_0, %add3A_465 : i32
    %add3A_467 = arith.constant 80 : i32
    %add3A_468 = arith.addi %add3A_466, %add3A_467 : i32
    %add3A_469 = vector.broadcast %add3A_468 : i32 to vector<16xi32>
    %add3A_470 = arith.addi %iota3A, %add3A_469 : vector<16xi32>
    tpu.vector_store_idx %arg15[%add3A_464, %mul3A_3], %add3A_470 : memref<128x16xi32, #tpu.memory_space<vmem>>[vector<16xi32>, vector<16xi32>], vector<16xi32>,
    %add3A_471 = arith.constant 96 : i32
    %add3A_472 = vector.broadcast %add3A_471 : i32 to vector<16xi32>
    %add3A_473 = arith.addi %iota3A, %add3A_472 : vector<16xi32>
    %add3A_474 = arith.constant 384 : i32
    %add3A_475 = arith.addi %mul3A_0, %add3A_474 : i32
    %add3A_476 = arith.constant 96 : i32
    %add3A_477 = arith.addi %add3A_475, %add3A_476 : i32
    %add3A_478 = vector.broadcast %add3A_477 : i32 to vector<16xi32>
    %add3A_479 = arith.addi %iota3A, %add3A_478 : vector<16xi32>
    tpu.vector_store_idx %arg15[%add3A_473, %mul3A_3], %add3A_479 : memref<128x16xi32, #tpu.memory_space<vmem>>[vector<16xi32>, vector<16xi32>], vector<16xi32>,
    %add3A_480 = arith.constant 112 : i32
    %add3A_481 = vector.broadcast %add3A_480 : i32 to vector<16xi32>
    %add3A_482 = arith.addi %iota3A, %add3A_481 : vector<16xi32>
    %add3A_483 = arith.constant 384 : i32
    %add3A_484 = arith.addi %mul3A_0, %add3A_483 : i32
    %add3A_485 = arith.constant 112 : i32
    %add3A_486 = arith.addi %add3A_484, %add3A_485 : i32
    %add3A_487 = vector.broadcast %add3A_486 : i32 to vector<16xi32>
    %add3A_488 = arith.addi %iota3A, %add3A_487 : vector<16xi32>
    tpu.vector_store_idx %arg15[%add3A_482, %mul3A_3], %add3A_488 : memref<128x16xi32, #tpu.memory_space<vmem>>[vector<16xi32>, vector<16xi32>], vector<16xi32>,
    "tpu.region"() ({
      %run_scoped3A = tpu.sem_alloc : memref<!tpu.dma_semaphore, #tpu.memory_space<semaphore_mem>>
      %dma_start3A = arith.constant 0 : i32
      %dma_start3A_2675 = arith.constant 0 : i32
      %dma_start3A_2676 = tpu.memref_slice %arg6[%dma_start3A, %dma_start3A_2675] : memref<1048576x16xi32, #tpu.memory_space<hbm>> -> memref<1048576x16xi32, #tpu.memory_space<hbm>>
      tpu.enqueue_indirect_dma source(%arg15 : memref<128x16xi32, #tpu.memory_space<vmem>>) target(%dma_start3A_2676 : memref<1048576x16xi32, #tpu.memory_space<hbm>>) offsets(%arg13 : memref<128xi32, #tpu.memory_space<vmem>>) semaphore(%run_scoped3A : memref<!tpu.dma_semaphore, #tpu.memory_space<semaphore_mem>>)
      %dma_wait3A = arith.constant 0 : i32
      %dma_wait3A_2677 = arith.constant 0 : i32
      %dma_wait3A_2678 = tpu.memref_slice %arg6[%dma_wait3A, %dma_wait3A_2677] : memref<1048576x16xi32, #tpu.memory_space<hbm>> -> memref<1048576x16xi32, #tpu.memory_space<hbm>>
      tpu.wait_indirect_dma semaphore(%run_scoped3A : memref<!tpu.dma_semaphore, #tpu.memory_space<semaphore_mem>>) src(%arg15 : memref<128x16xi32, #tpu.memory_space<vmem>>) dst(%dma_wait3A_2678 : memref<1048576x16xi32, #tpu.memory_space<hbm>>)
      tpu.yield
    }) : () -> ()
    %add3A_489 = arith.constant 384 : i32
    %add3A_490 = arith.addi %mul3A_0, %add3A_489 : i32
    "tpu.region"() ({
      %run_scoped3A = tpu.sem_alloc : memref<!tpu.dma_semaphore, #tpu.memory_space<semaphore_mem>>
      %dma_start3A = arith.constant 0 : i32
      %dma_start3A_2675 = tpu.memref_slice %arg7[%add3A_490, %dma_start3A] : memref<16384x64xf32, #tpu.memory_space<vmem_shared>> -> memref<128x64xf32, #tpu.memory_space<vmem_shared>>
      %dma_start3A_2676 = arith.constant 0 : i32
      %dma_start3A_2677 = tpu.memref_slice %arg7[%add3A_490, %dma_start3A_2676] : memref<16384x64xf32, #tpu.memory_space<vmem_shared>> -> memref<128x64xf32, #tpu.memory_space<vmem_shared>>
      tpu.enqueue_dma source(%arg12 : memref<128x64xf32, #tpu.memory_space<vmem>>) target(%dma_start3A_2677 : memref<128x64xf32, #tpu.memory_space<vmem_shared>>) target_semaphore(%run_scoped3A : memref<!tpu.dma_semaphore, #tpu.memory_space<semaphore_mem>>)
      %dma_wait3A = arith.constant 0 : i32
      %dma_wait3A_2678 = tpu.memref_slice %arg7[%add3A_490, %dma_wait3A] : memref<16384x64xf32, #tpu.memory_space<vmem_shared>> -> memref<128x64xf32, #tpu.memory_space<vmem_shared>>
      %dma_wait3A_2679 = arith.constant 0 : i32
      %dma_wait3A_2680 = tpu.memref_slice %arg7[%add3A_490, %dma_wait3A_2679] : memref<16384x64xf32, #tpu.memory_space<vmem_shared>> -> memref<128x64xf32, #tpu.memory_space<vmem_shared>>
      tpu.wait_dma2 semaphore(%run_scoped3A : memref<!tpu.dma_semaphore, #tpu.memory_space<semaphore_mem>>) src(%arg12 : memref<128x64xf32, #tpu.memory_space<vmem>>) dst(%dma_wait3A_2680 : memref<128x64xf32, #tpu.memory_space<vmem_shared>>)
      tpu.yield
    }) : () -> ()
    %get3A_491 = arith.constant 4 : i32
    %get3A_492 = arith.index_cast %get3A_491 : i32 to index
    %get3A_493 = arith.constant 0 : index
    %get3A_494 = tpu.vector_load %arg8[%get3A_492, %get3A_493] {strides = array<i32>} : memref<8x128xi32, #tpu.memory_space<vmem>>, vector<16xi32>,
    %swap3A_495 = arith.constant 0 : index
    %swap3A_496 = tpu.vector_load %arg13[%swap3A_495] {strides = array<i32>} : memref<128xi32, #tpu.memory_space<vmem>>, vector<16xi32>,
    tpu.vector_store %arg13[%swap3A_495], %get3A_494 {strides = array<i32>} : memref<128xi32, #tpu.memory_space<vmem>>, vector<16xi32>,
    %get3A_497 = arith.constant 4 : i32
    %get3A_498 = arith.index_cast %get3A_497 : i32 to index
    %get3A_499 = arith.constant 16 : index
    %get3A_500 = tpu.vector_load %arg8[%get3A_498, %get3A_499] {strides = array<i32>} : memref<8x128xi32, #tpu.memory_space<vmem>>, vector<16xi32>,
    %swap3A_501 = arith.constant 16 : index
    %swap3A_502 = tpu.vector_load %arg13[%swap3A_501] {strides = array<i32>} : memref<128xi32, #tpu.memory_space<vmem>>, vector<16xi32>,
    tpu.vector_store %arg13[%swap3A_501], %get3A_500 {strides = array<i32>} : memref<128xi32, #tpu.memory_space<vmem>>, vector<16xi32>,
    %get3A_503 = arith.constant 4 : i32
    %get3A_504 = arith.index_cast %get3A_503 : i32 to index
    %get3A_505 = arith.constant 32 : index
    %get3A_506 = tpu.vector_load %arg8[%get3A_504, %get3A_505] {strides = array<i32>} : memref<8x128xi32, #tpu.memory_space<vmem>>, vector<16xi32>,
    %swap3A_507 = arith.constant 32 : index
    %swap3A_508 = tpu.vector_load %arg13[%swap3A_507] {strides = array<i32>} : memref<128xi32, #tpu.memory_space<vmem>>, vector<16xi32>,
    tpu.vector_store %arg13[%swap3A_507], %get3A_506 {strides = array<i32>} : memref<128xi32, #tpu.memory_space<vmem>>, vector<16xi32>,
    %get3A_509 = arith.constant 4 : i32
    %get3A_510 = arith.index_cast %get3A_509 : i32 to index
    %get3A_511 = arith.constant 48 : index
    %get3A_512 = tpu.vector_load %arg8[%get3A_510, %get3A_511] {strides = array<i32>} : memref<8x128xi32, #tpu.memory_space<vmem>>, vector<16xi32>,
    %swap3A_513 = arith.constant 48 : index
    %swap3A_514 = tpu.vector_load %arg13[%swap3A_513] {strides = array<i32>} : memref<128xi32, #tpu.memory_space<vmem>>, vector<16xi32>,
    tpu.vector_store %arg13[%swap3A_513], %get3A_512 {strides = array<i32>} : memref<128xi32, #tpu.memory_space<vmem>>, vector<16xi32>,
    %get3A_515 = arith.constant 4 : i32
    %get3A_516 = arith.index_cast %get3A_515 : i32 to index
    %get3A_517 = arith.constant 64 : index
    %get3A_518 = tpu.vector_load %arg8[%get3A_516, %get3A_517] {strides = array<i32>} : memref<8x128xi32, #tpu.memory_space<vmem>>, vector<16xi32>,
    %swap3A_519 = arith.constant 64 : index
    %swap3A_520 = tpu.vector_load %arg13[%swap3A_519] {strides = array<i32>} : memref<128xi32, #tpu.memory_space<vmem>>, vector<16xi32>,
    tpu.vector_store %arg13[%swap3A_519], %get3A_518 {strides = array<i32>} : memref<128xi32, #tpu.memory_space<vmem>>, vector<16xi32>,
    %get3A_521 = arith.constant 4 : i32
    %get3A_522 = arith.index_cast %get3A_521 : i32 to index
    %get3A_523 = arith.constant 80 : index
    %get3A_524 = tpu.vector_load %arg8[%get3A_522, %get3A_523] {strides = array<i32>} : memref<8x128xi32, #tpu.memory_space<vmem>>, vector<16xi32>,
    %swap3A_525 = arith.constant 80 : index
    %swap3A_526 = tpu.vector_load %arg13[%swap3A_525] {strides = array<i32>} : memref<128xi32, #tpu.memory_space<vmem>>, vector<16xi32>,
    tpu.vector_store %arg13[%swap3A_525], %get3A_524 {strides = array<i32>} : memref<128xi32, #tpu.memory_space<vmem>>, vector<16xi32>,
    %get3A_527 = arith.constant 4 : i32
    %get3A_528 = arith.index_cast %get3A_527 : i32 to index
    %get3A_529 = arith.constant 96 : index
    %get3A_530 = tpu.vector_load %arg8[%get3A_528, %get3A_529] {strides = array<i32>} : memref<8x128xi32, #tpu.memory_space<vmem>>, vector<16xi32>,
    %swap3A_531 = arith.constant 96 : index
    %swap3A_532 = tpu.vector_load %arg13[%swap3A_531] {strides = array<i32>} : memref<128xi32, #tpu.memory_space<vmem>>, vector<16xi32>,
    tpu.vector_store %arg13[%swap3A_531], %get3A_530 {strides = array<i32>} : memref<128xi32, #tpu.memory_space<vmem>>, vector<16xi32>,
    %get3A_533 = arith.constant 4 : i32
    %get3A_534 = arith.index_cast %get3A_533 : i32 to index
    %get3A_535 = arith.constant 112 : index
    %get3A_536 = tpu.vector_load %arg8[%get3A_534, %get3A_535] {strides = array<i32>} : memref<8x128xi32, #tpu.memory_space<vmem>>, vector<16xi32>,
    %swap3A_537 = arith.constant 112 : index
    %swap3A_538 = tpu.vector_load %arg13[%swap3A_537] {strides = array<i32>} : memref<128xi32, #tpu.memory_space<vmem>>, vector<16xi32>,
    tpu.vector_store %arg13[%swap3A_537], %get3A_536 {strides = array<i32>} : memref<128xi32, #tpu.memory_space<vmem>>, vector<16xi32>,
    %add3A_539 = arith.constant 0 : i32
    %add3A_540 = vector.broadcast %add3A_539 : i32 to vector<16xi32>
    %add3A_541 = arith.addi %iota3A, %add3A_540 : vector<16xi32>
    %add3A_542 = arith.constant 512 : i32
    %add3A_543 = arith.addi %mul3A_0, %add3A_542 : i32
    %add3A_544 = arith.constant 0 : i32
    %add3A_545 = arith.addi %add3A_543, %add3A_544 : i32
    %add3A_546 = vector.broadcast %add3A_545 : i32 to vector<16xi32>
    %add3A_547 = arith.addi %iota3A, %add3A_546 : vector<16xi32>
    tpu.vector_store_idx %arg15[%add3A_541, %mul3A_3], %add3A_547 : memref<128x16xi32, #tpu.memory_space<vmem>>[vector<16xi32>, vector<16xi32>], vector<16xi32>,
    %add3A_548 = arith.constant 16 : i32
    %add3A_549 = vector.broadcast %add3A_548 : i32 to vector<16xi32>
    %add3A_550 = arith.addi %iota3A, %add3A_549 : vector<16xi32>
    %add3A_551 = arith.constant 512 : i32
    %add3A_552 = arith.addi %mul3A_0, %add3A_551 : i32
    %add3A_553 = arith.constant 16 : i32
    %add3A_554 = arith.addi %add3A_552, %add3A_553 : i32
    %add3A_555 = vector.broadcast %add3A_554 : i32 to vector<16xi32>
    %add3A_556 = arith.addi %iota3A, %add3A_555 : vector<16xi32>
    tpu.vector_store_idx %arg15[%add3A_550, %mul3A_3], %add3A_556 : memref<128x16xi32, #tpu.memory_space<vmem>>[vector<16xi32>, vector<16xi32>], vector<16xi32>,
    %add3A_557 = arith.constant 32 : i32
    %add3A_558 = vector.broadcast %add3A_557 : i32 to vector<16xi32>
    %add3A_559 = arith.addi %iota3A, %add3A_558 : vector<16xi32>
    %add3A_560 = arith.constant 512 : i32
    %add3A_561 = arith.addi %mul3A_0, %add3A_560 : i32
    %add3A_562 = arith.constant 32 : i32
    %add3A_563 = arith.addi %add3A_561, %add3A_562 : i32
    %add3A_564 = vector.broadcast %add3A_563 : i32 to vector<16xi32>
    %add3A_565 = arith.addi %iota3A, %add3A_564 : vector<16xi32>
    tpu.vector_store_idx %arg15[%add3A_559, %mul3A_3], %add3A_565 : memref<128x16xi32, #tpu.memory_space<vmem>>[vector<16xi32>, vector<16xi32>], vector<16xi32>,
    %add3A_566 = arith.constant 48 : i32
    %add3A_567 = vector.broadcast %add3A_566 : i32 to vector<16xi32>
    %add3A_568 = arith.addi %iota3A, %add3A_567 : vector<16xi32>
    %add3A_569 = arith.constant 512 : i32
    %add3A_570 = arith.addi %mul3A_0, %add3A_569 : i32
    %add3A_571 = arith.constant 48 : i32
    %add3A_572 = arith.addi %add3A_570, %add3A_571 : i32
    %add3A_573 = vector.broadcast %add3A_572 : i32 to vector<16xi32>
    %add3A_574 = arith.addi %iota3A, %add3A_573 : vector<16xi32>
    tpu.vector_store_idx %arg15[%add3A_568, %mul3A_3], %add3A_574 : memref<128x16xi32, #tpu.memory_space<vmem>>[vector<16xi32>, vector<16xi32>], vector<16xi32>,
    %add3A_575 = arith.constant 64 : i32
    %add3A_576 = vector.broadcast %add3A_575 : i32 to vector<16xi32>
    %add3A_577 = arith.addi %iota3A, %add3A_576 : vector<16xi32>
    %add3A_578 = arith.constant 512 : i32
    %add3A_579 = arith.addi %mul3A_0, %add3A_578 : i32
    %add3A_580 = arith.constant 64 : i32
    %add3A_581 = arith.addi %add3A_579, %add3A_580 : i32
    %add3A_582 = vector.broadcast %add3A_581 : i32 to vector<16xi32>
    %add3A_583 = arith.addi %iota3A, %add3A_582 : vector<16xi32>
    tpu.vector_store_idx %arg15[%add3A_577, %mul3A_3], %add3A_583 : memref<128x16xi32, #tpu.memory_space<vmem>>[vector<16xi32>, vector<16xi32>], vector<16xi32>,
    %add3A_584 = arith.constant 80 : i32
    %add3A_585 = vector.broadcast %add3A_584 : i32 to vector<16xi32>
    %add3A_586 = arith.addi %iota3A, %add3A_585 : vector<16xi32>
    %add3A_587 = arith.constant 512 : i32
    %add3A_588 = arith.addi %mul3A_0, %add3A_587 : i32
    %add3A_589 = arith.constant 80 : i32
    %add3A_590 = arith.addi %add3A_588, %add3A_589 : i32
    %add3A_591 = vector.broadcast %add3A_590 : i32 to vector<16xi32>
    %add3A_592 = arith.addi %iota3A, %add3A_591 : vector<16xi32>
    tpu.vector_store_idx %arg15[%add3A_586, %mul3A_3], %add3A_592 : memref<128x16xi32, #tpu.memory_space<vmem>>[vector<16xi32>, vector<16xi32>], vector<16xi32>,
    %add3A_593 = arith.constant 96 : i32
    %add3A_594 = vector.broadcast %add3A_593 : i32 to vector<16xi32>
    %add3A_595 = arith.addi %iota3A, %add3A_594 : vector<16xi32>
    %add3A_596 = arith.constant 512 : i32
    %add3A_597 = arith.addi %mul3A_0, %add3A_596 : i32
    %add3A_598 = arith.constant 96 : i32
    %add3A_599 = arith.addi %add3A_597, %add3A_598 : i32
    %add3A_600 = vector.broadcast %add3A_599 : i32 to vector<16xi32>
    %add3A_601 = arith.addi %iota3A, %add3A_600 : vector<16xi32>
    tpu.vector_store_idx %arg15[%add3A_595, %mul3A_3], %add3A_601 : memref<128x16xi32, #tpu.memory_space<vmem>>[vector<16xi32>, vector<16xi32>], vector<16xi32>,
    %add3A_602 = arith.constant 112 : i32
    %add3A_603 = vector.broadcast %add3A_602 : i32 to vector<16xi32>
    %add3A_604 = arith.addi %iota3A, %add3A_603 : vector<16xi32>
    %add3A_605 = arith.constant 512 : i32
    %add3A_606 = arith.addi %mul3A_0, %add3A_605 : i32
    %add3A_607 = arith.constant 112 : i32
    %add3A_608 = arith.addi %add3A_606, %add3A_607 : i32
    %add3A_609 = vector.broadcast %add3A_608 : i32 to vector<16xi32>
    %add3A_610 = arith.addi %iota3A, %add3A_609 : vector<16xi32>
    tpu.vector_store_idx %arg15[%add3A_604, %mul3A_3], %add3A_610 : memref<128x16xi32, #tpu.memory_space<vmem>>[vector<16xi32>, vector<16xi32>], vector<16xi32>,
    "tpu.region"() ({
      %run_scoped3A = tpu.sem_alloc : memref<!tpu.dma_semaphore, #tpu.memory_space<semaphore_mem>>
      %dma_start3A = arith.constant 0 : i32
      %dma_start3A_2675 = arith.constant 0 : i32
      %dma_start3A_2676 = tpu.memref_slice %arg6[%dma_start3A, %dma_start3A_2675] : memref<1048576x16xi32, #tpu.memory_space<hbm>> -> memref<1048576x16xi32, #tpu.memory_space<hbm>>
      tpu.enqueue_indirect_dma source(%arg15 : memref<128x16xi32, #tpu.memory_space<vmem>>) target(%dma_start3A_2676 : memref<1048576x16xi32, #tpu.memory_space<hbm>>) offsets(%arg13 : memref<128xi32, #tpu.memory_space<vmem>>) semaphore(%run_scoped3A : memref<!tpu.dma_semaphore, #tpu.memory_space<semaphore_mem>>)
      %dma_wait3A = arith.constant 0 : i32
      %dma_wait3A_2677 = arith.constant 0 : i32
      %dma_wait3A_2678 = tpu.memref_slice %arg6[%dma_wait3A, %dma_wait3A_2677] : memref<1048576x16xi32, #tpu.memory_space<hbm>> -> memref<1048576x16xi32, #tpu.memory_space<hbm>>
      tpu.wait_indirect_dma semaphore(%run_scoped3A : memref<!tpu.dma_semaphore, #tpu.memory_space<semaphore_mem>>) src(%arg15 : memref<128x16xi32, #tpu.memory_space<vmem>>) dst(%dma_wait3A_2678 : memref<1048576x16xi32, #tpu.memory_space<hbm>>)
      tpu.yield
    }) : () -> ()
    %add3A_611 = arith.constant 512 : i32
    %add3A_612 = arith.addi %mul3A_0, %add3A_611 : i32
    "tpu.region"() ({
      %run_scoped3A = tpu.sem_alloc : memref<!tpu.dma_semaphore, #tpu.memory_space<semaphore_mem>>
      %dma_start3A = arith.constant 0 : i32
      %dma_start3A_2675 = tpu.memref_slice %arg7[%add3A_612, %dma_start3A] : memref<16384x64xf32, #tpu.memory_space<vmem_shared>> -> memref<128x64xf32, #tpu.memory_space<vmem_shared>>
      %dma_start3A_2676 = arith.constant 0 : i32
      %dma_start3A_2677 = tpu.memref_slice %arg7[%add3A_612, %dma_start3A_2676] : memref<16384x64xf32, #tpu.memory_space<vmem_shared>> -> memref<128x64xf32, #tpu.memory_space<vmem_shared>>
      tpu.enqueue_dma source(%arg12 : memref<128x64xf32, #tpu.memory_space<vmem>>) target(%dma_start3A_2677 : memref<128x64xf32, #tpu.memory_space<vmem_shared>>) target_semaphore(%run_scoped3A : memref<!tpu.dma_semaphore, #tpu.memory_space<semaphore_mem>>)
      %dma_wait3A = arith.constant 0 : i32
      %dma_wait3A_2678 = tpu.memref_slice %arg7[%add3A_612, %dma_wait3A] : memref<16384x64xf32, #tpu.memory_space<vmem_shared>> -> memref<128x64xf32, #tpu.memory_space<vmem_shared>>
      %dma_wait3A_2679 = arith.constant 0 : i32
      %dma_wait3A_2680 = tpu.memref_slice %arg7[%add3A_612, %dma_wait3A_2679] : memref<16384x64xf32, #tpu.memory_space<vmem_shared>> -> memref<128x64xf32, #tpu.memory_space<vmem_shared>>
      tpu.wait_dma2 semaphore(%run_scoped3A : memref<!tpu.dma_semaphore, #tpu.memory_space<semaphore_mem>>) src(%arg12 : memref<128x64xf32, #tpu.memory_space<vmem>>) dst(%dma_wait3A_2680 : memref<128x64xf32, #tpu.memory_space<vmem_shared>>)
      tpu.yield
    }) : () -> ()
    %get3A_613 = arith.constant 5 : i32
    %get3A_614 = arith.index_cast %get3A_613 : i32 to index
    %get3A_615 = arith.constant 0 : index
    %get3A_616 = tpu.vector_load %arg8[%get3A_614, %get3A_615] {strides = array<i32>} : memref<8x128xi32, #tpu.memory_space<vmem>>, vector<16xi32>,
    %swap3A_617 = arith.constant 0 : index
    %swap3A_618 = tpu.vector_load %arg13[%swap3A_617] {strides = array<i32>} : memref<128xi32, #tpu.memory_space<vmem>>, vector<16xi32>,
    tpu.vector_store %arg13[%swap3A_617], %get3A_616 {strides = array<i32>} : memref<128xi32, #tpu.memory_space<vmem>>, vector<16xi32>,
    %get3A_619 = arith.constant 5 : i32
    %get3A_620 = arith.index_cast %get3A_619 : i32 to index
    %get3A_621 = arith.constant 16 : index
    %get3A_622 = tpu.vector_load %arg8[%get3A_620, %get3A_621] {strides = array<i32>} : memref<8x128xi32, #tpu.memory_space<vmem>>, vector<16xi32>,
    %swap3A_623 = arith.constant 16 : index
    %swap3A_624 = tpu.vector_load %arg13[%swap3A_623] {strides = array<i32>} : memref<128xi32, #tpu.memory_space<vmem>>, vector<16xi32>,
    tpu.vector_store %arg13[%swap3A_623], %get3A_622 {strides = array<i32>} : memref<128xi32, #tpu.memory_space<vmem>>, vector<16xi32>,
    %get3A_625 = arith.constant 5 : i32
    %get3A_626 = arith.index_cast %get3A_625 : i32 to index
    %get3A_627 = arith.constant 32 : index
    %get3A_628 = tpu.vector_load %arg8[%get3A_626, %get3A_627] {strides = array<i32>} : memref<8x128xi32, #tpu.memory_space<vmem>>, vector<16xi32>,
    %swap3A_629 = arith.constant 32 : index
    %swap3A_630 = tpu.vector_load %arg13[%swap3A_629] {strides = array<i32>} : memref<128xi32, #tpu.memory_space<vmem>>, vector<16xi32>,
    tpu.vector_store %arg13[%swap3A_629], %get3A_628 {strides = array<i32>} : memref<128xi32, #tpu.memory_space<vmem>>, vector<16xi32>,
    %get3A_631 = arith.constant 5 : i32
    %get3A_632 = arith.index_cast %get3A_631 : i32 to index
    %get3A_633 = arith.constant 48 : index
    %get3A_634 = tpu.vector_load %arg8[%get3A_632, %get3A_633] {strides = array<i32>} : memref<8x128xi32, #tpu.memory_space<vmem>>, vector<16xi32>,
    %swap3A_635 = arith.constant 48 : index
    %swap3A_636 = tpu.vector_load %arg13[%swap3A_635] {strides = array<i32>} : memref<128xi32, #tpu.memory_space<vmem>>, vector<16xi32>,
    tpu.vector_store %arg13[%swap3A_635], %get3A_634 {strides = array<i32>} : memref<128xi32, #tpu.memory_space<vmem>>, vector<16xi32>,
    %get3A_637 = arith.constant 5 : i32
    %get3A_638 = arith.index_cast %get3A_637 : i32 to index
    %get3A_639 = arith.constant 64 : index
    %get3A_640 = tpu.vector_load %arg8[%get3A_638, %get3A_639] {strides = array<i32>} : memref<8x128xi32, #tpu.memory_space<vmem>>, vector<16xi32>,
    %swap3A_641 = arith.constant 64 : index
    %swap3A_642 = tpu.vector_load %arg13[%swap3A_641] {strides = array<i32>} : memref<128xi32, #tpu.memory_space<vmem>>, vector<16xi32>,
    tpu.vector_store %arg13[%swap3A_641], %get3A_640 {strides = array<i32>} : memref<128xi32, #tpu.memory_space<vmem>>, vector<16xi32>,
    %get3A_643 = arith.constant 5 : i32
    %get3A_644 = arith.index_cast %get3A_643 : i32 to index
    %get3A_645 = arith.constant 80 : index
    %get3A_646 = tpu.vector_load %arg8[%get3A_644, %get3A_645] {strides = array<i32>} : memref<8x128xi32, #tpu.memory_space<vmem>>, vector<16xi32>,
    %swap3A_647 = arith.constant 80 : index
    %swap3A_648 = tpu.vector_load %arg13[%swap3A_647] {strides = array<i32>} : memref<128xi32, #tpu.memory_space<vmem>>, vector<16xi32>,
    tpu.vector_store %arg13[%swap3A_647], %get3A_646 {strides = array<i32>} : memref<128xi32, #tpu.memory_space<vmem>>, vector<16xi32>,
    %get3A_649 = arith.constant 5 : i32
    %get3A_650 = arith.index_cast %get3A_649 : i32 to index
    %get3A_651 = arith.constant 96 : index
    %get3A_652 = tpu.vector_load %arg8[%get3A_650, %get3A_651] {strides = array<i32>} : memref<8x128xi32, #tpu.memory_space<vmem>>, vector<16xi32>,
    %swap3A_653 = arith.constant 96 : index
    %swap3A_654 = tpu.vector_load %arg13[%swap3A_653] {strides = array<i32>} : memref<128xi32, #tpu.memory_space<vmem>>, vector<16xi32>,
    tpu.vector_store %arg13[%swap3A_653], %get3A_652 {strides = array<i32>} : memref<128xi32, #tpu.memory_space<vmem>>, vector<16xi32>,
    %get3A_655 = arith.constant 5 : i32
    %get3A_656 = arith.index_cast %get3A_655 : i32 to index
    %get3A_657 = arith.constant 112 : index
    %get3A_658 = tpu.vector_load %arg8[%get3A_656, %get3A_657] {strides = array<i32>} : memref<8x128xi32, #tpu.memory_space<vmem>>, vector<16xi32>,
    %swap3A_659 = arith.constant 112 : index
    %swap3A_660 = tpu.vector_load %arg13[%swap3A_659] {strides = array<i32>} : memref<128xi32, #tpu.memory_space<vmem>>, vector<16xi32>,
    tpu.vector_store %arg13[%swap3A_659], %get3A_658 {strides = array<i32>} : memref<128xi32, #tpu.memory_space<vmem>>, vector<16xi32>,
    %add3A_661 = arith.constant 0 : i32
    %add3A_662 = vector.broadcast %add3A_661 : i32 to vector<16xi32>
    %add3A_663 = arith.addi %iota3A, %add3A_662 : vector<16xi32>
    %add3A_664 = arith.constant 640 : i32
    %add3A_665 = arith.addi %mul3A_0, %add3A_664 : i32
    %add3A_666 = arith.constant 0 : i32
    %add3A_667 = arith.addi %add3A_665, %add3A_666 : i32
    %add3A_668 = vector.broadcast %add3A_667 : i32 to vector<16xi32>
    %add3A_669 = arith.addi %iota3A, %add3A_668 : vector<16xi32>
    tpu.vector_store_idx %arg15[%add3A_663, %mul3A_3], %add3A_669 : memref<128x16xi32, #tpu.memory_space<vmem>>[vector<16xi32>, vector<16xi32>], vector<16xi32>,
    %add3A_670 = arith.constant 16 : i32
    %add3A_671 = vector.broadcast %add3A_670 : i32 to vector<16xi32>
    %add3A_672 = arith.addi %iota3A, %add3A_671 : vector<16xi32>
    %add3A_673 = arith.constant 640 : i32
    %add3A_674 = arith.addi %mul3A_0, %add3A_673 : i32
    %add3A_675 = arith.constant 16 : i32
    %add3A_676 = arith.addi %add3A_674, %add3A_675 : i32
    %add3A_677 = vector.broadcast %add3A_676 : i32 to vector<16xi32>
    %add3A_678 = arith.addi %iota3A, %add3A_677 : vector<16xi32>
    tpu.vector_store_idx %arg15[%add3A_672, %mul3A_3], %add3A_678 : memref<128x16xi32, #tpu.memory_space<vmem>>[vector<16xi32>, vector<16xi32>], vector<16xi32>,
    %add3A_679 = arith.constant 32 : i32
    %add3A_680 = vector.broadcast %add3A_679 : i32 to vector<16xi32>
    %add3A_681 = arith.addi %iota3A, %add3A_680 : vector<16xi32>
    %add3A_682 = arith.constant 640 : i32
    %add3A_683 = arith.addi %mul3A_0, %add3A_682 : i32
    %add3A_684 = arith.constant 32 : i32
    %add3A_685 = arith.addi %add3A_683, %add3A_684 : i32
    %add3A_686 = vector.broadcast %add3A_685 : i32 to vector<16xi32>
    %add3A_687 = arith.addi %iota3A, %add3A_686 : vector<16xi32>
    tpu.vector_store_idx %arg15[%add3A_681, %mul3A_3], %add3A_687 : memref<128x16xi32, #tpu.memory_space<vmem>>[vector<16xi32>, vector<16xi32>], vector<16xi32>,
    %add3A_688 = arith.constant 48 : i32
    %add3A_689 = vector.broadcast %add3A_688 : i32 to vector<16xi32>
    %add3A_690 = arith.addi %iota3A, %add3A_689 : vector<16xi32>
    %add3A_691 = arith.constant 640 : i32
    %add3A_692 = arith.addi %mul3A_0, %add3A_691 : i32
    %add3A_693 = arith.constant 48 : i32
    %add3A_694 = arith.addi %add3A_692, %add3A_693 : i32
    %add3A_695 = vector.broadcast %add3A_694 : i32 to vector<16xi32>
    %add3A_696 = arith.addi %iota3A, %add3A_695 : vector<16xi32>
    tpu.vector_store_idx %arg15[%add3A_690, %mul3A_3], %add3A_696 : memref<128x16xi32, #tpu.memory_space<vmem>>[vector<16xi32>, vector<16xi32>], vector<16xi32>,
    %add3A_697 = arith.constant 64 : i32
    %add3A_698 = vector.broadcast %add3A_697 : i32 to vector<16xi32>
    %add3A_699 = arith.addi %iota3A, %add3A_698 : vector<16xi32>
    %add3A_700 = arith.constant 640 : i32
    %add3A_701 = arith.addi %mul3A_0, %add3A_700 : i32
    %add3A_702 = arith.constant 64 : i32
    %add3A_703 = arith.addi %add3A_701, %add3A_702 : i32
    %add3A_704 = vector.broadcast %add3A_703 : i32 to vector<16xi32>
    %add3A_705 = arith.addi %iota3A, %add3A_704 : vector<16xi32>
    tpu.vector_store_idx %arg15[%add3A_699, %mul3A_3], %add3A_705 : memref<128x16xi32, #tpu.memory_space<vmem>>[vector<16xi32>, vector<16xi32>], vector<16xi32>,
    %add3A_706 = arith.constant 80 : i32
    %add3A_707 = vector.broadcast %add3A_706 : i32 to vector<16xi32>
    %add3A_708 = arith.addi %iota3A, %add3A_707 : vector<16xi32>
    %add3A_709 = arith.constant 640 : i32
    %add3A_710 = arith.addi %mul3A_0, %add3A_709 : i32
    %add3A_711 = arith.constant 80 : i32
    %add3A_712 = arith.addi %add3A_710, %add3A_711 : i32
    %add3A_713 = vector.broadcast %add3A_712 : i32 to vector<16xi32>
    %add3A_714 = arith.addi %iota3A, %add3A_713 : vector<16xi32>
    tpu.vector_store_idx %arg15[%add3A_708, %mul3A_3], %add3A_714 : memref<128x16xi32, #tpu.memory_space<vmem>>[vector<16xi32>, vector<16xi32>], vector<16xi32>,
    %add3A_715 = arith.constant 96 : i32
    %add3A_716 = vector.broadcast %add3A_715 : i32 to vector<16xi32>
    %add3A_717 = arith.addi %iota3A, %add3A_716 : vector<16xi32>
    %add3A_718 = arith.constant 640 : i32
    %add3A_719 = arith.addi %mul3A_0, %add3A_718 : i32
    %add3A_720 = arith.constant 96 : i32
    %add3A_721 = arith.addi %add3A_719, %add3A_720 : i32
    %add3A_722 = vector.broadcast %add3A_721 : i32 to vector<16xi32>
    %add3A_723 = arith.addi %iota3A, %add3A_722 : vector<16xi32>
    tpu.vector_store_idx %arg15[%add3A_717, %mul3A_3], %add3A_723 : memref<128x16xi32, #tpu.memory_space<vmem>>[vector<16xi32>, vector<16xi32>], vector<16xi32>,
    %add3A_724 = arith.constant 112 : i32
    %add3A_725 = vector.broadcast %add3A_724 : i32 to vector<16xi32>
    %add3A_726 = arith.addi %iota3A, %add3A_725 : vector<16xi32>
    %add3A_727 = arith.constant 640 : i32
    %add3A_728 = arith.addi %mul3A_0, %add3A_727 : i32
    %add3A_729 = arith.constant 112 : i32
    %add3A_730 = arith.addi %add3A_728, %add3A_729 : i32
    %add3A_731 = vector.broadcast %add3A_730 : i32 to vector<16xi32>
    %add3A_732 = arith.addi %iota3A, %add3A_731 : vector<16xi32>
    tpu.vector_store_idx %arg15[%add3A_726, %mul3A_3], %add3A_732 : memref<128x16xi32, #tpu.memory_space<vmem>>[vector<16xi32>, vector<16xi32>], vector<16xi32>,
    "tpu.region"() ({
      %run_scoped3A = tpu.sem_alloc : memref<!tpu.dma_semaphore, #tpu.memory_space<semaphore_mem>>
      %dma_start3A = arith.constant 0 : i32
      %dma_start3A_2675 = arith.constant 0 : i32
      %dma_start3A_2676 = tpu.memref_slice %arg6[%dma_start3A, %dma_start3A_2675] : memref<1048576x16xi32, #tpu.memory_space<hbm>> -> memref<1048576x16xi32, #tpu.memory_space<hbm>>
      tpu.enqueue_indirect_dma source(%arg15 : memref<128x16xi32, #tpu.memory_space<vmem>>) target(%dma_start3A_2676 : memref<1048576x16xi32, #tpu.memory_space<hbm>>) offsets(%arg13 : memref<128xi32, #tpu.memory_space<vmem>>) semaphore(%run_scoped3A : memref<!tpu.dma_semaphore, #tpu.memory_space<semaphore_mem>>)
      %dma_wait3A = arith.constant 0 : i32
      %dma_wait3A_2677 = arith.constant 0 : i32
      %dma_wait3A_2678 = tpu.memref_slice %arg6[%dma_wait3A, %dma_wait3A_2677] : memref<1048576x16xi32, #tpu.memory_space<hbm>> -> memref<1048576x16xi32, #tpu.memory_space<hbm>>
      tpu.wait_indirect_dma semaphore(%run_scoped3A : memref<!tpu.dma_semaphore, #tpu.memory_space<semaphore_mem>>) src(%arg15 : memref<128x16xi32, #tpu.memory_space<vmem>>) dst(%dma_wait3A_2678 : memref<1048576x16xi32, #tpu.memory_space<hbm>>)
      tpu.yield
    }) : () -> ()
    %add3A_733 = arith.constant 640 : i32
    %add3A_734 = arith.addi %mul3A_0, %add3A_733 : i32
    "tpu.region"() ({
      %run_scoped3A = tpu.sem_alloc : memref<!tpu.dma_semaphore, #tpu.memory_space<semaphore_mem>>
      %dma_start3A = arith.constant 0 : i32
      %dma_start3A_2675 = tpu.memref_slice %arg7[%add3A_734, %dma_start3A] : memref<16384x64xf32, #tpu.memory_space<vmem_shared>> -> memref<128x64xf32, #tpu.memory_space<vmem_shared>>
      %dma_start3A_2676 = arith.constant 0 : i32
      %dma_start3A_2677 = tpu.memref_slice %arg7[%add3A_734, %dma_start3A_2676] : memref<16384x64xf32, #tpu.memory_space<vmem_shared>> -> memref<128x64xf32, #tpu.memory_space<vmem_shared>>
      tpu.enqueue_dma source(%arg12 : memref<128x64xf32, #tpu.memory_space<vmem>>) target(%dma_start3A_2677 : memref<128x64xf32, #tpu.memory_space<vmem_shared>>) target_semaphore(%run_scoped3A : memref<!tpu.dma_semaphore, #tpu.memory_space<semaphore_mem>>)
      %dma_wait3A = arith.constant 0 : i32
      %dma_wait3A_2678 = tpu.memref_slice %arg7[%add3A_734, %dma_wait3A] : memref<16384x64xf32, #tpu.memory_space<vmem_shared>> -> memref<128x64xf32, #tpu.memory_space<vmem_shared>>
      %dma_wait3A_2679 = arith.constant 0 : i32
      %dma_wait3A_2680 = tpu.memref_slice %arg7[%add3A_734, %dma_wait3A_2679] : memref<16384x64xf32, #tpu.memory_space<vmem_shared>> -> memref<128x64xf32, #tpu.memory_space<vmem_shared>>
      tpu.wait_dma2 semaphore(%run_scoped3A : memref<!tpu.dma_semaphore, #tpu.memory_space<semaphore_mem>>) src(%arg12 : memref<128x64xf32, #tpu.memory_space<vmem>>) dst(%dma_wait3A_2680 : memref<128x64xf32, #tpu.memory_space<vmem_shared>>)
      tpu.yield
    }) : () -> ()
    %get3A_735 = arith.constant 6 : i32
    %get3A_736 = arith.index_cast %get3A_735 : i32 to index
    %get3A_737 = arith.constant 0 : index
    %get3A_738 = tpu.vector_load %arg8[%get3A_736, %get3A_737] {strides = array<i32>} : memref<8x128xi32, #tpu.memory_space<vmem>>, vector<16xi32>,
    %swap3A_739 = arith.constant 0 : index
    %swap3A_740 = tpu.vector_load %arg13[%swap3A_739] {strides = array<i32>} : memref<128xi32, #tpu.memory_space<vmem>>, vector<16xi32>,
    tpu.vector_store %arg13[%swap3A_739], %get3A_738 {strides = array<i32>} : memref<128xi32, #tpu.memory_space<vmem>>, vector<16xi32>,
    %get3A_741 = arith.constant 6 : i32
    %get3A_742 = arith.index_cast %get3A_741 : i32 to index
    %get3A_743 = arith.constant 16 : index
    %get3A_744 = tpu.vector_load %arg8[%get3A_742, %get3A_743] {strides = array<i32>} : memref<8x128xi32, #tpu.memory_space<vmem>>, vector<16xi32>,
    %swap3A_745 = arith.constant 16 : index
    %swap3A_746 = tpu.vector_load %arg13[%swap3A_745] {strides = array<i32>} : memref<128xi32, #tpu.memory_space<vmem>>, vector<16xi32>,
    tpu.vector_store %arg13[%swap3A_745], %get3A_744 {strides = array<i32>} : memref<128xi32, #tpu.memory_space<vmem>>, vector<16xi32>,
    %get3A_747 = arith.constant 6 : i32
    %get3A_748 = arith.index_cast %get3A_747 : i32 to index
    %get3A_749 = arith.constant 32 : index
    %get3A_750 = tpu.vector_load %arg8[%get3A_748, %get3A_749] {strides = array<i32>} : memref<8x128xi32, #tpu.memory_space<vmem>>, vector<16xi32>,
    %swap3A_751 = arith.constant 32 : index
    %swap3A_752 = tpu.vector_load %arg13[%swap3A_751] {strides = array<i32>} : memref<128xi32, #tpu.memory_space<vmem>>, vector<16xi32>,
    tpu.vector_store %arg13[%swap3A_751], %get3A_750 {strides = array<i32>} : memref<128xi32, #tpu.memory_space<vmem>>, vector<16xi32>,
    %get3A_753 = arith.constant 6 : i32
    %get3A_754 = arith.index_cast %get3A_753 : i32 to index
    %get3A_755 = arith.constant 48 : index
    %get3A_756 = tpu.vector_load %arg8[%get3A_754, %get3A_755] {strides = array<i32>} : memref<8x128xi32, #tpu.memory_space<vmem>>, vector<16xi32>,
    %swap3A_757 = arith.constant 48 : index
    %swap3A_758 = tpu.vector_load %arg13[%swap3A_757] {strides = array<i32>} : memref<128xi32, #tpu.memory_space<vmem>>, vector<16xi32>,
    tpu.vector_store %arg13[%swap3A_757], %get3A_756 {strides = array<i32>} : memref<128xi32, #tpu.memory_space<vmem>>, vector<16xi32>,
    %get3A_759 = arith.constant 6 : i32
    %get3A_760 = arith.index_cast %get3A_759 : i32 to index
    %get3A_761 = arith.constant 64 : index
    %get3A_762 = tpu.vector_load %arg8[%get3A_760, %get3A_761] {strides = array<i32>} : memref<8x128xi32, #tpu.memory_space<vmem>>, vector<16xi32>,
    %swap3A_763 = arith.constant 64 : index
    %swap3A_764 = tpu.vector_load %arg13[%swap3A_763] {strides = array<i32>} : memref<128xi32, #tpu.memory_space<vmem>>, vector<16xi32>,
    tpu.vector_store %arg13[%swap3A_763], %get3A_762 {strides = array<i32>} : memref<128xi32, #tpu.memory_space<vmem>>, vector<16xi32>,
    %get3A_765 = arith.constant 6 : i32
    %get3A_766 = arith.index_cast %get3A_765 : i32 to index
    %get3A_767 = arith.constant 80 : index
    %get3A_768 = tpu.vector_load %arg8[%get3A_766, %get3A_767] {strides = array<i32>} : memref<8x128xi32, #tpu.memory_space<vmem>>, vector<16xi32>,
    %swap3A_769 = arith.constant 80 : index
    %swap3A_770 = tpu.vector_load %arg13[%swap3A_769] {strides = array<i32>} : memref<128xi32, #tpu.memory_space<vmem>>, vector<16xi32>,
    tpu.vector_store %arg13[%swap3A_769], %get3A_768 {strides = array<i32>} : memref<128xi32, #tpu.memory_space<vmem>>, vector<16xi32>,
    %get3A_771 = arith.constant 6 : i32
    %get3A_772 = arith.index_cast %get3A_771 : i32 to index
    %get3A_773 = arith.constant 96 : index
    %get3A_774 = tpu.vector_load %arg8[%get3A_772, %get3A_773] {strides = array<i32>} : memref<8x128xi32, #tpu.memory_space<vmem>>, vector<16xi32>,
    %swap3A_775 = arith.constant 96 : index
    %swap3A_776 = tpu.vector_load %arg13[%swap3A_775] {strides = array<i32>} : memref<128xi32, #tpu.memory_space<vmem>>, vector<16xi32>,
    tpu.vector_store %arg13[%swap3A_775], %get3A_774 {strides = array<i32>} : memref<128xi32, #tpu.memory_space<vmem>>, vector<16xi32>,
    %get3A_777 = arith.constant 6 : i32
    %get3A_778 = arith.index_cast %get3A_777 : i32 to index
    %get3A_779 = arith.constant 112 : index
    %get3A_780 = tpu.vector_load %arg8[%get3A_778, %get3A_779] {strides = array<i32>} : memref<8x128xi32, #tpu.memory_space<vmem>>, vector<16xi32>,
    %swap3A_781 = arith.constant 112 : index
    %swap3A_782 = tpu.vector_load %arg13[%swap3A_781] {strides = array<i32>} : memref<128xi32, #tpu.memory_space<vmem>>, vector<16xi32>,
    tpu.vector_store %arg13[%swap3A_781], %get3A_780 {strides = array<i32>} : memref<128xi32, #tpu.memory_space<vmem>>, vector<16xi32>,
    %add3A_783 = arith.constant 0 : i32
    %add3A_784 = vector.broadcast %add3A_783 : i32 to vector<16xi32>
    %add3A_785 = arith.addi %iota3A, %add3A_784 : vector<16xi32>
    %add3A_786 = arith.constant 768 : i32
    %add3A_787 = arith.addi %mul3A_0, %add3A_786 : i32
    %add3A_788 = arith.constant 0 : i32
    %add3A_789 = arith.addi %add3A_787, %add3A_788 : i32
    %add3A_790 = vector.broadcast %add3A_789 : i32 to vector<16xi32>
    %add3A_791 = arith.addi %iota3A, %add3A_790 : vector<16xi32>
    tpu.vector_store_idx %arg15[%add3A_785, %mul3A_3], %add3A_791 : memref<128x16xi32, #tpu.memory_space<vmem>>[vector<16xi32>, vector<16xi32>], vector<16xi32>,
    %add3A_792 = arith.constant 16 : i32
    %add3A_793 = vector.broadcast %add3A_792 : i32 to vector<16xi32>
    %add3A_794 = arith.addi %iota3A, %add3A_793 : vector<16xi32>
    %add3A_795 = arith.constant 768 : i32
    %add3A_796 = arith.addi %mul3A_0, %add3A_795 : i32
    %add3A_797 = arith.constant 16 : i32
    %add3A_798 = arith.addi %add3A_796, %add3A_797 : i32
    %add3A_799 = vector.broadcast %add3A_798 : i32 to vector<16xi32>
    %add3A_800 = arith.addi %iota3A, %add3A_799 : vector<16xi32>
    tpu.vector_store_idx %arg15[%add3A_794, %mul3A_3], %add3A_800 : memref<128x16xi32, #tpu.memory_space<vmem>>[vector<16xi32>, vector<16xi32>], vector<16xi32>,
    %add3A_801 = arith.constant 32 : i32
    %add3A_802 = vector.broadcast %add3A_801 : i32 to vector<16xi32>
    %add3A_803 = arith.addi %iota3A, %add3A_802 : vector<16xi32>
    %add3A_804 = arith.constant 768 : i32
    %add3A_805 = arith.addi %mul3A_0, %add3A_804 : i32
    %add3A_806 = arith.constant 32 : i32
    %add3A_807 = arith.addi %add3A_805, %add3A_806 : i32
    %add3A_808 = vector.broadcast %add3A_807 : i32 to vector<16xi32>
    %add3A_809 = arith.addi %iota3A, %add3A_808 : vector<16xi32>
    tpu.vector_store_idx %arg15[%add3A_803, %mul3A_3], %add3A_809 : memref<128x16xi32, #tpu.memory_space<vmem>>[vector<16xi32>, vector<16xi32>], vector<16xi32>,
    %add3A_810 = arith.constant 48 : i32
    %add3A_811 = vector.broadcast %add3A_810 : i32 to vector<16xi32>
    %add3A_812 = arith.addi %iota3A, %add3A_811 : vector<16xi32>
    %add3A_813 = arith.constant 768 : i32
    %add3A_814 = arith.addi %mul3A_0, %add3A_813 : i32
    %add3A_815 = arith.constant 48 : i32
    %add3A_816 = arith.addi %add3A_814, %add3A_815 : i32
    %add3A_817 = vector.broadcast %add3A_816 : i32 to vector<16xi32>
    %add3A_818 = arith.addi %iota3A, %add3A_817 : vector<16xi32>
    tpu.vector_store_idx %arg15[%add3A_812, %mul3A_3], %add3A_818 : memref<128x16xi32, #tpu.memory_space<vmem>>[vector<16xi32>, vector<16xi32>], vector<16xi32>,
    %add3A_819 = arith.constant 64 : i32
    %add3A_820 = vector.broadcast %add3A_819 : i32 to vector<16xi32>
    %add3A_821 = arith.addi %iota3A, %add3A_820 : vector<16xi32>
    %add3A_822 = arith.constant 768 : i32
    %add3A_823 = arith.addi %mul3A_0, %add3A_822 : i32
    %add3A_824 = arith.constant 64 : i32
    %add3A_825 = arith.addi %add3A_823, %add3A_824 : i32
    %add3A_826 = vector.broadcast %add3A_825 : i32 to vector<16xi32>
    %add3A_827 = arith.addi %iota3A, %add3A_826 : vector<16xi32>
    tpu.vector_store_idx %arg15[%add3A_821, %mul3A_3], %add3A_827 : memref<128x16xi32, #tpu.memory_space<vmem>>[vector<16xi32>, vector<16xi32>], vector<16xi32>,
    %add3A_828 = arith.constant 80 : i32
    %add3A_829 = vector.broadcast %add3A_828 : i32 to vector<16xi32>
    %add3A_830 = arith.addi %iota3A, %add3A_829 : vector<16xi32>
    %add3A_831 = arith.constant 768 : i32
    %add3A_832 = arith.addi %mul3A_0, %add3A_831 : i32
    %add3A_833 = arith.constant 80 : i32
    %add3A_834 = arith.addi %add3A_832, %add3A_833 : i32
    %add3A_835 = vector.broadcast %add3A_834 : i32 to vector<16xi32>
    %add3A_836 = arith.addi %iota3A, %add3A_835 : vector<16xi32>
    tpu.vector_store_idx %arg15[%add3A_830, %mul3A_3], %add3A_836 : memref<128x16xi32, #tpu.memory_space<vmem>>[vector<16xi32>, vector<16xi32>], vector<16xi32>,
    %add3A_837 = arith.constant 96 : i32
    %add3A_838 = vector.broadcast %add3A_837 : i32 to vector<16xi32>
    %add3A_839 = arith.addi %iota3A, %add3A_838 : vector<16xi32>
    %add3A_840 = arith.constant 768 : i32
    %add3A_841 = arith.addi %mul3A_0, %add3A_840 : i32
    %add3A_842 = arith.constant 96 : i32
    %add3A_843 = arith.addi %add3A_841, %add3A_842 : i32
    %add3A_844 = vector.broadcast %add3A_843 : i32 to vector<16xi32>
    %add3A_845 = arith.addi %iota3A, %add3A_844 : vector<16xi32>
    tpu.vector_store_idx %arg15[%add3A_839, %mul3A_3], %add3A_845 : memref<128x16xi32, #tpu.memory_space<vmem>>[vector<16xi32>, vector<16xi32>], vector<16xi32>,
    %add3A_846 = arith.constant 112 : i32
    %add3A_847 = vector.broadcast %add3A_846 : i32 to vector<16xi32>
    %add3A_848 = arith.addi %iota3A, %add3A_847 : vector<16xi32>
    %add3A_849 = arith.constant 768 : i32
    %add3A_850 = arith.addi %mul3A_0, %add3A_849 : i32
    %add3A_851 = arith.constant 112 : i32
    %add3A_852 = arith.addi %add3A_850, %add3A_851 : i32
    %add3A_853 = vector.broadcast %add3A_852 : i32 to vector<16xi32>
    %add3A_854 = arith.addi %iota3A, %add3A_853 : vector<16xi32>
    tpu.vector_store_idx %arg15[%add3A_848, %mul3A_3], %add3A_854 : memref<128x16xi32, #tpu.memory_space<vmem>>[vector<16xi32>, vector<16xi32>], vector<16xi32>,
    "tpu.region"() ({
      %run_scoped3A = tpu.sem_alloc : memref<!tpu.dma_semaphore, #tpu.memory_space<semaphore_mem>>
      %dma_start3A = arith.constant 0 : i32
      %dma_start3A_2675 = arith.constant 0 : i32
      %dma_start3A_2676 = tpu.memref_slice %arg6[%dma_start3A, %dma_start3A_2675] : memref<1048576x16xi32, #tpu.memory_space<hbm>> -> memref<1048576x16xi32, #tpu.memory_space<hbm>>
      tpu.enqueue_indirect_dma source(%arg15 : memref<128x16xi32, #tpu.memory_space<vmem>>) target(%dma_start3A_2676 : memref<1048576x16xi32, #tpu.memory_space<hbm>>) offsets(%arg13 : memref<128xi32, #tpu.memory_space<vmem>>) semaphore(%run_scoped3A : memref<!tpu.dma_semaphore, #tpu.memory_space<semaphore_mem>>)
      %dma_wait3A = arith.constant 0 : i32
      %dma_wait3A_2677 = arith.constant 0 : i32
      %dma_wait3A_2678 = tpu.memref_slice %arg6[%dma_wait3A, %dma_wait3A_2677] : memref<1048576x16xi32, #tpu.memory_space<hbm>> -> memref<1048576x16xi32, #tpu.memory_space<hbm>>
      tpu.wait_indirect_dma semaphore(%run_scoped3A : memref<!tpu.dma_semaphore, #tpu.memory_space<semaphore_mem>>) src(%arg15 : memref<128x16xi32, #tpu.memory_space<vmem>>) dst(%dma_wait3A_2678 : memref<1048576x16xi32, #tpu.memory_space<hbm>>)
      tpu.yield
    }) : () -> ()
    %add3A_855 = arith.constant 768 : i32
    %add3A_856 = arith.addi %mul3A_0, %add3A_855 : i32
    "tpu.region"() ({
      %run_scoped3A = tpu.sem_alloc : memref<!tpu.dma_semaphore, #tpu.memory_space<semaphore_mem>>
      %dma_start3A = arith.constant 0 : i32
      %dma_start3A_2675 = tpu.memref_slice %arg7[%add3A_856, %dma_start3A] : memref<16384x64xf32, #tpu.memory_space<vmem_shared>> -> memref<128x64xf32, #tpu.memory_space<vmem_shared>>
      %dma_start3A_2676 = arith.constant 0 : i32
      %dma_start3A_2677 = tpu.memref_slice %arg7[%add3A_856, %dma_start3A_2676] : memref<16384x64xf32, #tpu.memory_space<vmem_shared>> -> memref<128x64xf32, #tpu.memory_space<vmem_shared>>
      tpu.enqueue_dma source(%arg12 : memref<128x64xf32, #tpu.memory_space<vmem>>) target(%dma_start3A_2677 : memref<128x64xf32, #tpu.memory_space<vmem_shared>>) target_semaphore(%run_scoped3A : memref<!tpu.dma_semaphore, #tpu.memory_space<semaphore_mem>>)
      %dma_wait3A = arith.constant 0 : i32
      %dma_wait3A_2678 = tpu.memref_slice %arg7[%add3A_856, %dma_wait3A] : memref<16384x64xf32, #tpu.memory_space<vmem_shared>> -> memref<128x64xf32, #tpu.memory_space<vmem_shared>>
      %dma_wait3A_2679 = arith.constant 0 : i32
      %dma_wait3A_2680 = tpu.memref_slice %arg7[%add3A_856, %dma_wait3A_2679] : memref<16384x64xf32, #tpu.memory_space<vmem_shared>> -> memref<128x64xf32, #tpu.memory_space<vmem_shared>>
      tpu.wait_dma2 semaphore(%run_scoped3A : memref<!tpu.dma_semaphore, #tpu.memory_space<semaphore_mem>>) src(%arg12 : memref<128x64xf32, #tpu.memory_space<vmem>>) dst(%dma_wait3A_2680 : memref<128x64xf32, #tpu.memory_space<vmem_shared>>)
      tpu.yield
    }) : () -> ()
    %get3A_857 = arith.constant 7 : i32
    %get3A_858 = arith.index_cast %get3A_857 : i32 to index
    %get3A_859 = arith.constant 0 : index
    %get3A_860 = tpu.vector_load %arg8[%get3A_858, %get3A_859] {strides = array<i32>} : memref<8x128xi32, #tpu.memory_space<vmem>>, vector<16xi32>,
    %swap3A_861 = arith.constant 0 : index
    %swap3A_862 = tpu.vector_load %arg13[%swap3A_861] {strides = array<i32>} : memref<128xi32, #tpu.memory_space<vmem>>, vector<16xi32>,
    tpu.vector_store %arg13[%swap3A_861], %get3A_860 {strides = array<i32>} : memref<128xi32, #tpu.memory_space<vmem>>, vector<16xi32>,
    %get3A_863 = arith.constant 7 : i32
    %get3A_864 = arith.index_cast %get3A_863 : i32 to index
    %get3A_865 = arith.constant 16 : index
    %get3A_866 = tpu.vector_load %arg8[%get3A_864, %get3A_865] {strides = array<i32>} : memref<8x128xi32, #tpu.memory_space<vmem>>, vector<16xi32>,
    %swap3A_867 = arith.constant 16 : index
    %swap3A_868 = tpu.vector_load %arg13[%swap3A_867] {strides = array<i32>} : memref<128xi32, #tpu.memory_space<vmem>>, vector<16xi32>,
    tpu.vector_store %arg13[%swap3A_867], %get3A_866 {strides = array<i32>} : memref<128xi32, #tpu.memory_space<vmem>>, vector<16xi32>,
    %get3A_869 = arith.constant 7 : i32
    %get3A_870 = arith.index_cast %get3A_869 : i32 to index
    %get3A_871 = arith.constant 32 : index
    %get3A_872 = tpu.vector_load %arg8[%get3A_870, %get3A_871] {strides = array<i32>} : memref<8x128xi32, #tpu.memory_space<vmem>>, vector<16xi32>,
    %swap3A_873 = arith.constant 32 : index
    %swap3A_874 = tpu.vector_load %arg13[%swap3A_873] {strides = array<i32>} : memref<128xi32, #tpu.memory_space<vmem>>, vector<16xi32>,
    tpu.vector_store %arg13[%swap3A_873], %get3A_872 {strides = array<i32>} : memref<128xi32, #tpu.memory_space<vmem>>, vector<16xi32>,
    %get3A_875 = arith.constant 7 : i32
    %get3A_876 = arith.index_cast %get3A_875 : i32 to index
    %get3A_877 = arith.constant 48 : index
    %get3A_878 = tpu.vector_load %arg8[%get3A_876, %get3A_877] {strides = array<i32>} : memref<8x128xi32, #tpu.memory_space<vmem>>, vector<16xi32>,
    %swap3A_879 = arith.constant 48 : index
    %swap3A_880 = tpu.vector_load %arg13[%swap3A_879] {strides = array<i32>} : memref<128xi32, #tpu.memory_space<vmem>>, vector<16xi32>,
    tpu.vector_store %arg13[%swap3A_879], %get3A_878 {strides = array<i32>} : memref<128xi32, #tpu.memory_space<vmem>>, vector<16xi32>,
    %get3A_881 = arith.constant 7 : i32
    %get3A_882 = arith.index_cast %get3A_881 : i32 to index
    %get3A_883 = arith.constant 64 : index
    %get3A_884 = tpu.vector_load %arg8[%get3A_882, %get3A_883] {strides = array<i32>} : memref<8x128xi32, #tpu.memory_space<vmem>>, vector<16xi32>,
    %swap3A_885 = arith.constant 64 : index
    %swap3A_886 = tpu.vector_load %arg13[%swap3A_885] {strides = array<i32>} : memref<128xi32, #tpu.memory_space<vmem>>, vector<16xi32>,
    tpu.vector_store %arg13[%swap3A_885], %get3A_884 {strides = array<i32>} : memref<128xi32, #tpu.memory_space<vmem>>, vector<16xi32>,
    %get3A_887 = arith.constant 7 : i32
    %get3A_888 = arith.index_cast %get3A_887 : i32 to index
    %get3A_889 = arith.constant 80 : index
    %get3A_890 = tpu.vector_load %arg8[%get3A_888, %get3A_889] {strides = array<i32>} : memref<8x128xi32, #tpu.memory_space<vmem>>, vector<16xi32>,
    %swap3A_891 = arith.constant 80 : index
    %swap3A_892 = tpu.vector_load %arg13[%swap3A_891] {strides = array<i32>} : memref<128xi32, #tpu.memory_space<vmem>>, vector<16xi32>,
    tpu.vector_store %arg13[%swap3A_891], %get3A_890 {strides = array<i32>} : memref<128xi32, #tpu.memory_space<vmem>>, vector<16xi32>,
    %get3A_893 = arith.constant 7 : i32
    %get3A_894 = arith.index_cast %get3A_893 : i32 to index
    %get3A_895 = arith.constant 96 : index
    %get3A_896 = tpu.vector_load %arg8[%get3A_894, %get3A_895] {strides = array<i32>} : memref<8x128xi32, #tpu.memory_space<vmem>>, vector<16xi32>,
    %swap3A_897 = arith.constant 96 : index
    %swap3A_898 = tpu.vector_load %arg13[%swap3A_897] {strides = array<i32>} : memref<128xi32, #tpu.memory_space<vmem>>, vector<16xi32>,
    tpu.vector_store %arg13[%swap3A_897], %get3A_896 {strides = array<i32>} : memref<128xi32, #tpu.memory_space<vmem>>, vector<16xi32>,
    %get3A_899 = arith.constant 7 : i32
    %get3A_900 = arith.index_cast %get3A_899 : i32 to index
    %get3A_901 = arith.constant 112 : index
    %get3A_902 = tpu.vector_load %arg8[%get3A_900, %get3A_901] {strides = array<i32>} : memref<8x128xi32, #tpu.memory_space<vmem>>, vector<16xi32>,
    %swap3A_903 = arith.constant 112 : index
    %swap3A_904 = tpu.vector_load %arg13[%swap3A_903] {strides = array<i32>} : memref<128xi32, #tpu.memory_space<vmem>>, vector<16xi32>,
    tpu.vector_store %arg13[%swap3A_903], %get3A_902 {strides = array<i32>} : memref<128xi32, #tpu.memory_space<vmem>>, vector<16xi32>,
    %add3A_905 = arith.constant 0 : i32
    %add3A_906 = vector.broadcast %add3A_905 : i32 to vector<16xi32>
    %add3A_907 = arith.addi %iota3A, %add3A_906 : vector<16xi32>
    %add3A_908 = arith.constant 896 : i32
    %add3A_909 = arith.addi %mul3A_0, %add3A_908 : i32
    %add3A_910 = arith.constant 0 : i32
    %add3A_911 = arith.addi %add3A_909, %add3A_910 : i32
    %add3A_912 = vector.broadcast %add3A_911 : i32 to vector<16xi32>
    %add3A_913 = arith.addi %iota3A, %add3A_912 : vector<16xi32>
    tpu.vector_store_idx %arg15[%add3A_907, %mul3A_3], %add3A_913 : memref<128x16xi32, #tpu.memory_space<vmem>>[vector<16xi32>, vector<16xi32>], vector<16xi32>,
    %add3A_914 = arith.constant 16 : i32
    %add3A_915 = vector.broadcast %add3A_914 : i32 to vector<16xi32>
    %add3A_916 = arith.addi %iota3A, %add3A_915 : vector<16xi32>
    %add3A_917 = arith.constant 896 : i32
    %add3A_918 = arith.addi %mul3A_0, %add3A_917 : i32
    %add3A_919 = arith.constant 16 : i32
    %add3A_920 = arith.addi %add3A_918, %add3A_919 : i32
    %add3A_921 = vector.broadcast %add3A_920 : i32 to vector<16xi32>
    %add3A_922 = arith.addi %iota3A, %add3A_921 : vector<16xi32>
    tpu.vector_store_idx %arg15[%add3A_916, %mul3A_3], %add3A_922 : memref<128x16xi32, #tpu.memory_space<vmem>>[vector<16xi32>, vector<16xi32>], vector<16xi32>,
    %add3A_923 = arith.constant 32 : i32
    %add3A_924 = vector.broadcast %add3A_923 : i32 to vector<16xi32>
    %add3A_925 = arith.addi %iota3A, %add3A_924 : vector<16xi32>
    %add3A_926 = arith.constant 896 : i32
    %add3A_927 = arith.addi %mul3A_0, %add3A_926 : i32
    %add3A_928 = arith.constant 32 : i32
    %add3A_929 = arith.addi %add3A_927, %add3A_928 : i32
    %add3A_930 = vector.broadcast %add3A_929 : i32 to vector<16xi32>
    %add3A_931 = arith.addi %iota3A, %add3A_930 : vector<16xi32>
    tpu.vector_store_idx %arg15[%add3A_925, %mul3A_3], %add3A_931 : memref<128x16xi32, #tpu.memory_space<vmem>>[vector<16xi32>, vector<16xi32>], vector<16xi32>,
    %add3A_932 = arith.constant 48 : i32
    %add3A_933 = vector.broadcast %add3A_932 : i32 to vector<16xi32>
    %add3A_934 = arith.addi %iota3A, %add3A_933 : vector<16xi32>
    %add3A_935 = arith.constant 896 : i32
    %add3A_936 = arith.addi %mul3A_0, %add3A_935 : i32
    %add3A_937 = arith.constant 48 : i32
    %add3A_938 = arith.addi %add3A_936, %add3A_937 : i32
    %add3A_939 = vector.broadcast %add3A_938 : i32 to vector<16xi32>
    %add3A_940 = arith.addi %iota3A, %add3A_939 : vector<16xi32>
    tpu.vector_store_idx %arg15[%add3A_934, %mul3A_3], %add3A_940 : memref<128x16xi32, #tpu.memory_space<vmem>>[vector<16xi32>, vector<16xi32>], vector<16xi32>,
    %add3A_941 = arith.constant 64 : i32
    %add3A_942 = vector.broadcast %add3A_941 : i32 to vector<16xi32>
    %add3A_943 = arith.addi %iota3A, %add3A_942 : vector<16xi32>
    %add3A_944 = arith.constant 896 : i32
    %add3A_945 = arith.addi %mul3A_0, %add3A_944 : i32
    %add3A_946 = arith.constant 64 : i32
    %add3A_947 = arith.addi %add3A_945, %add3A_946 : i32
    %add3A_948 = vector.broadcast %add3A_947 : i32 to vector<16xi32>
    %add3A_949 = arith.addi %iota3A, %add3A_948 : vector<16xi32>
    tpu.vector_store_idx %arg15[%add3A_943, %mul3A_3], %add3A_949 : memref<128x16xi32, #tpu.memory_space<vmem>>[vector<16xi32>, vector<16xi32>], vector<16xi32>,
    %add3A_950 = arith.constant 80 : i32
    %add3A_951 = vector.broadcast %add3A_950 : i32 to vector<16xi32>
    %add3A_952 = arith.addi %iota3A, %add3A_951 : vector<16xi32>
    %add3A_953 = arith.constant 896 : i32
    %add3A_954 = arith.addi %mul3A_0, %add3A_953 : i32
    %add3A_955 = arith.constant 80 : i32
    %add3A_956 = arith.addi %add3A_954, %add3A_955 : i32
    %add3A_957 = vector.broadcast %add3A_956 : i32 to vector<16xi32>
    %add3A_958 = arith.addi %iota3A, %add3A_957 : vector<16xi32>
    tpu.vector_store_idx %arg15[%add3A_952, %mul3A_3], %add3A_958 : memref<128x16xi32, #tpu.memory_space<vmem>>[vector<16xi32>, vector<16xi32>], vector<16xi32>,
    %add3A_959 = arith.constant 96 : i32
    %add3A_960 = vector.broadcast %add3A_959 : i32 to vector<16xi32>
    %add3A_961 = arith.addi %iota3A, %add3A_960 : vector<16xi32>
    %add3A_962 = arith.constant 896 : i32
    %add3A_963 = arith.addi %mul3A_0, %add3A_962 : i32
    %add3A_964 = arith.constant 96 : i32
    %add3A_965 = arith.addi %add3A_963, %add3A_964 : i32
    %add3A_966 = vector.broadcast %add3A_965 : i32 to vector<16xi32>
    %add3A_967 = arith.addi %iota3A, %add3A_966 : vector<16xi32>
    tpu.vector_store_idx %arg15[%add3A_961, %mul3A_3], %add3A_967 : memref<128x16xi32, #tpu.memory_space<vmem>>[vector<16xi32>, vector<16xi32>], vector<16xi32>,
    %add3A_968 = arith.constant 112 : i32
    %add3A_969 = vector.broadcast %add3A_968 : i32 to vector<16xi32>
    %add3A_970 = arith.addi %iota3A, %add3A_969 : vector<16xi32>
    %add3A_971 = arith.constant 896 : i32
    %add3A_972 = arith.addi %mul3A_0, %add3A_971 : i32
    %add3A_973 = arith.constant 112 : i32
    %add3A_974 = arith.addi %add3A_972, %add3A_973 : i32
    %add3A_975 = vector.broadcast %add3A_974 : i32 to vector<16xi32>
    %add3A_976 = arith.addi %iota3A, %add3A_975 : vector<16xi32>
    tpu.vector_store_idx %arg15[%add3A_970, %mul3A_3], %add3A_976 : memref<128x16xi32, #tpu.memory_space<vmem>>[vector<16xi32>, vector<16xi32>], vector<16xi32>,
    "tpu.region"() ({
      %run_scoped3A = tpu.sem_alloc : memref<!tpu.dma_semaphore, #tpu.memory_space<semaphore_mem>>
      %dma_start3A = arith.constant 0 : i32
      %dma_start3A_2675 = arith.constant 0 : i32
      %dma_start3A_2676 = tpu.memref_slice %arg6[%dma_start3A, %dma_start3A_2675] : memref<1048576x16xi32, #tpu.memory_space<hbm>> -> memref<1048576x16xi32, #tpu.memory_space<hbm>>
      tpu.enqueue_indirect_dma source(%arg15 : memref<128x16xi32, #tpu.memory_space<vmem>>) target(%dma_start3A_2676 : memref<1048576x16xi32, #tpu.memory_space<hbm>>) offsets(%arg13 : memref<128xi32, #tpu.memory_space<vmem>>) semaphore(%run_scoped3A : memref<!tpu.dma_semaphore, #tpu.memory_space<semaphore_mem>>)
      %dma_wait3A = arith.constant 0 : i32
      %dma_wait3A_2677 = arith.constant 0 : i32
      %dma_wait3A_2678 = tpu.memref_slice %arg6[%dma_wait3A, %dma_wait3A_2677] : memref<1048576x16xi32, #tpu.memory_space<hbm>> -> memref<1048576x16xi32, #tpu.memory_space<hbm>>
      tpu.wait_indirect_dma semaphore(%run_scoped3A : memref<!tpu.dma_semaphore, #tpu.memory_space<semaphore_mem>>) src(%arg15 : memref<128x16xi32, #tpu.memory_space<vmem>>) dst(%dma_wait3A_2678 : memref<1048576x16xi32, #tpu.memory_space<hbm>>)
      tpu.yield
    }) : () -> ()
    %add3A_977 = arith.constant 896 : i32
    %add3A_978 = arith.addi %mul3A_0, %add3A_977 : i32
    "tpu.region"() ({
      %run_scoped3A = tpu.sem_alloc : memref<!tpu.dma_semaphore, #tpu.memory_space<semaphore_mem>>
      %dma_start3A = arith.constant 0 : i32
      %dma_start3A_2675 = tpu.memref_slice %arg7[%add3A_978, %dma_start3A] : memref<16384x64xf32, #tpu.memory_space<vmem_shared>> -> memref<128x64xf32, #tpu.memory_space<vmem_shared>>
      %dma_start3A_2676 = arith.constant 0 : i32
      %dma_start3A_2677 = tpu.memref_slice %arg7[%add3A_978, %dma_start3A_2676] : memref<16384x64xf32, #tpu.memory_space<vmem_shared>> -> memref<128x64xf32, #tpu.memory_space<vmem_shared>>
      tpu.enqueue_dma source(%arg12 : memref<128x64xf32, #tpu.memory_space<vmem>>) target(%dma_start3A_2677 : memref<128x64xf32, #tpu.memory_space<vmem_shared>>) target_semaphore(%run_scoped3A : memref<!tpu.dma_semaphore, #tpu.memory_space<semaphore_mem>>)
      %dma_wait3A = arith.constant 0 : i32
      %dma_wait3A_2678 = tpu.memref_slice %arg7[%add3A_978, %dma_wait3A] : memref<16384x64xf32, #tpu.memory_space<vmem_shared>> -> memref<128x64xf32, #tpu.memory_space<vmem_shared>>
      %dma_wait3A_2679 = arith.constant 0 : i32
      %dma_wait3A_2680 = tpu.memref_slice %arg7[%add3A_978, %dma_wait3A_2679] : memref<16384x64xf32, #tpu.memory_space<vmem_shared>> -> memref<128x64xf32, #tpu.memory_space<vmem_shared>>
      tpu.wait_dma2 semaphore(%run_scoped3A : memref<!tpu.dma_semaphore, #tpu.memory_space<semaphore_mem>>) src(%arg12 : memref<128x64xf32, #tpu.memory_space<vmem>>) dst(%dma_wait3A_2680 : memref<128x64xf32, #tpu.memory_space<vmem_shared>>)
      tpu.yield
    }) : () -> ()
    %barrier3A = arith.constant 0 : index
    tpu.barrier barrier_id(%barrier3A)
    %get3A_979 = arith.constant 0 : i32
    %get3A_980 = arith.index_cast %get3A_979 : i32 to index
    %get3A_981 = arith.constant 0 : index
    %get3A_982 = tpu.vector_load %arg8[%get3A_980, %get3A_981] {strides = array<i32>} : memref<8x128xi32, #tpu.memory_space<vmem>>, vector<16xi32>,
    %swap3A_983 = arith.constant 0 : index
    %swap3A_984 = tpu.vector_load %arg13[%swap3A_983] {strides = array<i32>} : memref<128xi32, #tpu.memory_space<vmem>>, vector<16xi32>,
    tpu.vector_store %arg13[%swap3A_983], %get3A_982 {strides = array<i32>} : memref<128xi32, #tpu.memory_space<vmem>>, vector<16xi32>,
    %get3A_985 = arith.constant 0 : i32
    %get3A_986 = arith.index_cast %get3A_985 : i32 to index
    %get3A_987 = arith.constant 16 : index
    %get3A_988 = tpu.vector_load %arg8[%get3A_986, %get3A_987] {strides = array<i32>} : memref<8x128xi32, #tpu.memory_space<vmem>>, vector<16xi32>,
    %swap3A_989 = arith.constant 16 : index
    %swap3A_990 = tpu.vector_load %arg13[%swap3A_989] {strides = array<i32>} : memref<128xi32, #tpu.memory_space<vmem>>, vector<16xi32>,
    tpu.vector_store %arg13[%swap3A_989], %get3A_988 {strides = array<i32>} : memref<128xi32, #tpu.memory_space<vmem>>, vector<16xi32>,
    %get3A_991 = arith.constant 0 : i32
    %get3A_992 = arith.index_cast %get3A_991 : i32 to index
    %get3A_993 = arith.constant 32 : index
    %get3A_994 = tpu.vector_load %arg8[%get3A_992, %get3A_993] {strides = array<i32>} : memref<8x128xi32, #tpu.memory_space<vmem>>, vector<16xi32>,
    %swap3A_995 = arith.constant 32 : index
    %swap3A_996 = tpu.vector_load %arg13[%swap3A_995] {strides = array<i32>} : memref<128xi32, #tpu.memory_space<vmem>>, vector<16xi32>,
    tpu.vector_store %arg13[%swap3A_995], %get3A_994 {strides = array<i32>} : memref<128xi32, #tpu.memory_space<vmem>>, vector<16xi32>,
    %get3A_997 = arith.constant 0 : i32
    %get3A_998 = arith.index_cast %get3A_997 : i32 to index
    %get3A_999 = arith.constant 48 : index
    %get3A_1000 = tpu.vector_load %arg8[%get3A_998, %get3A_999] {strides = array<i32>} : memref<8x128xi32, #tpu.memory_space<vmem>>, vector<16xi32>,
    %swap3A_1001 = arith.constant 48 : index
    %swap3A_1002 = tpu.vector_load %arg13[%swap3A_1001] {strides = array<i32>} : memref<128xi32, #tpu.memory_space<vmem>>, vector<16xi32>,
    tpu.vector_store %arg13[%swap3A_1001], %get3A_1000 {strides = array<i32>} : memref<128xi32, #tpu.memory_space<vmem>>, vector<16xi32>,
    %get3A_1003 = arith.constant 0 : i32
    %get3A_1004 = arith.index_cast %get3A_1003 : i32 to index
    %get3A_1005 = arith.constant 64 : index
    %get3A_1006 = tpu.vector_load %arg8[%get3A_1004, %get3A_1005] {strides = array<i32>} : memref<8x128xi32, #tpu.memory_space<vmem>>, vector<16xi32>,
    %swap3A_1007 = arith.constant 64 : index
    %swap3A_1008 = tpu.vector_load %arg13[%swap3A_1007] {strides = array<i32>} : memref<128xi32, #tpu.memory_space<vmem>>, vector<16xi32>,
    tpu.vector_store %arg13[%swap3A_1007], %get3A_1006 {strides = array<i32>} : memref<128xi32, #tpu.memory_space<vmem>>, vector<16xi32>,
    %get3A_1009 = arith.constant 0 : i32
    %get3A_1010 = arith.index_cast %get3A_1009 : i32 to index
    %get3A_1011 = arith.constant 80 : index
    %get3A_1012 = tpu.vector_load %arg8[%get3A_1010, %get3A_1011] {strides = array<i32>} : memref<8x128xi32, #tpu.memory_space<vmem>>, vector<16xi32>,
    %swap3A_1013 = arith.constant 80 : index
    %swap3A_1014 = tpu.vector_load %arg13[%swap3A_1013] {strides = array<i32>} : memref<128xi32, #tpu.memory_space<vmem>>, vector<16xi32>,
    tpu.vector_store %arg13[%swap3A_1013], %get3A_1012 {strides = array<i32>} : memref<128xi32, #tpu.memory_space<vmem>>, vector<16xi32>,
    %get3A_1015 = arith.constant 0 : i32
    %get3A_1016 = arith.index_cast %get3A_1015 : i32 to index
    %get3A_1017 = arith.constant 96 : index
    %get3A_1018 = tpu.vector_load %arg8[%get3A_1016, %get3A_1017] {strides = array<i32>} : memref<8x128xi32, #tpu.memory_space<vmem>>, vector<16xi32>,
    %swap3A_1019 = arith.constant 96 : index
    %swap3A_1020 = tpu.vector_load %arg13[%swap3A_1019] {strides = array<i32>} : memref<128xi32, #tpu.memory_space<vmem>>, vector<16xi32>,
    tpu.vector_store %arg13[%swap3A_1019], %get3A_1018 {strides = array<i32>} : memref<128xi32, #tpu.memory_space<vmem>>, vector<16xi32>,
    %get3A_1021 = arith.constant 0 : i32
    %get3A_1022 = arith.index_cast %get3A_1021 : i32 to index
    %get3A_1023 = arith.constant 112 : index
    %get3A_1024 = tpu.vector_load %arg8[%get3A_1022, %get3A_1023] {strides = array<i32>} : memref<8x128xi32, #tpu.memory_space<vmem>>, vector<16xi32>,
    %swap3A_1025 = arith.constant 112 : index
    %swap3A_1026 = tpu.vector_load %arg13[%swap3A_1025] {strides = array<i32>} : memref<128xi32, #tpu.memory_space<vmem>>, vector<16xi32>,
    tpu.vector_store %arg13[%swap3A_1025], %get3A_1024 {strides = array<i32>} : memref<128xi32, #tpu.memory_space<vmem>>, vector<16xi32>,
    "tpu.region"() ({
      %run_scoped3A = tpu.sem_alloc : memref<!tpu.dma_semaphore, #tpu.memory_space<semaphore_mem>>
      %dma_start3A = arith.constant 0 : i32
      %dma_start3A_2675 = arith.constant 0 : i32
      %dma_start3A_2676 = tpu.memref_slice %arg6[%dma_start3A, %dma_start3A_2675] : memref<1048576x16xi32, #tpu.memory_space<hbm>> -> memref<1048576x16xi32, #tpu.memory_space<hbm>>
      tpu.enqueue_indirect_dma source(%dma_start3A_2676 : memref<1048576x16xi32, #tpu.memory_space<hbm>>) target(%arg16 : memref<128x16xi32, #tpu.memory_space<vmem>>) offsets(%arg13 : memref<128xi32, #tpu.memory_space<vmem>>) semaphore(%run_scoped3A : memref<!tpu.dma_semaphore, #tpu.memory_space<semaphore_mem>>)
      %dma_wait3A = arith.constant 0 : i32
      %dma_wait3A_2677 = arith.constant 0 : i32
      %dma_wait3A_2678 = tpu.memref_slice %arg6[%dma_wait3A, %dma_wait3A_2677] : memref<1048576x16xi32, #tpu.memory_space<hbm>> -> memref<1048576x16xi32, #tpu.memory_space<hbm>>
      tpu.wait_indirect_dma semaphore(%run_scoped3A : memref<!tpu.dma_semaphore, #tpu.memory_space<semaphore_mem>>) src(%dma_wait3A_2678 : memref<1048576x16xi32, #tpu.memory_space<hbm>>) dst(%arg16 : memref<128x16xi32, #tpu.memory_space<vmem>>)
      tpu.yield
    }) : () -> ()
    %add3A_1027 = arith.constant 0 : i32
    %add3A_1028 = vector.broadcast %add3A_1027 : i32 to vector<16xi32>
    %add3A_1029 = arith.addi %iota3A, %add3A_1028 : vector<16xi32>
    %gather3A = tpu.vector_load_idx %arg16[%add3A_1029, %mul3A_3] : memref<128x16xi32, #tpu.memory_space<vmem>>[vector<16xi32>, vector<16xi32>], vector<16xi32>,
    %swap3A_1030 = arith.constant 0 : i32
    %swap3A_1031 = arith.index_cast %swap3A_1030 : i32 to index
    %swap3A_1032 = arith.constant 0 : index
    %swap3A_1033 = tpu.vector_load %arg9[%swap3A_1031, %swap3A_1032] {strides = array<i32>} : memref<8x128xi32, #tpu.memory_space<vmem>>, vector<16xi32>,
    tpu.vector_store %arg9[%swap3A_1031, %swap3A_1032], %gather3A {strides = array<i32>} : memref<8x128xi32, #tpu.memory_space<vmem>>, vector<16xi32>,
    %add3A_1034 = arith.constant 16 : i32
    %add3A_1035 = vector.broadcast %add3A_1034 : i32 to vector<16xi32>
    %add3A_1036 = arith.addi %iota3A, %add3A_1035 : vector<16xi32>
    %gather3A_1037 = tpu.vector_load_idx %arg16[%add3A_1036, %mul3A_3] : memref<128x16xi32, #tpu.memory_space<vmem>>[vector<16xi32>, vector<16xi32>], vector<16xi32>,
    %swap3A_1038 = arith.constant 0 : i32
    %swap3A_1039 = arith.index_cast %swap3A_1038 : i32 to index
    %swap3A_1040 = arith.constant 16 : index
    %swap3A_1041 = tpu.vector_load %arg9[%swap3A_1039, %swap3A_1040] {strides = array<i32>} : memref<8x128xi32, #tpu.memory_space<vmem>>, vector<16xi32>,
    tpu.vector_store %arg9[%swap3A_1039, %swap3A_1040], %gather3A_1037 {strides = array<i32>} : memref<8x128xi32, #tpu.memory_space<vmem>>, vector<16xi32>,
    %add3A_1042 = arith.constant 32 : i32
    %add3A_1043 = vector.broadcast %add3A_1042 : i32 to vector<16xi32>
    %add3A_1044 = arith.addi %iota3A, %add3A_1043 : vector<16xi32>
    %gather3A_1045 = tpu.vector_load_idx %arg16[%add3A_1044, %mul3A_3] : memref<128x16xi32, #tpu.memory_space<vmem>>[vector<16xi32>, vector<16xi32>], vector<16xi32>,
    %swap3A_1046 = arith.constant 0 : i32
    %swap3A_1047 = arith.index_cast %swap3A_1046 : i32 to index
    %swap3A_1048 = arith.constant 32 : index
    %swap3A_1049 = tpu.vector_load %arg9[%swap3A_1047, %swap3A_1048] {strides = array<i32>} : memref<8x128xi32, #tpu.memory_space<vmem>>, vector<16xi32>,
    tpu.vector_store %arg9[%swap3A_1047, %swap3A_1048], %gather3A_1045 {strides = array<i32>} : memref<8x128xi32, #tpu.memory_space<vmem>>, vector<16xi32>,
    %add3A_1050 = arith.constant 48 : i32
    %add3A_1051 = vector.broadcast %add3A_1050 : i32 to vector<16xi32>
    %add3A_1052 = arith.addi %iota3A, %add3A_1051 : vector<16xi32>
    %gather3A_1053 = tpu.vector_load_idx %arg16[%add3A_1052, %mul3A_3] : memref<128x16xi32, #tpu.memory_space<vmem>>[vector<16xi32>, vector<16xi32>], vector<16xi32>,
    %swap3A_1054 = arith.constant 0 : i32
    %swap3A_1055 = arith.index_cast %swap3A_1054 : i32 to index
    %swap3A_1056 = arith.constant 48 : index
    %swap3A_1057 = tpu.vector_load %arg9[%swap3A_1055, %swap3A_1056] {strides = array<i32>} : memref<8x128xi32, #tpu.memory_space<vmem>>, vector<16xi32>,
    tpu.vector_store %arg9[%swap3A_1055, %swap3A_1056], %gather3A_1053 {strides = array<i32>} : memref<8x128xi32, #tpu.memory_space<vmem>>, vector<16xi32>,
    %add3A_1058 = arith.constant 64 : i32
    %add3A_1059 = vector.broadcast %add3A_1058 : i32 to vector<16xi32>
    %add3A_1060 = arith.addi %iota3A, %add3A_1059 : vector<16xi32>
    %gather3A_1061 = tpu.vector_load_idx %arg16[%add3A_1060, %mul3A_3] : memref<128x16xi32, #tpu.memory_space<vmem>>[vector<16xi32>, vector<16xi32>], vector<16xi32>,
    %swap3A_1062 = arith.constant 0 : i32
    %swap3A_1063 = arith.index_cast %swap3A_1062 : i32 to index
    %swap3A_1064 = arith.constant 64 : index
    %swap3A_1065 = tpu.vector_load %arg9[%swap3A_1063, %swap3A_1064] {strides = array<i32>} : memref<8x128xi32, #tpu.memory_space<vmem>>, vector<16xi32>,
    tpu.vector_store %arg9[%swap3A_1063, %swap3A_1064], %gather3A_1061 {strides = array<i32>} : memref<8x128xi32, #tpu.memory_space<vmem>>, vector<16xi32>,
    %add3A_1066 = arith.constant 80 : i32
    %add3A_1067 = vector.broadcast %add3A_1066 : i32 to vector<16xi32>
    %add3A_1068 = arith.addi %iota3A, %add3A_1067 : vector<16xi32>
    %gather3A_1069 = tpu.vector_load_idx %arg16[%add3A_1068, %mul3A_3] : memref<128x16xi32, #tpu.memory_space<vmem>>[vector<16xi32>, vector<16xi32>], vector<16xi32>,
    %swap3A_1070 = arith.constant 0 : i32
    %swap3A_1071 = arith.index_cast %swap3A_1070 : i32 to index
    %swap3A_1072 = arith.constant 80 : index
    %swap3A_1073 = tpu.vector_load %arg9[%swap3A_1071, %swap3A_1072] {strides = array<i32>} : memref<8x128xi32, #tpu.memory_space<vmem>>, vector<16xi32>,
    tpu.vector_store %arg9[%swap3A_1071, %swap3A_1072], %gather3A_1069 {strides = array<i32>} : memref<8x128xi32, #tpu.memory_space<vmem>>, vector<16xi32>,
    %add3A_1074 = arith.constant 96 : i32
    %add3A_1075 = vector.broadcast %add3A_1074 : i32 to vector<16xi32>
    %add3A_1076 = arith.addi %iota3A, %add3A_1075 : vector<16xi32>
    %gather3A_1077 = tpu.vector_load_idx %arg16[%add3A_1076, %mul3A_3] : memref<128x16xi32, #tpu.memory_space<vmem>>[vector<16xi32>, vector<16xi32>], vector<16xi32>,
    %swap3A_1078 = arith.constant 0 : i32
    %swap3A_1079 = arith.index_cast %swap3A_1078 : i32 to index
    %swap3A_1080 = arith.constant 96 : index
    %swap3A_1081 = tpu.vector_load %arg9[%swap3A_1079, %swap3A_1080] {strides = array<i32>} : memref<8x128xi32, #tpu.memory_space<vmem>>, vector<16xi32>,
    tpu.vector_store %arg9[%swap3A_1079, %swap3A_1080], %gather3A_1077 {strides = array<i32>} : memref<8x128xi32, #tpu.memory_space<vmem>>, vector<16xi32>,
    %add3A_1082 = arith.constant 112 : i32
    %add3A_1083 = vector.broadcast %add3A_1082 : i32 to vector<16xi32>
    %add3A_1084 = arith.addi %iota3A, %add3A_1083 : vector<16xi32>
    %gather3A_1085 = tpu.vector_load_idx %arg16[%add3A_1084, %mul3A_3] : memref<128x16xi32, #tpu.memory_space<vmem>>[vector<16xi32>, vector<16xi32>], vector<16xi32>,
    %swap3A_1086 = arith.constant 0 : i32
    %swap3A_1087 = arith.index_cast %swap3A_1086 : i32 to index
    %swap3A_1088 = arith.constant 112 : index
    %swap3A_1089 = tpu.vector_load %arg9[%swap3A_1087, %swap3A_1088] {strides = array<i32>} : memref<8x128xi32, #tpu.memory_space<vmem>>, vector<16xi32>,
    tpu.vector_store %arg9[%swap3A_1087, %swap3A_1088], %gather3A_1085 {strides = array<i32>} : memref<8x128xi32, #tpu.memory_space<vmem>>, vector<16xi32>,
    %get3A_1090 = arith.constant 1 : i32
    %get3A_1091 = arith.index_cast %get3A_1090 : i32 to index
    %get3A_1092 = arith.constant 0 : index
    %get3A_1093 = tpu.vector_load %arg8[%get3A_1091, %get3A_1092] {strides = array<i32>} : memref<8x128xi32, #tpu.memory_space<vmem>>, vector<16xi32>,
    %swap3A_1094 = arith.constant 0 : index
    %swap3A_1095 = tpu.vector_load %arg13[%swap3A_1094] {strides = array<i32>} : memref<128xi32, #tpu.memory_space<vmem>>, vector<16xi32>,
    tpu.vector_store %arg13[%swap3A_1094], %get3A_1093 {strides = array<i32>} : memref<128xi32, #tpu.memory_space<vmem>>, vector<16xi32>,
    %get3A_1096 = arith.constant 1 : i32
    %get3A_1097 = arith.index_cast %get3A_1096 : i32 to index
    %get3A_1098 = arith.constant 16 : index
    %get3A_1099 = tpu.vector_load %arg8[%get3A_1097, %get3A_1098] {strides = array<i32>} : memref<8x128xi32, #tpu.memory_space<vmem>>, vector<16xi32>,
    %swap3A_1100 = arith.constant 16 : index
    %swap3A_1101 = tpu.vector_load %arg13[%swap3A_1100] {strides = array<i32>} : memref<128xi32, #tpu.memory_space<vmem>>, vector<16xi32>,
    tpu.vector_store %arg13[%swap3A_1100], %get3A_1099 {strides = array<i32>} : memref<128xi32, #tpu.memory_space<vmem>>, vector<16xi32>,
    %get3A_1102 = arith.constant 1 : i32
    %get3A_1103 = arith.index_cast %get3A_1102 : i32 to index
    %get3A_1104 = arith.constant 32 : index
    %get3A_1105 = tpu.vector_load %arg8[%get3A_1103, %get3A_1104] {strides = array<i32>} : memref<8x128xi32, #tpu.memory_space<vmem>>, vector<16xi32>,
    %swap3A_1106 = arith.constant 32 : index
    %swap3A_1107 = tpu.vector_load %arg13[%swap3A_1106] {strides = array<i32>} : memref<128xi32, #tpu.memory_space<vmem>>, vector<16xi32>,
    tpu.vector_store %arg13[%swap3A_1106], %get3A_1105 {strides = array<i32>} : memref<128xi32, #tpu.memory_space<vmem>>, vector<16xi32>,
    %get3A_1108 = arith.constant 1 : i32
    %get3A_1109 = arith.index_cast %get3A_1108 : i32 to index
    %get3A_1110 = arith.constant 48 : index
    %get3A_1111 = tpu.vector_load %arg8[%get3A_1109, %get3A_1110] {strides = array<i32>} : memref<8x128xi32, #tpu.memory_space<vmem>>, vector<16xi32>,
    %swap3A_1112 = arith.constant 48 : index
    %swap3A_1113 = tpu.vector_load %arg13[%swap3A_1112] {strides = array<i32>} : memref<128xi32, #tpu.memory_space<vmem>>, vector<16xi32>,
    tpu.vector_store %arg13[%swap3A_1112], %get3A_1111 {strides = array<i32>} : memref<128xi32, #tpu.memory_space<vmem>>, vector<16xi32>,
    %get3A_1114 = arith.constant 1 : i32
    %get3A_1115 = arith.index_cast %get3A_1114 : i32 to index
    %get3A_1116 = arith.constant 64 : index
    %get3A_1117 = tpu.vector_load %arg8[%get3A_1115, %get3A_1116] {strides = array<i32>} : memref<8x128xi32, #tpu.memory_space<vmem>>, vector<16xi32>,
    %swap3A_1118 = arith.constant 64 : index
    %swap3A_1119 = tpu.vector_load %arg13[%swap3A_1118] {strides = array<i32>} : memref<128xi32, #tpu.memory_space<vmem>>, vector<16xi32>,
    tpu.vector_store %arg13[%swap3A_1118], %get3A_1117 {strides = array<i32>} : memref<128xi32, #tpu.memory_space<vmem>>, vector<16xi32>,
    %get3A_1120 = arith.constant 1 : i32
    %get3A_1121 = arith.index_cast %get3A_1120 : i32 to index
    %get3A_1122 = arith.constant 80 : index
    %get3A_1123 = tpu.vector_load %arg8[%get3A_1121, %get3A_1122] {strides = array<i32>} : memref<8x128xi32, #tpu.memory_space<vmem>>, vector<16xi32>,
    %swap3A_1124 = arith.constant 80 : index
    %swap3A_1125 = tpu.vector_load %arg13[%swap3A_1124] {strides = array<i32>} : memref<128xi32, #tpu.memory_space<vmem>>, vector<16xi32>,
    tpu.vector_store %arg13[%swap3A_1124], %get3A_1123 {strides = array<i32>} : memref<128xi32, #tpu.memory_space<vmem>>, vector<16xi32>,
    %get3A_1126 = arith.constant 1 : i32
    %get3A_1127 = arith.index_cast %get3A_1126 : i32 to index
    %get3A_1128 = arith.constant 96 : index
    %get3A_1129 = tpu.vector_load %arg8[%get3A_1127, %get3A_1128] {strides = array<i32>} : memref<8x128xi32, #tpu.memory_space<vmem>>, vector<16xi32>,
    %swap3A_1130 = arith.constant 96 : index
    %swap3A_1131 = tpu.vector_load %arg13[%swap3A_1130] {strides = array<i32>} : memref<128xi32, #tpu.memory_space<vmem>>, vector<16xi32>,
    tpu.vector_store %arg13[%swap3A_1130], %get3A_1129 {strides = array<i32>} : memref<128xi32, #tpu.memory_space<vmem>>, vector<16xi32>,
    %get3A_1132 = arith.constant 1 : i32
    %get3A_1133 = arith.index_cast %get3A_1132 : i32 to index
    %get3A_1134 = arith.constant 112 : index
    %get3A_1135 = tpu.vector_load %arg8[%get3A_1133, %get3A_1134] {strides = array<i32>} : memref<8x128xi32, #tpu.memory_space<vmem>>, vector<16xi32>,
    %swap3A_1136 = arith.constant 112 : index
    %swap3A_1137 = tpu.vector_load %arg13[%swap3A_1136] {strides = array<i32>} : memref<128xi32, #tpu.memory_space<vmem>>, vector<16xi32>,
    tpu.vector_store %arg13[%swap3A_1136], %get3A_1135 {strides = array<i32>} : memref<128xi32, #tpu.memory_space<vmem>>, vector<16xi32>,
    "tpu.region"() ({
      %run_scoped3A = tpu.sem_alloc : memref<!tpu.dma_semaphore, #tpu.memory_space<semaphore_mem>>
      %dma_start3A = arith.constant 0 : i32
      %dma_start3A_2675 = arith.constant 0 : i32
      %dma_start3A_2676 = tpu.memref_slice %arg6[%dma_start3A, %dma_start3A_2675] : memref<1048576x16xi32, #tpu.memory_space<hbm>> -> memref<1048576x16xi32, #tpu.memory_space<hbm>>
      tpu.enqueue_indirect_dma source(%dma_start3A_2676 : memref<1048576x16xi32, #tpu.memory_space<hbm>>) target(%arg16 : memref<128x16xi32, #tpu.memory_space<vmem>>) offsets(%arg13 : memref<128xi32, #tpu.memory_space<vmem>>) semaphore(%run_scoped3A : memref<!tpu.dma_semaphore, #tpu.memory_space<semaphore_mem>>)
      %dma_wait3A = arith.constant 0 : i32
      %dma_wait3A_2677 = arith.constant 0 : i32
      %dma_wait3A_2678 = tpu.memref_slice %arg6[%dma_wait3A, %dma_wait3A_2677] : memref<1048576x16xi32, #tpu.memory_space<hbm>> -> memref<1048576x16xi32, #tpu.memory_space<hbm>>
      tpu.wait_indirect_dma semaphore(%run_scoped3A : memref<!tpu.dma_semaphore, #tpu.memory_space<semaphore_mem>>) src(%dma_wait3A_2678 : memref<1048576x16xi32, #tpu.memory_space<hbm>>) dst(%arg16 : memref<128x16xi32, #tpu.memory_space<vmem>>)
      tpu.yield
    }) : () -> ()
    %add3A_1138 = arith.constant 0 : i32
    %add3A_1139 = vector.broadcast %add3A_1138 : i32 to vector<16xi32>
    %add3A_1140 = arith.addi %iota3A, %add3A_1139 : vector<16xi32>
    %gather3A_1141 = tpu.vector_load_idx %arg16[%add3A_1140, %mul3A_3] : memref<128x16xi32, #tpu.memory_space<vmem>>[vector<16xi32>, vector<16xi32>], vector<16xi32>,
    %swap3A_1142 = arith.constant 1 : i32
    %swap3A_1143 = arith.index_cast %swap3A_1142 : i32 to index
    %swap3A_1144 = arith.constant 0 : index
    %swap3A_1145 = tpu.vector_load %arg9[%swap3A_1143, %swap3A_1144] {strides = array<i32>} : memref<8x128xi32, #tpu.memory_space<vmem>>, vector<16xi32>,
    tpu.vector_store %arg9[%swap3A_1143, %swap3A_1144], %gather3A_1141 {strides = array<i32>} : memref<8x128xi32, #tpu.memory_space<vmem>>, vector<16xi32>,
    %add3A_1146 = arith.constant 16 : i32
    %add3A_1147 = vector.broadcast %add3A_1146 : i32 to vector<16xi32>
    %add3A_1148 = arith.addi %iota3A, %add3A_1147 : vector<16xi32>
    %gather3A_1149 = tpu.vector_load_idx %arg16[%add3A_1148, %mul3A_3] : memref<128x16xi32, #tpu.memory_space<vmem>>[vector<16xi32>, vector<16xi32>], vector<16xi32>,
    %swap3A_1150 = arith.constant 1 : i32
    %swap3A_1151 = arith.index_cast %swap3A_1150 : i32 to index
    %swap3A_1152 = arith.constant 16 : index
    %swap3A_1153 = tpu.vector_load %arg9[%swap3A_1151, %swap3A_1152] {strides = array<i32>} : memref<8x128xi32, #tpu.memory_space<vmem>>, vector<16xi32>,
    tpu.vector_store %arg9[%swap3A_1151, %swap3A_1152], %gather3A_1149 {strides = array<i32>} : memref<8x128xi32, #tpu.memory_space<vmem>>, vector<16xi32>,
    %add3A_1154 = arith.constant 32 : i32
    %add3A_1155 = vector.broadcast %add3A_1154 : i32 to vector<16xi32>
    %add3A_1156 = arith.addi %iota3A, %add3A_1155 : vector<16xi32>
    %gather3A_1157 = tpu.vector_load_idx %arg16[%add3A_1156, %mul3A_3] : memref<128x16xi32, #tpu.memory_space<vmem>>[vector<16xi32>, vector<16xi32>], vector<16xi32>,
    %swap3A_1158 = arith.constant 1 : i32
    %swap3A_1159 = arith.index_cast %swap3A_1158 : i32 to index
    %swap3A_1160 = arith.constant 32 : index
    %swap3A_1161 = tpu.vector_load %arg9[%swap3A_1159, %swap3A_1160] {strides = array<i32>} : memref<8x128xi32, #tpu.memory_space<vmem>>, vector<16xi32>,
    tpu.vector_store %arg9[%swap3A_1159, %swap3A_1160], %gather3A_1157 {strides = array<i32>} : memref<8x128xi32, #tpu.memory_space<vmem>>, vector<16xi32>,
    %add3A_1162 = arith.constant 48 : i32
    %add3A_1163 = vector.broadcast %add3A_1162 : i32 to vector<16xi32>
    %add3A_1164 = arith.addi %iota3A, %add3A_1163 : vector<16xi32>
    %gather3A_1165 = tpu.vector_load_idx %arg16[%add3A_1164, %mul3A_3] : memref<128x16xi32, #tpu.memory_space<vmem>>[vector<16xi32>, vector<16xi32>], vector<16xi32>,
    %swap3A_1166 = arith.constant 1 : i32
    %swap3A_1167 = arith.index_cast %swap3A_1166 : i32 to index
    %swap3A_1168 = arith.constant 48 : index
    %swap3A_1169 = tpu.vector_load %arg9[%swap3A_1167, %swap3A_1168] {strides = array<i32>} : memref<8x128xi32, #tpu.memory_space<vmem>>, vector<16xi32>,
    tpu.vector_store %arg9[%swap3A_1167, %swap3A_1168], %gather3A_1165 {strides = array<i32>} : memref<8x128xi32, #tpu.memory_space<vmem>>, vector<16xi32>,
    %add3A_1170 = arith.constant 64 : i32
    %add3A_1171 = vector.broadcast %add3A_1170 : i32 to vector<16xi32>
    %add3A_1172 = arith.addi %iota3A, %add3A_1171 : vector<16xi32>
    %gather3A_1173 = tpu.vector_load_idx %arg16[%add3A_1172, %mul3A_3] : memref<128x16xi32, #tpu.memory_space<vmem>>[vector<16xi32>, vector<16xi32>], vector<16xi32>,
    %swap3A_1174 = arith.constant 1 : i32
    %swap3A_1175 = arith.index_cast %swap3A_1174 : i32 to index
    %swap3A_1176 = arith.constant 64 : index
    %swap3A_1177 = tpu.vector_load %arg9[%swap3A_1175, %swap3A_1176] {strides = array<i32>} : memref<8x128xi32, #tpu.memory_space<vmem>>, vector<16xi32>,
    tpu.vector_store %arg9[%swap3A_1175, %swap3A_1176], %gather3A_1173 {strides = array<i32>} : memref<8x128xi32, #tpu.memory_space<vmem>>, vector<16xi32>,
    %add3A_1178 = arith.constant 80 : i32
    %add3A_1179 = vector.broadcast %add3A_1178 : i32 to vector<16xi32>
    %add3A_1180 = arith.addi %iota3A, %add3A_1179 : vector<16xi32>
    %gather3A_1181 = tpu.vector_load_idx %arg16[%add3A_1180, %mul3A_3] : memref<128x16xi32, #tpu.memory_space<vmem>>[vector<16xi32>, vector<16xi32>], vector<16xi32>,
    %swap3A_1182 = arith.constant 1 : i32
    %swap3A_1183 = arith.index_cast %swap3A_1182 : i32 to index
    %swap3A_1184 = arith.constant 80 : index
    %swap3A_1185 = tpu.vector_load %arg9[%swap3A_1183, %swap3A_1184] {strides = array<i32>} : memref<8x128xi32, #tpu.memory_space<vmem>>, vector<16xi32>,
    tpu.vector_store %arg9[%swap3A_1183, %swap3A_1184], %gather3A_1181 {strides = array<i32>} : memref<8x128xi32, #tpu.memory_space<vmem>>, vector<16xi32>,
    %add3A_1186 = arith.constant 96 : i32
    %add3A_1187 = vector.broadcast %add3A_1186 : i32 to vector<16xi32>
    %add3A_1188 = arith.addi %iota3A, %add3A_1187 : vector<16xi32>
    %gather3A_1189 = tpu.vector_load_idx %arg16[%add3A_1188, %mul3A_3] : memref<128x16xi32, #tpu.memory_space<vmem>>[vector<16xi32>, vector<16xi32>], vector<16xi32>,
    %swap3A_1190 = arith.constant 1 : i32
    %swap3A_1191 = arith.index_cast %swap3A_1190 : i32 to index
    %swap3A_1192 = arith.constant 96 : index
    %swap3A_1193 = tpu.vector_load %arg9[%swap3A_1191, %swap3A_1192] {strides = array<i32>} : memref<8x128xi32, #tpu.memory_space<vmem>>, vector<16xi32>,
    tpu.vector_store %arg9[%swap3A_1191, %swap3A_1192], %gather3A_1189 {strides = array<i32>} : memref<8x128xi32, #tpu.memory_space<vmem>>, vector<16xi32>,
    %add3A_1194 = arith.constant 112 : i32
    %add3A_1195 = vector.broadcast %add3A_1194 : i32 to vector<16xi32>
    %add3A_1196 = arith.addi %iota3A, %add3A_1195 : vector<16xi32>
    %gather3A_1197 = tpu.vector_load_idx %arg16[%add3A_1196, %mul3A_3] : memref<128x16xi32, #tpu.memory_space<vmem>>[vector<16xi32>, vector<16xi32>], vector<16xi32>,
    %swap3A_1198 = arith.constant 1 : i32
    %swap3A_1199 = arith.index_cast %swap3A_1198 : i32 to index
    %swap3A_1200 = arith.constant 112 : index
    %swap3A_1201 = tpu.vector_load %arg9[%swap3A_1199, %swap3A_1200] {strides = array<i32>} : memref<8x128xi32, #tpu.memory_space<vmem>>, vector<16xi32>,
    tpu.vector_store %arg9[%swap3A_1199, %swap3A_1200], %gather3A_1197 {strides = array<i32>} : memref<8x128xi32, #tpu.memory_space<vmem>>, vector<16xi32>,
    %get3A_1202 = arith.constant 2 : i32
    %get3A_1203 = arith.index_cast %get3A_1202 : i32 to index
    %get3A_1204 = arith.constant 0 : index
    %get3A_1205 = tpu.vector_load %arg8[%get3A_1203, %get3A_1204] {strides = array<i32>} : memref<8x128xi32, #tpu.memory_space<vmem>>, vector<16xi32>,
    %swap3A_1206 = arith.constant 0 : index
    %swap3A_1207 = tpu.vector_load %arg13[%swap3A_1206] {strides = array<i32>} : memref<128xi32, #tpu.memory_space<vmem>>, vector<16xi32>,
    tpu.vector_store %arg13[%swap3A_1206], %get3A_1205 {strides = array<i32>} : memref<128xi32, #tpu.memory_space<vmem>>, vector<16xi32>,
    %get3A_1208 = arith.constant 2 : i32
    %get3A_1209 = arith.index_cast %get3A_1208 : i32 to index
    %get3A_1210 = arith.constant 16 : index
    %get3A_1211 = tpu.vector_load %arg8[%get3A_1209, %get3A_1210] {strides = array<i32>} : memref<8x128xi32, #tpu.memory_space<vmem>>, vector<16xi32>,
    %swap3A_1212 = arith.constant 16 : index
    %swap3A_1213 = tpu.vector_load %arg13[%swap3A_1212] {strides = array<i32>} : memref<128xi32, #tpu.memory_space<vmem>>, vector<16xi32>,
    tpu.vector_store %arg13[%swap3A_1212], %get3A_1211 {strides = array<i32>} : memref<128xi32, #tpu.memory_space<vmem>>, vector<16xi32>,
    %get3A_1214 = arith.constant 2 : i32
    %get3A_1215 = arith.index_cast %get3A_1214 : i32 to index
    %get3A_1216 = arith.constant 32 : index
    %get3A_1217 = tpu.vector_load %arg8[%get3A_1215, %get3A_1216] {strides = array<i32>} : memref<8x128xi32, #tpu.memory_space<vmem>>, vector<16xi32>,
    %swap3A_1218 = arith.constant 32 : index
    %swap3A_1219 = tpu.vector_load %arg13[%swap3A_1218] {strides = array<i32>} : memref<128xi32, #tpu.memory_space<vmem>>, vector<16xi32>,
    tpu.vector_store %arg13[%swap3A_1218], %get3A_1217 {strides = array<i32>} : memref<128xi32, #tpu.memory_space<vmem>>, vector<16xi32>,
    %get3A_1220 = arith.constant 2 : i32
    %get3A_1221 = arith.index_cast %get3A_1220 : i32 to index
    %get3A_1222 = arith.constant 48 : index
    %get3A_1223 = tpu.vector_load %arg8[%get3A_1221, %get3A_1222] {strides = array<i32>} : memref<8x128xi32, #tpu.memory_space<vmem>>, vector<16xi32>,
    %swap3A_1224 = arith.constant 48 : index
    %swap3A_1225 = tpu.vector_load %arg13[%swap3A_1224] {strides = array<i32>} : memref<128xi32, #tpu.memory_space<vmem>>, vector<16xi32>,
    tpu.vector_store %arg13[%swap3A_1224], %get3A_1223 {strides = array<i32>} : memref<128xi32, #tpu.memory_space<vmem>>, vector<16xi32>,
    %get3A_1226 = arith.constant 2 : i32
    %get3A_1227 = arith.index_cast %get3A_1226 : i32 to index
    %get3A_1228 = arith.constant 64 : index
    %get3A_1229 = tpu.vector_load %arg8[%get3A_1227, %get3A_1228] {strides = array<i32>} : memref<8x128xi32, #tpu.memory_space<vmem>>, vector<16xi32>,
    %swap3A_1230 = arith.constant 64 : index
    %swap3A_1231 = tpu.vector_load %arg13[%swap3A_1230] {strides = array<i32>} : memref<128xi32, #tpu.memory_space<vmem>>, vector<16xi32>,
    tpu.vector_store %arg13[%swap3A_1230], %get3A_1229 {strides = array<i32>} : memref<128xi32, #tpu.memory_space<vmem>>, vector<16xi32>,
    %get3A_1232 = arith.constant 2 : i32
    %get3A_1233 = arith.index_cast %get3A_1232 : i32 to index
    %get3A_1234 = arith.constant 80 : index
    %get3A_1235 = tpu.vector_load %arg8[%get3A_1233, %get3A_1234] {strides = array<i32>} : memref<8x128xi32, #tpu.memory_space<vmem>>, vector<16xi32>,
    %swap3A_1236 = arith.constant 80 : index
    %swap3A_1237 = tpu.vector_load %arg13[%swap3A_1236] {strides = array<i32>} : memref<128xi32, #tpu.memory_space<vmem>>, vector<16xi32>,
    tpu.vector_store %arg13[%swap3A_1236], %get3A_1235 {strides = array<i32>} : memref<128xi32, #tpu.memory_space<vmem>>, vector<16xi32>,
    %get3A_1238 = arith.constant 2 : i32
    %get3A_1239 = arith.index_cast %get3A_1238 : i32 to index
    %get3A_1240 = arith.constant 96 : index
    %get3A_1241 = tpu.vector_load %arg8[%get3A_1239, %get3A_1240] {strides = array<i32>} : memref<8x128xi32, #tpu.memory_space<vmem>>, vector<16xi32>,
    %swap3A_1242 = arith.constant 96 : index
    %swap3A_1243 = tpu.vector_load %arg13[%swap3A_1242] {strides = array<i32>} : memref<128xi32, #tpu.memory_space<vmem>>, vector<16xi32>,
    tpu.vector_store %arg13[%swap3A_1242], %get3A_1241 {strides = array<i32>} : memref<128xi32, #tpu.memory_space<vmem>>, vector<16xi32>,
    %get3A_1244 = arith.constant 2 : i32
    %get3A_1245 = arith.index_cast %get3A_1244 : i32 to index
    %get3A_1246 = arith.constant 112 : index
    %get3A_1247 = tpu.vector_load %arg8[%get3A_1245, %get3A_1246] {strides = array<i32>} : memref<8x128xi32, #tpu.memory_space<vmem>>, vector<16xi32>,
    %swap3A_1248 = arith.constant 112 : index
    %swap3A_1249 = tpu.vector_load %arg13[%swap3A_1248] {strides = array<i32>} : memref<128xi32, #tpu.memory_space<vmem>>, vector<16xi32>,
    tpu.vector_store %arg13[%swap3A_1248], %get3A_1247 {strides = array<i32>} : memref<128xi32, #tpu.memory_space<vmem>>, vector<16xi32>,
    "tpu.region"() ({
      %run_scoped3A = tpu.sem_alloc : memref<!tpu.dma_semaphore, #tpu.memory_space<semaphore_mem>>
      %dma_start3A = arith.constant 0 : i32
      %dma_start3A_2675 = arith.constant 0 : i32
      %dma_start3A_2676 = tpu.memref_slice %arg6[%dma_start3A, %dma_start3A_2675] : memref<1048576x16xi32, #tpu.memory_space<hbm>> -> memref<1048576x16xi32, #tpu.memory_space<hbm>>
      tpu.enqueue_indirect_dma source(%dma_start3A_2676 : memref<1048576x16xi32, #tpu.memory_space<hbm>>) target(%arg16 : memref<128x16xi32, #tpu.memory_space<vmem>>) offsets(%arg13 : memref<128xi32, #tpu.memory_space<vmem>>) semaphore(%run_scoped3A : memref<!tpu.dma_semaphore, #tpu.memory_space<semaphore_mem>>)
      %dma_wait3A = arith.constant 0 : i32
      %dma_wait3A_2677 = arith.constant 0 : i32
      %dma_wait3A_2678 = tpu.memref_slice %arg6[%dma_wait3A, %dma_wait3A_2677] : memref<1048576x16xi32, #tpu.memory_space<hbm>> -> memref<1048576x16xi32, #tpu.memory_space<hbm>>
      tpu.wait_indirect_dma semaphore(%run_scoped3A : memref<!tpu.dma_semaphore, #tpu.memory_space<semaphore_mem>>) src(%dma_wait3A_2678 : memref<1048576x16xi32, #tpu.memory_space<hbm>>) dst(%arg16 : memref<128x16xi32, #tpu.memory_space<vmem>>)
      tpu.yield
    }) : () -> ()
    %add3A_1250 = arith.constant 0 : i32
    %add3A_1251 = vector.broadcast %add3A_1250 : i32 to vector<16xi32>
    %add3A_1252 = arith.addi %iota3A, %add3A_1251 : vector<16xi32>
    %gather3A_1253 = tpu.vector_load_idx %arg16[%add3A_1252, %mul3A_3] : memref<128x16xi32, #tpu.memory_space<vmem>>[vector<16xi32>, vector<16xi32>], vector<16xi32>,
    %swap3A_1254 = arith.constant 2 : i32
    %swap3A_1255 = arith.index_cast %swap3A_1254 : i32 to index
    %swap3A_1256 = arith.constant 0 : index
    %swap3A_1257 = tpu.vector_load %arg9[%swap3A_1255, %swap3A_1256] {strides = array<i32>} : memref<8x128xi32, #tpu.memory_space<vmem>>, vector<16xi32>,
    tpu.vector_store %arg9[%swap3A_1255, %swap3A_1256], %gather3A_1253 {strides = array<i32>} : memref<8x128xi32, #tpu.memory_space<vmem>>, vector<16xi32>,
    %add3A_1258 = arith.constant 16 : i32
    %add3A_1259 = vector.broadcast %add3A_1258 : i32 to vector<16xi32>
    %add3A_1260 = arith.addi %iota3A, %add3A_1259 : vector<16xi32>
    %gather3A_1261 = tpu.vector_load_idx %arg16[%add3A_1260, %mul3A_3] : memref<128x16xi32, #tpu.memory_space<vmem>>[vector<16xi32>, vector<16xi32>], vector<16xi32>,
    %swap3A_1262 = arith.constant 2 : i32
    %swap3A_1263 = arith.index_cast %swap3A_1262 : i32 to index
    %swap3A_1264 = arith.constant 16 : index
    %swap3A_1265 = tpu.vector_load %arg9[%swap3A_1263, %swap3A_1264] {strides = array<i32>} : memref<8x128xi32, #tpu.memory_space<vmem>>, vector<16xi32>,
    tpu.vector_store %arg9[%swap3A_1263, %swap3A_1264], %gather3A_1261 {strides = array<i32>} : memref<8x128xi32, #tpu.memory_space<vmem>>, vector<16xi32>,
    %add3A_1266 = arith.constant 32 : i32
    %add3A_1267 = vector.broadcast %add3A_1266 : i32 to vector<16xi32>
    %add3A_1268 = arith.addi %iota3A, %add3A_1267 : vector<16xi32>
    %gather3A_1269 = tpu.vector_load_idx %arg16[%add3A_1268, %mul3A_3] : memref<128x16xi32, #tpu.memory_space<vmem>>[vector<16xi32>, vector<16xi32>], vector<16xi32>,
    %swap3A_1270 = arith.constant 2 : i32
    %swap3A_1271 = arith.index_cast %swap3A_1270 : i32 to index
    %swap3A_1272 = arith.constant 32 : index
    %swap3A_1273 = tpu.vector_load %arg9[%swap3A_1271, %swap3A_1272] {strides = array<i32>} : memref<8x128xi32, #tpu.memory_space<vmem>>, vector<16xi32>,
    tpu.vector_store %arg9[%swap3A_1271, %swap3A_1272], %gather3A_1269 {strides = array<i32>} : memref<8x128xi32, #tpu.memory_space<vmem>>, vector<16xi32>,
    %add3A_1274 = arith.constant 48 : i32
    %add3A_1275 = vector.broadcast %add3A_1274 : i32 to vector<16xi32>
    %add3A_1276 = arith.addi %iota3A, %add3A_1275 : vector<16xi32>
    %gather3A_1277 = tpu.vector_load_idx %arg16[%add3A_1276, %mul3A_3] : memref<128x16xi32, #tpu.memory_space<vmem>>[vector<16xi32>, vector<16xi32>], vector<16xi32>,
    %swap3A_1278 = arith.constant 2 : i32
    %swap3A_1279 = arith.index_cast %swap3A_1278 : i32 to index
    %swap3A_1280 = arith.constant 48 : index
    %swap3A_1281 = tpu.vector_load %arg9[%swap3A_1279, %swap3A_1280] {strides = array<i32>} : memref<8x128xi32, #tpu.memory_space<vmem>>, vector<16xi32>,
    tpu.vector_store %arg9[%swap3A_1279, %swap3A_1280], %gather3A_1277 {strides = array<i32>} : memref<8x128xi32, #tpu.memory_space<vmem>>, vector<16xi32>,
    %add3A_1282 = arith.constant 64 : i32
    %add3A_1283 = vector.broadcast %add3A_1282 : i32 to vector<16xi32>
    %add3A_1284 = arith.addi %iota3A, %add3A_1283 : vector<16xi32>
    %gather3A_1285 = tpu.vector_load_idx %arg16[%add3A_1284, %mul3A_3] : memref<128x16xi32, #tpu.memory_space<vmem>>[vector<16xi32>, vector<16xi32>], vector<16xi32>,
    %swap3A_1286 = arith.constant 2 : i32
    %swap3A_1287 = arith.index_cast %swap3A_1286 : i32 to index
    %swap3A_1288 = arith.constant 64 : index
    %swap3A_1289 = tpu.vector_load %arg9[%swap3A_1287, %swap3A_1288] {strides = array<i32>} : memref<8x128xi32, #tpu.memory_space<vmem>>, vector<16xi32>,
    tpu.vector_store %arg9[%swap3A_1287, %swap3A_1288], %gather3A_1285 {strides = array<i32>} : memref<8x128xi32, #tpu.memory_space<vmem>>, vector<16xi32>,
    %add3A_1290 = arith.constant 80 : i32
    %add3A_1291 = vector.broadcast %add3A_1290 : i32 to vector<16xi32>
    %add3A_1292 = arith.addi %iota3A, %add3A_1291 : vector<16xi32>
    %gather3A_1293 = tpu.vector_load_idx %arg16[%add3A_1292, %mul3A_3] : memref<128x16xi32, #tpu.memory_space<vmem>>[vector<16xi32>, vector<16xi32>], vector<16xi32>,
    %swap3A_1294 = arith.constant 2 : i32
    %swap3A_1295 = arith.index_cast %swap3A_1294 : i32 to index
    %swap3A_1296 = arith.constant 80 : index
    %swap3A_1297 = tpu.vector_load %arg9[%swap3A_1295, %swap3A_1296] {strides = array<i32>} : memref<8x128xi32, #tpu.memory_space<vmem>>, vector<16xi32>,
    tpu.vector_store %arg9[%swap3A_1295, %swap3A_1296], %gather3A_1293 {strides = array<i32>} : memref<8x128xi32, #tpu.memory_space<vmem>>, vector<16xi32>,
    %add3A_1298 = arith.constant 96 : i32
    %add3A_1299 = vector.broadcast %add3A_1298 : i32 to vector<16xi32>
    %add3A_1300 = arith.addi %iota3A, %add3A_1299 : vector<16xi32>
    %gather3A_1301 = tpu.vector_load_idx %arg16[%add3A_1300, %mul3A_3] : memref<128x16xi32, #tpu.memory_space<vmem>>[vector<16xi32>, vector<16xi32>], vector<16xi32>,
    %swap3A_1302 = arith.constant 2 : i32
    %swap3A_1303 = arith.index_cast %swap3A_1302 : i32 to index
    %swap3A_1304 = arith.constant 96 : index
    %swap3A_1305 = tpu.vector_load %arg9[%swap3A_1303, %swap3A_1304] {strides = array<i32>} : memref<8x128xi32, #tpu.memory_space<vmem>>, vector<16xi32>,
    tpu.vector_store %arg9[%swap3A_1303, %swap3A_1304], %gather3A_1301 {strides = array<i32>} : memref<8x128xi32, #tpu.memory_space<vmem>>, vector<16xi32>,
    %add3A_1306 = arith.constant 112 : i32
    %add3A_1307 = vector.broadcast %add3A_1306 : i32 to vector<16xi32>
    %add3A_1308 = arith.addi %iota3A, %add3A_1307 : vector<16xi32>
    %gather3A_1309 = tpu.vector_load_idx %arg16[%add3A_1308, %mul3A_3] : memref<128x16xi32, #tpu.memory_space<vmem>>[vector<16xi32>, vector<16xi32>], vector<16xi32>,
    %swap3A_1310 = arith.constant 2 : i32
    %swap3A_1311 = arith.index_cast %swap3A_1310 : i32 to index
    %swap3A_1312 = arith.constant 112 : index
    %swap3A_1313 = tpu.vector_load %arg9[%swap3A_1311, %swap3A_1312] {strides = array<i32>} : memref<8x128xi32, #tpu.memory_space<vmem>>, vector<16xi32>,
    tpu.vector_store %arg9[%swap3A_1311, %swap3A_1312], %gather3A_1309 {strides = array<i32>} : memref<8x128xi32, #tpu.memory_space<vmem>>, vector<16xi32>,
    %get3A_1314 = arith.constant 3 : i32
    %get3A_1315 = arith.index_cast %get3A_1314 : i32 to index
    %get3A_1316 = arith.constant 0 : index
    %get3A_1317 = tpu.vector_load %arg8[%get3A_1315, %get3A_1316] {strides = array<i32>} : memref<8x128xi32, #tpu.memory_space<vmem>>, vector<16xi32>,
    %swap3A_1318 = arith.constant 0 : index
    %swap3A_1319 = tpu.vector_load %arg13[%swap3A_1318] {strides = array<i32>} : memref<128xi32, #tpu.memory_space<vmem>>, vector<16xi32>,
    tpu.vector_store %arg13[%swap3A_1318], %get3A_1317 {strides = array<i32>} : memref<128xi32, #tpu.memory_space<vmem>>, vector<16xi32>,
    %get3A_1320 = arith.constant 3 : i32
    %get3A_1321 = arith.index_cast %get3A_1320 : i32 to index
    %get3A_1322 = arith.constant 16 : index
    %get3A_1323 = tpu.vector_load %arg8[%get3A_1321, %get3A_1322] {strides = array<i32>} : memref<8x128xi32, #tpu.memory_space<vmem>>, vector<16xi32>,
    %swap3A_1324 = arith.constant 16 : index
    %swap3A_1325 = tpu.vector_load %arg13[%swap3A_1324] {strides = array<i32>} : memref<128xi32, #tpu.memory_space<vmem>>, vector<16xi32>,
    tpu.vector_store %arg13[%swap3A_1324], %get3A_1323 {strides = array<i32>} : memref<128xi32, #tpu.memory_space<vmem>>, vector<16xi32>,
    %get3A_1326 = arith.constant 3 : i32
    %get3A_1327 = arith.index_cast %get3A_1326 : i32 to index
    %get3A_1328 = arith.constant 32 : index
    %get3A_1329 = tpu.vector_load %arg8[%get3A_1327, %get3A_1328] {strides = array<i32>} : memref<8x128xi32, #tpu.memory_space<vmem>>, vector<16xi32>,
    %swap3A_1330 = arith.constant 32 : index
    %swap3A_1331 = tpu.vector_load %arg13[%swap3A_1330] {strides = array<i32>} : memref<128xi32, #tpu.memory_space<vmem>>, vector<16xi32>,
    tpu.vector_store %arg13[%swap3A_1330], %get3A_1329 {strides = array<i32>} : memref<128xi32, #tpu.memory_space<vmem>>, vector<16xi32>,
    %get3A_1332 = arith.constant 3 : i32
    %get3A_1333 = arith.index_cast %get3A_1332 : i32 to index
    %get3A_1334 = arith.constant 48 : index
    %get3A_1335 = tpu.vector_load %arg8[%get3A_1333, %get3A_1334] {strides = array<i32>} : memref<8x128xi32, #tpu.memory_space<vmem>>, vector<16xi32>,
    %swap3A_1336 = arith.constant 48 : index
    %swap3A_1337 = tpu.vector_load %arg13[%swap3A_1336] {strides = array<i32>} : memref<128xi32, #tpu.memory_space<vmem>>, vector<16xi32>,
    tpu.vector_store %arg13[%swap3A_1336], %get3A_1335 {strides = array<i32>} : memref<128xi32, #tpu.memory_space<vmem>>, vector<16xi32>,
    %get3A_1338 = arith.constant 3 : i32
    %get3A_1339 = arith.index_cast %get3A_1338 : i32 to index
    %get3A_1340 = arith.constant 64 : index
    %get3A_1341 = tpu.vector_load %arg8[%get3A_1339, %get3A_1340] {strides = array<i32>} : memref<8x128xi32, #tpu.memory_space<vmem>>, vector<16xi32>,
    %swap3A_1342 = arith.constant 64 : index
    %swap3A_1343 = tpu.vector_load %arg13[%swap3A_1342] {strides = array<i32>} : memref<128xi32, #tpu.memory_space<vmem>>, vector<16xi32>,
    tpu.vector_store %arg13[%swap3A_1342], %get3A_1341 {strides = array<i32>} : memref<128xi32, #tpu.memory_space<vmem>>, vector<16xi32>,
    %get3A_1344 = arith.constant 3 : i32
    %get3A_1345 = arith.index_cast %get3A_1344 : i32 to index
    %get3A_1346 = arith.constant 80 : index
    %get3A_1347 = tpu.vector_load %arg8[%get3A_1345, %get3A_1346] {strides = array<i32>} : memref<8x128xi32, #tpu.memory_space<vmem>>, vector<16xi32>,
    %swap3A_1348 = arith.constant 80 : index
    %swap3A_1349 = tpu.vector_load %arg13[%swap3A_1348] {strides = array<i32>} : memref<128xi32, #tpu.memory_space<vmem>>, vector<16xi32>,
    tpu.vector_store %arg13[%swap3A_1348], %get3A_1347 {strides = array<i32>} : memref<128xi32, #tpu.memory_space<vmem>>, vector<16xi32>,
    %get3A_1350 = arith.constant 3 : i32
    %get3A_1351 = arith.index_cast %get3A_1350 : i32 to index
    %get3A_1352 = arith.constant 96 : index
    %get3A_1353 = tpu.vector_load %arg8[%get3A_1351, %get3A_1352] {strides = array<i32>} : memref<8x128xi32, #tpu.memory_space<vmem>>, vector<16xi32>,
    %swap3A_1354 = arith.constant 96 : index
    %swap3A_1355 = tpu.vector_load %arg13[%swap3A_1354] {strides = array<i32>} : memref<128xi32, #tpu.memory_space<vmem>>, vector<16xi32>,
    tpu.vector_store %arg13[%swap3A_1354], %get3A_1353 {strides = array<i32>} : memref<128xi32, #tpu.memory_space<vmem>>, vector<16xi32>,
    %get3A_1356 = arith.constant 3 : i32
    %get3A_1357 = arith.index_cast %get3A_1356 : i32 to index
    %get3A_1358 = arith.constant 112 : index
    %get3A_1359 = tpu.vector_load %arg8[%get3A_1357, %get3A_1358] {strides = array<i32>} : memref<8x128xi32, #tpu.memory_space<vmem>>, vector<16xi32>,
    %swap3A_1360 = arith.constant 112 : index
    %swap3A_1361 = tpu.vector_load %arg13[%swap3A_1360] {strides = array<i32>} : memref<128xi32, #tpu.memory_space<vmem>>, vector<16xi32>,
    tpu.vector_store %arg13[%swap3A_1360], %get3A_1359 {strides = array<i32>} : memref<128xi32, #tpu.memory_space<vmem>>, vector<16xi32>,
    "tpu.region"() ({
      %run_scoped3A = tpu.sem_alloc : memref<!tpu.dma_semaphore, #tpu.memory_space<semaphore_mem>>
      %dma_start3A = arith.constant 0 : i32
      %dma_start3A_2675 = arith.constant 0 : i32
      %dma_start3A_2676 = tpu.memref_slice %arg6[%dma_start3A, %dma_start3A_2675] : memref<1048576x16xi32, #tpu.memory_space<hbm>> -> memref<1048576x16xi32, #tpu.memory_space<hbm>>
      tpu.enqueue_indirect_dma source(%dma_start3A_2676 : memref<1048576x16xi32, #tpu.memory_space<hbm>>) target(%arg16 : memref<128x16xi32, #tpu.memory_space<vmem>>) offsets(%arg13 : memref<128xi32, #tpu.memory_space<vmem>>) semaphore(%run_scoped3A : memref<!tpu.dma_semaphore, #tpu.memory_space<semaphore_mem>>)
      %dma_wait3A = arith.constant 0 : i32
      %dma_wait3A_2677 = arith.constant 0 : i32
      %dma_wait3A_2678 = tpu.memref_slice %arg6[%dma_wait3A, %dma_wait3A_2677] : memref<1048576x16xi32, #tpu.memory_space<hbm>> -> memref<1048576x16xi32, #tpu.memory_space<hbm>>
      tpu.wait_indirect_dma semaphore(%run_scoped3A : memref<!tpu.dma_semaphore, #tpu.memory_space<semaphore_mem>>) src(%dma_wait3A_2678 : memref<1048576x16xi32, #tpu.memory_space<hbm>>) dst(%arg16 : memref<128x16xi32, #tpu.memory_space<vmem>>)
      tpu.yield
    }) : () -> ()
    %add3A_1362 = arith.constant 0 : i32
    %add3A_1363 = vector.broadcast %add3A_1362 : i32 to vector<16xi32>
    %add3A_1364 = arith.addi %iota3A, %add3A_1363 : vector<16xi32>
    %gather3A_1365 = tpu.vector_load_idx %arg16[%add3A_1364, %mul3A_3] : memref<128x16xi32, #tpu.memory_space<vmem>>[vector<16xi32>, vector<16xi32>], vector<16xi32>,
    %swap3A_1366 = arith.constant 3 : i32
    %swap3A_1367 = arith.index_cast %swap3A_1366 : i32 to index
    %swap3A_1368 = arith.constant 0 : index
    %swap3A_1369 = tpu.vector_load %arg9[%swap3A_1367, %swap3A_1368] {strides = array<i32>} : memref<8x128xi32, #tpu.memory_space<vmem>>, vector<16xi32>,
    tpu.vector_store %arg9[%swap3A_1367, %swap3A_1368], %gather3A_1365 {strides = array<i32>} : memref<8x128xi32, #tpu.memory_space<vmem>>, vector<16xi32>,
    %add3A_1370 = arith.constant 16 : i32
    %add3A_1371 = vector.broadcast %add3A_1370 : i32 to vector<16xi32>
    %add3A_1372 = arith.addi %iota3A, %add3A_1371 : vector<16xi32>
    %gather3A_1373 = tpu.vector_load_idx %arg16[%add3A_1372, %mul3A_3] : memref<128x16xi32, #tpu.memory_space<vmem>>[vector<16xi32>, vector<16xi32>], vector<16xi32>,
    %swap3A_1374 = arith.constant 3 : i32
    %swap3A_1375 = arith.index_cast %swap3A_1374 : i32 to index
    %swap3A_1376 = arith.constant 16 : index
    %swap3A_1377 = tpu.vector_load %arg9[%swap3A_1375, %swap3A_1376] {strides = array<i32>} : memref<8x128xi32, #tpu.memory_space<vmem>>, vector<16xi32>,
    tpu.vector_store %arg9[%swap3A_1375, %swap3A_1376], %gather3A_1373 {strides = array<i32>} : memref<8x128xi32, #tpu.memory_space<vmem>>, vector<16xi32>,
    %add3A_1378 = arith.constant 32 : i32
    %add3A_1379 = vector.broadcast %add3A_1378 : i32 to vector<16xi32>
    %add3A_1380 = arith.addi %iota3A, %add3A_1379 : vector<16xi32>
    %gather3A_1381 = tpu.vector_load_idx %arg16[%add3A_1380, %mul3A_3] : memref<128x16xi32, #tpu.memory_space<vmem>>[vector<16xi32>, vector<16xi32>], vector<16xi32>,
    %swap3A_1382 = arith.constant 3 : i32
    %swap3A_1383 = arith.index_cast %swap3A_1382 : i32 to index
    %swap3A_1384 = arith.constant 32 : index
    %swap3A_1385 = tpu.vector_load %arg9[%swap3A_1383, %swap3A_1384] {strides = array<i32>} : memref<8x128xi32, #tpu.memory_space<vmem>>, vector<16xi32>,
    tpu.vector_store %arg9[%swap3A_1383, %swap3A_1384], %gather3A_1381 {strides = array<i32>} : memref<8x128xi32, #tpu.memory_space<vmem>>, vector<16xi32>,
    %add3A_1386 = arith.constant 48 : i32
    %add3A_1387 = vector.broadcast %add3A_1386 : i32 to vector<16xi32>
    %add3A_1388 = arith.addi %iota3A, %add3A_1387 : vector<16xi32>
    %gather3A_1389 = tpu.vector_load_idx %arg16[%add3A_1388, %mul3A_3] : memref<128x16xi32, #tpu.memory_space<vmem>>[vector<16xi32>, vector<16xi32>], vector<16xi32>,
    %swap3A_1390 = arith.constant 3 : i32
    %swap3A_1391 = arith.index_cast %swap3A_1390 : i32 to index
    %swap3A_1392 = arith.constant 48 : index
    %swap3A_1393 = tpu.vector_load %arg9[%swap3A_1391, %swap3A_1392] {strides = array<i32>} : memref<8x128xi32, #tpu.memory_space<vmem>>, vector<16xi32>,
    tpu.vector_store %arg9[%swap3A_1391, %swap3A_1392], %gather3A_1389 {strides = array<i32>} : memref<8x128xi32, #tpu.memory_space<vmem>>, vector<16xi32>,
    %add3A_1394 = arith.constant 64 : i32
    %add3A_1395 = vector.broadcast %add3A_1394 : i32 to vector<16xi32>
    %add3A_1396 = arith.addi %iota3A, %add3A_1395 : vector<16xi32>
    %gather3A_1397 = tpu.vector_load_idx %arg16[%add3A_1396, %mul3A_3] : memref<128x16xi32, #tpu.memory_space<vmem>>[vector<16xi32>, vector<16xi32>], vector<16xi32>,
    %swap3A_1398 = arith.constant 3 : i32
    %swap3A_1399 = arith.index_cast %swap3A_1398 : i32 to index
    %swap3A_1400 = arith.constant 64 : index
    %swap3A_1401 = tpu.vector_load %arg9[%swap3A_1399, %swap3A_1400] {strides = array<i32>} : memref<8x128xi32, #tpu.memory_space<vmem>>, vector<16xi32>,
    tpu.vector_store %arg9[%swap3A_1399, %swap3A_1400], %gather3A_1397 {strides = array<i32>} : memref<8x128xi32, #tpu.memory_space<vmem>>, vector<16xi32>,
    %add3A_1402 = arith.constant 80 : i32
    %add3A_1403 = vector.broadcast %add3A_1402 : i32 to vector<16xi32>
    %add3A_1404 = arith.addi %iota3A, %add3A_1403 : vector<16xi32>
    %gather3A_1405 = tpu.vector_load_idx %arg16[%add3A_1404, %mul3A_3] : memref<128x16xi32, #tpu.memory_space<vmem>>[vector<16xi32>, vector<16xi32>], vector<16xi32>,
    %swap3A_1406 = arith.constant 3 : i32
    %swap3A_1407 = arith.index_cast %swap3A_1406 : i32 to index
    %swap3A_1408 = arith.constant 80 : index
    %swap3A_1409 = tpu.vector_load %arg9[%swap3A_1407, %swap3A_1408] {strides = array<i32>} : memref<8x128xi32, #tpu.memory_space<vmem>>, vector<16xi32>,
    tpu.vector_store %arg9[%swap3A_1407, %swap3A_1408], %gather3A_1405 {strides = array<i32>} : memref<8x128xi32, #tpu.memory_space<vmem>>, vector<16xi32>,
    %add3A_1410 = arith.constant 96 : i32
    %add3A_1411 = vector.broadcast %add3A_1410 : i32 to vector<16xi32>
    %add3A_1412 = arith.addi %iota3A, %add3A_1411 : vector<16xi32>
    %gather3A_1413 = tpu.vector_load_idx %arg16[%add3A_1412, %mul3A_3] : memref<128x16xi32, #tpu.memory_space<vmem>>[vector<16xi32>, vector<16xi32>], vector<16xi32>,
    %swap3A_1414 = arith.constant 3 : i32
    %swap3A_1415 = arith.index_cast %swap3A_1414 : i32 to index
    %swap3A_1416 = arith.constant 96 : index
    %swap3A_1417 = tpu.vector_load %arg9[%swap3A_1415, %swap3A_1416] {strides = array<i32>} : memref<8x128xi32, #tpu.memory_space<vmem>>, vector<16xi32>,
    tpu.vector_store %arg9[%swap3A_1415, %swap3A_1416], %gather3A_1413 {strides = array<i32>} : memref<8x128xi32, #tpu.memory_space<vmem>>, vector<16xi32>,
    %add3A_1418 = arith.constant 112 : i32
    %add3A_1419 = vector.broadcast %add3A_1418 : i32 to vector<16xi32>
    %add3A_1420 = arith.addi %iota3A, %add3A_1419 : vector<16xi32>
    %gather3A_1421 = tpu.vector_load_idx %arg16[%add3A_1420, %mul3A_3] : memref<128x16xi32, #tpu.memory_space<vmem>>[vector<16xi32>, vector<16xi32>], vector<16xi32>,
    %swap3A_1422 = arith.constant 3 : i32
    %swap3A_1423 = arith.index_cast %swap3A_1422 : i32 to index
    %swap3A_1424 = arith.constant 112 : index
    %swap3A_1425 = tpu.vector_load %arg9[%swap3A_1423, %swap3A_1424] {strides = array<i32>} : memref<8x128xi32, #tpu.memory_space<vmem>>, vector<16xi32>,
    tpu.vector_store %arg9[%swap3A_1423, %swap3A_1424], %gather3A_1421 {strides = array<i32>} : memref<8x128xi32, #tpu.memory_space<vmem>>, vector<16xi32>,
    %get3A_1426 = arith.constant 4 : i32
    %get3A_1427 = arith.index_cast %get3A_1426 : i32 to index
    %get3A_1428 = arith.constant 0 : index
    %get3A_1429 = tpu.vector_load %arg8[%get3A_1427, %get3A_1428] {strides = array<i32>} : memref<8x128xi32, #tpu.memory_space<vmem>>, vector<16xi32>,
    %swap3A_1430 = arith.constant 0 : index
    %swap3A_1431 = tpu.vector_load %arg13[%swap3A_1430] {strides = array<i32>} : memref<128xi32, #tpu.memory_space<vmem>>, vector<16xi32>,
    tpu.vector_store %arg13[%swap3A_1430], %get3A_1429 {strides = array<i32>} : memref<128xi32, #tpu.memory_space<vmem>>, vector<16xi32>,
    %get3A_1432 = arith.constant 4 : i32
    %get3A_1433 = arith.index_cast %get3A_1432 : i32 to index
    %get3A_1434 = arith.constant 16 : index
    %get3A_1435 = tpu.vector_load %arg8[%get3A_1433, %get3A_1434] {strides = array<i32>} : memref<8x128xi32, #tpu.memory_space<vmem>>, vector<16xi32>,
    %swap3A_1436 = arith.constant 16 : index
    %swap3A_1437 = tpu.vector_load %arg13[%swap3A_1436] {strides = array<i32>} : memref<128xi32, #tpu.memory_space<vmem>>, vector<16xi32>,
    tpu.vector_store %arg13[%swap3A_1436], %get3A_1435 {strides = array<i32>} : memref<128xi32, #tpu.memory_space<vmem>>, vector<16xi32>,
    %get3A_1438 = arith.constant 4 : i32
    %get3A_1439 = arith.index_cast %get3A_1438 : i32 to index
    %get3A_1440 = arith.constant 32 : index
    %get3A_1441 = tpu.vector_load %arg8[%get3A_1439, %get3A_1440] {strides = array<i32>} : memref<8x128xi32, #tpu.memory_space<vmem>>, vector<16xi32>,
    %swap3A_1442 = arith.constant 32 : index
    %swap3A_1443 = tpu.vector_load %arg13[%swap3A_1442] {strides = array<i32>} : memref<128xi32, #tpu.memory_space<vmem>>, vector<16xi32>,
    tpu.vector_store %arg13[%swap3A_1442], %get3A_1441 {strides = array<i32>} : memref<128xi32, #tpu.memory_space<vmem>>, vector<16xi32>,
    %get3A_1444 = arith.constant 4 : i32
    %get3A_1445 = arith.index_cast %get3A_1444 : i32 to index
    %get3A_1446 = arith.constant 48 : index
    %get3A_1447 = tpu.vector_load %arg8[%get3A_1445, %get3A_1446] {strides = array<i32>} : memref<8x128xi32, #tpu.memory_space<vmem>>, vector<16xi32>,
    %swap3A_1448 = arith.constant 48 : index
    %swap3A_1449 = tpu.vector_load %arg13[%swap3A_1448] {strides = array<i32>} : memref<128xi32, #tpu.memory_space<vmem>>, vector<16xi32>,
    tpu.vector_store %arg13[%swap3A_1448], %get3A_1447 {strides = array<i32>} : memref<128xi32, #tpu.memory_space<vmem>>, vector<16xi32>,
    %get3A_1450 = arith.constant 4 : i32
    %get3A_1451 = arith.index_cast %get3A_1450 : i32 to index
    %get3A_1452 = arith.constant 64 : index
    %get3A_1453 = tpu.vector_load %arg8[%get3A_1451, %get3A_1452] {strides = array<i32>} : memref<8x128xi32, #tpu.memory_space<vmem>>, vector<16xi32>,
    %swap3A_1454 = arith.constant 64 : index
    %swap3A_1455 = tpu.vector_load %arg13[%swap3A_1454] {strides = array<i32>} : memref<128xi32, #tpu.memory_space<vmem>>, vector<16xi32>,
    tpu.vector_store %arg13[%swap3A_1454], %get3A_1453 {strides = array<i32>} : memref<128xi32, #tpu.memory_space<vmem>>, vector<16xi32>,
    %get3A_1456 = arith.constant 4 : i32
    %get3A_1457 = arith.index_cast %get3A_1456 : i32 to index
    %get3A_1458 = arith.constant 80 : index
    %get3A_1459 = tpu.vector_load %arg8[%get3A_1457, %get3A_1458] {strides = array<i32>} : memref<8x128xi32, #tpu.memory_space<vmem>>, vector<16xi32>,
    %swap3A_1460 = arith.constant 80 : index
    %swap3A_1461 = tpu.vector_load %arg13[%swap3A_1460] {strides = array<i32>} : memref<128xi32, #tpu.memory_space<vmem>>, vector<16xi32>,
    tpu.vector_store %arg13[%swap3A_1460], %get3A_1459 {strides = array<i32>} : memref<128xi32, #tpu.memory_space<vmem>>, vector<16xi32>,
    %get3A_1462 = arith.constant 4 : i32
    %get3A_1463 = arith.index_cast %get3A_1462 : i32 to index
    %get3A_1464 = arith.constant 96 : index
    %get3A_1465 = tpu.vector_load %arg8[%get3A_1463, %get3A_1464] {strides = array<i32>} : memref<8x128xi32, #tpu.memory_space<vmem>>, vector<16xi32>,
    %swap3A_1466 = arith.constant 96 : index
    %swap3A_1467 = tpu.vector_load %arg13[%swap3A_1466] {strides = array<i32>} : memref<128xi32, #tpu.memory_space<vmem>>, vector<16xi32>,
    tpu.vector_store %arg13[%swap3A_1466], %get3A_1465 {strides = array<i32>} : memref<128xi32, #tpu.memory_space<vmem>>, vector<16xi32>,
    %get3A_1468 = arith.constant 4 : i32
    %get3A_1469 = arith.index_cast %get3A_1468 : i32 to index
    %get3A_1470 = arith.constant 112 : index
    %get3A_1471 = tpu.vector_load %arg8[%get3A_1469, %get3A_1470] {strides = array<i32>} : memref<8x128xi32, #tpu.memory_space<vmem>>, vector<16xi32>,
    %swap3A_1472 = arith.constant 112 : index
    %swap3A_1473 = tpu.vector_load %arg13[%swap3A_1472] {strides = array<i32>} : memref<128xi32, #tpu.memory_space<vmem>>, vector<16xi32>,
    tpu.vector_store %arg13[%swap3A_1472], %get3A_1471 {strides = array<i32>} : memref<128xi32, #tpu.memory_space<vmem>>, vector<16xi32>,
    "tpu.region"() ({
      %run_scoped3A = tpu.sem_alloc : memref<!tpu.dma_semaphore, #tpu.memory_space<semaphore_mem>>
      %dma_start3A = arith.constant 0 : i32
      %dma_start3A_2675 = arith.constant 0 : i32
      %dma_start3A_2676 = tpu.memref_slice %arg6[%dma_start3A, %dma_start3A_2675] : memref<1048576x16xi32, #tpu.memory_space<hbm>> -> memref<1048576x16xi32, #tpu.memory_space<hbm>>
      tpu.enqueue_indirect_dma source(%dma_start3A_2676 : memref<1048576x16xi32, #tpu.memory_space<hbm>>) target(%arg16 : memref<128x16xi32, #tpu.memory_space<vmem>>) offsets(%arg13 : memref<128xi32, #tpu.memory_space<vmem>>) semaphore(%run_scoped3A : memref<!tpu.dma_semaphore, #tpu.memory_space<semaphore_mem>>)
      %dma_wait3A = arith.constant 0 : i32
      %dma_wait3A_2677 = arith.constant 0 : i32
      %dma_wait3A_2678 = tpu.memref_slice %arg6[%dma_wait3A, %dma_wait3A_2677] : memref<1048576x16xi32, #tpu.memory_space<hbm>> -> memref<1048576x16xi32, #tpu.memory_space<hbm>>
      tpu.wait_indirect_dma semaphore(%run_scoped3A : memref<!tpu.dma_semaphore, #tpu.memory_space<semaphore_mem>>) src(%dma_wait3A_2678 : memref<1048576x16xi32, #tpu.memory_space<hbm>>) dst(%arg16 : memref<128x16xi32, #tpu.memory_space<vmem>>)
      tpu.yield
    }) : () -> ()
    %add3A_1474 = arith.constant 0 : i32
    %add3A_1475 = vector.broadcast %add3A_1474 : i32 to vector<16xi32>
    %add3A_1476 = arith.addi %iota3A, %add3A_1475 : vector<16xi32>
    %gather3A_1477 = tpu.vector_load_idx %arg16[%add3A_1476, %mul3A_3] : memref<128x16xi32, #tpu.memory_space<vmem>>[vector<16xi32>, vector<16xi32>], vector<16xi32>,
    %swap3A_1478 = arith.constant 4 : i32
    %swap3A_1479 = arith.index_cast %swap3A_1478 : i32 to index
    %swap3A_1480 = arith.constant 0 : index
    %swap3A_1481 = tpu.vector_load %arg9[%swap3A_1479, %swap3A_1480] {strides = array<i32>} : memref<8x128xi32, #tpu.memory_space<vmem>>, vector<16xi32>,
    tpu.vector_store %arg9[%swap3A_1479, %swap3A_1480], %gather3A_1477 {strides = array<i32>} : memref<8x128xi32, #tpu.memory_space<vmem>>, vector<16xi32>,
    %add3A_1482 = arith.constant 16 : i32
    %add3A_1483 = vector.broadcast %add3A_1482 : i32 to vector<16xi32>
    %add3A_1484 = arith.addi %iota3A, %add3A_1483 : vector<16xi32>
    %gather3A_1485 = tpu.vector_load_idx %arg16[%add3A_1484, %mul3A_3] : memref<128x16xi32, #tpu.memory_space<vmem>>[vector<16xi32>, vector<16xi32>], vector<16xi32>,
    %swap3A_1486 = arith.constant 4 : i32
    %swap3A_1487 = arith.index_cast %swap3A_1486 : i32 to index
    %swap3A_1488 = arith.constant 16 : index
    %swap3A_1489 = tpu.vector_load %arg9[%swap3A_1487, %swap3A_1488] {strides = array<i32>} : memref<8x128xi32, #tpu.memory_space<vmem>>, vector<16xi32>,
    tpu.vector_store %arg9[%swap3A_1487, %swap3A_1488], %gather3A_1485 {strides = array<i32>} : memref<8x128xi32, #tpu.memory_space<vmem>>, vector<16xi32>,
    %add3A_1490 = arith.constant 32 : i32
    %add3A_1491 = vector.broadcast %add3A_1490 : i32 to vector<16xi32>
    %add3A_1492 = arith.addi %iota3A, %add3A_1491 : vector<16xi32>
    %gather3A_1493 = tpu.vector_load_idx %arg16[%add3A_1492, %mul3A_3] : memref<128x16xi32, #tpu.memory_space<vmem>>[vector<16xi32>, vector<16xi32>], vector<16xi32>,
    %swap3A_1494 = arith.constant 4 : i32
    %swap3A_1495 = arith.index_cast %swap3A_1494 : i32 to index
    %swap3A_1496 = arith.constant 32 : index
    %swap3A_1497 = tpu.vector_load %arg9[%swap3A_1495, %swap3A_1496] {strides = array<i32>} : memref<8x128xi32, #tpu.memory_space<vmem>>, vector<16xi32>,
    tpu.vector_store %arg9[%swap3A_1495, %swap3A_1496], %gather3A_1493 {strides = array<i32>} : memref<8x128xi32, #tpu.memory_space<vmem>>, vector<16xi32>,
    %add3A_1498 = arith.constant 48 : i32
    %add3A_1499 = vector.broadcast %add3A_1498 : i32 to vector<16xi32>
    %add3A_1500 = arith.addi %iota3A, %add3A_1499 : vector<16xi32>
    %gather3A_1501 = tpu.vector_load_idx %arg16[%add3A_1500, %mul3A_3] : memref<128x16xi32, #tpu.memory_space<vmem>>[vector<16xi32>, vector<16xi32>], vector<16xi32>,
    %swap3A_1502 = arith.constant 4 : i32
    %swap3A_1503 = arith.index_cast %swap3A_1502 : i32 to index
    %swap3A_1504 = arith.constant 48 : index
    %swap3A_1505 = tpu.vector_load %arg9[%swap3A_1503, %swap3A_1504] {strides = array<i32>} : memref<8x128xi32, #tpu.memory_space<vmem>>, vector<16xi32>,
    tpu.vector_store %arg9[%swap3A_1503, %swap3A_1504], %gather3A_1501 {strides = array<i32>} : memref<8x128xi32, #tpu.memory_space<vmem>>, vector<16xi32>,
    %add3A_1506 = arith.constant 64 : i32
    %add3A_1507 = vector.broadcast %add3A_1506 : i32 to vector<16xi32>
    %add3A_1508 = arith.addi %iota3A, %add3A_1507 : vector<16xi32>
    %gather3A_1509 = tpu.vector_load_idx %arg16[%add3A_1508, %mul3A_3] : memref<128x16xi32, #tpu.memory_space<vmem>>[vector<16xi32>, vector<16xi32>], vector<16xi32>,
    %swap3A_1510 = arith.constant 4 : i32
    %swap3A_1511 = arith.index_cast %swap3A_1510 : i32 to index
    %swap3A_1512 = arith.constant 64 : index
    %swap3A_1513 = tpu.vector_load %arg9[%swap3A_1511, %swap3A_1512] {strides = array<i32>} : memref<8x128xi32, #tpu.memory_space<vmem>>, vector<16xi32>,
    tpu.vector_store %arg9[%swap3A_1511, %swap3A_1512], %gather3A_1509 {strides = array<i32>} : memref<8x128xi32, #tpu.memory_space<vmem>>, vector<16xi32>,
    %add3A_1514 = arith.constant 80 : i32
    %add3A_1515 = vector.broadcast %add3A_1514 : i32 to vector<16xi32>
    %add3A_1516 = arith.addi %iota3A, %add3A_1515 : vector<16xi32>
    %gather3A_1517 = tpu.vector_load_idx %arg16[%add3A_1516, %mul3A_3] : memref<128x16xi32, #tpu.memory_space<vmem>>[vector<16xi32>, vector<16xi32>], vector<16xi32>,
    %swap3A_1518 = arith.constant 4 : i32
    %swap3A_1519 = arith.index_cast %swap3A_1518 : i32 to index
    %swap3A_1520 = arith.constant 80 : index
    %swap3A_1521 = tpu.vector_load %arg9[%swap3A_1519, %swap3A_1520] {strides = array<i32>} : memref<8x128xi32, #tpu.memory_space<vmem>>, vector<16xi32>,
    tpu.vector_store %arg9[%swap3A_1519, %swap3A_1520], %gather3A_1517 {strides = array<i32>} : memref<8x128xi32, #tpu.memory_space<vmem>>, vector<16xi32>,
    %add3A_1522 = arith.constant 96 : i32
    %add3A_1523 = vector.broadcast %add3A_1522 : i32 to vector<16xi32>
    %add3A_1524 = arith.addi %iota3A, %add3A_1523 : vector<16xi32>
    %gather3A_1525 = tpu.vector_load_idx %arg16[%add3A_1524, %mul3A_3] : memref<128x16xi32, #tpu.memory_space<vmem>>[vector<16xi32>, vector<16xi32>], vector<16xi32>,
    %swap3A_1526 = arith.constant 4 : i32
    %swap3A_1527 = arith.index_cast %swap3A_1526 : i32 to index
    %swap3A_1528 = arith.constant 96 : index
    %swap3A_1529 = tpu.vector_load %arg9[%swap3A_1527, %swap3A_1528] {strides = array<i32>} : memref<8x128xi32, #tpu.memory_space<vmem>>, vector<16xi32>,
    tpu.vector_store %arg9[%swap3A_1527, %swap3A_1528], %gather3A_1525 {strides = array<i32>} : memref<8x128xi32, #tpu.memory_space<vmem>>, vector<16xi32>,
    %add3A_1530 = arith.constant 112 : i32
    %add3A_1531 = vector.broadcast %add3A_1530 : i32 to vector<16xi32>
    %add3A_1532 = arith.addi %iota3A, %add3A_1531 : vector<16xi32>
    %gather3A_1533 = tpu.vector_load_idx %arg16[%add3A_1532, %mul3A_3] : memref<128x16xi32, #tpu.memory_space<vmem>>[vector<16xi32>, vector<16xi32>], vector<16xi32>,
    %swap3A_1534 = arith.constant 4 : i32
    %swap3A_1535 = arith.index_cast %swap3A_1534 : i32 to index
    %swap3A_1536 = arith.constant 112 : index
    %swap3A_1537 = tpu.vector_load %arg9[%swap3A_1535, %swap3A_1536] {strides = array<i32>} : memref<8x128xi32, #tpu.memory_space<vmem>>, vector<16xi32>,
    tpu.vector_store %arg9[%swap3A_1535, %swap3A_1536], %gather3A_1533 {strides = array<i32>} : memref<8x128xi32, #tpu.memory_space<vmem>>, vector<16xi32>,
    %get3A_1538 = arith.constant 5 : i32
    %get3A_1539 = arith.index_cast %get3A_1538 : i32 to index
    %get3A_1540 = arith.constant 0 : index
    %get3A_1541 = tpu.vector_load %arg8[%get3A_1539, %get3A_1540] {strides = array<i32>} : memref<8x128xi32, #tpu.memory_space<vmem>>, vector<16xi32>,
    %swap3A_1542 = arith.constant 0 : index
    %swap3A_1543 = tpu.vector_load %arg13[%swap3A_1542] {strides = array<i32>} : memref<128xi32, #tpu.memory_space<vmem>>, vector<16xi32>,
    tpu.vector_store %arg13[%swap3A_1542], %get3A_1541 {strides = array<i32>} : memref<128xi32, #tpu.memory_space<vmem>>, vector<16xi32>,
    %get3A_1544 = arith.constant 5 : i32
    %get3A_1545 = arith.index_cast %get3A_1544 : i32 to index
    %get3A_1546 = arith.constant 16 : index
    %get3A_1547 = tpu.vector_load %arg8[%get3A_1545, %get3A_1546] {strides = array<i32>} : memref<8x128xi32, #tpu.memory_space<vmem>>, vector<16xi32>,
    %swap3A_1548 = arith.constant 16 : index
    %swap3A_1549 = tpu.vector_load %arg13[%swap3A_1548] {strides = array<i32>} : memref<128xi32, #tpu.memory_space<vmem>>, vector<16xi32>,
    tpu.vector_store %arg13[%swap3A_1548], %get3A_1547 {strides = array<i32>} : memref<128xi32, #tpu.memory_space<vmem>>, vector<16xi32>,
    %get3A_1550 = arith.constant 5 : i32
    %get3A_1551 = arith.index_cast %get3A_1550 : i32 to index
    %get3A_1552 = arith.constant 32 : index
    %get3A_1553 = tpu.vector_load %arg8[%get3A_1551, %get3A_1552] {strides = array<i32>} : memref<8x128xi32, #tpu.memory_space<vmem>>, vector<16xi32>,
    %swap3A_1554 = arith.constant 32 : index
    %swap3A_1555 = tpu.vector_load %arg13[%swap3A_1554] {strides = array<i32>} : memref<128xi32, #tpu.memory_space<vmem>>, vector<16xi32>,
    tpu.vector_store %arg13[%swap3A_1554], %get3A_1553 {strides = array<i32>} : memref<128xi32, #tpu.memory_space<vmem>>, vector<16xi32>,
    %get3A_1556 = arith.constant 5 : i32
    %get3A_1557 = arith.index_cast %get3A_1556 : i32 to index
    %get3A_1558 = arith.constant 48 : index
    %get3A_1559 = tpu.vector_load %arg8[%get3A_1557, %get3A_1558] {strides = array<i32>} : memref<8x128xi32, #tpu.memory_space<vmem>>, vector<16xi32>,
    %swap3A_1560 = arith.constant 48 : index
    %swap3A_1561 = tpu.vector_load %arg13[%swap3A_1560] {strides = array<i32>} : memref<128xi32, #tpu.memory_space<vmem>>, vector<16xi32>,
    tpu.vector_store %arg13[%swap3A_1560], %get3A_1559 {strides = array<i32>} : memref<128xi32, #tpu.memory_space<vmem>>, vector<16xi32>,
    %get3A_1562 = arith.constant 5 : i32
    %get3A_1563 = arith.index_cast %get3A_1562 : i32 to index
    %get3A_1564 = arith.constant 64 : index
    %get3A_1565 = tpu.vector_load %arg8[%get3A_1563, %get3A_1564] {strides = array<i32>} : memref<8x128xi32, #tpu.memory_space<vmem>>, vector<16xi32>,
    %swap3A_1566 = arith.constant 64 : index
    %swap3A_1567 = tpu.vector_load %arg13[%swap3A_1566] {strides = array<i32>} : memref<128xi32, #tpu.memory_space<vmem>>, vector<16xi32>,
    tpu.vector_store %arg13[%swap3A_1566], %get3A_1565 {strides = array<i32>} : memref<128xi32, #tpu.memory_space<vmem>>, vector<16xi32>,
    %get3A_1568 = arith.constant 5 : i32
    %get3A_1569 = arith.index_cast %get3A_1568 : i32 to index
    %get3A_1570 = arith.constant 80 : index
    %get3A_1571 = tpu.vector_load %arg8[%get3A_1569, %get3A_1570] {strides = array<i32>} : memref<8x128xi32, #tpu.memory_space<vmem>>, vector<16xi32>,
    %swap3A_1572 = arith.constant 80 : index
    %swap3A_1573 = tpu.vector_load %arg13[%swap3A_1572] {strides = array<i32>} : memref<128xi32, #tpu.memory_space<vmem>>, vector<16xi32>,
    tpu.vector_store %arg13[%swap3A_1572], %get3A_1571 {strides = array<i32>} : memref<128xi32, #tpu.memory_space<vmem>>, vector<16xi32>,
    %get3A_1574 = arith.constant 5 : i32
    %get3A_1575 = arith.index_cast %get3A_1574 : i32 to index
    %get3A_1576 = arith.constant 96 : index
    %get3A_1577 = tpu.vector_load %arg8[%get3A_1575, %get3A_1576] {strides = array<i32>} : memref<8x128xi32, #tpu.memory_space<vmem>>, vector<16xi32>,
    %swap3A_1578 = arith.constant 96 : index
    %swap3A_1579 = tpu.vector_load %arg13[%swap3A_1578] {strides = array<i32>} : memref<128xi32, #tpu.memory_space<vmem>>, vector<16xi32>,
    tpu.vector_store %arg13[%swap3A_1578], %get3A_1577 {strides = array<i32>} : memref<128xi32, #tpu.memory_space<vmem>>, vector<16xi32>,
    %get3A_1580 = arith.constant 5 : i32
    %get3A_1581 = arith.index_cast %get3A_1580 : i32 to index
    %get3A_1582 = arith.constant 112 : index
    %get3A_1583 = tpu.vector_load %arg8[%get3A_1581, %get3A_1582] {strides = array<i32>} : memref<8x128xi32, #tpu.memory_space<vmem>>, vector<16xi32>,
    %swap3A_1584 = arith.constant 112 : index
    %swap3A_1585 = tpu.vector_load %arg13[%swap3A_1584] {strides = array<i32>} : memref<128xi32, #tpu.memory_space<vmem>>, vector<16xi32>,
    tpu.vector_store %arg13[%swap3A_1584], %get3A_1583 {strides = array<i32>} : memref<128xi32, #tpu.memory_space<vmem>>, vector<16xi32>,
    "tpu.region"() ({
      %run_scoped3A = tpu.sem_alloc : memref<!tpu.dma_semaphore, #tpu.memory_space<semaphore_mem>>
      %dma_start3A = arith.constant 0 : i32
      %dma_start3A_2675 = arith.constant 0 : i32
      %dma_start3A_2676 = tpu.memref_slice %arg6[%dma_start3A, %dma_start3A_2675] : memref<1048576x16xi32, #tpu.memory_space<hbm>> -> memref<1048576x16xi32, #tpu.memory_space<hbm>>
      tpu.enqueue_indirect_dma source(%dma_start3A_2676 : memref<1048576x16xi32, #tpu.memory_space<hbm>>) target(%arg16 : memref<128x16xi32, #tpu.memory_space<vmem>>) offsets(%arg13 : memref<128xi32, #tpu.memory_space<vmem>>) semaphore(%run_scoped3A : memref<!tpu.dma_semaphore, #tpu.memory_space<semaphore_mem>>)
      %dma_wait3A = arith.constant 0 : i32
      %dma_wait3A_2677 = arith.constant 0 : i32
      %dma_wait3A_2678 = tpu.memref_slice %arg6[%dma_wait3A, %dma_wait3A_2677] : memref<1048576x16xi32, #tpu.memory_space<hbm>> -> memref<1048576x16xi32, #tpu.memory_space<hbm>>
      tpu.wait_indirect_dma semaphore(%run_scoped3A : memref<!tpu.dma_semaphore, #tpu.memory_space<semaphore_mem>>) src(%dma_wait3A_2678 : memref<1048576x16xi32, #tpu.memory_space<hbm>>) dst(%arg16 : memref<128x16xi32, #tpu.memory_space<vmem>>)
      tpu.yield
    }) : () -> ()
    %add3A_1586 = arith.constant 0 : i32
    %add3A_1587 = vector.broadcast %add3A_1586 : i32 to vector<16xi32>
    %add3A_1588 = arith.addi %iota3A, %add3A_1587 : vector<16xi32>
    %gather3A_1589 = tpu.vector_load_idx %arg16[%add3A_1588, %mul3A_3] : memref<128x16xi32, #tpu.memory_space<vmem>>[vector<16xi32>, vector<16xi32>], vector<16xi32>,
    %swap3A_1590 = arith.constant 5 : i32
    %swap3A_1591 = arith.index_cast %swap3A_1590 : i32 to index
    %swap3A_1592 = arith.constant 0 : index
    %swap3A_1593 = tpu.vector_load %arg9[%swap3A_1591, %swap3A_1592] {strides = array<i32>} : memref<8x128xi32, #tpu.memory_space<vmem>>, vector<16xi32>,
    tpu.vector_store %arg9[%swap3A_1591, %swap3A_1592], %gather3A_1589 {strides = array<i32>} : memref<8x128xi32, #tpu.memory_space<vmem>>, vector<16xi32>,
    %add3A_1594 = arith.constant 16 : i32
    %add3A_1595 = vector.broadcast %add3A_1594 : i32 to vector<16xi32>
    %add3A_1596 = arith.addi %iota3A, %add3A_1595 : vector<16xi32>
    %gather3A_1597 = tpu.vector_load_idx %arg16[%add3A_1596, %mul3A_3] : memref<128x16xi32, #tpu.memory_space<vmem>>[vector<16xi32>, vector<16xi32>], vector<16xi32>,
    %swap3A_1598 = arith.constant 5 : i32
    %swap3A_1599 = arith.index_cast %swap3A_1598 : i32 to index
    %swap3A_1600 = arith.constant 16 : index
    %swap3A_1601 = tpu.vector_load %arg9[%swap3A_1599, %swap3A_1600] {strides = array<i32>} : memref<8x128xi32, #tpu.memory_space<vmem>>, vector<16xi32>,
    tpu.vector_store %arg9[%swap3A_1599, %swap3A_1600], %gather3A_1597 {strides = array<i32>} : memref<8x128xi32, #tpu.memory_space<vmem>>, vector<16xi32>,
    %add3A_1602 = arith.constant 32 : i32
    %add3A_1603 = vector.broadcast %add3A_1602 : i32 to vector<16xi32>
    %add3A_1604 = arith.addi %iota3A, %add3A_1603 : vector<16xi32>
    %gather3A_1605 = tpu.vector_load_idx %arg16[%add3A_1604, %mul3A_3] : memref<128x16xi32, #tpu.memory_space<vmem>>[vector<16xi32>, vector<16xi32>], vector<16xi32>,
    %swap3A_1606 = arith.constant 5 : i32
    %swap3A_1607 = arith.index_cast %swap3A_1606 : i32 to index
    %swap3A_1608 = arith.constant 32 : index
    %swap3A_1609 = tpu.vector_load %arg9[%swap3A_1607, %swap3A_1608] {strides = array<i32>} : memref<8x128xi32, #tpu.memory_space<vmem>>, vector<16xi32>,
    tpu.vector_store %arg9[%swap3A_1607, %swap3A_1608], %gather3A_1605 {strides = array<i32>} : memref<8x128xi32, #tpu.memory_space<vmem>>, vector<16xi32>,
    %add3A_1610 = arith.constant 48 : i32
    %add3A_1611 = vector.broadcast %add3A_1610 : i32 to vector<16xi32>
    %add3A_1612 = arith.addi %iota3A, %add3A_1611 : vector<16xi32>
    %gather3A_1613 = tpu.vector_load_idx %arg16[%add3A_1612, %mul3A_3] : memref<128x16xi32, #tpu.memory_space<vmem>>[vector<16xi32>, vector<16xi32>], vector<16xi32>,
    %swap3A_1614 = arith.constant 5 : i32
    %swap3A_1615 = arith.index_cast %swap3A_1614 : i32 to index
    %swap3A_1616 = arith.constant 48 : index
    %swap3A_1617 = tpu.vector_load %arg9[%swap3A_1615, %swap3A_1616] {strides = array<i32>} : memref<8x128xi32, #tpu.memory_space<vmem>>, vector<16xi32>,
    tpu.vector_store %arg9[%swap3A_1615, %swap3A_1616], %gather3A_1613 {strides = array<i32>} : memref<8x128xi32, #tpu.memory_space<vmem>>, vector<16xi32>,
    %add3A_1618 = arith.constant 64 : i32
    %add3A_1619 = vector.broadcast %add3A_1618 : i32 to vector<16xi32>
    %add3A_1620 = arith.addi %iota3A, %add3A_1619 : vector<16xi32>
    %gather3A_1621 = tpu.vector_load_idx %arg16[%add3A_1620, %mul3A_3] : memref<128x16xi32, #tpu.memory_space<vmem>>[vector<16xi32>, vector<16xi32>], vector<16xi32>,
    %swap3A_1622 = arith.constant 5 : i32
    %swap3A_1623 = arith.index_cast %swap3A_1622 : i32 to index
    %swap3A_1624 = arith.constant 64 : index
    %swap3A_1625 = tpu.vector_load %arg9[%swap3A_1623, %swap3A_1624] {strides = array<i32>} : memref<8x128xi32, #tpu.memory_space<vmem>>, vector<16xi32>,
    tpu.vector_store %arg9[%swap3A_1623, %swap3A_1624], %gather3A_1621 {strides = array<i32>} : memref<8x128xi32, #tpu.memory_space<vmem>>, vector<16xi32>,
    %add3A_1626 = arith.constant 80 : i32
    %add3A_1627 = vector.broadcast %add3A_1626 : i32 to vector<16xi32>
    %add3A_1628 = arith.addi %iota3A, %add3A_1627 : vector<16xi32>
    %gather3A_1629 = tpu.vector_load_idx %arg16[%add3A_1628, %mul3A_3] : memref<128x16xi32, #tpu.memory_space<vmem>>[vector<16xi32>, vector<16xi32>], vector<16xi32>,
    %swap3A_1630 = arith.constant 5 : i32
    %swap3A_1631 = arith.index_cast %swap3A_1630 : i32 to index
    %swap3A_1632 = arith.constant 80 : index
    %swap3A_1633 = tpu.vector_load %arg9[%swap3A_1631, %swap3A_1632] {strides = array<i32>} : memref<8x128xi32, #tpu.memory_space<vmem>>, vector<16xi32>,
    tpu.vector_store %arg9[%swap3A_1631, %swap3A_1632], %gather3A_1629 {strides = array<i32>} : memref<8x128xi32, #tpu.memory_space<vmem>>, vector<16xi32>,
    %add3A_1634 = arith.constant 96 : i32
    %add3A_1635 = vector.broadcast %add3A_1634 : i32 to vector<16xi32>
    %add3A_1636 = arith.addi %iota3A, %add3A_1635 : vector<16xi32>
    %gather3A_1637 = tpu.vector_load_idx %arg16[%add3A_1636, %mul3A_3] : memref<128x16xi32, #tpu.memory_space<vmem>>[vector<16xi32>, vector<16xi32>], vector<16xi32>,
    %swap3A_1638 = arith.constant 5 : i32
    %swap3A_1639 = arith.index_cast %swap3A_1638 : i32 to index
    %swap3A_1640 = arith.constant 96 : index
    %swap3A_1641 = tpu.vector_load %arg9[%swap3A_1639, %swap3A_1640] {strides = array<i32>} : memref<8x128xi32, #tpu.memory_space<vmem>>, vector<16xi32>,
    tpu.vector_store %arg9[%swap3A_1639, %swap3A_1640], %gather3A_1637 {strides = array<i32>} : memref<8x128xi32, #tpu.memory_space<vmem>>, vector<16xi32>,
    %add3A_1642 = arith.constant 112 : i32
    %add3A_1643 = vector.broadcast %add3A_1642 : i32 to vector<16xi32>
    %add3A_1644 = arith.addi %iota3A, %add3A_1643 : vector<16xi32>
    %gather3A_1645 = tpu.vector_load_idx %arg16[%add3A_1644, %mul3A_3] : memref<128x16xi32, #tpu.memory_space<vmem>>[vector<16xi32>, vector<16xi32>], vector<16xi32>,
    %swap3A_1646 = arith.constant 5 : i32
    %swap3A_1647 = arith.index_cast %swap3A_1646 : i32 to index
    %swap3A_1648 = arith.constant 112 : index
    %swap3A_1649 = tpu.vector_load %arg9[%swap3A_1647, %swap3A_1648] {strides = array<i32>} : memref<8x128xi32, #tpu.memory_space<vmem>>, vector<16xi32>,
    tpu.vector_store %arg9[%swap3A_1647, %swap3A_1648], %gather3A_1645 {strides = array<i32>} : memref<8x128xi32, #tpu.memory_space<vmem>>, vector<16xi32>,
    %get3A_1650 = arith.constant 6 : i32
    %get3A_1651 = arith.index_cast %get3A_1650 : i32 to index
    %get3A_1652 = arith.constant 0 : index
    %get3A_1653 = tpu.vector_load %arg8[%get3A_1651, %get3A_1652] {strides = array<i32>} : memref<8x128xi32, #tpu.memory_space<vmem>>, vector<16xi32>,
    %swap3A_1654 = arith.constant 0 : index
    %swap3A_1655 = tpu.vector_load %arg13[%swap3A_1654] {strides = array<i32>} : memref<128xi32, #tpu.memory_space<vmem>>, vector<16xi32>,
    tpu.vector_store %arg13[%swap3A_1654], %get3A_1653 {strides = array<i32>} : memref<128xi32, #tpu.memory_space<vmem>>, vector<16xi32>,
    %get3A_1656 = arith.constant 6 : i32
    %get3A_1657 = arith.index_cast %get3A_1656 : i32 to index
    %get3A_1658 = arith.constant 16 : index
    %get3A_1659 = tpu.vector_load %arg8[%get3A_1657, %get3A_1658] {strides = array<i32>} : memref<8x128xi32, #tpu.memory_space<vmem>>, vector<16xi32>,
    %swap3A_1660 = arith.constant 16 : index
    %swap3A_1661 = tpu.vector_load %arg13[%swap3A_1660] {strides = array<i32>} : memref<128xi32, #tpu.memory_space<vmem>>, vector<16xi32>,
    tpu.vector_store %arg13[%swap3A_1660], %get3A_1659 {strides = array<i32>} : memref<128xi32, #tpu.memory_space<vmem>>, vector<16xi32>,
    %get3A_1662 = arith.constant 6 : i32
    %get3A_1663 = arith.index_cast %get3A_1662 : i32 to index
    %get3A_1664 = arith.constant 32 : index
    %get3A_1665 = tpu.vector_load %arg8[%get3A_1663, %get3A_1664] {strides = array<i32>} : memref<8x128xi32, #tpu.memory_space<vmem>>, vector<16xi32>,
    %swap3A_1666 = arith.constant 32 : index
    %swap3A_1667 = tpu.vector_load %arg13[%swap3A_1666] {strides = array<i32>} : memref<128xi32, #tpu.memory_space<vmem>>, vector<16xi32>,
    tpu.vector_store %arg13[%swap3A_1666], %get3A_1665 {strides = array<i32>} : memref<128xi32, #tpu.memory_space<vmem>>, vector<16xi32>,
    %get3A_1668 = arith.constant 6 : i32
    %get3A_1669 = arith.index_cast %get3A_1668 : i32 to index
    %get3A_1670 = arith.constant 48 : index
    %get3A_1671 = tpu.vector_load %arg8[%get3A_1669, %get3A_1670] {strides = array<i32>} : memref<8x128xi32, #tpu.memory_space<vmem>>, vector<16xi32>,
    %swap3A_1672 = arith.constant 48 : index
    %swap3A_1673 = tpu.vector_load %arg13[%swap3A_1672] {strides = array<i32>} : memref<128xi32, #tpu.memory_space<vmem>>, vector<16xi32>,
    tpu.vector_store %arg13[%swap3A_1672], %get3A_1671 {strides = array<i32>} : memref<128xi32, #tpu.memory_space<vmem>>, vector<16xi32>,
    %get3A_1674 = arith.constant 6 : i32
    %get3A_1675 = arith.index_cast %get3A_1674 : i32 to index
    %get3A_1676 = arith.constant 64 : index
    %get3A_1677 = tpu.vector_load %arg8[%get3A_1675, %get3A_1676] {strides = array<i32>} : memref<8x128xi32, #tpu.memory_space<vmem>>, vector<16xi32>,
    %swap3A_1678 = arith.constant 64 : index
    %swap3A_1679 = tpu.vector_load %arg13[%swap3A_1678] {strides = array<i32>} : memref<128xi32, #tpu.memory_space<vmem>>, vector<16xi32>,
    tpu.vector_store %arg13[%swap3A_1678], %get3A_1677 {strides = array<i32>} : memref<128xi32, #tpu.memory_space<vmem>>, vector<16xi32>,
    %get3A_1680 = arith.constant 6 : i32
    %get3A_1681 = arith.index_cast %get3A_1680 : i32 to index
    %get3A_1682 = arith.constant 80 : index
    %get3A_1683 = tpu.vector_load %arg8[%get3A_1681, %get3A_1682] {strides = array<i32>} : memref<8x128xi32, #tpu.memory_space<vmem>>, vector<16xi32>,
    %swap3A_1684 = arith.constant 80 : index
    %swap3A_1685 = tpu.vector_load %arg13[%swap3A_1684] {strides = array<i32>} : memref<128xi32, #tpu.memory_space<vmem>>, vector<16xi32>,
    tpu.vector_store %arg13[%swap3A_1684], %get3A_1683 {strides = array<i32>} : memref<128xi32, #tpu.memory_space<vmem>>, vector<16xi32>,
    %get3A_1686 = arith.constant 6 : i32
    %get3A_1687 = arith.index_cast %get3A_1686 : i32 to index
    %get3A_1688 = arith.constant 96 : index
    %get3A_1689 = tpu.vector_load %arg8[%get3A_1687, %get3A_1688] {strides = array<i32>} : memref<8x128xi32, #tpu.memory_space<vmem>>, vector<16xi32>,
    %swap3A_1690 = arith.constant 96 : index
    %swap3A_1691 = tpu.vector_load %arg13[%swap3A_1690] {strides = array<i32>} : memref<128xi32, #tpu.memory_space<vmem>>, vector<16xi32>,
    tpu.vector_store %arg13[%swap3A_1690], %get3A_1689 {strides = array<i32>} : memref<128xi32, #tpu.memory_space<vmem>>, vector<16xi32>,
    %get3A_1692 = arith.constant 6 : i32
    %get3A_1693 = arith.index_cast %get3A_1692 : i32 to index
    %get3A_1694 = arith.constant 112 : index
    %get3A_1695 = tpu.vector_load %arg8[%get3A_1693, %get3A_1694] {strides = array<i32>} : memref<8x128xi32, #tpu.memory_space<vmem>>, vector<16xi32>,
    %swap3A_1696 = arith.constant 112 : index
    %swap3A_1697 = tpu.vector_load %arg13[%swap3A_1696] {strides = array<i32>} : memref<128xi32, #tpu.memory_space<vmem>>, vector<16xi32>,
    tpu.vector_store %arg13[%swap3A_1696], %get3A_1695 {strides = array<i32>} : memref<128xi32, #tpu.memory_space<vmem>>, vector<16xi32>,
    "tpu.region"() ({
      %run_scoped3A = tpu.sem_alloc : memref<!tpu.dma_semaphore, #tpu.memory_space<semaphore_mem>>
      %dma_start3A = arith.constant 0 : i32
      %dma_start3A_2675 = arith.constant 0 : i32
      %dma_start3A_2676 = tpu.memref_slice %arg6[%dma_start3A, %dma_start3A_2675] : memref<1048576x16xi32, #tpu.memory_space<hbm>> -> memref<1048576x16xi32, #tpu.memory_space<hbm>>
      tpu.enqueue_indirect_dma source(%dma_start3A_2676 : memref<1048576x16xi32, #tpu.memory_space<hbm>>) target(%arg16 : memref<128x16xi32, #tpu.memory_space<vmem>>) offsets(%arg13 : memref<128xi32, #tpu.memory_space<vmem>>) semaphore(%run_scoped3A : memref<!tpu.dma_semaphore, #tpu.memory_space<semaphore_mem>>)
      %dma_wait3A = arith.constant 0 : i32
      %dma_wait3A_2677 = arith.constant 0 : i32
      %dma_wait3A_2678 = tpu.memref_slice %arg6[%dma_wait3A, %dma_wait3A_2677] : memref<1048576x16xi32, #tpu.memory_space<hbm>> -> memref<1048576x16xi32, #tpu.memory_space<hbm>>
      tpu.wait_indirect_dma semaphore(%run_scoped3A : memref<!tpu.dma_semaphore, #tpu.memory_space<semaphore_mem>>) src(%dma_wait3A_2678 : memref<1048576x16xi32, #tpu.memory_space<hbm>>) dst(%arg16 : memref<128x16xi32, #tpu.memory_space<vmem>>)
      tpu.yield
    }) : () -> ()
    %add3A_1698 = arith.constant 0 : i32
    %add3A_1699 = vector.broadcast %add3A_1698 : i32 to vector<16xi32>
    %add3A_1700 = arith.addi %iota3A, %add3A_1699 : vector<16xi32>
    %gather3A_1701 = tpu.vector_load_idx %arg16[%add3A_1700, %mul3A_3] : memref<128x16xi32, #tpu.memory_space<vmem>>[vector<16xi32>, vector<16xi32>], vector<16xi32>,
    %swap3A_1702 = arith.constant 6 : i32
    %swap3A_1703 = arith.index_cast %swap3A_1702 : i32 to index
    %swap3A_1704 = arith.constant 0 : index
    %swap3A_1705 = tpu.vector_load %arg9[%swap3A_1703, %swap3A_1704] {strides = array<i32>} : memref<8x128xi32, #tpu.memory_space<vmem>>, vector<16xi32>,
    tpu.vector_store %arg9[%swap3A_1703, %swap3A_1704], %gather3A_1701 {strides = array<i32>} : memref<8x128xi32, #tpu.memory_space<vmem>>, vector<16xi32>,
    %add3A_1706 = arith.constant 16 : i32
    %add3A_1707 = vector.broadcast %add3A_1706 : i32 to vector<16xi32>
    %add3A_1708 = arith.addi %iota3A, %add3A_1707 : vector<16xi32>
    %gather3A_1709 = tpu.vector_load_idx %arg16[%add3A_1708, %mul3A_3] : memref<128x16xi32, #tpu.memory_space<vmem>>[vector<16xi32>, vector<16xi32>], vector<16xi32>,
    %swap3A_1710 = arith.constant 6 : i32
    %swap3A_1711 = arith.index_cast %swap3A_1710 : i32 to index
    %swap3A_1712 = arith.constant 16 : index
    %swap3A_1713 = tpu.vector_load %arg9[%swap3A_1711, %swap3A_1712] {strides = array<i32>} : memref<8x128xi32, #tpu.memory_space<vmem>>, vector<16xi32>,
    tpu.vector_store %arg9[%swap3A_1711, %swap3A_1712], %gather3A_1709 {strides = array<i32>} : memref<8x128xi32, #tpu.memory_space<vmem>>, vector<16xi32>,
    %add3A_1714 = arith.constant 32 : i32
    %add3A_1715 = vector.broadcast %add3A_1714 : i32 to vector<16xi32>
    %add3A_1716 = arith.addi %iota3A, %add3A_1715 : vector<16xi32>
    %gather3A_1717 = tpu.vector_load_idx %arg16[%add3A_1716, %mul3A_3] : memref<128x16xi32, #tpu.memory_space<vmem>>[vector<16xi32>, vector<16xi32>], vector<16xi32>,
    %swap3A_1718 = arith.constant 6 : i32
    %swap3A_1719 = arith.index_cast %swap3A_1718 : i32 to index
    %swap3A_1720 = arith.constant 32 : index
    %swap3A_1721 = tpu.vector_load %arg9[%swap3A_1719, %swap3A_1720] {strides = array<i32>} : memref<8x128xi32, #tpu.memory_space<vmem>>, vector<16xi32>,
    tpu.vector_store %arg9[%swap3A_1719, %swap3A_1720], %gather3A_1717 {strides = array<i32>} : memref<8x128xi32, #tpu.memory_space<vmem>>, vector<16xi32>,
    %add3A_1722 = arith.constant 48 : i32
    %add3A_1723 = vector.broadcast %add3A_1722 : i32 to vector<16xi32>
    %add3A_1724 = arith.addi %iota3A, %add3A_1723 : vector<16xi32>
    %gather3A_1725 = tpu.vector_load_idx %arg16[%add3A_1724, %mul3A_3] : memref<128x16xi32, #tpu.memory_space<vmem>>[vector<16xi32>, vector<16xi32>], vector<16xi32>,
    %swap3A_1726 = arith.constant 6 : i32
    %swap3A_1727 = arith.index_cast %swap3A_1726 : i32 to index
    %swap3A_1728 = arith.constant 48 : index
    %swap3A_1729 = tpu.vector_load %arg9[%swap3A_1727, %swap3A_1728] {strides = array<i32>} : memref<8x128xi32, #tpu.memory_space<vmem>>, vector<16xi32>,
    tpu.vector_store %arg9[%swap3A_1727, %swap3A_1728], %gather3A_1725 {strides = array<i32>} : memref<8x128xi32, #tpu.memory_space<vmem>>, vector<16xi32>,
    %add3A_1730 = arith.constant 64 : i32
    %add3A_1731 = vector.broadcast %add3A_1730 : i32 to vector<16xi32>
    %add3A_1732 = arith.addi %iota3A, %add3A_1731 : vector<16xi32>
    %gather3A_1733 = tpu.vector_load_idx %arg16[%add3A_1732, %mul3A_3] : memref<128x16xi32, #tpu.memory_space<vmem>>[vector<16xi32>, vector<16xi32>], vector<16xi32>,
    %swap3A_1734 = arith.constant 6 : i32
    %swap3A_1735 = arith.index_cast %swap3A_1734 : i32 to index
    %swap3A_1736 = arith.constant 64 : index
    %swap3A_1737 = tpu.vector_load %arg9[%swap3A_1735, %swap3A_1736] {strides = array<i32>} : memref<8x128xi32, #tpu.memory_space<vmem>>, vector<16xi32>,
    tpu.vector_store %arg9[%swap3A_1735, %swap3A_1736], %gather3A_1733 {strides = array<i32>} : memref<8x128xi32, #tpu.memory_space<vmem>>, vector<16xi32>,
    %add3A_1738 = arith.constant 80 : i32
    %add3A_1739 = vector.broadcast %add3A_1738 : i32 to vector<16xi32>
    %add3A_1740 = arith.addi %iota3A, %add3A_1739 : vector<16xi32>
    %gather3A_1741 = tpu.vector_load_idx %arg16[%add3A_1740, %mul3A_3] : memref<128x16xi32, #tpu.memory_space<vmem>>[vector<16xi32>, vector<16xi32>], vector<16xi32>,
    %swap3A_1742 = arith.constant 6 : i32
    %swap3A_1743 = arith.index_cast %swap3A_1742 : i32 to index
    %swap3A_1744 = arith.constant 80 : index
    %swap3A_1745 = tpu.vector_load %arg9[%swap3A_1743, %swap3A_1744] {strides = array<i32>} : memref<8x128xi32, #tpu.memory_space<vmem>>, vector<16xi32>,
    tpu.vector_store %arg9[%swap3A_1743, %swap3A_1744], %gather3A_1741 {strides = array<i32>} : memref<8x128xi32, #tpu.memory_space<vmem>>, vector<16xi32>,
    %add3A_1746 = arith.constant 96 : i32
    %add3A_1747 = vector.broadcast %add3A_1746 : i32 to vector<16xi32>
    %add3A_1748 = arith.addi %iota3A, %add3A_1747 : vector<16xi32>
    %gather3A_1749 = tpu.vector_load_idx %arg16[%add3A_1748, %mul3A_3] : memref<128x16xi32, #tpu.memory_space<vmem>>[vector<16xi32>, vector<16xi32>], vector<16xi32>,
    %swap3A_1750 = arith.constant 6 : i32
    %swap3A_1751 = arith.index_cast %swap3A_1750 : i32 to index
    %swap3A_1752 = arith.constant 96 : index
    %swap3A_1753 = tpu.vector_load %arg9[%swap3A_1751, %swap3A_1752] {strides = array<i32>} : memref<8x128xi32, #tpu.memory_space<vmem>>, vector<16xi32>,
    tpu.vector_store %arg9[%swap3A_1751, %swap3A_1752], %gather3A_1749 {strides = array<i32>} : memref<8x128xi32, #tpu.memory_space<vmem>>, vector<16xi32>,
    %add3A_1754 = arith.constant 112 : i32
    %add3A_1755 = vector.broadcast %add3A_1754 : i32 to vector<16xi32>
    %add3A_1756 = arith.addi %iota3A, %add3A_1755 : vector<16xi32>
    %gather3A_1757 = tpu.vector_load_idx %arg16[%add3A_1756, %mul3A_3] : memref<128x16xi32, #tpu.memory_space<vmem>>[vector<16xi32>, vector<16xi32>], vector<16xi32>,
    %swap3A_1758 = arith.constant 6 : i32
    %swap3A_1759 = arith.index_cast %swap3A_1758 : i32 to index
    %swap3A_1760 = arith.constant 112 : index
    %swap3A_1761 = tpu.vector_load %arg9[%swap3A_1759, %swap3A_1760] {strides = array<i32>} : memref<8x128xi32, #tpu.memory_space<vmem>>, vector<16xi32>,
    tpu.vector_store %arg9[%swap3A_1759, %swap3A_1760], %gather3A_1757 {strides = array<i32>} : memref<8x128xi32, #tpu.memory_space<vmem>>, vector<16xi32>,
    %get3A_1762 = arith.constant 7 : i32
    %get3A_1763 = arith.index_cast %get3A_1762 : i32 to index
    %get3A_1764 = arith.constant 0 : index
    %get3A_1765 = tpu.vector_load %arg8[%get3A_1763, %get3A_1764] {strides = array<i32>} : memref<8x128xi32, #tpu.memory_space<vmem>>, vector<16xi32>,
    %swap3A_1766 = arith.constant 0 : index
    %swap3A_1767 = tpu.vector_load %arg13[%swap3A_1766] {strides = array<i32>} : memref<128xi32, #tpu.memory_space<vmem>>, vector<16xi32>,
    tpu.vector_store %arg13[%swap3A_1766], %get3A_1765 {strides = array<i32>} : memref<128xi32, #tpu.memory_space<vmem>>, vector<16xi32>,
    %get3A_1768 = arith.constant 7 : i32
    %get3A_1769 = arith.index_cast %get3A_1768 : i32 to index
    %get3A_1770 = arith.constant 16 : index
    %get3A_1771 = tpu.vector_load %arg8[%get3A_1769, %get3A_1770] {strides = array<i32>} : memref<8x128xi32, #tpu.memory_space<vmem>>, vector<16xi32>,
    %swap3A_1772 = arith.constant 16 : index
    %swap3A_1773 = tpu.vector_load %arg13[%swap3A_1772] {strides = array<i32>} : memref<128xi32, #tpu.memory_space<vmem>>, vector<16xi32>,
    tpu.vector_store %arg13[%swap3A_1772], %get3A_1771 {strides = array<i32>} : memref<128xi32, #tpu.memory_space<vmem>>, vector<16xi32>,
    %get3A_1774 = arith.constant 7 : i32
    %get3A_1775 = arith.index_cast %get3A_1774 : i32 to index
    %get3A_1776 = arith.constant 32 : index
    %get3A_1777 = tpu.vector_load %arg8[%get3A_1775, %get3A_1776] {strides = array<i32>} : memref<8x128xi32, #tpu.memory_space<vmem>>, vector<16xi32>,
    %swap3A_1778 = arith.constant 32 : index
    %swap3A_1779 = tpu.vector_load %arg13[%swap3A_1778] {strides = array<i32>} : memref<128xi32, #tpu.memory_space<vmem>>, vector<16xi32>,
    tpu.vector_store %arg13[%swap3A_1778], %get3A_1777 {strides = array<i32>} : memref<128xi32, #tpu.memory_space<vmem>>, vector<16xi32>,
    %get3A_1780 = arith.constant 7 : i32
    %get3A_1781 = arith.index_cast %get3A_1780 : i32 to index
    %get3A_1782 = arith.constant 48 : index
    %get3A_1783 = tpu.vector_load %arg8[%get3A_1781, %get3A_1782] {strides = array<i32>} : memref<8x128xi32, #tpu.memory_space<vmem>>, vector<16xi32>,
    %swap3A_1784 = arith.constant 48 : index
    %swap3A_1785 = tpu.vector_load %arg13[%swap3A_1784] {strides = array<i32>} : memref<128xi32, #tpu.memory_space<vmem>>, vector<16xi32>,
    tpu.vector_store %arg13[%swap3A_1784], %get3A_1783 {strides = array<i32>} : memref<128xi32, #tpu.memory_space<vmem>>, vector<16xi32>,
    %get3A_1786 = arith.constant 7 : i32
    %get3A_1787 = arith.index_cast %get3A_1786 : i32 to index
    %get3A_1788 = arith.constant 64 : index
    %get3A_1789 = tpu.vector_load %arg8[%get3A_1787, %get3A_1788] {strides = array<i32>} : memref<8x128xi32, #tpu.memory_space<vmem>>, vector<16xi32>,
    %swap3A_1790 = arith.constant 64 : index
    %swap3A_1791 = tpu.vector_load %arg13[%swap3A_1790] {strides = array<i32>} : memref<128xi32, #tpu.memory_space<vmem>>, vector<16xi32>,
    tpu.vector_store %arg13[%swap3A_1790], %get3A_1789 {strides = array<i32>} : memref<128xi32, #tpu.memory_space<vmem>>, vector<16xi32>,
    %get3A_1792 = arith.constant 7 : i32
    %get3A_1793 = arith.index_cast %get3A_1792 : i32 to index
    %get3A_1794 = arith.constant 80 : index
    %get3A_1795 = tpu.vector_load %arg8[%get3A_1793, %get3A_1794] {strides = array<i32>} : memref<8x128xi32, #tpu.memory_space<vmem>>, vector<16xi32>,
    %swap3A_1796 = arith.constant 80 : index
    %swap3A_1797 = tpu.vector_load %arg13[%swap3A_1796] {strides = array<i32>} : memref<128xi32, #tpu.memory_space<vmem>>, vector<16xi32>,
    tpu.vector_store %arg13[%swap3A_1796], %get3A_1795 {strides = array<i32>} : memref<128xi32, #tpu.memory_space<vmem>>, vector<16xi32>,
    %get3A_1798 = arith.constant 7 : i32
    %get3A_1799 = arith.index_cast %get3A_1798 : i32 to index
    %get3A_1800 = arith.constant 96 : index
    %get3A_1801 = tpu.vector_load %arg8[%get3A_1799, %get3A_1800] {strides = array<i32>} : memref<8x128xi32, #tpu.memory_space<vmem>>, vector<16xi32>,
    %swap3A_1802 = arith.constant 96 : index
    %swap3A_1803 = tpu.vector_load %arg13[%swap3A_1802] {strides = array<i32>} : memref<128xi32, #tpu.memory_space<vmem>>, vector<16xi32>,
    tpu.vector_store %arg13[%swap3A_1802], %get3A_1801 {strides = array<i32>} : memref<128xi32, #tpu.memory_space<vmem>>, vector<16xi32>,
    %get3A_1804 = arith.constant 7 : i32
    %get3A_1805 = arith.index_cast %get3A_1804 : i32 to index
    %get3A_1806 = arith.constant 112 : index
    %get3A_1807 = tpu.vector_load %arg8[%get3A_1805, %get3A_1806] {strides = array<i32>} : memref<8x128xi32, #tpu.memory_space<vmem>>, vector<16xi32>,
    %swap3A_1808 = arith.constant 112 : index
    %swap3A_1809 = tpu.vector_load %arg13[%swap3A_1808] {strides = array<i32>} : memref<128xi32, #tpu.memory_space<vmem>>, vector<16xi32>,
    tpu.vector_store %arg13[%swap3A_1808], %get3A_1807 {strides = array<i32>} : memref<128xi32, #tpu.memory_space<vmem>>, vector<16xi32>,
    "tpu.region"() ({
      %run_scoped3A = tpu.sem_alloc : memref<!tpu.dma_semaphore, #tpu.memory_space<semaphore_mem>>
      %dma_start3A = arith.constant 0 : i32
      %dma_start3A_2675 = arith.constant 0 : i32
      %dma_start3A_2676 = tpu.memref_slice %arg6[%dma_start3A, %dma_start3A_2675] : memref<1048576x16xi32, #tpu.memory_space<hbm>> -> memref<1048576x16xi32, #tpu.memory_space<hbm>>
      tpu.enqueue_indirect_dma source(%dma_start3A_2676 : memref<1048576x16xi32, #tpu.memory_space<hbm>>) target(%arg16 : memref<128x16xi32, #tpu.memory_space<vmem>>) offsets(%arg13 : memref<128xi32, #tpu.memory_space<vmem>>) semaphore(%run_scoped3A : memref<!tpu.dma_semaphore, #tpu.memory_space<semaphore_mem>>)
      %dma_wait3A = arith.constant 0 : i32
      %dma_wait3A_2677 = arith.constant 0 : i32
      %dma_wait3A_2678 = tpu.memref_slice %arg6[%dma_wait3A, %dma_wait3A_2677] : memref<1048576x16xi32, #tpu.memory_space<hbm>> -> memref<1048576x16xi32, #tpu.memory_space<hbm>>
      tpu.wait_indirect_dma semaphore(%run_scoped3A : memref<!tpu.dma_semaphore, #tpu.memory_space<semaphore_mem>>) src(%dma_wait3A_2678 : memref<1048576x16xi32, #tpu.memory_space<hbm>>) dst(%arg16 : memref<128x16xi32, #tpu.memory_space<vmem>>)
      tpu.yield
    }) : () -> ()
    %add3A_1810 = arith.constant 0 : i32
    %add3A_1811 = vector.broadcast %add3A_1810 : i32 to vector<16xi32>
    %add3A_1812 = arith.addi %iota3A, %add3A_1811 : vector<16xi32>
    %gather3A_1813 = tpu.vector_load_idx %arg16[%add3A_1812, %mul3A_3] : memref<128x16xi32, #tpu.memory_space<vmem>>[vector<16xi32>, vector<16xi32>], vector<16xi32>,
    %swap3A_1814 = arith.constant 7 : i32
    %swap3A_1815 = arith.index_cast %swap3A_1814 : i32 to index
    %swap3A_1816 = arith.constant 0 : index
    %swap3A_1817 = tpu.vector_load %arg9[%swap3A_1815, %swap3A_1816] {strides = array<i32>} : memref<8x128xi32, #tpu.memory_space<vmem>>, vector<16xi32>,
    tpu.vector_store %arg9[%swap3A_1815, %swap3A_1816], %gather3A_1813 {strides = array<i32>} : memref<8x128xi32, #tpu.memory_space<vmem>>, vector<16xi32>,
    %add3A_1818 = arith.constant 16 : i32
    %add3A_1819 = vector.broadcast %add3A_1818 : i32 to vector<16xi32>
    %add3A_1820 = arith.addi %iota3A, %add3A_1819 : vector<16xi32>
    %gather3A_1821 = tpu.vector_load_idx %arg16[%add3A_1820, %mul3A_3] : memref<128x16xi32, #tpu.memory_space<vmem>>[vector<16xi32>, vector<16xi32>], vector<16xi32>,
    %swap3A_1822 = arith.constant 7 : i32
    %swap3A_1823 = arith.index_cast %swap3A_1822 : i32 to index
    %swap3A_1824 = arith.constant 16 : index
    %swap3A_1825 = tpu.vector_load %arg9[%swap3A_1823, %swap3A_1824] {strides = array<i32>} : memref<8x128xi32, #tpu.memory_space<vmem>>, vector<16xi32>,
    tpu.vector_store %arg9[%swap3A_1823, %swap3A_1824], %gather3A_1821 {strides = array<i32>} : memref<8x128xi32, #tpu.memory_space<vmem>>, vector<16xi32>,
    %add3A_1826 = arith.constant 32 : i32
    %add3A_1827 = vector.broadcast %add3A_1826 : i32 to vector<16xi32>
    %add3A_1828 = arith.addi %iota3A, %add3A_1827 : vector<16xi32>
    %gather3A_1829 = tpu.vector_load_idx %arg16[%add3A_1828, %mul3A_3] : memref<128x16xi32, #tpu.memory_space<vmem>>[vector<16xi32>, vector<16xi32>], vector<16xi32>,
    %swap3A_1830 = arith.constant 7 : i32
    %swap3A_1831 = arith.index_cast %swap3A_1830 : i32 to index
    %swap3A_1832 = arith.constant 32 : index
    %swap3A_1833 = tpu.vector_load %arg9[%swap3A_1831, %swap3A_1832] {strides = array<i32>} : memref<8x128xi32, #tpu.memory_space<vmem>>, vector<16xi32>,
    tpu.vector_store %arg9[%swap3A_1831, %swap3A_1832], %gather3A_1829 {strides = array<i32>} : memref<8x128xi32, #tpu.memory_space<vmem>>, vector<16xi32>,
    %add3A_1834 = arith.constant 48 : i32
    %add3A_1835 = vector.broadcast %add3A_1834 : i32 to vector<16xi32>
    %add3A_1836 = arith.addi %iota3A, %add3A_1835 : vector<16xi32>
    %gather3A_1837 = tpu.vector_load_idx %arg16[%add3A_1836, %mul3A_3] : memref<128x16xi32, #tpu.memory_space<vmem>>[vector<16xi32>, vector<16xi32>], vector<16xi32>,
    %swap3A_1838 = arith.constant 7 : i32
    %swap3A_1839 = arith.index_cast %swap3A_1838 : i32 to index
    %swap3A_1840 = arith.constant 48 : index
    %swap3A_1841 = tpu.vector_load %arg9[%swap3A_1839, %swap3A_1840] {strides = array<i32>} : memref<8x128xi32, #tpu.memory_space<vmem>>, vector<16xi32>,
    tpu.vector_store %arg9[%swap3A_1839, %swap3A_1840], %gather3A_1837 {strides = array<i32>} : memref<8x128xi32, #tpu.memory_space<vmem>>, vector<16xi32>,
    %add3A_1842 = arith.constant 64 : i32
    %add3A_1843 = vector.broadcast %add3A_1842 : i32 to vector<16xi32>
    %add3A_1844 = arith.addi %iota3A, %add3A_1843 : vector<16xi32>
    %gather3A_1845 = tpu.vector_load_idx %arg16[%add3A_1844, %mul3A_3] : memref<128x16xi32, #tpu.memory_space<vmem>>[vector<16xi32>, vector<16xi32>], vector<16xi32>,
    %swap3A_1846 = arith.constant 7 : i32
    %swap3A_1847 = arith.index_cast %swap3A_1846 : i32 to index
    %swap3A_1848 = arith.constant 64 : index
    %swap3A_1849 = tpu.vector_load %arg9[%swap3A_1847, %swap3A_1848] {strides = array<i32>} : memref<8x128xi32, #tpu.memory_space<vmem>>, vector<16xi32>,
    tpu.vector_store %arg9[%swap3A_1847, %swap3A_1848], %gather3A_1845 {strides = array<i32>} : memref<8x128xi32, #tpu.memory_space<vmem>>, vector<16xi32>,
    %add3A_1850 = arith.constant 80 : i32
    %add3A_1851 = vector.broadcast %add3A_1850 : i32 to vector<16xi32>
    %add3A_1852 = arith.addi %iota3A, %add3A_1851 : vector<16xi32>
    %gather3A_1853 = tpu.vector_load_idx %arg16[%add3A_1852, %mul3A_3] : memref<128x16xi32, #tpu.memory_space<vmem>>[vector<16xi32>, vector<16xi32>], vector<16xi32>,
    %swap3A_1854 = arith.constant 7 : i32
    %swap3A_1855 = arith.index_cast %swap3A_1854 : i32 to index
    %swap3A_1856 = arith.constant 80 : index
    %swap3A_1857 = tpu.vector_load %arg9[%swap3A_1855, %swap3A_1856] {strides = array<i32>} : memref<8x128xi32, #tpu.memory_space<vmem>>, vector<16xi32>,
    tpu.vector_store %arg9[%swap3A_1855, %swap3A_1856], %gather3A_1853 {strides = array<i32>} : memref<8x128xi32, #tpu.memory_space<vmem>>, vector<16xi32>,
    %add3A_1858 = arith.constant 96 : i32
    %add3A_1859 = vector.broadcast %add3A_1858 : i32 to vector<16xi32>
    %add3A_1860 = arith.addi %iota3A, %add3A_1859 : vector<16xi32>
    %gather3A_1861 = tpu.vector_load_idx %arg16[%add3A_1860, %mul3A_3] : memref<128x16xi32, #tpu.memory_space<vmem>>[vector<16xi32>, vector<16xi32>], vector<16xi32>,
    %swap3A_1862 = arith.constant 7 : i32
    %swap3A_1863 = arith.index_cast %swap3A_1862 : i32 to index
    %swap3A_1864 = arith.constant 96 : index
    %swap3A_1865 = tpu.vector_load %arg9[%swap3A_1863, %swap3A_1864] {strides = array<i32>} : memref<8x128xi32, #tpu.memory_space<vmem>>, vector<16xi32>,
    tpu.vector_store %arg9[%swap3A_1863, %swap3A_1864], %gather3A_1861 {strides = array<i32>} : memref<8x128xi32, #tpu.memory_space<vmem>>, vector<16xi32>,
    %add3A_1866 = arith.constant 112 : i32
    %add3A_1867 = vector.broadcast %add3A_1866 : i32 to vector<16xi32>
    %add3A_1868 = arith.addi %iota3A, %add3A_1867 : vector<16xi32>
    %gather3A_1869 = tpu.vector_load_idx %arg16[%add3A_1868, %mul3A_3] : memref<128x16xi32, #tpu.memory_space<vmem>>[vector<16xi32>, vector<16xi32>], vector<16xi32>,
    %swap3A_1870 = arith.constant 7 : i32
    %swap3A_1871 = arith.index_cast %swap3A_1870 : i32 to index
    %swap3A_1872 = arith.constant 112 : index
    %swap3A_1873 = tpu.vector_load %arg9[%swap3A_1871, %swap3A_1872] {strides = array<i32>} : memref<8x128xi32, #tpu.memory_space<vmem>>, vector<16xi32>,
    tpu.vector_store %arg9[%swap3A_1871, %swap3A_1872], %gather3A_1869 {strides = array<i32>} : memref<8x128xi32, #tpu.memory_space<vmem>>, vector<16xi32>,
    %get3A_1874 = arith.constant 0 : i32
    %get3A_1875 = arith.index_cast %get3A_1874 : i32 to index
    %get3A_1876 = arith.constant 0 : index
    %get3A_1877 = tpu.vector_load %arg9[%get3A_1875, %get3A_1876] {strides = array<i32>} : memref<8x128xi32, #tpu.memory_space<vmem>>, vector<16xi32>,
    %swap3A_1878 = arith.constant 0 : index
    %swap3A_1879 = tpu.vector_load %arg14[%swap3A_1878] {strides = array<i32>} : memref<128xi32, #tpu.memory_space<vmem>>, vector<16xi32>,
    tpu.vector_store %arg14[%swap3A_1878], %get3A_1877 {strides = array<i32>} : memref<128xi32, #tpu.memory_space<vmem>>, vector<16xi32>,
    %get3A_1880 = arith.constant 0 : i32
    %get3A_1881 = arith.index_cast %get3A_1880 : i32 to index
    %get3A_1882 = arith.constant 16 : index
    %get3A_1883 = tpu.vector_load %arg9[%get3A_1881, %get3A_1882] {strides = array<i32>} : memref<8x128xi32, #tpu.memory_space<vmem>>, vector<16xi32>,
    %swap3A_1884 = arith.constant 16 : index
    %swap3A_1885 = tpu.vector_load %arg14[%swap3A_1884] {strides = array<i32>} : memref<128xi32, #tpu.memory_space<vmem>>, vector<16xi32>,
    tpu.vector_store %arg14[%swap3A_1884], %get3A_1883 {strides = array<i32>} : memref<128xi32, #tpu.memory_space<vmem>>, vector<16xi32>,
    %get3A_1886 = arith.constant 0 : i32
    %get3A_1887 = arith.index_cast %get3A_1886 : i32 to index
    %get3A_1888 = arith.constant 32 : index
    %get3A_1889 = tpu.vector_load %arg9[%get3A_1887, %get3A_1888] {strides = array<i32>} : memref<8x128xi32, #tpu.memory_space<vmem>>, vector<16xi32>,
    %swap3A_1890 = arith.constant 32 : index
    %swap3A_1891 = tpu.vector_load %arg14[%swap3A_1890] {strides = array<i32>} : memref<128xi32, #tpu.memory_space<vmem>>, vector<16xi32>,
    tpu.vector_store %arg14[%swap3A_1890], %get3A_1889 {strides = array<i32>} : memref<128xi32, #tpu.memory_space<vmem>>, vector<16xi32>,
    %get3A_1892 = arith.constant 0 : i32
    %get3A_1893 = arith.index_cast %get3A_1892 : i32 to index
    %get3A_1894 = arith.constant 48 : index
    %get3A_1895 = tpu.vector_load %arg9[%get3A_1893, %get3A_1894] {strides = array<i32>} : memref<8x128xi32, #tpu.memory_space<vmem>>, vector<16xi32>,
    %swap3A_1896 = arith.constant 48 : index
    %swap3A_1897 = tpu.vector_load %arg14[%swap3A_1896] {strides = array<i32>} : memref<128xi32, #tpu.memory_space<vmem>>, vector<16xi32>,
    tpu.vector_store %arg14[%swap3A_1896], %get3A_1895 {strides = array<i32>} : memref<128xi32, #tpu.memory_space<vmem>>, vector<16xi32>,
    %get3A_1898 = arith.constant 0 : i32
    %get3A_1899 = arith.index_cast %get3A_1898 : i32 to index
    %get3A_1900 = arith.constant 64 : index
    %get3A_1901 = tpu.vector_load %arg9[%get3A_1899, %get3A_1900] {strides = array<i32>} : memref<8x128xi32, #tpu.memory_space<vmem>>, vector<16xi32>,
    %swap3A_1902 = arith.constant 64 : index
    %swap3A_1903 = tpu.vector_load %arg14[%swap3A_1902] {strides = array<i32>} : memref<128xi32, #tpu.memory_space<vmem>>, vector<16xi32>,
    tpu.vector_store %arg14[%swap3A_1902], %get3A_1901 {strides = array<i32>} : memref<128xi32, #tpu.memory_space<vmem>>, vector<16xi32>,
    %get3A_1904 = arith.constant 0 : i32
    %get3A_1905 = arith.index_cast %get3A_1904 : i32 to index
    %get3A_1906 = arith.constant 80 : index
    %get3A_1907 = tpu.vector_load %arg9[%get3A_1905, %get3A_1906] {strides = array<i32>} : memref<8x128xi32, #tpu.memory_space<vmem>>, vector<16xi32>,
    %swap3A_1908 = arith.constant 80 : index
    %swap3A_1909 = tpu.vector_load %arg14[%swap3A_1908] {strides = array<i32>} : memref<128xi32, #tpu.memory_space<vmem>>, vector<16xi32>,
    tpu.vector_store %arg14[%swap3A_1908], %get3A_1907 {strides = array<i32>} : memref<128xi32, #tpu.memory_space<vmem>>, vector<16xi32>,
    %get3A_1910 = arith.constant 0 : i32
    %get3A_1911 = arith.index_cast %get3A_1910 : i32 to index
    %get3A_1912 = arith.constant 96 : index
    %get3A_1913 = tpu.vector_load %arg9[%get3A_1911, %get3A_1912] {strides = array<i32>} : memref<8x128xi32, #tpu.memory_space<vmem>>, vector<16xi32>,
    %swap3A_1914 = arith.constant 96 : index
    %swap3A_1915 = tpu.vector_load %arg14[%swap3A_1914] {strides = array<i32>} : memref<128xi32, #tpu.memory_space<vmem>>, vector<16xi32>,
    tpu.vector_store %arg14[%swap3A_1914], %get3A_1913 {strides = array<i32>} : memref<128xi32, #tpu.memory_space<vmem>>, vector<16xi32>,
    %get3A_1916 = arith.constant 0 : i32
    %get3A_1917 = arith.index_cast %get3A_1916 : i32 to index
    %get3A_1918 = arith.constant 112 : index
    %get3A_1919 = tpu.vector_load %arg9[%get3A_1917, %get3A_1918] {strides = array<i32>} : memref<8x128xi32, #tpu.memory_space<vmem>>, vector<16xi32>,
    %swap3A_1920 = arith.constant 112 : index
    %swap3A_1921 = tpu.vector_load %arg14[%swap3A_1920] {strides = array<i32>} : memref<128xi32, #tpu.memory_space<vmem>>, vector<16xi32>,
    tpu.vector_store %arg14[%swap3A_1920], %get3A_1919 {strides = array<i32>} : memref<128xi32, #tpu.memory_space<vmem>>, vector<16xi32>,
    %add3A_1922 = arith.constant 0 : i32
    %add3A_1923 = arith.addi %mul3A_0, %add3A_1922 : i32
    "tpu.region"() ({
      %run_scoped3A = tpu.sem_alloc : memref<!tpu.dma_semaphore, #tpu.memory_space<semaphore_mem>>
      %dma_start3A = arith.constant 0 : i32
      %dma_start3A_2675 = tpu.memref_slice %arg4[%add3A_1923, %dma_start3A] : memref<16384x64xf32, #tpu.memory_space<hbm>> -> memref<128x64xf32, #tpu.memory_space<hbm>>
      %dma_start3A_2676 = arith.constant 0 : i32
      %dma_start3A_2677 = tpu.memref_slice %arg4[%add3A_1923, %dma_start3A_2676] : memref<16384x64xf32, #tpu.memory_space<hbm>> -> memref<128x64xf32, #tpu.memory_space<hbm>>
      tpu.enqueue_dma source(%dma_start3A_2677 : memref<128x64xf32, #tpu.memory_space<hbm>>) target(%arg10 : memref<128x64xf32, #tpu.memory_space<vmem>>) target_semaphore(%run_scoped3A : memref<!tpu.dma_semaphore, #tpu.memory_space<semaphore_mem>>)
      %dma_wait3A = arith.constant 0 : i32
      %dma_wait3A_2678 = tpu.memref_slice %arg4[%add3A_1923, %dma_wait3A] : memref<16384x64xf32, #tpu.memory_space<hbm>> -> memref<128x64xf32, #tpu.memory_space<hbm>>
      %dma_wait3A_2679 = arith.constant 0 : i32
      %dma_wait3A_2680 = tpu.memref_slice %arg4[%add3A_1923, %dma_wait3A_2679] : memref<16384x64xf32, #tpu.memory_space<hbm>> -> memref<128x64xf32, #tpu.memory_space<hbm>>
      tpu.wait_dma2 semaphore(%run_scoped3A : memref<!tpu.dma_semaphore, #tpu.memory_space<semaphore_mem>>) src(%dma_wait3A_2680 : memref<128x64xf32, #tpu.memory_space<hbm>>) dst(%arg10 : memref<128x64xf32, #tpu.memory_space<vmem>>)
      tpu.yield
    }) : () -> ()
    "tpu.region"() ({
      %run_scoped3A = tpu.sem_alloc : memref<!tpu.dma_semaphore, #tpu.memory_space<semaphore_mem>>
      %dma_start3A = arith.constant 0 : i32
      %dma_start3A_2675 = arith.constant 0 : i32
      %dma_start3A_2676 = tpu.memref_slice %arg7[%dma_start3A, %dma_start3A_2675] : memref<16384x64xf32, #tpu.memory_space<vmem_shared>> -> memref<16384x64xf32, #tpu.memory_space<vmem_shared>>
      tpu.enqueue_indirect_dma source(%arg10 : memref<128x64xf32, #tpu.memory_space<vmem>>) target(%dma_start3A_2676 : memref<16384x64xf32, #tpu.memory_space<vmem_shared>>) offsets(%arg14 : memref<128xi32, #tpu.memory_space<vmem>>) semaphore(%run_scoped3A : memref<!tpu.dma_semaphore, #tpu.memory_space<semaphore_mem>>) {add = true}
      %dma_wait3A = arith.constant 0 : i32
      %dma_wait3A_2677 = arith.constant 0 : i32
      %dma_wait3A_2678 = tpu.memref_slice %arg7[%dma_wait3A, %dma_wait3A_2677] : memref<16384x64xf32, #tpu.memory_space<vmem_shared>> -> memref<16384x64xf32, #tpu.memory_space<vmem_shared>>
      tpu.wait_indirect_dma semaphore(%run_scoped3A : memref<!tpu.dma_semaphore, #tpu.memory_space<semaphore_mem>>) src(%arg10 : memref<128x64xf32, #tpu.memory_space<vmem>>) dst(%dma_wait3A_2678 : memref<16384x64xf32, #tpu.memory_space<vmem_shared>>)
      tpu.yield
    }) : () -> ()
    %get3A_1924 = arith.constant 1 : i32
    %get3A_1925 = arith.index_cast %get3A_1924 : i32 to index
    %get3A_1926 = arith.constant 0 : index
    %get3A_1927 = tpu.vector_load %arg9[%get3A_1925, %get3A_1926] {strides = array<i32>} : memref<8x128xi32, #tpu.memory_space<vmem>>, vector<16xi32>,
    %swap3A_1928 = arith.constant 0 : index
    %swap3A_1929 = tpu.vector_load %arg14[%swap3A_1928] {strides = array<i32>} : memref<128xi32, #tpu.memory_space<vmem>>, vector<16xi32>,
    tpu.vector_store %arg14[%swap3A_1928], %get3A_1927 {strides = array<i32>} : memref<128xi32, #tpu.memory_space<vmem>>, vector<16xi32>,
    %get3A_1930 = arith.constant 1 : i32
    %get3A_1931 = arith.index_cast %get3A_1930 : i32 to index
    %get3A_1932 = arith.constant 16 : index
    %get3A_1933 = tpu.vector_load %arg9[%get3A_1931, %get3A_1932] {strides = array<i32>} : memref<8x128xi32, #tpu.memory_space<vmem>>, vector<16xi32>,
    %swap3A_1934 = arith.constant 16 : index
    %swap3A_1935 = tpu.vector_load %arg14[%swap3A_1934] {strides = array<i32>} : memref<128xi32, #tpu.memory_space<vmem>>, vector<16xi32>,
    tpu.vector_store %arg14[%swap3A_1934], %get3A_1933 {strides = array<i32>} : memref<128xi32, #tpu.memory_space<vmem>>, vector<16xi32>,
    %get3A_1936 = arith.constant 1 : i32
    %get3A_1937 = arith.index_cast %get3A_1936 : i32 to index
    %get3A_1938 = arith.constant 32 : index
    %get3A_1939 = tpu.vector_load %arg9[%get3A_1937, %get3A_1938] {strides = array<i32>} : memref<8x128xi32, #tpu.memory_space<vmem>>, vector<16xi32>,
    %swap3A_1940 = arith.constant 32 : index
    %swap3A_1941 = tpu.vector_load %arg14[%swap3A_1940] {strides = array<i32>} : memref<128xi32, #tpu.memory_space<vmem>>, vector<16xi32>,
    tpu.vector_store %arg14[%swap3A_1940], %get3A_1939 {strides = array<i32>} : memref<128xi32, #tpu.memory_space<vmem>>, vector<16xi32>,
    %get3A_1942 = arith.constant 1 : i32
    %get3A_1943 = arith.index_cast %get3A_1942 : i32 to index
    %get3A_1944 = arith.constant 48 : index
    %get3A_1945 = tpu.vector_load %arg9[%get3A_1943, %get3A_1944] {strides = array<i32>} : memref<8x128xi32, #tpu.memory_space<vmem>>, vector<16xi32>,
    %swap3A_1946 = arith.constant 48 : index
    %swap3A_1947 = tpu.vector_load %arg14[%swap3A_1946] {strides = array<i32>} : memref<128xi32, #tpu.memory_space<vmem>>, vector<16xi32>,
    tpu.vector_store %arg14[%swap3A_1946], %get3A_1945 {strides = array<i32>} : memref<128xi32, #tpu.memory_space<vmem>>, vector<16xi32>,
    %get3A_1948 = arith.constant 1 : i32
    %get3A_1949 = arith.index_cast %get3A_1948 : i32 to index
    %get3A_1950 = arith.constant 64 : index
    %get3A_1951 = tpu.vector_load %arg9[%get3A_1949, %get3A_1950] {strides = array<i32>} : memref<8x128xi32, #tpu.memory_space<vmem>>, vector<16xi32>,
    %swap3A_1952 = arith.constant 64 : index
    %swap3A_1953 = tpu.vector_load %arg14[%swap3A_1952] {strides = array<i32>} : memref<128xi32, #tpu.memory_space<vmem>>, vector<16xi32>,
    tpu.vector_store %arg14[%swap3A_1952], %get3A_1951 {strides = array<i32>} : memref<128xi32, #tpu.memory_space<vmem>>, vector<16xi32>,
    %get3A_1954 = arith.constant 1 : i32
    %get3A_1955 = arith.index_cast %get3A_1954 : i32 to index
    %get3A_1956 = arith.constant 80 : index
    %get3A_1957 = tpu.vector_load %arg9[%get3A_1955, %get3A_1956] {strides = array<i32>} : memref<8x128xi32, #tpu.memory_space<vmem>>, vector<16xi32>,
    %swap3A_1958 = arith.constant 80 : index
    %swap3A_1959 = tpu.vector_load %arg14[%swap3A_1958] {strides = array<i32>} : memref<128xi32, #tpu.memory_space<vmem>>, vector<16xi32>,
    tpu.vector_store %arg14[%swap3A_1958], %get3A_1957 {strides = array<i32>} : memref<128xi32, #tpu.memory_space<vmem>>, vector<16xi32>,
    %get3A_1960 = arith.constant 1 : i32
    %get3A_1961 = arith.index_cast %get3A_1960 : i32 to index
    %get3A_1962 = arith.constant 96 : index
    %get3A_1963 = tpu.vector_load %arg9[%get3A_1961, %get3A_1962] {strides = array<i32>} : memref<8x128xi32, #tpu.memory_space<vmem>>, vector<16xi32>,
    %swap3A_1964 = arith.constant 96 : index
    %swap3A_1965 = tpu.vector_load %arg14[%swap3A_1964] {strides = array<i32>} : memref<128xi32, #tpu.memory_space<vmem>>, vector<16xi32>,
    tpu.vector_store %arg14[%swap3A_1964], %get3A_1963 {strides = array<i32>} : memref<128xi32, #tpu.memory_space<vmem>>, vector<16xi32>,
    %get3A_1966 = arith.constant 1 : i32
    %get3A_1967 = arith.index_cast %get3A_1966 : i32 to index
    %get3A_1968 = arith.constant 112 : index
    %get3A_1969 = tpu.vector_load %arg9[%get3A_1967, %get3A_1968] {strides = array<i32>} : memref<8x128xi32, #tpu.memory_space<vmem>>, vector<16xi32>,
    %swap3A_1970 = arith.constant 112 : index
    %swap3A_1971 = tpu.vector_load %arg14[%swap3A_1970] {strides = array<i32>} : memref<128xi32, #tpu.memory_space<vmem>>, vector<16xi32>,
    tpu.vector_store %arg14[%swap3A_1970], %get3A_1969 {strides = array<i32>} : memref<128xi32, #tpu.memory_space<vmem>>, vector<16xi32>,
    %add3A_1972 = arith.constant 128 : i32
    %add3A_1973 = arith.addi %mul3A_0, %add3A_1972 : i32
    "tpu.region"() ({
      %run_scoped3A = tpu.sem_alloc : memref<!tpu.dma_semaphore, #tpu.memory_space<semaphore_mem>>
      %dma_start3A = arith.constant 0 : i32
      %dma_start3A_2675 = tpu.memref_slice %arg4[%add3A_1973, %dma_start3A] : memref<16384x64xf32, #tpu.memory_space<hbm>> -> memref<128x64xf32, #tpu.memory_space<hbm>>
      %dma_start3A_2676 = arith.constant 0 : i32
      %dma_start3A_2677 = tpu.memref_slice %arg4[%add3A_1973, %dma_start3A_2676] : memref<16384x64xf32, #tpu.memory_space<hbm>> -> memref<128x64xf32, #tpu.memory_space<hbm>>
      tpu.enqueue_dma source(%dma_start3A_2677 : memref<128x64xf32, #tpu.memory_space<hbm>>) target(%arg10 : memref<128x64xf32, #tpu.memory_space<vmem>>) target_semaphore(%run_scoped3A : memref<!tpu.dma_semaphore, #tpu.memory_space<semaphore_mem>>)
      %dma_wait3A = arith.constant 0 : i32
      %dma_wait3A_2678 = tpu.memref_slice %arg4[%add3A_1973, %dma_wait3A] : memref<16384x64xf32, #tpu.memory_space<hbm>> -> memref<128x64xf32, #tpu.memory_space<hbm>>
      %dma_wait3A_2679 = arith.constant 0 : i32
      %dma_wait3A_2680 = tpu.memref_slice %arg4[%add3A_1973, %dma_wait3A_2679] : memref<16384x64xf32, #tpu.memory_space<hbm>> -> memref<128x64xf32, #tpu.memory_space<hbm>>
      tpu.wait_dma2 semaphore(%run_scoped3A : memref<!tpu.dma_semaphore, #tpu.memory_space<semaphore_mem>>) src(%dma_wait3A_2680 : memref<128x64xf32, #tpu.memory_space<hbm>>) dst(%arg10 : memref<128x64xf32, #tpu.memory_space<vmem>>)
      tpu.yield
    }) : () -> ()
    "tpu.region"() ({
      %run_scoped3A = tpu.sem_alloc : memref<!tpu.dma_semaphore, #tpu.memory_space<semaphore_mem>>
      %dma_start3A = arith.constant 0 : i32
      %dma_start3A_2675 = arith.constant 0 : i32
      %dma_start3A_2676 = tpu.memref_slice %arg7[%dma_start3A, %dma_start3A_2675] : memref<16384x64xf32, #tpu.memory_space<vmem_shared>> -> memref<16384x64xf32, #tpu.memory_space<vmem_shared>>
      tpu.enqueue_indirect_dma source(%arg10 : memref<128x64xf32, #tpu.memory_space<vmem>>) target(%dma_start3A_2676 : memref<16384x64xf32, #tpu.memory_space<vmem_shared>>) offsets(%arg14 : memref<128xi32, #tpu.memory_space<vmem>>) semaphore(%run_scoped3A : memref<!tpu.dma_semaphore, #tpu.memory_space<semaphore_mem>>) {add = true}
      %dma_wait3A = arith.constant 0 : i32
      %dma_wait3A_2677 = arith.constant 0 : i32
      %dma_wait3A_2678 = tpu.memref_slice %arg7[%dma_wait3A, %dma_wait3A_2677] : memref<16384x64xf32, #tpu.memory_space<vmem_shared>> -> memref<16384x64xf32, #tpu.memory_space<vmem_shared>>
      tpu.wait_indirect_dma semaphore(%run_scoped3A : memref<!tpu.dma_semaphore, #tpu.memory_space<semaphore_mem>>) src(%arg10 : memref<128x64xf32, #tpu.memory_space<vmem>>) dst(%dma_wait3A_2678 : memref<16384x64xf32, #tpu.memory_space<vmem_shared>>)
      tpu.yield
    }) : () -> ()
    %get3A_1974 = arith.constant 2 : i32
    %get3A_1975 = arith.index_cast %get3A_1974 : i32 to index
    %get3A_1976 = arith.constant 0 : index
    %get3A_1977 = tpu.vector_load %arg9[%get3A_1975, %get3A_1976] {strides = array<i32>} : memref<8x128xi32, #tpu.memory_space<vmem>>, vector<16xi32>,
    %swap3A_1978 = arith.constant 0 : index
    %swap3A_1979 = tpu.vector_load %arg14[%swap3A_1978] {strides = array<i32>} : memref<128xi32, #tpu.memory_space<vmem>>, vector<16xi32>,
    tpu.vector_store %arg14[%swap3A_1978], %get3A_1977 {strides = array<i32>} : memref<128xi32, #tpu.memory_space<vmem>>, vector<16xi32>,
    %get3A_1980 = arith.constant 2 : i32
    %get3A_1981 = arith.index_cast %get3A_1980 : i32 to index
    %get3A_1982 = arith.constant 16 : index
    %get3A_1983 = tpu.vector_load %arg9[%get3A_1981, %get3A_1982] {strides = array<i32>} : memref<8x128xi32, #tpu.memory_space<vmem>>, vector<16xi32>,
    %swap3A_1984 = arith.constant 16 : index
    %swap3A_1985 = tpu.vector_load %arg14[%swap3A_1984] {strides = array<i32>} : memref<128xi32, #tpu.memory_space<vmem>>, vector<16xi32>,
    tpu.vector_store %arg14[%swap3A_1984], %get3A_1983 {strides = array<i32>} : memref<128xi32, #tpu.memory_space<vmem>>, vector<16xi32>,
    %get3A_1986 = arith.constant 2 : i32
    %get3A_1987 = arith.index_cast %get3A_1986 : i32 to index
    %get3A_1988 = arith.constant 32 : index
    %get3A_1989 = tpu.vector_load %arg9[%get3A_1987, %get3A_1988] {strides = array<i32>} : memref<8x128xi32, #tpu.memory_space<vmem>>, vector<16xi32>,
    %swap3A_1990 = arith.constant 32 : index
    %swap3A_1991 = tpu.vector_load %arg14[%swap3A_1990] {strides = array<i32>} : memref<128xi32, #tpu.memory_space<vmem>>, vector<16xi32>,
    tpu.vector_store %arg14[%swap3A_1990], %get3A_1989 {strides = array<i32>} : memref<128xi32, #tpu.memory_space<vmem>>, vector<16xi32>,
    %get3A_1992 = arith.constant 2 : i32
    %get3A_1993 = arith.index_cast %get3A_1992 : i32 to index
    %get3A_1994 = arith.constant 48 : index
    %get3A_1995 = tpu.vector_load %arg9[%get3A_1993, %get3A_1994] {strides = array<i32>} : memref<8x128xi32, #tpu.memory_space<vmem>>, vector<16xi32>,
    %swap3A_1996 = arith.constant 48 : index
    %swap3A_1997 = tpu.vector_load %arg14[%swap3A_1996] {strides = array<i32>} : memref<128xi32, #tpu.memory_space<vmem>>, vector<16xi32>,
    tpu.vector_store %arg14[%swap3A_1996], %get3A_1995 {strides = array<i32>} : memref<128xi32, #tpu.memory_space<vmem>>, vector<16xi32>,
    %get3A_1998 = arith.constant 2 : i32
    %get3A_1999 = arith.index_cast %get3A_1998 : i32 to index
    %get3A_2000 = arith.constant 64 : index
    %get3A_2001 = tpu.vector_load %arg9[%get3A_1999, %get3A_2000] {strides = array<i32>} : memref<8x128xi32, #tpu.memory_space<vmem>>, vector<16xi32>,
    %swap3A_2002 = arith.constant 64 : index
    %swap3A_2003 = tpu.vector_load %arg14[%swap3A_2002] {strides = array<i32>} : memref<128xi32, #tpu.memory_space<vmem>>, vector<16xi32>,
    tpu.vector_store %arg14[%swap3A_2002], %get3A_2001 {strides = array<i32>} : memref<128xi32, #tpu.memory_space<vmem>>, vector<16xi32>,
    %get3A_2004 = arith.constant 2 : i32
    %get3A_2005 = arith.index_cast %get3A_2004 : i32 to index
    %get3A_2006 = arith.constant 80 : index
    %get3A_2007 = tpu.vector_load %arg9[%get3A_2005, %get3A_2006] {strides = array<i32>} : memref<8x128xi32, #tpu.memory_space<vmem>>, vector<16xi32>,
    %swap3A_2008 = arith.constant 80 : index
    %swap3A_2009 = tpu.vector_load %arg14[%swap3A_2008] {strides = array<i32>} : memref<128xi32, #tpu.memory_space<vmem>>, vector<16xi32>,
    tpu.vector_store %arg14[%swap3A_2008], %get3A_2007 {strides = array<i32>} : memref<128xi32, #tpu.memory_space<vmem>>, vector<16xi32>,
    %get3A_2010 = arith.constant 2 : i32
    %get3A_2011 = arith.index_cast %get3A_2010 : i32 to index
    %get3A_2012 = arith.constant 96 : index
    %get3A_2013 = tpu.vector_load %arg9[%get3A_2011, %get3A_2012] {strides = array<i32>} : memref<8x128xi32, #tpu.memory_space<vmem>>, vector<16xi32>,
    %swap3A_2014 = arith.constant 96 : index
    %swap3A_2015 = tpu.vector_load %arg14[%swap3A_2014] {strides = array<i32>} : memref<128xi32, #tpu.memory_space<vmem>>, vector<16xi32>,
    tpu.vector_store %arg14[%swap3A_2014], %get3A_2013 {strides = array<i32>} : memref<128xi32, #tpu.memory_space<vmem>>, vector<16xi32>,
    %get3A_2016 = arith.constant 2 : i32
    %get3A_2017 = arith.index_cast %get3A_2016 : i32 to index
    %get3A_2018 = arith.constant 112 : index
    %get3A_2019 = tpu.vector_load %arg9[%get3A_2017, %get3A_2018] {strides = array<i32>} : memref<8x128xi32, #tpu.memory_space<vmem>>, vector<16xi32>,
    %swap3A_2020 = arith.constant 112 : index
    %swap3A_2021 = tpu.vector_load %arg14[%swap3A_2020] {strides = array<i32>} : memref<128xi32, #tpu.memory_space<vmem>>, vector<16xi32>,
    tpu.vector_store %arg14[%swap3A_2020], %get3A_2019 {strides = array<i32>} : memref<128xi32, #tpu.memory_space<vmem>>, vector<16xi32>,
    %add3A_2022 = arith.constant 256 : i32
    %add3A_2023 = arith.addi %mul3A_0, %add3A_2022 : i32
    "tpu.region"() ({
      %run_scoped3A = tpu.sem_alloc : memref<!tpu.dma_semaphore, #tpu.memory_space<semaphore_mem>>
      %dma_start3A = arith.constant 0 : i32
      %dma_start3A_2675 = tpu.memref_slice %arg4[%add3A_2023, %dma_start3A] : memref<16384x64xf32, #tpu.memory_space<hbm>> -> memref<128x64xf32, #tpu.memory_space<hbm>>
      %dma_start3A_2676 = arith.constant 0 : i32
      %dma_start3A_2677 = tpu.memref_slice %arg4[%add3A_2023, %dma_start3A_2676] : memref<16384x64xf32, #tpu.memory_space<hbm>> -> memref<128x64xf32, #tpu.memory_space<hbm>>
      tpu.enqueue_dma source(%dma_start3A_2677 : memref<128x64xf32, #tpu.memory_space<hbm>>) target(%arg10 : memref<128x64xf32, #tpu.memory_space<vmem>>) target_semaphore(%run_scoped3A : memref<!tpu.dma_semaphore, #tpu.memory_space<semaphore_mem>>)
      %dma_wait3A = arith.constant 0 : i32
      %dma_wait3A_2678 = tpu.memref_slice %arg4[%add3A_2023, %dma_wait3A] : memref<16384x64xf32, #tpu.memory_space<hbm>> -> memref<128x64xf32, #tpu.memory_space<hbm>>
      %dma_wait3A_2679 = arith.constant 0 : i32
      %dma_wait3A_2680 = tpu.memref_slice %arg4[%add3A_2023, %dma_wait3A_2679] : memref<16384x64xf32, #tpu.memory_space<hbm>> -> memref<128x64xf32, #tpu.memory_space<hbm>>
      tpu.wait_dma2 semaphore(%run_scoped3A : memref<!tpu.dma_semaphore, #tpu.memory_space<semaphore_mem>>) src(%dma_wait3A_2680 : memref<128x64xf32, #tpu.memory_space<hbm>>) dst(%arg10 : memref<128x64xf32, #tpu.memory_space<vmem>>)
      tpu.yield
    }) : () -> ()
    "tpu.region"() ({
      %run_scoped3A = tpu.sem_alloc : memref<!tpu.dma_semaphore, #tpu.memory_space<semaphore_mem>>
      %dma_start3A = arith.constant 0 : i32
      %dma_start3A_2675 = arith.constant 0 : i32
      %dma_start3A_2676 = tpu.memref_slice %arg7[%dma_start3A, %dma_start3A_2675] : memref<16384x64xf32, #tpu.memory_space<vmem_shared>> -> memref<16384x64xf32, #tpu.memory_space<vmem_shared>>
      tpu.enqueue_indirect_dma source(%arg10 : memref<128x64xf32, #tpu.memory_space<vmem>>) target(%dma_start3A_2676 : memref<16384x64xf32, #tpu.memory_space<vmem_shared>>) offsets(%arg14 : memref<128xi32, #tpu.memory_space<vmem>>) semaphore(%run_scoped3A : memref<!tpu.dma_semaphore, #tpu.memory_space<semaphore_mem>>) {add = true}
      %dma_wait3A = arith.constant 0 : i32
      %dma_wait3A_2677 = arith.constant 0 : i32
      %dma_wait3A_2678 = tpu.memref_slice %arg7[%dma_wait3A, %dma_wait3A_2677] : memref<16384x64xf32, #tpu.memory_space<vmem_shared>> -> memref<16384x64xf32, #tpu.memory_space<vmem_shared>>
      tpu.wait_indirect_dma semaphore(%run_scoped3A : memref<!tpu.dma_semaphore, #tpu.memory_space<semaphore_mem>>) src(%arg10 : memref<128x64xf32, #tpu.memory_space<vmem>>) dst(%dma_wait3A_2678 : memref<16384x64xf32, #tpu.memory_space<vmem_shared>>)
      tpu.yield
    }) : () -> ()
    %get3A_2024 = arith.constant 3 : i32
    %get3A_2025 = arith.index_cast %get3A_2024 : i32 to index
    %get3A_2026 = arith.constant 0 : index
    %get3A_2027 = tpu.vector_load %arg9[%get3A_2025, %get3A_2026] {strides = array<i32>} : memref<8x128xi32, #tpu.memory_space<vmem>>, vector<16xi32>,
    %swap3A_2028 = arith.constant 0 : index
    %swap3A_2029 = tpu.vector_load %arg14[%swap3A_2028] {strides = array<i32>} : memref<128xi32, #tpu.memory_space<vmem>>, vector<16xi32>,
    tpu.vector_store %arg14[%swap3A_2028], %get3A_2027 {strides = array<i32>} : memref<128xi32, #tpu.memory_space<vmem>>, vector<16xi32>,
    %get3A_2030 = arith.constant 3 : i32
    %get3A_2031 = arith.index_cast %get3A_2030 : i32 to index
    %get3A_2032 = arith.constant 16 : index
    %get3A_2033 = tpu.vector_load %arg9[%get3A_2031, %get3A_2032] {strides = array<i32>} : memref<8x128xi32, #tpu.memory_space<vmem>>, vector<16xi32>,
    %swap3A_2034 = arith.constant 16 : index
    %swap3A_2035 = tpu.vector_load %arg14[%swap3A_2034] {strides = array<i32>} : memref<128xi32, #tpu.memory_space<vmem>>, vector<16xi32>,
    tpu.vector_store %arg14[%swap3A_2034], %get3A_2033 {strides = array<i32>} : memref<128xi32, #tpu.memory_space<vmem>>, vector<16xi32>,
    %get3A_2036 = arith.constant 3 : i32
    %get3A_2037 = arith.index_cast %get3A_2036 : i32 to index
    %get3A_2038 = arith.constant 32 : index
    %get3A_2039 = tpu.vector_load %arg9[%get3A_2037, %get3A_2038] {strides = array<i32>} : memref<8x128xi32, #tpu.memory_space<vmem>>, vector<16xi32>,
    %swap3A_2040 = arith.constant 32 : index
    %swap3A_2041 = tpu.vector_load %arg14[%swap3A_2040] {strides = array<i32>} : memref<128xi32, #tpu.memory_space<vmem>>, vector<16xi32>,
    tpu.vector_store %arg14[%swap3A_2040], %get3A_2039 {strides = array<i32>} : memref<128xi32, #tpu.memory_space<vmem>>, vector<16xi32>,
    %get3A_2042 = arith.constant 3 : i32
    %get3A_2043 = arith.index_cast %get3A_2042 : i32 to index
    %get3A_2044 = arith.constant 48 : index
    %get3A_2045 = tpu.vector_load %arg9[%get3A_2043, %get3A_2044] {strides = array<i32>} : memref<8x128xi32, #tpu.memory_space<vmem>>, vector<16xi32>,
    %swap3A_2046 = arith.constant 48 : index
    %swap3A_2047 = tpu.vector_load %arg14[%swap3A_2046] {strides = array<i32>} : memref<128xi32, #tpu.memory_space<vmem>>, vector<16xi32>,
    tpu.vector_store %arg14[%swap3A_2046], %get3A_2045 {strides = array<i32>} : memref<128xi32, #tpu.memory_space<vmem>>, vector<16xi32>,
    %get3A_2048 = arith.constant 3 : i32
    %get3A_2049 = arith.index_cast %get3A_2048 : i32 to index
    %get3A_2050 = arith.constant 64 : index
    %get3A_2051 = tpu.vector_load %arg9[%get3A_2049, %get3A_2050] {strides = array<i32>} : memref<8x128xi32, #tpu.memory_space<vmem>>, vector<16xi32>,
    %swap3A_2052 = arith.constant 64 : index
    %swap3A_2053 = tpu.vector_load %arg14[%swap3A_2052] {strides = array<i32>} : memref<128xi32, #tpu.memory_space<vmem>>, vector<16xi32>,
    tpu.vector_store %arg14[%swap3A_2052], %get3A_2051 {strides = array<i32>} : memref<128xi32, #tpu.memory_space<vmem>>, vector<16xi32>,
    %get3A_2054 = arith.constant 3 : i32
    %get3A_2055 = arith.index_cast %get3A_2054 : i32 to index
    %get3A_2056 = arith.constant 80 : index
    %get3A_2057 = tpu.vector_load %arg9[%get3A_2055, %get3A_2056] {strides = array<i32>} : memref<8x128xi32, #tpu.memory_space<vmem>>, vector<16xi32>,
    %swap3A_2058 = arith.constant 80 : index
    %swap3A_2059 = tpu.vector_load %arg14[%swap3A_2058] {strides = array<i32>} : memref<128xi32, #tpu.memory_space<vmem>>, vector<16xi32>,
    tpu.vector_store %arg14[%swap3A_2058], %get3A_2057 {strides = array<i32>} : memref<128xi32, #tpu.memory_space<vmem>>, vector<16xi32>,
    %get3A_2060 = arith.constant 3 : i32
    %get3A_2061 = arith.index_cast %get3A_2060 : i32 to index
    %get3A_2062 = arith.constant 96 : index
    %get3A_2063 = tpu.vector_load %arg9[%get3A_2061, %get3A_2062] {strides = array<i32>} : memref<8x128xi32, #tpu.memory_space<vmem>>, vector<16xi32>,
    %swap3A_2064 = arith.constant 96 : index
    %swap3A_2065 = tpu.vector_load %arg14[%swap3A_2064] {strides = array<i32>} : memref<128xi32, #tpu.memory_space<vmem>>, vector<16xi32>,
    tpu.vector_store %arg14[%swap3A_2064], %get3A_2063 {strides = array<i32>} : memref<128xi32, #tpu.memory_space<vmem>>, vector<16xi32>,
    %get3A_2066 = arith.constant 3 : i32
    %get3A_2067 = arith.index_cast %get3A_2066 : i32 to index
    %get3A_2068 = arith.constant 112 : index
    %get3A_2069 = tpu.vector_load %arg9[%get3A_2067, %get3A_2068] {strides = array<i32>} : memref<8x128xi32, #tpu.memory_space<vmem>>, vector<16xi32>,
    %swap3A_2070 = arith.constant 112 : index
    %swap3A_2071 = tpu.vector_load %arg14[%swap3A_2070] {strides = array<i32>} : memref<128xi32, #tpu.memory_space<vmem>>, vector<16xi32>,
    tpu.vector_store %arg14[%swap3A_2070], %get3A_2069 {strides = array<i32>} : memref<128xi32, #tpu.memory_space<vmem>>, vector<16xi32>,
    %add3A_2072 = arith.constant 384 : i32
    %add3A_2073 = arith.addi %mul3A_0, %add3A_2072 : i32
    "tpu.region"() ({
      %run_scoped3A = tpu.sem_alloc : memref<!tpu.dma_semaphore, #tpu.memory_space<semaphore_mem>>
      %dma_start3A = arith.constant 0 : i32
      %dma_start3A_2675 = tpu.memref_slice %arg4[%add3A_2073, %dma_start3A] : memref<16384x64xf32, #tpu.memory_space<hbm>> -> memref<128x64xf32, #tpu.memory_space<hbm>>
      %dma_start3A_2676 = arith.constant 0 : i32
      %dma_start3A_2677 = tpu.memref_slice %arg4[%add3A_2073, %dma_start3A_2676] : memref<16384x64xf32, #tpu.memory_space<hbm>> -> memref<128x64xf32, #tpu.memory_space<hbm>>
      tpu.enqueue_dma source(%dma_start3A_2677 : memref<128x64xf32, #tpu.memory_space<hbm>>) target(%arg10 : memref<128x64xf32, #tpu.memory_space<vmem>>) target_semaphore(%run_scoped3A : memref<!tpu.dma_semaphore, #tpu.memory_space<semaphore_mem>>)
      %dma_wait3A = arith.constant 0 : i32
      %dma_wait3A_2678 = tpu.memref_slice %arg4[%add3A_2073, %dma_wait3A] : memref<16384x64xf32, #tpu.memory_space<hbm>> -> memref<128x64xf32, #tpu.memory_space<hbm>>
      %dma_wait3A_2679 = arith.constant 0 : i32
      %dma_wait3A_2680 = tpu.memref_slice %arg4[%add3A_2073, %dma_wait3A_2679] : memref<16384x64xf32, #tpu.memory_space<hbm>> -> memref<128x64xf32, #tpu.memory_space<hbm>>
      tpu.wait_dma2 semaphore(%run_scoped3A : memref<!tpu.dma_semaphore, #tpu.memory_space<semaphore_mem>>) src(%dma_wait3A_2680 : memref<128x64xf32, #tpu.memory_space<hbm>>) dst(%arg10 : memref<128x64xf32, #tpu.memory_space<vmem>>)
      tpu.yield
    }) : () -> ()
    "tpu.region"() ({
      %run_scoped3A = tpu.sem_alloc : memref<!tpu.dma_semaphore, #tpu.memory_space<semaphore_mem>>
      %dma_start3A = arith.constant 0 : i32
      %dma_start3A_2675 = arith.constant 0 : i32
      %dma_start3A_2676 = tpu.memref_slice %arg7[%dma_start3A, %dma_start3A_2675] : memref<16384x64xf32, #tpu.memory_space<vmem_shared>> -> memref<16384x64xf32, #tpu.memory_space<vmem_shared>>
      tpu.enqueue_indirect_dma source(%arg10 : memref<128x64xf32, #tpu.memory_space<vmem>>) target(%dma_start3A_2676 : memref<16384x64xf32, #tpu.memory_space<vmem_shared>>) offsets(%arg14 : memref<128xi32, #tpu.memory_space<vmem>>) semaphore(%run_scoped3A : memref<!tpu.dma_semaphore, #tpu.memory_space<semaphore_mem>>) {add = true}
      %dma_wait3A = arith.constant 0 : i32
      %dma_wait3A_2677 = arith.constant 0 : i32
      %dma_wait3A_2678 = tpu.memref_slice %arg7[%dma_wait3A, %dma_wait3A_2677] : memref<16384x64xf32, #tpu.memory_space<vmem_shared>> -> memref<16384x64xf32, #tpu.memory_space<vmem_shared>>
      tpu.wait_indirect_dma semaphore(%run_scoped3A : memref<!tpu.dma_semaphore, #tpu.memory_space<semaphore_mem>>) src(%arg10 : memref<128x64xf32, #tpu.memory_space<vmem>>) dst(%dma_wait3A_2678 : memref<16384x64xf32, #tpu.memory_space<vmem_shared>>)
      tpu.yield
    }) : () -> ()
    %get3A_2074 = arith.constant 4 : i32
    %get3A_2075 = arith.index_cast %get3A_2074 : i32 to index
    %get3A_2076 = arith.constant 0 : index
    %get3A_2077 = tpu.vector_load %arg9[%get3A_2075, %get3A_2076] {strides = array<i32>} : memref<8x128xi32, #tpu.memory_space<vmem>>, vector<16xi32>,
    %swap3A_2078 = arith.constant 0 : index
    %swap3A_2079 = tpu.vector_load %arg14[%swap3A_2078] {strides = array<i32>} : memref<128xi32, #tpu.memory_space<vmem>>, vector<16xi32>,
    tpu.vector_store %arg14[%swap3A_2078], %get3A_2077 {strides = array<i32>} : memref<128xi32, #tpu.memory_space<vmem>>, vector<16xi32>,
    %get3A_2080 = arith.constant 4 : i32
    %get3A_2081 = arith.index_cast %get3A_2080 : i32 to index
    %get3A_2082 = arith.constant 16 : index
    %get3A_2083 = tpu.vector_load %arg9[%get3A_2081, %get3A_2082] {strides = array<i32>} : memref<8x128xi32, #tpu.memory_space<vmem>>, vector<16xi32>,
    %swap3A_2084 = arith.constant 16 : index
    %swap3A_2085 = tpu.vector_load %arg14[%swap3A_2084] {strides = array<i32>} : memref<128xi32, #tpu.memory_space<vmem>>, vector<16xi32>,
    tpu.vector_store %arg14[%swap3A_2084], %get3A_2083 {strides = array<i32>} : memref<128xi32, #tpu.memory_space<vmem>>, vector<16xi32>,
    %get3A_2086 = arith.constant 4 : i32
    %get3A_2087 = arith.index_cast %get3A_2086 : i32 to index
    %get3A_2088 = arith.constant 32 : index
    %get3A_2089 = tpu.vector_load %arg9[%get3A_2087, %get3A_2088] {strides = array<i32>} : memref<8x128xi32, #tpu.memory_space<vmem>>, vector<16xi32>,
    %swap3A_2090 = arith.constant 32 : index
    %swap3A_2091 = tpu.vector_load %arg14[%swap3A_2090] {strides = array<i32>} : memref<128xi32, #tpu.memory_space<vmem>>, vector<16xi32>,
    tpu.vector_store %arg14[%swap3A_2090], %get3A_2089 {strides = array<i32>} : memref<128xi32, #tpu.memory_space<vmem>>, vector<16xi32>,
    %get3A_2092 = arith.constant 4 : i32
    %get3A_2093 = arith.index_cast %get3A_2092 : i32 to index
    %get3A_2094 = arith.constant 48 : index
    %get3A_2095 = tpu.vector_load %arg9[%get3A_2093, %get3A_2094] {strides = array<i32>} : memref<8x128xi32, #tpu.memory_space<vmem>>, vector<16xi32>,
    %swap3A_2096 = arith.constant 48 : index
    %swap3A_2097 = tpu.vector_load %arg14[%swap3A_2096] {strides = array<i32>} : memref<128xi32, #tpu.memory_space<vmem>>, vector<16xi32>,
    tpu.vector_store %arg14[%swap3A_2096], %get3A_2095 {strides = array<i32>} : memref<128xi32, #tpu.memory_space<vmem>>, vector<16xi32>,
    %get3A_2098 = arith.constant 4 : i32
    %get3A_2099 = arith.index_cast %get3A_2098 : i32 to index
    %get3A_2100 = arith.constant 64 : index
    %get3A_2101 = tpu.vector_load %arg9[%get3A_2099, %get3A_2100] {strides = array<i32>} : memref<8x128xi32, #tpu.memory_space<vmem>>, vector<16xi32>,
    %swap3A_2102 = arith.constant 64 : index
    %swap3A_2103 = tpu.vector_load %arg14[%swap3A_2102] {strides = array<i32>} : memref<128xi32, #tpu.memory_space<vmem>>, vector<16xi32>,
    tpu.vector_store %arg14[%swap3A_2102], %get3A_2101 {strides = array<i32>} : memref<128xi32, #tpu.memory_space<vmem>>, vector<16xi32>,
    %get3A_2104 = arith.constant 4 : i32
    %get3A_2105 = arith.index_cast %get3A_2104 : i32 to index
    %get3A_2106 = arith.constant 80 : index
    %get3A_2107 = tpu.vector_load %arg9[%get3A_2105, %get3A_2106] {strides = array<i32>} : memref<8x128xi32, #tpu.memory_space<vmem>>, vector<16xi32>,
    %swap3A_2108 = arith.constant 80 : index
    %swap3A_2109 = tpu.vector_load %arg14[%swap3A_2108] {strides = array<i32>} : memref<128xi32, #tpu.memory_space<vmem>>, vector<16xi32>,
    tpu.vector_store %arg14[%swap3A_2108], %get3A_2107 {strides = array<i32>} : memref<128xi32, #tpu.memory_space<vmem>>, vector<16xi32>,
    %get3A_2110 = arith.constant 4 : i32
    %get3A_2111 = arith.index_cast %get3A_2110 : i32 to index
    %get3A_2112 = arith.constant 96 : index
    %get3A_2113 = tpu.vector_load %arg9[%get3A_2111, %get3A_2112] {strides = array<i32>} : memref<8x128xi32, #tpu.memory_space<vmem>>, vector<16xi32>,
    %swap3A_2114 = arith.constant 96 : index
    %swap3A_2115 = tpu.vector_load %arg14[%swap3A_2114] {strides = array<i32>} : memref<128xi32, #tpu.memory_space<vmem>>, vector<16xi32>,
    tpu.vector_store %arg14[%swap3A_2114], %get3A_2113 {strides = array<i32>} : memref<128xi32, #tpu.memory_space<vmem>>, vector<16xi32>,
    %get3A_2116 = arith.constant 4 : i32
    %get3A_2117 = arith.index_cast %get3A_2116 : i32 to index
    %get3A_2118 = arith.constant 112 : index
    %get3A_2119 = tpu.vector_load %arg9[%get3A_2117, %get3A_2118] {strides = array<i32>} : memref<8x128xi32, #tpu.memory_space<vmem>>, vector<16xi32>,
    %swap3A_2120 = arith.constant 112 : index
    %swap3A_2121 = tpu.vector_load %arg14[%swap3A_2120] {strides = array<i32>} : memref<128xi32, #tpu.memory_space<vmem>>, vector<16xi32>,
    tpu.vector_store %arg14[%swap3A_2120], %get3A_2119 {strides = array<i32>} : memref<128xi32, #tpu.memory_space<vmem>>, vector<16xi32>,
    %add3A_2122 = arith.constant 512 : i32
    %add3A_2123 = arith.addi %mul3A_0, %add3A_2122 : i32
    "tpu.region"() ({
      %run_scoped3A = tpu.sem_alloc : memref<!tpu.dma_semaphore, #tpu.memory_space<semaphore_mem>>
      %dma_start3A = arith.constant 0 : i32
      %dma_start3A_2675 = tpu.memref_slice %arg4[%add3A_2123, %dma_start3A] : memref<16384x64xf32, #tpu.memory_space<hbm>> -> memref<128x64xf32, #tpu.memory_space<hbm>>
      %dma_start3A_2676 = arith.constant 0 : i32
      %dma_start3A_2677 = tpu.memref_slice %arg4[%add3A_2123, %dma_start3A_2676] : memref<16384x64xf32, #tpu.memory_space<hbm>> -> memref<128x64xf32, #tpu.memory_space<hbm>>
      tpu.enqueue_dma source(%dma_start3A_2677 : memref<128x64xf32, #tpu.memory_space<hbm>>) target(%arg10 : memref<128x64xf32, #tpu.memory_space<vmem>>) target_semaphore(%run_scoped3A : memref<!tpu.dma_semaphore, #tpu.memory_space<semaphore_mem>>)
      %dma_wait3A = arith.constant 0 : i32
      %dma_wait3A_2678 = tpu.memref_slice %arg4[%add3A_2123, %dma_wait3A] : memref<16384x64xf32, #tpu.memory_space<hbm>> -> memref<128x64xf32, #tpu.memory_space<hbm>>
      %dma_wait3A_2679 = arith.constant 0 : i32
      %dma_wait3A_2680 = tpu.memref_slice %arg4[%add3A_2123, %dma_wait3A_2679] : memref<16384x64xf32, #tpu.memory_space<hbm>> -> memref<128x64xf32, #tpu.memory_space<hbm>>
      tpu.wait_dma2 semaphore(%run_scoped3A : memref<!tpu.dma_semaphore, #tpu.memory_space<semaphore_mem>>) src(%dma_wait3A_2680 : memref<128x64xf32, #tpu.memory_space<hbm>>) dst(%arg10 : memref<128x64xf32, #tpu.memory_space<vmem>>)
      tpu.yield
    }) : () -> ()
    "tpu.region"() ({
      %run_scoped3A = tpu.sem_alloc : memref<!tpu.dma_semaphore, #tpu.memory_space<semaphore_mem>>
      %dma_start3A = arith.constant 0 : i32
      %dma_start3A_2675 = arith.constant 0 : i32
      %dma_start3A_2676 = tpu.memref_slice %arg7[%dma_start3A, %dma_start3A_2675] : memref<16384x64xf32, #tpu.memory_space<vmem_shared>> -> memref<16384x64xf32, #tpu.memory_space<vmem_shared>>
      tpu.enqueue_indirect_dma source(%arg10 : memref<128x64xf32, #tpu.memory_space<vmem>>) target(%dma_start3A_2676 : memref<16384x64xf32, #tpu.memory_space<vmem_shared>>) offsets(%arg14 : memref<128xi32, #tpu.memory_space<vmem>>) semaphore(%run_scoped3A : memref<!tpu.dma_semaphore, #tpu.memory_space<semaphore_mem>>) {add = true}
      %dma_wait3A = arith.constant 0 : i32
      %dma_wait3A_2677 = arith.constant 0 : i32
      %dma_wait3A_2678 = tpu.memref_slice %arg7[%dma_wait3A, %dma_wait3A_2677] : memref<16384x64xf32, #tpu.memory_space<vmem_shared>> -> memref<16384x64xf32, #tpu.memory_space<vmem_shared>>
      tpu.wait_indirect_dma semaphore(%run_scoped3A : memref<!tpu.dma_semaphore, #tpu.memory_space<semaphore_mem>>) src(%arg10 : memref<128x64xf32, #tpu.memory_space<vmem>>) dst(%dma_wait3A_2678 : memref<16384x64xf32, #tpu.memory_space<vmem_shared>>)
      tpu.yield
    }) : () -> ()
    %get3A_2124 = arith.constant 5 : i32
    %get3A_2125 = arith.index_cast %get3A_2124 : i32 to index
    %get3A_2126 = arith.constant 0 : index
    %get3A_2127 = tpu.vector_load %arg9[%get3A_2125, %get3A_2126] {strides = array<i32>} : memref<8x128xi32, #tpu.memory_space<vmem>>, vector<16xi32>,
    %swap3A_2128 = arith.constant 0 : index
    %swap3A_2129 = tpu.vector_load %arg14[%swap3A_2128] {strides = array<i32>} : memref<128xi32, #tpu.memory_space<vmem>>, vector<16xi32>,
    tpu.vector_store %arg14[%swap3A_2128], %get3A_2127 {strides = array<i32>} : memref<128xi32, #tpu.memory_space<vmem>>, vector<16xi32>,
    %get3A_2130 = arith.constant 5 : i32
    %get3A_2131 = arith.index_cast %get3A_2130 : i32 to index
    %get3A_2132 = arith.constant 16 : index
    %get3A_2133 = tpu.vector_load %arg9[%get3A_2131, %get3A_2132] {strides = array<i32>} : memref<8x128xi32, #tpu.memory_space<vmem>>, vector<16xi32>,
    %swap3A_2134 = arith.constant 16 : index
    %swap3A_2135 = tpu.vector_load %arg14[%swap3A_2134] {strides = array<i32>} : memref<128xi32, #tpu.memory_space<vmem>>, vector<16xi32>,
    tpu.vector_store %arg14[%swap3A_2134], %get3A_2133 {strides = array<i32>} : memref<128xi32, #tpu.memory_space<vmem>>, vector<16xi32>,
    %get3A_2136 = arith.constant 5 : i32
    %get3A_2137 = arith.index_cast %get3A_2136 : i32 to index
    %get3A_2138 = arith.constant 32 : index
    %get3A_2139 = tpu.vector_load %arg9[%get3A_2137, %get3A_2138] {strides = array<i32>} : memref<8x128xi32, #tpu.memory_space<vmem>>, vector<16xi32>,
    %swap3A_2140 = arith.constant 32 : index
    %swap3A_2141 = tpu.vector_load %arg14[%swap3A_2140] {strides = array<i32>} : memref<128xi32, #tpu.memory_space<vmem>>, vector<16xi32>,
    tpu.vector_store %arg14[%swap3A_2140], %get3A_2139 {strides = array<i32>} : memref<128xi32, #tpu.memory_space<vmem>>, vector<16xi32>,
    %get3A_2142 = arith.constant 5 : i32
    %get3A_2143 = arith.index_cast %get3A_2142 : i32 to index
    %get3A_2144 = arith.constant 48 : index
    %get3A_2145 = tpu.vector_load %arg9[%get3A_2143, %get3A_2144] {strides = array<i32>} : memref<8x128xi32, #tpu.memory_space<vmem>>, vector<16xi32>,
    %swap3A_2146 = arith.constant 48 : index
    %swap3A_2147 = tpu.vector_load %arg14[%swap3A_2146] {strides = array<i32>} : memref<128xi32, #tpu.memory_space<vmem>>, vector<16xi32>,
    tpu.vector_store %arg14[%swap3A_2146], %get3A_2145 {strides = array<i32>} : memref<128xi32, #tpu.memory_space<vmem>>, vector<16xi32>,
    %get3A_2148 = arith.constant 5 : i32
    %get3A_2149 = arith.index_cast %get3A_2148 : i32 to index
    %get3A_2150 = arith.constant 64 : index
    %get3A_2151 = tpu.vector_load %arg9[%get3A_2149, %get3A_2150] {strides = array<i32>} : memref<8x128xi32, #tpu.memory_space<vmem>>, vector<16xi32>,
    %swap3A_2152 = arith.constant 64 : index
    %swap3A_2153 = tpu.vector_load %arg14[%swap3A_2152] {strides = array<i32>} : memref<128xi32, #tpu.memory_space<vmem>>, vector<16xi32>,
    tpu.vector_store %arg14[%swap3A_2152], %get3A_2151 {strides = array<i32>} : memref<128xi32, #tpu.memory_space<vmem>>, vector<16xi32>,
    %get3A_2154 = arith.constant 5 : i32
    %get3A_2155 = arith.index_cast %get3A_2154 : i32 to index
    %get3A_2156 = arith.constant 80 : index
    %get3A_2157 = tpu.vector_load %arg9[%get3A_2155, %get3A_2156] {strides = array<i32>} : memref<8x128xi32, #tpu.memory_space<vmem>>, vector<16xi32>,
    %swap3A_2158 = arith.constant 80 : index
    %swap3A_2159 = tpu.vector_load %arg14[%swap3A_2158] {strides = array<i32>} : memref<128xi32, #tpu.memory_space<vmem>>, vector<16xi32>,
    tpu.vector_store %arg14[%swap3A_2158], %get3A_2157 {strides = array<i32>} : memref<128xi32, #tpu.memory_space<vmem>>, vector<16xi32>,
    %get3A_2160 = arith.constant 5 : i32
    %get3A_2161 = arith.index_cast %get3A_2160 : i32 to index
    %get3A_2162 = arith.constant 96 : index
    %get3A_2163 = tpu.vector_load %arg9[%get3A_2161, %get3A_2162] {strides = array<i32>} : memref<8x128xi32, #tpu.memory_space<vmem>>, vector<16xi32>,
    %swap3A_2164 = arith.constant 96 : index
    %swap3A_2165 = tpu.vector_load %arg14[%swap3A_2164] {strides = array<i32>} : memref<128xi32, #tpu.memory_space<vmem>>, vector<16xi32>,
    tpu.vector_store %arg14[%swap3A_2164], %get3A_2163 {strides = array<i32>} : memref<128xi32, #tpu.memory_space<vmem>>, vector<16xi32>,
    %get3A_2166 = arith.constant 5 : i32
    %get3A_2167 = arith.index_cast %get3A_2166 : i32 to index
    %get3A_2168 = arith.constant 112 : index
    %get3A_2169 = tpu.vector_load %arg9[%get3A_2167, %get3A_2168] {strides = array<i32>} : memref<8x128xi32, #tpu.memory_space<vmem>>, vector<16xi32>,
    %swap3A_2170 = arith.constant 112 : index
    %swap3A_2171 = tpu.vector_load %arg14[%swap3A_2170] {strides = array<i32>} : memref<128xi32, #tpu.memory_space<vmem>>, vector<16xi32>,
    tpu.vector_store %arg14[%swap3A_2170], %get3A_2169 {strides = array<i32>} : memref<128xi32, #tpu.memory_space<vmem>>, vector<16xi32>,
    %add3A_2172 = arith.constant 640 : i32
    %add3A_2173 = arith.addi %mul3A_0, %add3A_2172 : i32
    "tpu.region"() ({
      %run_scoped3A = tpu.sem_alloc : memref<!tpu.dma_semaphore, #tpu.memory_space<semaphore_mem>>
      %dma_start3A = arith.constant 0 : i32
      %dma_start3A_2675 = tpu.memref_slice %arg4[%add3A_2173, %dma_start3A] : memref<16384x64xf32, #tpu.memory_space<hbm>> -> memref<128x64xf32, #tpu.memory_space<hbm>>
      %dma_start3A_2676 = arith.constant 0 : i32
      %dma_start3A_2677 = tpu.memref_slice %arg4[%add3A_2173, %dma_start3A_2676] : memref<16384x64xf32, #tpu.memory_space<hbm>> -> memref<128x64xf32, #tpu.memory_space<hbm>>
      tpu.enqueue_dma source(%dma_start3A_2677 : memref<128x64xf32, #tpu.memory_space<hbm>>) target(%arg10 : memref<128x64xf32, #tpu.memory_space<vmem>>) target_semaphore(%run_scoped3A : memref<!tpu.dma_semaphore, #tpu.memory_space<semaphore_mem>>)
      %dma_wait3A = arith.constant 0 : i32
      %dma_wait3A_2678 = tpu.memref_slice %arg4[%add3A_2173, %dma_wait3A] : memref<16384x64xf32, #tpu.memory_space<hbm>> -> memref<128x64xf32, #tpu.memory_space<hbm>>
      %dma_wait3A_2679 = arith.constant 0 : i32
      %dma_wait3A_2680 = tpu.memref_slice %arg4[%add3A_2173, %dma_wait3A_2679] : memref<16384x64xf32, #tpu.memory_space<hbm>> -> memref<128x64xf32, #tpu.memory_space<hbm>>
      tpu.wait_dma2 semaphore(%run_scoped3A : memref<!tpu.dma_semaphore, #tpu.memory_space<semaphore_mem>>) src(%dma_wait3A_2680 : memref<128x64xf32, #tpu.memory_space<hbm>>) dst(%arg10 : memref<128x64xf32, #tpu.memory_space<vmem>>)
      tpu.yield
    }) : () -> ()
    "tpu.region"() ({
      %run_scoped3A = tpu.sem_alloc : memref<!tpu.dma_semaphore, #tpu.memory_space<semaphore_mem>>
      %dma_start3A = arith.constant 0 : i32
      %dma_start3A_2675 = arith.constant 0 : i32
      %dma_start3A_2676 = tpu.memref_slice %arg7[%dma_start3A, %dma_start3A_2675] : memref<16384x64xf32, #tpu.memory_space<vmem_shared>> -> memref<16384x64xf32, #tpu.memory_space<vmem_shared>>
      tpu.enqueue_indirect_dma source(%arg10 : memref<128x64xf32, #tpu.memory_space<vmem>>) target(%dma_start3A_2676 : memref<16384x64xf32, #tpu.memory_space<vmem_shared>>) offsets(%arg14 : memref<128xi32, #tpu.memory_space<vmem>>) semaphore(%run_scoped3A : memref<!tpu.dma_semaphore, #tpu.memory_space<semaphore_mem>>) {add = true}
      %dma_wait3A = arith.constant 0 : i32
      %dma_wait3A_2677 = arith.constant 0 : i32
      %dma_wait3A_2678 = tpu.memref_slice %arg7[%dma_wait3A, %dma_wait3A_2677] : memref<16384x64xf32, #tpu.memory_space<vmem_shared>> -> memref<16384x64xf32, #tpu.memory_space<vmem_shared>>
      tpu.wait_indirect_dma semaphore(%run_scoped3A : memref<!tpu.dma_semaphore, #tpu.memory_space<semaphore_mem>>) src(%arg10 : memref<128x64xf32, #tpu.memory_space<vmem>>) dst(%dma_wait3A_2678 : memref<16384x64xf32, #tpu.memory_space<vmem_shared>>)
      tpu.yield
    }) : () -> ()
    %get3A_2174 = arith.constant 6 : i32
    %get3A_2175 = arith.index_cast %get3A_2174 : i32 to index
    %get3A_2176 = arith.constant 0 : index
    %get3A_2177 = tpu.vector_load %arg9[%get3A_2175, %get3A_2176] {strides = array<i32>} : memref<8x128xi32, #tpu.memory_space<vmem>>, vector<16xi32>,
    %swap3A_2178 = arith.constant 0 : index
    %swap3A_2179 = tpu.vector_load %arg14[%swap3A_2178] {strides = array<i32>} : memref<128xi32, #tpu.memory_space<vmem>>, vector<16xi32>,
    tpu.vector_store %arg14[%swap3A_2178], %get3A_2177 {strides = array<i32>} : memref<128xi32, #tpu.memory_space<vmem>>, vector<16xi32>,
    %get3A_2180 = arith.constant 6 : i32
    %get3A_2181 = arith.index_cast %get3A_2180 : i32 to index
    %get3A_2182 = arith.constant 16 : index
    %get3A_2183 = tpu.vector_load %arg9[%get3A_2181, %get3A_2182] {strides = array<i32>} : memref<8x128xi32, #tpu.memory_space<vmem>>, vector<16xi32>,
    %swap3A_2184 = arith.constant 16 : index
    %swap3A_2185 = tpu.vector_load %arg14[%swap3A_2184] {strides = array<i32>} : memref<128xi32, #tpu.memory_space<vmem>>, vector<16xi32>,
    tpu.vector_store %arg14[%swap3A_2184], %get3A_2183 {strides = array<i32>} : memref<128xi32, #tpu.memory_space<vmem>>, vector<16xi32>,
    %get3A_2186 = arith.constant 6 : i32
    %get3A_2187 = arith.index_cast %get3A_2186 : i32 to index
    %get3A_2188 = arith.constant 32 : index
    %get3A_2189 = tpu.vector_load %arg9[%get3A_2187, %get3A_2188] {strides = array<i32>} : memref<8x128xi32, #tpu.memory_space<vmem>>, vector<16xi32>,
    %swap3A_2190 = arith.constant 32 : index
    %swap3A_2191 = tpu.vector_load %arg14[%swap3A_2190] {strides = array<i32>} : memref<128xi32, #tpu.memory_space<vmem>>, vector<16xi32>,
    tpu.vector_store %arg14[%swap3A_2190], %get3A_2189 {strides = array<i32>} : memref<128xi32, #tpu.memory_space<vmem>>, vector<16xi32>,
    %get3A_2192 = arith.constant 6 : i32
    %get3A_2193 = arith.index_cast %get3A_2192 : i32 to index
    %get3A_2194 = arith.constant 48 : index
    %get3A_2195 = tpu.vector_load %arg9[%get3A_2193, %get3A_2194] {strides = array<i32>} : memref<8x128xi32, #tpu.memory_space<vmem>>, vector<16xi32>,
    %swap3A_2196 = arith.constant 48 : index
    %swap3A_2197 = tpu.vector_load %arg14[%swap3A_2196] {strides = array<i32>} : memref<128xi32, #tpu.memory_space<vmem>>, vector<16xi32>,
    tpu.vector_store %arg14[%swap3A_2196], %get3A_2195 {strides = array<i32>} : memref<128xi32, #tpu.memory_space<vmem>>, vector<16xi32>,
    %get3A_2198 = arith.constant 6 : i32
    %get3A_2199 = arith.index_cast %get3A_2198 : i32 to index
    %get3A_2200 = arith.constant 64 : index
    %get3A_2201 = tpu.vector_load %arg9[%get3A_2199, %get3A_2200] {strides = array<i32>} : memref<8x128xi32, #tpu.memory_space<vmem>>, vector<16xi32>,
    %swap3A_2202 = arith.constant 64 : index
    %swap3A_2203 = tpu.vector_load %arg14[%swap3A_2202] {strides = array<i32>} : memref<128xi32, #tpu.memory_space<vmem>>, vector<16xi32>,
    tpu.vector_store %arg14[%swap3A_2202], %get3A_2201 {strides = array<i32>} : memref<128xi32, #tpu.memory_space<vmem>>, vector<16xi32>,
    %get3A_2204 = arith.constant 6 : i32
    %get3A_2205 = arith.index_cast %get3A_2204 : i32 to index
    %get3A_2206 = arith.constant 80 : index
    %get3A_2207 = tpu.vector_load %arg9[%get3A_2205, %get3A_2206] {strides = array<i32>} : memref<8x128xi32, #tpu.memory_space<vmem>>, vector<16xi32>,
    %swap3A_2208 = arith.constant 80 : index
    %swap3A_2209 = tpu.vector_load %arg14[%swap3A_2208] {strides = array<i32>} : memref<128xi32, #tpu.memory_space<vmem>>, vector<16xi32>,
    tpu.vector_store %arg14[%swap3A_2208], %get3A_2207 {strides = array<i32>} : memref<128xi32, #tpu.memory_space<vmem>>, vector<16xi32>,
    %get3A_2210 = arith.constant 6 : i32
    %get3A_2211 = arith.index_cast %get3A_2210 : i32 to index
    %get3A_2212 = arith.constant 96 : index
    %get3A_2213 = tpu.vector_load %arg9[%get3A_2211, %get3A_2212] {strides = array<i32>} : memref<8x128xi32, #tpu.memory_space<vmem>>, vector<16xi32>,
    %swap3A_2214 = arith.constant 96 : index
    %swap3A_2215 = tpu.vector_load %arg14[%swap3A_2214] {strides = array<i32>} : memref<128xi32, #tpu.memory_space<vmem>>, vector<16xi32>,
    tpu.vector_store %arg14[%swap3A_2214], %get3A_2213 {strides = array<i32>} : memref<128xi32, #tpu.memory_space<vmem>>, vector<16xi32>,
    %get3A_2216 = arith.constant 6 : i32
    %get3A_2217 = arith.index_cast %get3A_2216 : i32 to index
    %get3A_2218 = arith.constant 112 : index
    %get3A_2219 = tpu.vector_load %arg9[%get3A_2217, %get3A_2218] {strides = array<i32>} : memref<8x128xi32, #tpu.memory_space<vmem>>, vector<16xi32>,
    %swap3A_2220 = arith.constant 112 : index
    %swap3A_2221 = tpu.vector_load %arg14[%swap3A_2220] {strides = array<i32>} : memref<128xi32, #tpu.memory_space<vmem>>, vector<16xi32>,
    tpu.vector_store %arg14[%swap3A_2220], %get3A_2219 {strides = array<i32>} : memref<128xi32, #tpu.memory_space<vmem>>, vector<16xi32>,
    %add3A_2222 = arith.constant 768 : i32
    %add3A_2223 = arith.addi %mul3A_0, %add3A_2222 : i32
    "tpu.region"() ({
      %run_scoped3A = tpu.sem_alloc : memref<!tpu.dma_semaphore, #tpu.memory_space<semaphore_mem>>
      %dma_start3A = arith.constant 0 : i32
      %dma_start3A_2675 = tpu.memref_slice %arg4[%add3A_2223, %dma_start3A] : memref<16384x64xf32, #tpu.memory_space<hbm>> -> memref<128x64xf32, #tpu.memory_space<hbm>>
      %dma_start3A_2676 = arith.constant 0 : i32
      %dma_start3A_2677 = tpu.memref_slice %arg4[%add3A_2223, %dma_start3A_2676] : memref<16384x64xf32, #tpu.memory_space<hbm>> -> memref<128x64xf32, #tpu.memory_space<hbm>>
      tpu.enqueue_dma source(%dma_start3A_2677 : memref<128x64xf32, #tpu.memory_space<hbm>>) target(%arg10 : memref<128x64xf32, #tpu.memory_space<vmem>>) target_semaphore(%run_scoped3A : memref<!tpu.dma_semaphore, #tpu.memory_space<semaphore_mem>>)
      %dma_wait3A = arith.constant 0 : i32
      %dma_wait3A_2678 = tpu.memref_slice %arg4[%add3A_2223, %dma_wait3A] : memref<16384x64xf32, #tpu.memory_space<hbm>> -> memref<128x64xf32, #tpu.memory_space<hbm>>
      %dma_wait3A_2679 = arith.constant 0 : i32
      %dma_wait3A_2680 = tpu.memref_slice %arg4[%add3A_2223, %dma_wait3A_2679] : memref<16384x64xf32, #tpu.memory_space<hbm>> -> memref<128x64xf32, #tpu.memory_space<hbm>>
      tpu.wait_dma2 semaphore(%run_scoped3A : memref<!tpu.dma_semaphore, #tpu.memory_space<semaphore_mem>>) src(%dma_wait3A_2680 : memref<128x64xf32, #tpu.memory_space<hbm>>) dst(%arg10 : memref<128x64xf32, #tpu.memory_space<vmem>>)
      tpu.yield
    }) : () -> ()
    "tpu.region"() ({
      %run_scoped3A = tpu.sem_alloc : memref<!tpu.dma_semaphore, #tpu.memory_space<semaphore_mem>>
      %dma_start3A = arith.constant 0 : i32
      %dma_start3A_2675 = arith.constant 0 : i32
      %dma_start3A_2676 = tpu.memref_slice %arg7[%dma_start3A, %dma_start3A_2675] : memref<16384x64xf32, #tpu.memory_space<vmem_shared>> -> memref<16384x64xf32, #tpu.memory_space<vmem_shared>>
      tpu.enqueue_indirect_dma source(%arg10 : memref<128x64xf32, #tpu.memory_space<vmem>>) target(%dma_start3A_2676 : memref<16384x64xf32, #tpu.memory_space<vmem_shared>>) offsets(%arg14 : memref<128xi32, #tpu.memory_space<vmem>>) semaphore(%run_scoped3A : memref<!tpu.dma_semaphore, #tpu.memory_space<semaphore_mem>>) {add = true}
      %dma_wait3A = arith.constant 0 : i32
      %dma_wait3A_2677 = arith.constant 0 : i32
      %dma_wait3A_2678 = tpu.memref_slice %arg7[%dma_wait3A, %dma_wait3A_2677] : memref<16384x64xf32, #tpu.memory_space<vmem_shared>> -> memref<16384x64xf32, #tpu.memory_space<vmem_shared>>
      tpu.wait_indirect_dma semaphore(%run_scoped3A : memref<!tpu.dma_semaphore, #tpu.memory_space<semaphore_mem>>) src(%arg10 : memref<128x64xf32, #tpu.memory_space<vmem>>) dst(%dma_wait3A_2678 : memref<16384x64xf32, #tpu.memory_space<vmem_shared>>)
      tpu.yield
    }) : () -> ()
    %get3A_2224 = arith.constant 7 : i32
    %get3A_2225 = arith.index_cast %get3A_2224 : i32 to index
    %get3A_2226 = arith.constant 0 : index
    %get3A_2227 = tpu.vector_load %arg9[%get3A_2225, %get3A_2226] {strides = array<i32>} : memref<8x128xi32, #tpu.memory_space<vmem>>, vector<16xi32>,
    %swap3A_2228 = arith.constant 0 : index
    %swap3A_2229 = tpu.vector_load %arg14[%swap3A_2228] {strides = array<i32>} : memref<128xi32, #tpu.memory_space<vmem>>, vector<16xi32>,
    tpu.vector_store %arg14[%swap3A_2228], %get3A_2227 {strides = array<i32>} : memref<128xi32, #tpu.memory_space<vmem>>, vector<16xi32>,
    %get3A_2230 = arith.constant 7 : i32
    %get3A_2231 = arith.index_cast %get3A_2230 : i32 to index
    %get3A_2232 = arith.constant 16 : index
    %get3A_2233 = tpu.vector_load %arg9[%get3A_2231, %get3A_2232] {strides = array<i32>} : memref<8x128xi32, #tpu.memory_space<vmem>>, vector<16xi32>,
    %swap3A_2234 = arith.constant 16 : index
    %swap3A_2235 = tpu.vector_load %arg14[%swap3A_2234] {strides = array<i32>} : memref<128xi32, #tpu.memory_space<vmem>>, vector<16xi32>,
    tpu.vector_store %arg14[%swap3A_2234], %get3A_2233 {strides = array<i32>} : memref<128xi32, #tpu.memory_space<vmem>>, vector<16xi32>,
    %get3A_2236 = arith.constant 7 : i32
    %get3A_2237 = arith.index_cast %get3A_2236 : i32 to index
    %get3A_2238 = arith.constant 32 : index
    %get3A_2239 = tpu.vector_load %arg9[%get3A_2237, %get3A_2238] {strides = array<i32>} : memref<8x128xi32, #tpu.memory_space<vmem>>, vector<16xi32>,
    %swap3A_2240 = arith.constant 32 : index
    %swap3A_2241 = tpu.vector_load %arg14[%swap3A_2240] {strides = array<i32>} : memref<128xi32, #tpu.memory_space<vmem>>, vector<16xi32>,
    tpu.vector_store %arg14[%swap3A_2240], %get3A_2239 {strides = array<i32>} : memref<128xi32, #tpu.memory_space<vmem>>, vector<16xi32>,
    %get3A_2242 = arith.constant 7 : i32
    %get3A_2243 = arith.index_cast %get3A_2242 : i32 to index
    %get3A_2244 = arith.constant 48 : index
    %get3A_2245 = tpu.vector_load %arg9[%get3A_2243, %get3A_2244] {strides = array<i32>} : memref<8x128xi32, #tpu.memory_space<vmem>>, vector<16xi32>,
    %swap3A_2246 = arith.constant 48 : index
    %swap3A_2247 = tpu.vector_load %arg14[%swap3A_2246] {strides = array<i32>} : memref<128xi32, #tpu.memory_space<vmem>>, vector<16xi32>,
    tpu.vector_store %arg14[%swap3A_2246], %get3A_2245 {strides = array<i32>} : memref<128xi32, #tpu.memory_space<vmem>>, vector<16xi32>,
    %get3A_2248 = arith.constant 7 : i32
    %get3A_2249 = arith.index_cast %get3A_2248 : i32 to index
    %get3A_2250 = arith.constant 64 : index
    %get3A_2251 = tpu.vector_load %arg9[%get3A_2249, %get3A_2250] {strides = array<i32>} : memref<8x128xi32, #tpu.memory_space<vmem>>, vector<16xi32>,
    %swap3A_2252 = arith.constant 64 : index
    %swap3A_2253 = tpu.vector_load %arg14[%swap3A_2252] {strides = array<i32>} : memref<128xi32, #tpu.memory_space<vmem>>, vector<16xi32>,
    tpu.vector_store %arg14[%swap3A_2252], %get3A_2251 {strides = array<i32>} : memref<128xi32, #tpu.memory_space<vmem>>, vector<16xi32>,
    %get3A_2254 = arith.constant 7 : i32
    %get3A_2255 = arith.index_cast %get3A_2254 : i32 to index
    %get3A_2256 = arith.constant 80 : index
    %get3A_2257 = tpu.vector_load %arg9[%get3A_2255, %get3A_2256] {strides = array<i32>} : memref<8x128xi32, #tpu.memory_space<vmem>>, vector<16xi32>,
    %swap3A_2258 = arith.constant 80 : index
    %swap3A_2259 = tpu.vector_load %arg14[%swap3A_2258] {strides = array<i32>} : memref<128xi32, #tpu.memory_space<vmem>>, vector<16xi32>,
    tpu.vector_store %arg14[%swap3A_2258], %get3A_2257 {strides = array<i32>} : memref<128xi32, #tpu.memory_space<vmem>>, vector<16xi32>,
    %get3A_2260 = arith.constant 7 : i32
    %get3A_2261 = arith.index_cast %get3A_2260 : i32 to index
    %get3A_2262 = arith.constant 96 : index
    %get3A_2263 = tpu.vector_load %arg9[%get3A_2261, %get3A_2262] {strides = array<i32>} : memref<8x128xi32, #tpu.memory_space<vmem>>, vector<16xi32>,
    %swap3A_2264 = arith.constant 96 : index
    %swap3A_2265 = tpu.vector_load %arg14[%swap3A_2264] {strides = array<i32>} : memref<128xi32, #tpu.memory_space<vmem>>, vector<16xi32>,
    tpu.vector_store %arg14[%swap3A_2264], %get3A_2263 {strides = array<i32>} : memref<128xi32, #tpu.memory_space<vmem>>, vector<16xi32>,
    %get3A_2266 = arith.constant 7 : i32
    %get3A_2267 = arith.index_cast %get3A_2266 : i32 to index
    %get3A_2268 = arith.constant 112 : index
    %get3A_2269 = tpu.vector_load %arg9[%get3A_2267, %get3A_2268] {strides = array<i32>} : memref<8x128xi32, #tpu.memory_space<vmem>>, vector<16xi32>,
    %swap3A_2270 = arith.constant 112 : index
    %swap3A_2271 = tpu.vector_load %arg14[%swap3A_2270] {strides = array<i32>} : memref<128xi32, #tpu.memory_space<vmem>>, vector<16xi32>,
    tpu.vector_store %arg14[%swap3A_2270], %get3A_2269 {strides = array<i32>} : memref<128xi32, #tpu.memory_space<vmem>>, vector<16xi32>,
    %add3A_2272 = arith.constant 896 : i32
    %add3A_2273 = arith.addi %mul3A_0, %add3A_2272 : i32
    "tpu.region"() ({
      %run_scoped3A = tpu.sem_alloc : memref<!tpu.dma_semaphore, #tpu.memory_space<semaphore_mem>>
      %dma_start3A = arith.constant 0 : i32
      %dma_start3A_2675 = tpu.memref_slice %arg4[%add3A_2273, %dma_start3A] : memref<16384x64xf32, #tpu.memory_space<hbm>> -> memref<128x64xf32, #tpu.memory_space<hbm>>
      %dma_start3A_2676 = arith.constant 0 : i32
      %dma_start3A_2677 = tpu.memref_slice %arg4[%add3A_2273, %dma_start3A_2676] : memref<16384x64xf32, #tpu.memory_space<hbm>> -> memref<128x64xf32, #tpu.memory_space<hbm>>
      tpu.enqueue_dma source(%dma_start3A_2677 : memref<128x64xf32, #tpu.memory_space<hbm>>) target(%arg10 : memref<128x64xf32, #tpu.memory_space<vmem>>) target_semaphore(%run_scoped3A : memref<!tpu.dma_semaphore, #tpu.memory_space<semaphore_mem>>)
      %dma_wait3A = arith.constant 0 : i32
      %dma_wait3A_2678 = tpu.memref_slice %arg4[%add3A_2273, %dma_wait3A] : memref<16384x64xf32, #tpu.memory_space<hbm>> -> memref<128x64xf32, #tpu.memory_space<hbm>>
      %dma_wait3A_2679 = arith.constant 0 : i32
      %dma_wait3A_2680 = tpu.memref_slice %arg4[%add3A_2273, %dma_wait3A_2679] : memref<16384x64xf32, #tpu.memory_space<hbm>> -> memref<128x64xf32, #tpu.memory_space<hbm>>
      tpu.wait_dma2 semaphore(%run_scoped3A : memref<!tpu.dma_semaphore, #tpu.memory_space<semaphore_mem>>) src(%dma_wait3A_2680 : memref<128x64xf32, #tpu.memory_space<hbm>>) dst(%arg10 : memref<128x64xf32, #tpu.memory_space<vmem>>)
      tpu.yield
    }) : () -> ()
    "tpu.region"() ({
      %run_scoped3A = tpu.sem_alloc : memref<!tpu.dma_semaphore, #tpu.memory_space<semaphore_mem>>
      %dma_start3A = arith.constant 0 : i32
      %dma_start3A_2675 = arith.constant 0 : i32
      %dma_start3A_2676 = tpu.memref_slice %arg7[%dma_start3A, %dma_start3A_2675] : memref<16384x64xf32, #tpu.memory_space<vmem_shared>> -> memref<16384x64xf32, #tpu.memory_space<vmem_shared>>
      tpu.enqueue_indirect_dma source(%arg10 : memref<128x64xf32, #tpu.memory_space<vmem>>) target(%dma_start3A_2676 : memref<16384x64xf32, #tpu.memory_space<vmem_shared>>) offsets(%arg14 : memref<128xi32, #tpu.memory_space<vmem>>) semaphore(%run_scoped3A : memref<!tpu.dma_semaphore, #tpu.memory_space<semaphore_mem>>) {add = true}
      %dma_wait3A = arith.constant 0 : i32
      %dma_wait3A_2677 = arith.constant 0 : i32
      %dma_wait3A_2678 = tpu.memref_slice %arg7[%dma_wait3A, %dma_wait3A_2677] : memref<16384x64xf32, #tpu.memory_space<vmem_shared>> -> memref<16384x64xf32, #tpu.memory_space<vmem_shared>>
      tpu.wait_indirect_dma semaphore(%run_scoped3A : memref<!tpu.dma_semaphore, #tpu.memory_space<semaphore_mem>>) src(%arg10 : memref<128x64xf32, #tpu.memory_space<vmem>>) dst(%dma_wait3A_2678 : memref<16384x64xf32, #tpu.memory_space<vmem_shared>>)
      tpu.yield
    }) : () -> ()
    %barrier3A_2274 = arith.constant 0 : index
    tpu.barrier barrier_id(%barrier3A_2274)
    %get3A_2275 = arith.constant 0 : i32
    %get3A_2276 = arith.index_cast %get3A_2275 : i32 to index
    %get3A_2277 = arith.constant 0 : index
    %get3A_2278 = tpu.vector_load %arg9[%get3A_2276, %get3A_2277] {strides = array<i32>} : memref<8x128xi32, #tpu.memory_space<vmem>>, vector<16xi32>,
    %swap3A_2279 = arith.constant 0 : index
    %swap3A_2280 = tpu.vector_load %arg14[%swap3A_2279] {strides = array<i32>} : memref<128xi32, #tpu.memory_space<vmem>>, vector<16xi32>,
    tpu.vector_store %arg14[%swap3A_2279], %get3A_2278 {strides = array<i32>} : memref<128xi32, #tpu.memory_space<vmem>>, vector<16xi32>,
    %get3A_2281 = arith.constant 0 : i32
    %get3A_2282 = arith.index_cast %get3A_2281 : i32 to index
    %get3A_2283 = arith.constant 16 : index
    %get3A_2284 = tpu.vector_load %arg9[%get3A_2282, %get3A_2283] {strides = array<i32>} : memref<8x128xi32, #tpu.memory_space<vmem>>, vector<16xi32>,
    %swap3A_2285 = arith.constant 16 : index
    %swap3A_2286 = tpu.vector_load %arg14[%swap3A_2285] {strides = array<i32>} : memref<128xi32, #tpu.memory_space<vmem>>, vector<16xi32>,
    tpu.vector_store %arg14[%swap3A_2285], %get3A_2284 {strides = array<i32>} : memref<128xi32, #tpu.memory_space<vmem>>, vector<16xi32>,
    %get3A_2287 = arith.constant 0 : i32
    %get3A_2288 = arith.index_cast %get3A_2287 : i32 to index
    %get3A_2289 = arith.constant 32 : index
    %get3A_2290 = tpu.vector_load %arg9[%get3A_2288, %get3A_2289] {strides = array<i32>} : memref<8x128xi32, #tpu.memory_space<vmem>>, vector<16xi32>,
    %swap3A_2291 = arith.constant 32 : index
    %swap3A_2292 = tpu.vector_load %arg14[%swap3A_2291] {strides = array<i32>} : memref<128xi32, #tpu.memory_space<vmem>>, vector<16xi32>,
    tpu.vector_store %arg14[%swap3A_2291], %get3A_2290 {strides = array<i32>} : memref<128xi32, #tpu.memory_space<vmem>>, vector<16xi32>,
    %get3A_2293 = arith.constant 0 : i32
    %get3A_2294 = arith.index_cast %get3A_2293 : i32 to index
    %get3A_2295 = arith.constant 48 : index
    %get3A_2296 = tpu.vector_load %arg9[%get3A_2294, %get3A_2295] {strides = array<i32>} : memref<8x128xi32, #tpu.memory_space<vmem>>, vector<16xi32>,
    %swap3A_2297 = arith.constant 48 : index
    %swap3A_2298 = tpu.vector_load %arg14[%swap3A_2297] {strides = array<i32>} : memref<128xi32, #tpu.memory_space<vmem>>, vector<16xi32>,
    tpu.vector_store %arg14[%swap3A_2297], %get3A_2296 {strides = array<i32>} : memref<128xi32, #tpu.memory_space<vmem>>, vector<16xi32>,
    %get3A_2299 = arith.constant 0 : i32
    %get3A_2300 = arith.index_cast %get3A_2299 : i32 to index
    %get3A_2301 = arith.constant 64 : index
    %get3A_2302 = tpu.vector_load %arg9[%get3A_2300, %get3A_2301] {strides = array<i32>} : memref<8x128xi32, #tpu.memory_space<vmem>>, vector<16xi32>,
    %swap3A_2303 = arith.constant 64 : index
    %swap3A_2304 = tpu.vector_load %arg14[%swap3A_2303] {strides = array<i32>} : memref<128xi32, #tpu.memory_space<vmem>>, vector<16xi32>,
    tpu.vector_store %arg14[%swap3A_2303], %get3A_2302 {strides = array<i32>} : memref<128xi32, #tpu.memory_space<vmem>>, vector<16xi32>,
    %get3A_2305 = arith.constant 0 : i32
    %get3A_2306 = arith.index_cast %get3A_2305 : i32 to index
    %get3A_2307 = arith.constant 80 : index
    %get3A_2308 = tpu.vector_load %arg9[%get3A_2306, %get3A_2307] {strides = array<i32>} : memref<8x128xi32, #tpu.memory_space<vmem>>, vector<16xi32>,
    %swap3A_2309 = arith.constant 80 : index
    %swap3A_2310 = tpu.vector_load %arg14[%swap3A_2309] {strides = array<i32>} : memref<128xi32, #tpu.memory_space<vmem>>, vector<16xi32>,
    tpu.vector_store %arg14[%swap3A_2309], %get3A_2308 {strides = array<i32>} : memref<128xi32, #tpu.memory_space<vmem>>, vector<16xi32>,
    %get3A_2311 = arith.constant 0 : i32
    %get3A_2312 = arith.index_cast %get3A_2311 : i32 to index
    %get3A_2313 = arith.constant 96 : index
    %get3A_2314 = tpu.vector_load %arg9[%get3A_2312, %get3A_2313] {strides = array<i32>} : memref<8x128xi32, #tpu.memory_space<vmem>>, vector<16xi32>,
    %swap3A_2315 = arith.constant 96 : index
    %swap3A_2316 = tpu.vector_load %arg14[%swap3A_2315] {strides = array<i32>} : memref<128xi32, #tpu.memory_space<vmem>>, vector<16xi32>,
    tpu.vector_store %arg14[%swap3A_2315], %get3A_2314 {strides = array<i32>} : memref<128xi32, #tpu.memory_space<vmem>>, vector<16xi32>,
    %get3A_2317 = arith.constant 0 : i32
    %get3A_2318 = arith.index_cast %get3A_2317 : i32 to index
    %get3A_2319 = arith.constant 112 : index
    %get3A_2320 = tpu.vector_load %arg9[%get3A_2318, %get3A_2319] {strides = array<i32>} : memref<8x128xi32, #tpu.memory_space<vmem>>, vector<16xi32>,
    %swap3A_2321 = arith.constant 112 : index
    %swap3A_2322 = tpu.vector_load %arg14[%swap3A_2321] {strides = array<i32>} : memref<128xi32, #tpu.memory_space<vmem>>, vector<16xi32>,
    tpu.vector_store %arg14[%swap3A_2321], %get3A_2320 {strides = array<i32>} : memref<128xi32, #tpu.memory_space<vmem>>, vector<16xi32>,
    "tpu.region"() ({
      %run_scoped3A = tpu.sem_alloc : memref<!tpu.dma_semaphore, #tpu.memory_space<semaphore_mem>>
      %dma_start3A = arith.constant 0 : i32
      %dma_start3A_2675 = arith.constant 0 : i32
      %dma_start3A_2676 = tpu.memref_slice %arg7[%dma_start3A, %dma_start3A_2675] : memref<16384x64xf32, #tpu.memory_space<vmem_shared>> -> memref<16384x64xf32, #tpu.memory_space<vmem_shared>>
      tpu.enqueue_indirect_dma source(%dma_start3A_2676 : memref<16384x64xf32, #tpu.memory_space<vmem_shared>>) target(%arg11 : memref<128x64xf32, #tpu.memory_space<vmem>>) offsets(%arg14 : memref<128xi32, #tpu.memory_space<vmem>>) semaphore(%run_scoped3A : memref<!tpu.dma_semaphore, #tpu.memory_space<semaphore_mem>>)
      %dma_wait3A = arith.constant 0 : i32
      %dma_wait3A_2677 = arith.constant 0 : i32
      %dma_wait3A_2678 = tpu.memref_slice %arg7[%dma_wait3A, %dma_wait3A_2677] : memref<16384x64xf32, #tpu.memory_space<vmem_shared>> -> memref<16384x64xf32, #tpu.memory_space<vmem_shared>>
      tpu.wait_indirect_dma semaphore(%run_scoped3A : memref<!tpu.dma_semaphore, #tpu.memory_space<semaphore_mem>>) src(%dma_wait3A_2678 : memref<16384x64xf32, #tpu.memory_space<vmem_shared>>) dst(%arg11 : memref<128x64xf32, #tpu.memory_space<vmem>>)
      tpu.yield
    }) : () -> ()
    %add3A_2323 = arith.constant 0 : i32
    %add3A_2324 = arith.addi %mul3A_0, %add3A_2323 : i32
    "tpu.region"() ({
      %run_scoped3A = tpu.sem_alloc : memref<!tpu.dma_semaphore, #tpu.memory_space<semaphore_mem>>
      %dma_start3A = arith.constant 0 : i32
      %dma_start3A_2675 = tpu.memref_slice %arg5[%add3A_2324, %dma_start3A] : memref<16384x64xf32, #tpu.memory_space<hbm>> -> memref<128x64xf32, #tpu.memory_space<hbm>>
      %dma_start3A_2676 = arith.constant 0 : i32
      %dma_start3A_2677 = tpu.memref_slice %arg5[%add3A_2324, %dma_start3A_2676] : memref<16384x64xf32, #tpu.memory_space<hbm>> -> memref<128x64xf32, #tpu.memory_space<hbm>>
      tpu.enqueue_dma source(%arg11 : memref<128x64xf32, #tpu.memory_space<vmem>>) target(%dma_start3A_2677 : memref<128x64xf32, #tpu.memory_space<hbm>>) target_semaphore(%run_scoped3A : memref<!tpu.dma_semaphore, #tpu.memory_space<semaphore_mem>>)
      %dma_wait3A = arith.constant 0 : i32
      %dma_wait3A_2678 = tpu.memref_slice %arg5[%add3A_2324, %dma_wait3A] : memref<16384x64xf32, #tpu.memory_space<hbm>> -> memref<128x64xf32, #tpu.memory_space<hbm>>
      %dma_wait3A_2679 = arith.constant 0 : i32
      %dma_wait3A_2680 = tpu.memref_slice %arg5[%add3A_2324, %dma_wait3A_2679] : memref<16384x64xf32, #tpu.memory_space<hbm>> -> memref<128x64xf32, #tpu.memory_space<hbm>>
      tpu.wait_dma2 semaphore(%run_scoped3A : memref<!tpu.dma_semaphore, #tpu.memory_space<semaphore_mem>>) src(%arg11 : memref<128x64xf32, #tpu.memory_space<vmem>>) dst(%dma_wait3A_2680 : memref<128x64xf32, #tpu.memory_space<hbm>>)
      tpu.yield
    }) : () -> ()
    %get3A_2325 = arith.constant 1 : i32
    %get3A_2326 = arith.index_cast %get3A_2325 : i32 to index
    %get3A_2327 = arith.constant 0 : index
    %get3A_2328 = tpu.vector_load %arg9[%get3A_2326, %get3A_2327] {strides = array<i32>} : memref<8x128xi32, #tpu.memory_space<vmem>>, vector<16xi32>,
    %swap3A_2329 = arith.constant 0 : index
    %swap3A_2330 = tpu.vector_load %arg14[%swap3A_2329] {strides = array<i32>} : memref<128xi32, #tpu.memory_space<vmem>>, vector<16xi32>,
    tpu.vector_store %arg14[%swap3A_2329], %get3A_2328 {strides = array<i32>} : memref<128xi32, #tpu.memory_space<vmem>>, vector<16xi32>,
    %get3A_2331 = arith.constant 1 : i32
    %get3A_2332 = arith.index_cast %get3A_2331 : i32 to index
    %get3A_2333 = arith.constant 16 : index
    %get3A_2334 = tpu.vector_load %arg9[%get3A_2332, %get3A_2333] {strides = array<i32>} : memref<8x128xi32, #tpu.memory_space<vmem>>, vector<16xi32>,
    %swap3A_2335 = arith.constant 16 : index
    %swap3A_2336 = tpu.vector_load %arg14[%swap3A_2335] {strides = array<i32>} : memref<128xi32, #tpu.memory_space<vmem>>, vector<16xi32>,
    tpu.vector_store %arg14[%swap3A_2335], %get3A_2334 {strides = array<i32>} : memref<128xi32, #tpu.memory_space<vmem>>, vector<16xi32>,
    %get3A_2337 = arith.constant 1 : i32
    %get3A_2338 = arith.index_cast %get3A_2337 : i32 to index
    %get3A_2339 = arith.constant 32 : index
    %get3A_2340 = tpu.vector_load %arg9[%get3A_2338, %get3A_2339] {strides = array<i32>} : memref<8x128xi32, #tpu.memory_space<vmem>>, vector<16xi32>,
    %swap3A_2341 = arith.constant 32 : index
    %swap3A_2342 = tpu.vector_load %arg14[%swap3A_2341] {strides = array<i32>} : memref<128xi32, #tpu.memory_space<vmem>>, vector<16xi32>,
    tpu.vector_store %arg14[%swap3A_2341], %get3A_2340 {strides = array<i32>} : memref<128xi32, #tpu.memory_space<vmem>>, vector<16xi32>,
    %get3A_2343 = arith.constant 1 : i32
    %get3A_2344 = arith.index_cast %get3A_2343 : i32 to index
    %get3A_2345 = arith.constant 48 : index
    %get3A_2346 = tpu.vector_load %arg9[%get3A_2344, %get3A_2345] {strides = array<i32>} : memref<8x128xi32, #tpu.memory_space<vmem>>, vector<16xi32>,
    %swap3A_2347 = arith.constant 48 : index
    %swap3A_2348 = tpu.vector_load %arg14[%swap3A_2347] {strides = array<i32>} : memref<128xi32, #tpu.memory_space<vmem>>, vector<16xi32>,
    tpu.vector_store %arg14[%swap3A_2347], %get3A_2346 {strides = array<i32>} : memref<128xi32, #tpu.memory_space<vmem>>, vector<16xi32>,
    %get3A_2349 = arith.constant 1 : i32
    %get3A_2350 = arith.index_cast %get3A_2349 : i32 to index
    %get3A_2351 = arith.constant 64 : index
    %get3A_2352 = tpu.vector_load %arg9[%get3A_2350, %get3A_2351] {strides = array<i32>} : memref<8x128xi32, #tpu.memory_space<vmem>>, vector<16xi32>,
    %swap3A_2353 = arith.constant 64 : index
    %swap3A_2354 = tpu.vector_load %arg14[%swap3A_2353] {strides = array<i32>} : memref<128xi32, #tpu.memory_space<vmem>>, vector<16xi32>,
    tpu.vector_store %arg14[%swap3A_2353], %get3A_2352 {strides = array<i32>} : memref<128xi32, #tpu.memory_space<vmem>>, vector<16xi32>,
    %get3A_2355 = arith.constant 1 : i32
    %get3A_2356 = arith.index_cast %get3A_2355 : i32 to index
    %get3A_2357 = arith.constant 80 : index
    %get3A_2358 = tpu.vector_load %arg9[%get3A_2356, %get3A_2357] {strides = array<i32>} : memref<8x128xi32, #tpu.memory_space<vmem>>, vector<16xi32>,
    %swap3A_2359 = arith.constant 80 : index
    %swap3A_2360 = tpu.vector_load %arg14[%swap3A_2359] {strides = array<i32>} : memref<128xi32, #tpu.memory_space<vmem>>, vector<16xi32>,
    tpu.vector_store %arg14[%swap3A_2359], %get3A_2358 {strides = array<i32>} : memref<128xi32, #tpu.memory_space<vmem>>, vector<16xi32>,
    %get3A_2361 = arith.constant 1 : i32
    %get3A_2362 = arith.index_cast %get3A_2361 : i32 to index
    %get3A_2363 = arith.constant 96 : index
    %get3A_2364 = tpu.vector_load %arg9[%get3A_2362, %get3A_2363] {strides = array<i32>} : memref<8x128xi32, #tpu.memory_space<vmem>>, vector<16xi32>,
    %swap3A_2365 = arith.constant 96 : index
    %swap3A_2366 = tpu.vector_load %arg14[%swap3A_2365] {strides = array<i32>} : memref<128xi32, #tpu.memory_space<vmem>>, vector<16xi32>,
    tpu.vector_store %arg14[%swap3A_2365], %get3A_2364 {strides = array<i32>} : memref<128xi32, #tpu.memory_space<vmem>>, vector<16xi32>,
    %get3A_2367 = arith.constant 1 : i32
    %get3A_2368 = arith.index_cast %get3A_2367 : i32 to index
    %get3A_2369 = arith.constant 112 : index
    %get3A_2370 = tpu.vector_load %arg9[%get3A_2368, %get3A_2369] {strides = array<i32>} : memref<8x128xi32, #tpu.memory_space<vmem>>, vector<16xi32>,
    %swap3A_2371 = arith.constant 112 : index
    %swap3A_2372 = tpu.vector_load %arg14[%swap3A_2371] {strides = array<i32>} : memref<128xi32, #tpu.memory_space<vmem>>, vector<16xi32>,
    tpu.vector_store %arg14[%swap3A_2371], %get3A_2370 {strides = array<i32>} : memref<128xi32, #tpu.memory_space<vmem>>, vector<16xi32>,
    "tpu.region"() ({
      %run_scoped3A = tpu.sem_alloc : memref<!tpu.dma_semaphore, #tpu.memory_space<semaphore_mem>>
      %dma_start3A = arith.constant 0 : i32
      %dma_start3A_2675 = arith.constant 0 : i32
      %dma_start3A_2676 = tpu.memref_slice %arg7[%dma_start3A, %dma_start3A_2675] : memref<16384x64xf32, #tpu.memory_space<vmem_shared>> -> memref<16384x64xf32, #tpu.memory_space<vmem_shared>>
      tpu.enqueue_indirect_dma source(%dma_start3A_2676 : memref<16384x64xf32, #tpu.memory_space<vmem_shared>>) target(%arg11 : memref<128x64xf32, #tpu.memory_space<vmem>>) offsets(%arg14 : memref<128xi32, #tpu.memory_space<vmem>>) semaphore(%run_scoped3A : memref<!tpu.dma_semaphore, #tpu.memory_space<semaphore_mem>>)
      %dma_wait3A = arith.constant 0 : i32
      %dma_wait3A_2677 = arith.constant 0 : i32
      %dma_wait3A_2678 = tpu.memref_slice %arg7[%dma_wait3A, %dma_wait3A_2677] : memref<16384x64xf32, #tpu.memory_space<vmem_shared>> -> memref<16384x64xf32, #tpu.memory_space<vmem_shared>>
      tpu.wait_indirect_dma semaphore(%run_scoped3A : memref<!tpu.dma_semaphore, #tpu.memory_space<semaphore_mem>>) src(%dma_wait3A_2678 : memref<16384x64xf32, #tpu.memory_space<vmem_shared>>) dst(%arg11 : memref<128x64xf32, #tpu.memory_space<vmem>>)
      tpu.yield
    }) : () -> ()
    %add3A_2373 = arith.constant 128 : i32
    %add3A_2374 = arith.addi %mul3A_0, %add3A_2373 : i32
    "tpu.region"() ({
      %run_scoped3A = tpu.sem_alloc : memref<!tpu.dma_semaphore, #tpu.memory_space<semaphore_mem>>
      %dma_start3A = arith.constant 0 : i32
      %dma_start3A_2675 = tpu.memref_slice %arg5[%add3A_2374, %dma_start3A] : memref<16384x64xf32, #tpu.memory_space<hbm>> -> memref<128x64xf32, #tpu.memory_space<hbm>>
      %dma_start3A_2676 = arith.constant 0 : i32
      %dma_start3A_2677 = tpu.memref_slice %arg5[%add3A_2374, %dma_start3A_2676] : memref<16384x64xf32, #tpu.memory_space<hbm>> -> memref<128x64xf32, #tpu.memory_space<hbm>>
      tpu.enqueue_dma source(%arg11 : memref<128x64xf32, #tpu.memory_space<vmem>>) target(%dma_start3A_2677 : memref<128x64xf32, #tpu.memory_space<hbm>>) target_semaphore(%run_scoped3A : memref<!tpu.dma_semaphore, #tpu.memory_space<semaphore_mem>>)
      %dma_wait3A = arith.constant 0 : i32
      %dma_wait3A_2678 = tpu.memref_slice %arg5[%add3A_2374, %dma_wait3A] : memref<16384x64xf32, #tpu.memory_space<hbm>> -> memref<128x64xf32, #tpu.memory_space<hbm>>
      %dma_wait3A_2679 = arith.constant 0 : i32
      %dma_wait3A_2680 = tpu.memref_slice %arg5[%add3A_2374, %dma_wait3A_2679] : memref<16384x64xf32, #tpu.memory_space<hbm>> -> memref<128x64xf32, #tpu.memory_space<hbm>>
      tpu.wait_dma2 semaphore(%run_scoped3A : memref<!tpu.dma_semaphore, #tpu.memory_space<semaphore_mem>>) src(%arg11 : memref<128x64xf32, #tpu.memory_space<vmem>>) dst(%dma_wait3A_2680 : memref<128x64xf32, #tpu.memory_space<hbm>>)
      tpu.yield
    }) : () -> ()
    %get3A_2375 = arith.constant 2 : i32
    %get3A_2376 = arith.index_cast %get3A_2375 : i32 to index
    %get3A_2377 = arith.constant 0 : index
    %get3A_2378 = tpu.vector_load %arg9[%get3A_2376, %get3A_2377] {strides = array<i32>} : memref<8x128xi32, #tpu.memory_space<vmem>>, vector<16xi32>,
    %swap3A_2379 = arith.constant 0 : index
    %swap3A_2380 = tpu.vector_load %arg14[%swap3A_2379] {strides = array<i32>} : memref<128xi32, #tpu.memory_space<vmem>>, vector<16xi32>,
    tpu.vector_store %arg14[%swap3A_2379], %get3A_2378 {strides = array<i32>} : memref<128xi32, #tpu.memory_space<vmem>>, vector<16xi32>,
    %get3A_2381 = arith.constant 2 : i32
    %get3A_2382 = arith.index_cast %get3A_2381 : i32 to index
    %get3A_2383 = arith.constant 16 : index
    %get3A_2384 = tpu.vector_load %arg9[%get3A_2382, %get3A_2383] {strides = array<i32>} : memref<8x128xi32, #tpu.memory_space<vmem>>, vector<16xi32>,
    %swap3A_2385 = arith.constant 16 : index
    %swap3A_2386 = tpu.vector_load %arg14[%swap3A_2385] {strides = array<i32>} : memref<128xi32, #tpu.memory_space<vmem>>, vector<16xi32>,
    tpu.vector_store %arg14[%swap3A_2385], %get3A_2384 {strides = array<i32>} : memref<128xi32, #tpu.memory_space<vmem>>, vector<16xi32>,
    %get3A_2387 = arith.constant 2 : i32
    %get3A_2388 = arith.index_cast %get3A_2387 : i32 to index
    %get3A_2389 = arith.constant 32 : index
    %get3A_2390 = tpu.vector_load %arg9[%get3A_2388, %get3A_2389] {strides = array<i32>} : memref<8x128xi32, #tpu.memory_space<vmem>>, vector<16xi32>,
    %swap3A_2391 = arith.constant 32 : index
    %swap3A_2392 = tpu.vector_load %arg14[%swap3A_2391] {strides = array<i32>} : memref<128xi32, #tpu.memory_space<vmem>>, vector<16xi32>,
    tpu.vector_store %arg14[%swap3A_2391], %get3A_2390 {strides = array<i32>} : memref<128xi32, #tpu.memory_space<vmem>>, vector<16xi32>,
    %get3A_2393 = arith.constant 2 : i32
    %get3A_2394 = arith.index_cast %get3A_2393 : i32 to index
    %get3A_2395 = arith.constant 48 : index
    %get3A_2396 = tpu.vector_load %arg9[%get3A_2394, %get3A_2395] {strides = array<i32>} : memref<8x128xi32, #tpu.memory_space<vmem>>, vector<16xi32>,
    %swap3A_2397 = arith.constant 48 : index
    %swap3A_2398 = tpu.vector_load %arg14[%swap3A_2397] {strides = array<i32>} : memref<128xi32, #tpu.memory_space<vmem>>, vector<16xi32>,
    tpu.vector_store %arg14[%swap3A_2397], %get3A_2396 {strides = array<i32>} : memref<128xi32, #tpu.memory_space<vmem>>, vector<16xi32>,
    %get3A_2399 = arith.constant 2 : i32
    %get3A_2400 = arith.index_cast %get3A_2399 : i32 to index
    %get3A_2401 = arith.constant 64 : index
    %get3A_2402 = tpu.vector_load %arg9[%get3A_2400, %get3A_2401] {strides = array<i32>} : memref<8x128xi32, #tpu.memory_space<vmem>>, vector<16xi32>,
    %swap3A_2403 = arith.constant 64 : index
    %swap3A_2404 = tpu.vector_load %arg14[%swap3A_2403] {strides = array<i32>} : memref<128xi32, #tpu.memory_space<vmem>>, vector<16xi32>,
    tpu.vector_store %arg14[%swap3A_2403], %get3A_2402 {strides = array<i32>} : memref<128xi32, #tpu.memory_space<vmem>>, vector<16xi32>,
    %get3A_2405 = arith.constant 2 : i32
    %get3A_2406 = arith.index_cast %get3A_2405 : i32 to index
    %get3A_2407 = arith.constant 80 : index
    %get3A_2408 = tpu.vector_load %arg9[%get3A_2406, %get3A_2407] {strides = array<i32>} : memref<8x128xi32, #tpu.memory_space<vmem>>, vector<16xi32>,
    %swap3A_2409 = arith.constant 80 : index
    %swap3A_2410 = tpu.vector_load %arg14[%swap3A_2409] {strides = array<i32>} : memref<128xi32, #tpu.memory_space<vmem>>, vector<16xi32>,
    tpu.vector_store %arg14[%swap3A_2409], %get3A_2408 {strides = array<i32>} : memref<128xi32, #tpu.memory_space<vmem>>, vector<16xi32>,
    %get3A_2411 = arith.constant 2 : i32
    %get3A_2412 = arith.index_cast %get3A_2411 : i32 to index
    %get3A_2413 = arith.constant 96 : index
    %get3A_2414 = tpu.vector_load %arg9[%get3A_2412, %get3A_2413] {strides = array<i32>} : memref<8x128xi32, #tpu.memory_space<vmem>>, vector<16xi32>,
    %swap3A_2415 = arith.constant 96 : index
    %swap3A_2416 = tpu.vector_load %arg14[%swap3A_2415] {strides = array<i32>} : memref<128xi32, #tpu.memory_space<vmem>>, vector<16xi32>,
    tpu.vector_store %arg14[%swap3A_2415], %get3A_2414 {strides = array<i32>} : memref<128xi32, #tpu.memory_space<vmem>>, vector<16xi32>,
    %get3A_2417 = arith.constant 2 : i32
    %get3A_2418 = arith.index_cast %get3A_2417 : i32 to index
    %get3A_2419 = arith.constant 112 : index
    %get3A_2420 = tpu.vector_load %arg9[%get3A_2418, %get3A_2419] {strides = array<i32>} : memref<8x128xi32, #tpu.memory_space<vmem>>, vector<16xi32>,
    %swap3A_2421 = arith.constant 112 : index
    %swap3A_2422 = tpu.vector_load %arg14[%swap3A_2421] {strides = array<i32>} : memref<128xi32, #tpu.memory_space<vmem>>, vector<16xi32>,
    tpu.vector_store %arg14[%swap3A_2421], %get3A_2420 {strides = array<i32>} : memref<128xi32, #tpu.memory_space<vmem>>, vector<16xi32>,
    "tpu.region"() ({
      %run_scoped3A = tpu.sem_alloc : memref<!tpu.dma_semaphore, #tpu.memory_space<semaphore_mem>>
      %dma_start3A = arith.constant 0 : i32
      %dma_start3A_2675 = arith.constant 0 : i32
      %dma_start3A_2676 = tpu.memref_slice %arg7[%dma_start3A, %dma_start3A_2675] : memref<16384x64xf32, #tpu.memory_space<vmem_shared>> -> memref<16384x64xf32, #tpu.memory_space<vmem_shared>>
      tpu.enqueue_indirect_dma source(%dma_start3A_2676 : memref<16384x64xf32, #tpu.memory_space<vmem_shared>>) target(%arg11 : memref<128x64xf32, #tpu.memory_space<vmem>>) offsets(%arg14 : memref<128xi32, #tpu.memory_space<vmem>>) semaphore(%run_scoped3A : memref<!tpu.dma_semaphore, #tpu.memory_space<semaphore_mem>>)
      %dma_wait3A = arith.constant 0 : i32
      %dma_wait3A_2677 = arith.constant 0 : i32
      %dma_wait3A_2678 = tpu.memref_slice %arg7[%dma_wait3A, %dma_wait3A_2677] : memref<16384x64xf32, #tpu.memory_space<vmem_shared>> -> memref<16384x64xf32, #tpu.memory_space<vmem_shared>>
      tpu.wait_indirect_dma semaphore(%run_scoped3A : memref<!tpu.dma_semaphore, #tpu.memory_space<semaphore_mem>>) src(%dma_wait3A_2678 : memref<16384x64xf32, #tpu.memory_space<vmem_shared>>) dst(%arg11 : memref<128x64xf32, #tpu.memory_space<vmem>>)
      tpu.yield
    }) : () -> ()
    %add3A_2423 = arith.constant 256 : i32
    %add3A_2424 = arith.addi %mul3A_0, %add3A_2423 : i32
    "tpu.region"() ({
      %run_scoped3A = tpu.sem_alloc : memref<!tpu.dma_semaphore, #tpu.memory_space<semaphore_mem>>
      %dma_start3A = arith.constant 0 : i32
      %dma_start3A_2675 = tpu.memref_slice %arg5[%add3A_2424, %dma_start3A] : memref<16384x64xf32, #tpu.memory_space<hbm>> -> memref<128x64xf32, #tpu.memory_space<hbm>>
      %dma_start3A_2676 = arith.constant 0 : i32
      %dma_start3A_2677 = tpu.memref_slice %arg5[%add3A_2424, %dma_start3A_2676] : memref<16384x64xf32, #tpu.memory_space<hbm>> -> memref<128x64xf32, #tpu.memory_space<hbm>>
      tpu.enqueue_dma source(%arg11 : memref<128x64xf32, #tpu.memory_space<vmem>>) target(%dma_start3A_2677 : memref<128x64xf32, #tpu.memory_space<hbm>>) target_semaphore(%run_scoped3A : memref<!tpu.dma_semaphore, #tpu.memory_space<semaphore_mem>>)
      %dma_wait3A = arith.constant 0 : i32
      %dma_wait3A_2678 = tpu.memref_slice %arg5[%add3A_2424, %dma_wait3A] : memref<16384x64xf32, #tpu.memory_space<hbm>> -> memref<128x64xf32, #tpu.memory_space<hbm>>
      %dma_wait3A_2679 = arith.constant 0 : i32
      %dma_wait3A_2680 = tpu.memref_slice %arg5[%add3A_2424, %dma_wait3A_2679] : memref<16384x64xf32, #tpu.memory_space<hbm>> -> memref<128x64xf32, #tpu.memory_space<hbm>>
      tpu.wait_dma2 semaphore(%run_scoped3A : memref<!tpu.dma_semaphore, #tpu.memory_space<semaphore_mem>>) src(%arg11 : memref<128x64xf32, #tpu.memory_space<vmem>>) dst(%dma_wait3A_2680 : memref<128x64xf32, #tpu.memory_space<hbm>>)
      tpu.yield
    }) : () -> ()
    %get3A_2425 = arith.constant 3 : i32
    %get3A_2426 = arith.index_cast %get3A_2425 : i32 to index
    %get3A_2427 = arith.constant 0 : index
    %get3A_2428 = tpu.vector_load %arg9[%get3A_2426, %get3A_2427] {strides = array<i32>} : memref<8x128xi32, #tpu.memory_space<vmem>>, vector<16xi32>,
    %swap3A_2429 = arith.constant 0 : index
    %swap3A_2430 = tpu.vector_load %arg14[%swap3A_2429] {strides = array<i32>} : memref<128xi32, #tpu.memory_space<vmem>>, vector<16xi32>,
    tpu.vector_store %arg14[%swap3A_2429], %get3A_2428 {strides = array<i32>} : memref<128xi32, #tpu.memory_space<vmem>>, vector<16xi32>,
    %get3A_2431 = arith.constant 3 : i32
    %get3A_2432 = arith.index_cast %get3A_2431 : i32 to index
    %get3A_2433 = arith.constant 16 : index
    %get3A_2434 = tpu.vector_load %arg9[%get3A_2432, %get3A_2433] {strides = array<i32>} : memref<8x128xi32, #tpu.memory_space<vmem>>, vector<16xi32>,
    %swap3A_2435 = arith.constant 16 : index
    %swap3A_2436 = tpu.vector_load %arg14[%swap3A_2435] {strides = array<i32>} : memref<128xi32, #tpu.memory_space<vmem>>, vector<16xi32>,
    tpu.vector_store %arg14[%swap3A_2435], %get3A_2434 {strides = array<i32>} : memref<128xi32, #tpu.memory_space<vmem>>, vector<16xi32>,
    %get3A_2437 = arith.constant 3 : i32
    %get3A_2438 = arith.index_cast %get3A_2437 : i32 to index
    %get3A_2439 = arith.constant 32 : index
    %get3A_2440 = tpu.vector_load %arg9[%get3A_2438, %get3A_2439] {strides = array<i32>} : memref<8x128xi32, #tpu.memory_space<vmem>>, vector<16xi32>,
    %swap3A_2441 = arith.constant 32 : index
    %swap3A_2442 = tpu.vector_load %arg14[%swap3A_2441] {strides = array<i32>} : memref<128xi32, #tpu.memory_space<vmem>>, vector<16xi32>,
    tpu.vector_store %arg14[%swap3A_2441], %get3A_2440 {strides = array<i32>} : memref<128xi32, #tpu.memory_space<vmem>>, vector<16xi32>,
    %get3A_2443 = arith.constant 3 : i32
    %get3A_2444 = arith.index_cast %get3A_2443 : i32 to index
    %get3A_2445 = arith.constant 48 : index
    %get3A_2446 = tpu.vector_load %arg9[%get3A_2444, %get3A_2445] {strides = array<i32>} : memref<8x128xi32, #tpu.memory_space<vmem>>, vector<16xi32>,
    %swap3A_2447 = arith.constant 48 : index
    %swap3A_2448 = tpu.vector_load %arg14[%swap3A_2447] {strides = array<i32>} : memref<128xi32, #tpu.memory_space<vmem>>, vector<16xi32>,
    tpu.vector_store %arg14[%swap3A_2447], %get3A_2446 {strides = array<i32>} : memref<128xi32, #tpu.memory_space<vmem>>, vector<16xi32>,
    %get3A_2449 = arith.constant 3 : i32
    %get3A_2450 = arith.index_cast %get3A_2449 : i32 to index
    %get3A_2451 = arith.constant 64 : index
    %get3A_2452 = tpu.vector_load %arg9[%get3A_2450, %get3A_2451] {strides = array<i32>} : memref<8x128xi32, #tpu.memory_space<vmem>>, vector<16xi32>,
    %swap3A_2453 = arith.constant 64 : index
    %swap3A_2454 = tpu.vector_load %arg14[%swap3A_2453] {strides = array<i32>} : memref<128xi32, #tpu.memory_space<vmem>>, vector<16xi32>,
    tpu.vector_store %arg14[%swap3A_2453], %get3A_2452 {strides = array<i32>} : memref<128xi32, #tpu.memory_space<vmem>>, vector<16xi32>,
    %get3A_2455 = arith.constant 3 : i32
    %get3A_2456 = arith.index_cast %get3A_2455 : i32 to index
    %get3A_2457 = arith.constant 80 : index
    %get3A_2458 = tpu.vector_load %arg9[%get3A_2456, %get3A_2457] {strides = array<i32>} : memref<8x128xi32, #tpu.memory_space<vmem>>, vector<16xi32>,
    %swap3A_2459 = arith.constant 80 : index
    %swap3A_2460 = tpu.vector_load %arg14[%swap3A_2459] {strides = array<i32>} : memref<128xi32, #tpu.memory_space<vmem>>, vector<16xi32>,
    tpu.vector_store %arg14[%swap3A_2459], %get3A_2458 {strides = array<i32>} : memref<128xi32, #tpu.memory_space<vmem>>, vector<16xi32>,
    %get3A_2461 = arith.constant 3 : i32
    %get3A_2462 = arith.index_cast %get3A_2461 : i32 to index
    %get3A_2463 = arith.constant 96 : index
    %get3A_2464 = tpu.vector_load %arg9[%get3A_2462, %get3A_2463] {strides = array<i32>} : memref<8x128xi32, #tpu.memory_space<vmem>>, vector<16xi32>,
    %swap3A_2465 = arith.constant 96 : index
    %swap3A_2466 = tpu.vector_load %arg14[%swap3A_2465] {strides = array<i32>} : memref<128xi32, #tpu.memory_space<vmem>>, vector<16xi32>,
    tpu.vector_store %arg14[%swap3A_2465], %get3A_2464 {strides = array<i32>} : memref<128xi32, #tpu.memory_space<vmem>>, vector<16xi32>,
    %get3A_2467 = arith.constant 3 : i32
    %get3A_2468 = arith.index_cast %get3A_2467 : i32 to index
    %get3A_2469 = arith.constant 112 : index
    %get3A_2470 = tpu.vector_load %arg9[%get3A_2468, %get3A_2469] {strides = array<i32>} : memref<8x128xi32, #tpu.memory_space<vmem>>, vector<16xi32>,
    %swap3A_2471 = arith.constant 112 : index
    %swap3A_2472 = tpu.vector_load %arg14[%swap3A_2471] {strides = array<i32>} : memref<128xi32, #tpu.memory_space<vmem>>, vector<16xi32>,
    tpu.vector_store %arg14[%swap3A_2471], %get3A_2470 {strides = array<i32>} : memref<128xi32, #tpu.memory_space<vmem>>, vector<16xi32>,
    "tpu.region"() ({
      %run_scoped3A = tpu.sem_alloc : memref<!tpu.dma_semaphore, #tpu.memory_space<semaphore_mem>>
      %dma_start3A = arith.constant 0 : i32
      %dma_start3A_2675 = arith.constant 0 : i32
      %dma_start3A_2676 = tpu.memref_slice %arg7[%dma_start3A, %dma_start3A_2675] : memref<16384x64xf32, #tpu.memory_space<vmem_shared>> -> memref<16384x64xf32, #tpu.memory_space<vmem_shared>>
      tpu.enqueue_indirect_dma source(%dma_start3A_2676 : memref<16384x64xf32, #tpu.memory_space<vmem_shared>>) target(%arg11 : memref<128x64xf32, #tpu.memory_space<vmem>>) offsets(%arg14 : memref<128xi32, #tpu.memory_space<vmem>>) semaphore(%run_scoped3A : memref<!tpu.dma_semaphore, #tpu.memory_space<semaphore_mem>>)
      %dma_wait3A = arith.constant 0 : i32
      %dma_wait3A_2677 = arith.constant 0 : i32
      %dma_wait3A_2678 = tpu.memref_slice %arg7[%dma_wait3A, %dma_wait3A_2677] : memref<16384x64xf32, #tpu.memory_space<vmem_shared>> -> memref<16384x64xf32, #tpu.memory_space<vmem_shared>>
      tpu.wait_indirect_dma semaphore(%run_scoped3A : memref<!tpu.dma_semaphore, #tpu.memory_space<semaphore_mem>>) src(%dma_wait3A_2678 : memref<16384x64xf32, #tpu.memory_space<vmem_shared>>) dst(%arg11 : memref<128x64xf32, #tpu.memory_space<vmem>>)
      tpu.yield
    }) : () -> ()
    %add3A_2473 = arith.constant 384 : i32
    %add3A_2474 = arith.addi %mul3A_0, %add3A_2473 : i32
    "tpu.region"() ({
      %run_scoped3A = tpu.sem_alloc : memref<!tpu.dma_semaphore, #tpu.memory_space<semaphore_mem>>
      %dma_start3A = arith.constant 0 : i32
      %dma_start3A_2675 = tpu.memref_slice %arg5[%add3A_2474, %dma_start3A] : memref<16384x64xf32, #tpu.memory_space<hbm>> -> memref<128x64xf32, #tpu.memory_space<hbm>>
      %dma_start3A_2676 = arith.constant 0 : i32
      %dma_start3A_2677 = tpu.memref_slice %arg5[%add3A_2474, %dma_start3A_2676] : memref<16384x64xf32, #tpu.memory_space<hbm>> -> memref<128x64xf32, #tpu.memory_space<hbm>>
      tpu.enqueue_dma source(%arg11 : memref<128x64xf32, #tpu.memory_space<vmem>>) target(%dma_start3A_2677 : memref<128x64xf32, #tpu.memory_space<hbm>>) target_semaphore(%run_scoped3A : memref<!tpu.dma_semaphore, #tpu.memory_space<semaphore_mem>>)
      %dma_wait3A = arith.constant 0 : i32
      %dma_wait3A_2678 = tpu.memref_slice %arg5[%add3A_2474, %dma_wait3A] : memref<16384x64xf32, #tpu.memory_space<hbm>> -> memref<128x64xf32, #tpu.memory_space<hbm>>
      %dma_wait3A_2679 = arith.constant 0 : i32
      %dma_wait3A_2680 = tpu.memref_slice %arg5[%add3A_2474, %dma_wait3A_2679] : memref<16384x64xf32, #tpu.memory_space<hbm>> -> memref<128x64xf32, #tpu.memory_space<hbm>>
      tpu.wait_dma2 semaphore(%run_scoped3A : memref<!tpu.dma_semaphore, #tpu.memory_space<semaphore_mem>>) src(%arg11 : memref<128x64xf32, #tpu.memory_space<vmem>>) dst(%dma_wait3A_2680 : memref<128x64xf32, #tpu.memory_space<hbm>>)
      tpu.yield
    }) : () -> ()
    %get3A_2475 = arith.constant 4 : i32
    %get3A_2476 = arith.index_cast %get3A_2475 : i32 to index
    %get3A_2477 = arith.constant 0 : index
    %get3A_2478 = tpu.vector_load %arg9[%get3A_2476, %get3A_2477] {strides = array<i32>} : memref<8x128xi32, #tpu.memory_space<vmem>>, vector<16xi32>,
    %swap3A_2479 = arith.constant 0 : index
    %swap3A_2480 = tpu.vector_load %arg14[%swap3A_2479] {strides = array<i32>} : memref<128xi32, #tpu.memory_space<vmem>>, vector<16xi32>,
    tpu.vector_store %arg14[%swap3A_2479], %get3A_2478 {strides = array<i32>} : memref<128xi32, #tpu.memory_space<vmem>>, vector<16xi32>,
    %get3A_2481 = arith.constant 4 : i32
    %get3A_2482 = arith.index_cast %get3A_2481 : i32 to index
    %get3A_2483 = arith.constant 16 : index
    %get3A_2484 = tpu.vector_load %arg9[%get3A_2482, %get3A_2483] {strides = array<i32>} : memref<8x128xi32, #tpu.memory_space<vmem>>, vector<16xi32>,
    %swap3A_2485 = arith.constant 16 : index
    %swap3A_2486 = tpu.vector_load %arg14[%swap3A_2485] {strides = array<i32>} : memref<128xi32, #tpu.memory_space<vmem>>, vector<16xi32>,
    tpu.vector_store %arg14[%swap3A_2485], %get3A_2484 {strides = array<i32>} : memref<128xi32, #tpu.memory_space<vmem>>, vector<16xi32>,
    %get3A_2487 = arith.constant 4 : i32
    %get3A_2488 = arith.index_cast %get3A_2487 : i32 to index
    %get3A_2489 = arith.constant 32 : index
    %get3A_2490 = tpu.vector_load %arg9[%get3A_2488, %get3A_2489] {strides = array<i32>} : memref<8x128xi32, #tpu.memory_space<vmem>>, vector<16xi32>,
    %swap3A_2491 = arith.constant 32 : index
    %swap3A_2492 = tpu.vector_load %arg14[%swap3A_2491] {strides = array<i32>} : memref<128xi32, #tpu.memory_space<vmem>>, vector<16xi32>,
    tpu.vector_store %arg14[%swap3A_2491], %get3A_2490 {strides = array<i32>} : memref<128xi32, #tpu.memory_space<vmem>>, vector<16xi32>,
    %get3A_2493 = arith.constant 4 : i32
    %get3A_2494 = arith.index_cast %get3A_2493 : i32 to index
    %get3A_2495 = arith.constant 48 : index
    %get3A_2496 = tpu.vector_load %arg9[%get3A_2494, %get3A_2495] {strides = array<i32>} : memref<8x128xi32, #tpu.memory_space<vmem>>, vector<16xi32>,
    %swap3A_2497 = arith.constant 48 : index
    %swap3A_2498 = tpu.vector_load %arg14[%swap3A_2497] {strides = array<i32>} : memref<128xi32, #tpu.memory_space<vmem>>, vector<16xi32>,
    tpu.vector_store %arg14[%swap3A_2497], %get3A_2496 {strides = array<i32>} : memref<128xi32, #tpu.memory_space<vmem>>, vector<16xi32>,
    %get3A_2499 = arith.constant 4 : i32
    %get3A_2500 = arith.index_cast %get3A_2499 : i32 to index
    %get3A_2501 = arith.constant 64 : index
    %get3A_2502 = tpu.vector_load %arg9[%get3A_2500, %get3A_2501] {strides = array<i32>} : memref<8x128xi32, #tpu.memory_space<vmem>>, vector<16xi32>,
    %swap3A_2503 = arith.constant 64 : index
    %swap3A_2504 = tpu.vector_load %arg14[%swap3A_2503] {strides = array<i32>} : memref<128xi32, #tpu.memory_space<vmem>>, vector<16xi32>,
    tpu.vector_store %arg14[%swap3A_2503], %get3A_2502 {strides = array<i32>} : memref<128xi32, #tpu.memory_space<vmem>>, vector<16xi32>,
    %get3A_2505 = arith.constant 4 : i32
    %get3A_2506 = arith.index_cast %get3A_2505 : i32 to index
    %get3A_2507 = arith.constant 80 : index
    %get3A_2508 = tpu.vector_load %arg9[%get3A_2506, %get3A_2507] {strides = array<i32>} : memref<8x128xi32, #tpu.memory_space<vmem>>, vector<16xi32>,
    %swap3A_2509 = arith.constant 80 : index
    %swap3A_2510 = tpu.vector_load %arg14[%swap3A_2509] {strides = array<i32>} : memref<128xi32, #tpu.memory_space<vmem>>, vector<16xi32>,
    tpu.vector_store %arg14[%swap3A_2509], %get3A_2508 {strides = array<i32>} : memref<128xi32, #tpu.memory_space<vmem>>, vector<16xi32>,
    %get3A_2511 = arith.constant 4 : i32
    %get3A_2512 = arith.index_cast %get3A_2511 : i32 to index
    %get3A_2513 = arith.constant 96 : index
    %get3A_2514 = tpu.vector_load %arg9[%get3A_2512, %get3A_2513] {strides = array<i32>} : memref<8x128xi32, #tpu.memory_space<vmem>>, vector<16xi32>,
    %swap3A_2515 = arith.constant 96 : index
    %swap3A_2516 = tpu.vector_load %arg14[%swap3A_2515] {strides = array<i32>} : memref<128xi32, #tpu.memory_space<vmem>>, vector<16xi32>,
    tpu.vector_store %arg14[%swap3A_2515], %get3A_2514 {strides = array<i32>} : memref<128xi32, #tpu.memory_space<vmem>>, vector<16xi32>,
    %get3A_2517 = arith.constant 4 : i32
    %get3A_2518 = arith.index_cast %get3A_2517 : i32 to index
    %get3A_2519 = arith.constant 112 : index
    %get3A_2520 = tpu.vector_load %arg9[%get3A_2518, %get3A_2519] {strides = array<i32>} : memref<8x128xi32, #tpu.memory_space<vmem>>, vector<16xi32>,
    %swap3A_2521 = arith.constant 112 : index
    %swap3A_2522 = tpu.vector_load %arg14[%swap3A_2521] {strides = array<i32>} : memref<128xi32, #tpu.memory_space<vmem>>, vector<16xi32>,
    tpu.vector_store %arg14[%swap3A_2521], %get3A_2520 {strides = array<i32>} : memref<128xi32, #tpu.memory_space<vmem>>, vector<16xi32>,
    "tpu.region"() ({
      %run_scoped3A = tpu.sem_alloc : memref<!tpu.dma_semaphore, #tpu.memory_space<semaphore_mem>>
      %dma_start3A = arith.constant 0 : i32
      %dma_start3A_2675 = arith.constant 0 : i32
      %dma_start3A_2676 = tpu.memref_slice %arg7[%dma_start3A, %dma_start3A_2675] : memref<16384x64xf32, #tpu.memory_space<vmem_shared>> -> memref<16384x64xf32, #tpu.memory_space<vmem_shared>>
      tpu.enqueue_indirect_dma source(%dma_start3A_2676 : memref<16384x64xf32, #tpu.memory_space<vmem_shared>>) target(%arg11 : memref<128x64xf32, #tpu.memory_space<vmem>>) offsets(%arg14 : memref<128xi32, #tpu.memory_space<vmem>>) semaphore(%run_scoped3A : memref<!tpu.dma_semaphore, #tpu.memory_space<semaphore_mem>>)
      %dma_wait3A = arith.constant 0 : i32
      %dma_wait3A_2677 = arith.constant 0 : i32
      %dma_wait3A_2678 = tpu.memref_slice %arg7[%dma_wait3A, %dma_wait3A_2677] : memref<16384x64xf32, #tpu.memory_space<vmem_shared>> -> memref<16384x64xf32, #tpu.memory_space<vmem_shared>>
      tpu.wait_indirect_dma semaphore(%run_scoped3A : memref<!tpu.dma_semaphore, #tpu.memory_space<semaphore_mem>>) src(%dma_wait3A_2678 : memref<16384x64xf32, #tpu.memory_space<vmem_shared>>) dst(%arg11 : memref<128x64xf32, #tpu.memory_space<vmem>>)
      tpu.yield
    }) : () -> ()
    %add3A_2523 = arith.constant 512 : i32
    %add3A_2524 = arith.addi %mul3A_0, %add3A_2523 : i32
    "tpu.region"() ({
      %run_scoped3A = tpu.sem_alloc : memref<!tpu.dma_semaphore, #tpu.memory_space<semaphore_mem>>
      %dma_start3A = arith.constant 0 : i32
      %dma_start3A_2675 = tpu.memref_slice %arg5[%add3A_2524, %dma_start3A] : memref<16384x64xf32, #tpu.memory_space<hbm>> -> memref<128x64xf32, #tpu.memory_space<hbm>>
      %dma_start3A_2676 = arith.constant 0 : i32
      %dma_start3A_2677 = tpu.memref_slice %arg5[%add3A_2524, %dma_start3A_2676] : memref<16384x64xf32, #tpu.memory_space<hbm>> -> memref<128x64xf32, #tpu.memory_space<hbm>>
      tpu.enqueue_dma source(%arg11 : memref<128x64xf32, #tpu.memory_space<vmem>>) target(%dma_start3A_2677 : memref<128x64xf32, #tpu.memory_space<hbm>>) target_semaphore(%run_scoped3A : memref<!tpu.dma_semaphore, #tpu.memory_space<semaphore_mem>>)
      %dma_wait3A = arith.constant 0 : i32
      %dma_wait3A_2678 = tpu.memref_slice %arg5[%add3A_2524, %dma_wait3A] : memref<16384x64xf32, #tpu.memory_space<hbm>> -> memref<128x64xf32, #tpu.memory_space<hbm>>
      %dma_wait3A_2679 = arith.constant 0 : i32
      %dma_wait3A_2680 = tpu.memref_slice %arg5[%add3A_2524, %dma_wait3A_2679] : memref<16384x64xf32, #tpu.memory_space<hbm>> -> memref<128x64xf32, #tpu.memory_space<hbm>>
      tpu.wait_dma2 semaphore(%run_scoped3A : memref<!tpu.dma_semaphore, #tpu.memory_space<semaphore_mem>>) src(%arg11 : memref<128x64xf32, #tpu.memory_space<vmem>>) dst(%dma_wait3A_2680 : memref<128x64xf32, #tpu.memory_space<hbm>>)
      tpu.yield
    }) : () -> ()
    %get3A_2525 = arith.constant 5 : i32
    %get3A_2526 = arith.index_cast %get3A_2525 : i32 to index
    %get3A_2527 = arith.constant 0 : index
    %get3A_2528 = tpu.vector_load %arg9[%get3A_2526, %get3A_2527] {strides = array<i32>} : memref<8x128xi32, #tpu.memory_space<vmem>>, vector<16xi32>,
    %swap3A_2529 = arith.constant 0 : index
    %swap3A_2530 = tpu.vector_load %arg14[%swap3A_2529] {strides = array<i32>} : memref<128xi32, #tpu.memory_space<vmem>>, vector<16xi32>,
    tpu.vector_store %arg14[%swap3A_2529], %get3A_2528 {strides = array<i32>} : memref<128xi32, #tpu.memory_space<vmem>>, vector<16xi32>,
    %get3A_2531 = arith.constant 5 : i32
    %get3A_2532 = arith.index_cast %get3A_2531 : i32 to index
    %get3A_2533 = arith.constant 16 : index
    %get3A_2534 = tpu.vector_load %arg9[%get3A_2532, %get3A_2533] {strides = array<i32>} : memref<8x128xi32, #tpu.memory_space<vmem>>, vector<16xi32>,
    %swap3A_2535 = arith.constant 16 : index
    %swap3A_2536 = tpu.vector_load %arg14[%swap3A_2535] {strides = array<i32>} : memref<128xi32, #tpu.memory_space<vmem>>, vector<16xi32>,
    tpu.vector_store %arg14[%swap3A_2535], %get3A_2534 {strides = array<i32>} : memref<128xi32, #tpu.memory_space<vmem>>, vector<16xi32>,
    %get3A_2537 = arith.constant 5 : i32
    %get3A_2538 = arith.index_cast %get3A_2537 : i32 to index
    %get3A_2539 = arith.constant 32 : index
    %get3A_2540 = tpu.vector_load %arg9[%get3A_2538, %get3A_2539] {strides = array<i32>} : memref<8x128xi32, #tpu.memory_space<vmem>>, vector<16xi32>,
    %swap3A_2541 = arith.constant 32 : index
    %swap3A_2542 = tpu.vector_load %arg14[%swap3A_2541] {strides = array<i32>} : memref<128xi32, #tpu.memory_space<vmem>>, vector<16xi32>,
    tpu.vector_store %arg14[%swap3A_2541], %get3A_2540 {strides = array<i32>} : memref<128xi32, #tpu.memory_space<vmem>>, vector<16xi32>,
    %get3A_2543 = arith.constant 5 : i32
    %get3A_2544 = arith.index_cast %get3A_2543 : i32 to index
    %get3A_2545 = arith.constant 48 : index
    %get3A_2546 = tpu.vector_load %arg9[%get3A_2544, %get3A_2545] {strides = array<i32>} : memref<8x128xi32, #tpu.memory_space<vmem>>, vector<16xi32>,
    %swap3A_2547 = arith.constant 48 : index
    %swap3A_2548 = tpu.vector_load %arg14[%swap3A_2547] {strides = array<i32>} : memref<128xi32, #tpu.memory_space<vmem>>, vector<16xi32>,
    tpu.vector_store %arg14[%swap3A_2547], %get3A_2546 {strides = array<i32>} : memref<128xi32, #tpu.memory_space<vmem>>, vector<16xi32>,
    %get3A_2549 = arith.constant 5 : i32
    %get3A_2550 = arith.index_cast %get3A_2549 : i32 to index
    %get3A_2551 = arith.constant 64 : index
    %get3A_2552 = tpu.vector_load %arg9[%get3A_2550, %get3A_2551] {strides = array<i32>} : memref<8x128xi32, #tpu.memory_space<vmem>>, vector<16xi32>,
    %swap3A_2553 = arith.constant 64 : index
    %swap3A_2554 = tpu.vector_load %arg14[%swap3A_2553] {strides = array<i32>} : memref<128xi32, #tpu.memory_space<vmem>>, vector<16xi32>,
    tpu.vector_store %arg14[%swap3A_2553], %get3A_2552 {strides = array<i32>} : memref<128xi32, #tpu.memory_space<vmem>>, vector<16xi32>,
    %get3A_2555 = arith.constant 5 : i32
    %get3A_2556 = arith.index_cast %get3A_2555 : i32 to index
    %get3A_2557 = arith.constant 80 : index
    %get3A_2558 = tpu.vector_load %arg9[%get3A_2556, %get3A_2557] {strides = array<i32>} : memref<8x128xi32, #tpu.memory_space<vmem>>, vector<16xi32>,
    %swap3A_2559 = arith.constant 80 : index
    %swap3A_2560 = tpu.vector_load %arg14[%swap3A_2559] {strides = array<i32>} : memref<128xi32, #tpu.memory_space<vmem>>, vector<16xi32>,
    tpu.vector_store %arg14[%swap3A_2559], %get3A_2558 {strides = array<i32>} : memref<128xi32, #tpu.memory_space<vmem>>, vector<16xi32>,
    %get3A_2561 = arith.constant 5 : i32
    %get3A_2562 = arith.index_cast %get3A_2561 : i32 to index
    %get3A_2563 = arith.constant 96 : index
    %get3A_2564 = tpu.vector_load %arg9[%get3A_2562, %get3A_2563] {strides = array<i32>} : memref<8x128xi32, #tpu.memory_space<vmem>>, vector<16xi32>,
    %swap3A_2565 = arith.constant 96 : index
    %swap3A_2566 = tpu.vector_load %arg14[%swap3A_2565] {strides = array<i32>} : memref<128xi32, #tpu.memory_space<vmem>>, vector<16xi32>,
    tpu.vector_store %arg14[%swap3A_2565], %get3A_2564 {strides = array<i32>} : memref<128xi32, #tpu.memory_space<vmem>>, vector<16xi32>,
    %get3A_2567 = arith.constant 5 : i32
    %get3A_2568 = arith.index_cast %get3A_2567 : i32 to index
    %get3A_2569 = arith.constant 112 : index
    %get3A_2570 = tpu.vector_load %arg9[%get3A_2568, %get3A_2569] {strides = array<i32>} : memref<8x128xi32, #tpu.memory_space<vmem>>, vector<16xi32>,
    %swap3A_2571 = arith.constant 112 : index
    %swap3A_2572 = tpu.vector_load %arg14[%swap3A_2571] {strides = array<i32>} : memref<128xi32, #tpu.memory_space<vmem>>, vector<16xi32>,
    tpu.vector_store %arg14[%swap3A_2571], %get3A_2570 {strides = array<i32>} : memref<128xi32, #tpu.memory_space<vmem>>, vector<16xi32>,
    "tpu.region"() ({
      %run_scoped3A = tpu.sem_alloc : memref<!tpu.dma_semaphore, #tpu.memory_space<semaphore_mem>>
      %dma_start3A = arith.constant 0 : i32
      %dma_start3A_2675 = arith.constant 0 : i32
      %dma_start3A_2676 = tpu.memref_slice %arg7[%dma_start3A, %dma_start3A_2675] : memref<16384x64xf32, #tpu.memory_space<vmem_shared>> -> memref<16384x64xf32, #tpu.memory_space<vmem_shared>>
      tpu.enqueue_indirect_dma source(%dma_start3A_2676 : memref<16384x64xf32, #tpu.memory_space<vmem_shared>>) target(%arg11 : memref<128x64xf32, #tpu.memory_space<vmem>>) offsets(%arg14 : memref<128xi32, #tpu.memory_space<vmem>>) semaphore(%run_scoped3A : memref<!tpu.dma_semaphore, #tpu.memory_space<semaphore_mem>>)
      %dma_wait3A = arith.constant 0 : i32
      %dma_wait3A_2677 = arith.constant 0 : i32
      %dma_wait3A_2678 = tpu.memref_slice %arg7[%dma_wait3A, %dma_wait3A_2677] : memref<16384x64xf32, #tpu.memory_space<vmem_shared>> -> memref<16384x64xf32, #tpu.memory_space<vmem_shared>>
      tpu.wait_indirect_dma semaphore(%run_scoped3A : memref<!tpu.dma_semaphore, #tpu.memory_space<semaphore_mem>>) src(%dma_wait3A_2678 : memref<16384x64xf32, #tpu.memory_space<vmem_shared>>) dst(%arg11 : memref<128x64xf32, #tpu.memory_space<vmem>>)
      tpu.yield
    }) : () -> ()
    %add3A_2573 = arith.constant 640 : i32
    %add3A_2574 = arith.addi %mul3A_0, %add3A_2573 : i32
    "tpu.region"() ({
      %run_scoped3A = tpu.sem_alloc : memref<!tpu.dma_semaphore, #tpu.memory_space<semaphore_mem>>
      %dma_start3A = arith.constant 0 : i32
      %dma_start3A_2675 = tpu.memref_slice %arg5[%add3A_2574, %dma_start3A] : memref<16384x64xf32, #tpu.memory_space<hbm>> -> memref<128x64xf32, #tpu.memory_space<hbm>>
      %dma_start3A_2676 = arith.constant 0 : i32
      %dma_start3A_2677 = tpu.memref_slice %arg5[%add3A_2574, %dma_start3A_2676] : memref<16384x64xf32, #tpu.memory_space<hbm>> -> memref<128x64xf32, #tpu.memory_space<hbm>>
      tpu.enqueue_dma source(%arg11 : memref<128x64xf32, #tpu.memory_space<vmem>>) target(%dma_start3A_2677 : memref<128x64xf32, #tpu.memory_space<hbm>>) target_semaphore(%run_scoped3A : memref<!tpu.dma_semaphore, #tpu.memory_space<semaphore_mem>>)
      %dma_wait3A = arith.constant 0 : i32
      %dma_wait3A_2678 = tpu.memref_slice %arg5[%add3A_2574, %dma_wait3A] : memref<16384x64xf32, #tpu.memory_space<hbm>> -> memref<128x64xf32, #tpu.memory_space<hbm>>
      %dma_wait3A_2679 = arith.constant 0 : i32
      %dma_wait3A_2680 = tpu.memref_slice %arg5[%add3A_2574, %dma_wait3A_2679] : memref<16384x64xf32, #tpu.memory_space<hbm>> -> memref<128x64xf32, #tpu.memory_space<hbm>>
      tpu.wait_dma2 semaphore(%run_scoped3A : memref<!tpu.dma_semaphore, #tpu.memory_space<semaphore_mem>>) src(%arg11 : memref<128x64xf32, #tpu.memory_space<vmem>>) dst(%dma_wait3A_2680 : memref<128x64xf32, #tpu.memory_space<hbm>>)
      tpu.yield
    }) : () -> ()
    %get3A_2575 = arith.constant 6 : i32
    %get3A_2576 = arith.index_cast %get3A_2575 : i32 to index
    %get3A_2577 = arith.constant 0 : index
    %get3A_2578 = tpu.vector_load %arg9[%get3A_2576, %get3A_2577] {strides = array<i32>} : memref<8x128xi32, #tpu.memory_space<vmem>>, vector<16xi32>,
    %swap3A_2579 = arith.constant 0 : index
    %swap3A_2580 = tpu.vector_load %arg14[%swap3A_2579] {strides = array<i32>} : memref<128xi32, #tpu.memory_space<vmem>>, vector<16xi32>,
    tpu.vector_store %arg14[%swap3A_2579], %get3A_2578 {strides = array<i32>} : memref<128xi32, #tpu.memory_space<vmem>>, vector<16xi32>,
    %get3A_2581 = arith.constant 6 : i32
    %get3A_2582 = arith.index_cast %get3A_2581 : i32 to index
    %get3A_2583 = arith.constant 16 : index
    %get3A_2584 = tpu.vector_load %arg9[%get3A_2582, %get3A_2583] {strides = array<i32>} : memref<8x128xi32, #tpu.memory_space<vmem>>, vector<16xi32>,
    %swap3A_2585 = arith.constant 16 : index
    %swap3A_2586 = tpu.vector_load %arg14[%swap3A_2585] {strides = array<i32>} : memref<128xi32, #tpu.memory_space<vmem>>, vector<16xi32>,
    tpu.vector_store %arg14[%swap3A_2585], %get3A_2584 {strides = array<i32>} : memref<128xi32, #tpu.memory_space<vmem>>, vector<16xi32>,
    %get3A_2587 = arith.constant 6 : i32
    %get3A_2588 = arith.index_cast %get3A_2587 : i32 to index
    %get3A_2589 = arith.constant 32 : index
    %get3A_2590 = tpu.vector_load %arg9[%get3A_2588, %get3A_2589] {strides = array<i32>} : memref<8x128xi32, #tpu.memory_space<vmem>>, vector<16xi32>,
    %swap3A_2591 = arith.constant 32 : index
    %swap3A_2592 = tpu.vector_load %arg14[%swap3A_2591] {strides = array<i32>} : memref<128xi32, #tpu.memory_space<vmem>>, vector<16xi32>,
    tpu.vector_store %arg14[%swap3A_2591], %get3A_2590 {strides = array<i32>} : memref<128xi32, #tpu.memory_space<vmem>>, vector<16xi32>,
    %get3A_2593 = arith.constant 6 : i32
    %get3A_2594 = arith.index_cast %get3A_2593 : i32 to index
    %get3A_2595 = arith.constant 48 : index
    %get3A_2596 = tpu.vector_load %arg9[%get3A_2594, %get3A_2595] {strides = array<i32>} : memref<8x128xi32, #tpu.memory_space<vmem>>, vector<16xi32>,
    %swap3A_2597 = arith.constant 48 : index
    %swap3A_2598 = tpu.vector_load %arg14[%swap3A_2597] {strides = array<i32>} : memref<128xi32, #tpu.memory_space<vmem>>, vector<16xi32>,
    tpu.vector_store %arg14[%swap3A_2597], %get3A_2596 {strides = array<i32>} : memref<128xi32, #tpu.memory_space<vmem>>, vector<16xi32>,
    %get3A_2599 = arith.constant 6 : i32
    %get3A_2600 = arith.index_cast %get3A_2599 : i32 to index
    %get3A_2601 = arith.constant 64 : index
    %get3A_2602 = tpu.vector_load %arg9[%get3A_2600, %get3A_2601] {strides = array<i32>} : memref<8x128xi32, #tpu.memory_space<vmem>>, vector<16xi32>,
    %swap3A_2603 = arith.constant 64 : index
    %swap3A_2604 = tpu.vector_load %arg14[%swap3A_2603] {strides = array<i32>} : memref<128xi32, #tpu.memory_space<vmem>>, vector<16xi32>,
    tpu.vector_store %arg14[%swap3A_2603], %get3A_2602 {strides = array<i32>} : memref<128xi32, #tpu.memory_space<vmem>>, vector<16xi32>,
    %get3A_2605 = arith.constant 6 : i32
    %get3A_2606 = arith.index_cast %get3A_2605 : i32 to index
    %get3A_2607 = arith.constant 80 : index
    %get3A_2608 = tpu.vector_load %arg9[%get3A_2606, %get3A_2607] {strides = array<i32>} : memref<8x128xi32, #tpu.memory_space<vmem>>, vector<16xi32>,
    %swap3A_2609 = arith.constant 80 : index
    %swap3A_2610 = tpu.vector_load %arg14[%swap3A_2609] {strides = array<i32>} : memref<128xi32, #tpu.memory_space<vmem>>, vector<16xi32>,
    tpu.vector_store %arg14[%swap3A_2609], %get3A_2608 {strides = array<i32>} : memref<128xi32, #tpu.memory_space<vmem>>, vector<16xi32>,
    %get3A_2611 = arith.constant 6 : i32
    %get3A_2612 = arith.index_cast %get3A_2611 : i32 to index
    %get3A_2613 = arith.constant 96 : index
    %get3A_2614 = tpu.vector_load %arg9[%get3A_2612, %get3A_2613] {strides = array<i32>} : memref<8x128xi32, #tpu.memory_space<vmem>>, vector<16xi32>,
    %swap3A_2615 = arith.constant 96 : index
    %swap3A_2616 = tpu.vector_load %arg14[%swap3A_2615] {strides = array<i32>} : memref<128xi32, #tpu.memory_space<vmem>>, vector<16xi32>,
    tpu.vector_store %arg14[%swap3A_2615], %get3A_2614 {strides = array<i32>} : memref<128xi32, #tpu.memory_space<vmem>>, vector<16xi32>,
    %get3A_2617 = arith.constant 6 : i32
    %get3A_2618 = arith.index_cast %get3A_2617 : i32 to index
    %get3A_2619 = arith.constant 112 : index
    %get3A_2620 = tpu.vector_load %arg9[%get3A_2618, %get3A_2619] {strides = array<i32>} : memref<8x128xi32, #tpu.memory_space<vmem>>, vector<16xi32>,
    %swap3A_2621 = arith.constant 112 : index
    %swap3A_2622 = tpu.vector_load %arg14[%swap3A_2621] {strides = array<i32>} : memref<128xi32, #tpu.memory_space<vmem>>, vector<16xi32>,
    tpu.vector_store %arg14[%swap3A_2621], %get3A_2620 {strides = array<i32>} : memref<128xi32, #tpu.memory_space<vmem>>, vector<16xi32>,
    "tpu.region"() ({
      %run_scoped3A = tpu.sem_alloc : memref<!tpu.dma_semaphore, #tpu.memory_space<semaphore_mem>>
      %dma_start3A = arith.constant 0 : i32
      %dma_start3A_2675 = arith.constant 0 : i32
      %dma_start3A_2676 = tpu.memref_slice %arg7[%dma_start3A, %dma_start3A_2675] : memref<16384x64xf32, #tpu.memory_space<vmem_shared>> -> memref<16384x64xf32, #tpu.memory_space<vmem_shared>>
      tpu.enqueue_indirect_dma source(%dma_start3A_2676 : memref<16384x64xf32, #tpu.memory_space<vmem_shared>>) target(%arg11 : memref<128x64xf32, #tpu.memory_space<vmem>>) offsets(%arg14 : memref<128xi32, #tpu.memory_space<vmem>>) semaphore(%run_scoped3A : memref<!tpu.dma_semaphore, #tpu.memory_space<semaphore_mem>>)
      %dma_wait3A = arith.constant 0 : i32
      %dma_wait3A_2677 = arith.constant 0 : i32
      %dma_wait3A_2678 = tpu.memref_slice %arg7[%dma_wait3A, %dma_wait3A_2677] : memref<16384x64xf32, #tpu.memory_space<vmem_shared>> -> memref<16384x64xf32, #tpu.memory_space<vmem_shared>>
      tpu.wait_indirect_dma semaphore(%run_scoped3A : memref<!tpu.dma_semaphore, #tpu.memory_space<semaphore_mem>>) src(%dma_wait3A_2678 : memref<16384x64xf32, #tpu.memory_space<vmem_shared>>) dst(%arg11 : memref<128x64xf32, #tpu.memory_space<vmem>>)
      tpu.yield
    }) : () -> ()
    %add3A_2623 = arith.constant 768 : i32
    %add3A_2624 = arith.addi %mul3A_0, %add3A_2623 : i32
    "tpu.region"() ({
      %run_scoped3A = tpu.sem_alloc : memref<!tpu.dma_semaphore, #tpu.memory_space<semaphore_mem>>
      %dma_start3A = arith.constant 0 : i32
      %dma_start3A_2675 = tpu.memref_slice %arg5[%add3A_2624, %dma_start3A] : memref<16384x64xf32, #tpu.memory_space<hbm>> -> memref<128x64xf32, #tpu.memory_space<hbm>>
      %dma_start3A_2676 = arith.constant 0 : i32
      %dma_start3A_2677 = tpu.memref_slice %arg5[%add3A_2624, %dma_start3A_2676] : memref<16384x64xf32, #tpu.memory_space<hbm>> -> memref<128x64xf32, #tpu.memory_space<hbm>>
      tpu.enqueue_dma source(%arg11 : memref<128x64xf32, #tpu.memory_space<vmem>>) target(%dma_start3A_2677 : memref<128x64xf32, #tpu.memory_space<hbm>>) target_semaphore(%run_scoped3A : memref<!tpu.dma_semaphore, #tpu.memory_space<semaphore_mem>>)
      %dma_wait3A = arith.constant 0 : i32
      %dma_wait3A_2678 = tpu.memref_slice %arg5[%add3A_2624, %dma_wait3A] : memref<16384x64xf32, #tpu.memory_space<hbm>> -> memref<128x64xf32, #tpu.memory_space<hbm>>
      %dma_wait3A_2679 = arith.constant 0 : i32
      %dma_wait3A_2680 = tpu.memref_slice %arg5[%add3A_2624, %dma_wait3A_2679] : memref<16384x64xf32, #tpu.memory_space<hbm>> -> memref<128x64xf32, #tpu.memory_space<hbm>>
      tpu.wait_dma2 semaphore(%run_scoped3A : memref<!tpu.dma_semaphore, #tpu.memory_space<semaphore_mem>>) src(%arg11 : memref<128x64xf32, #tpu.memory_space<vmem>>) dst(%dma_wait3A_2680 : memref<128x64xf32, #tpu.memory_space<hbm>>)
      tpu.yield
    }) : () -> ()
    %get3A_2625 = arith.constant 7 : i32
    %get3A_2626 = arith.index_cast %get3A_2625 : i32 to index
    %get3A_2627 = arith.constant 0 : index
    %get3A_2628 = tpu.vector_load %arg9[%get3A_2626, %get3A_2627] {strides = array<i32>} : memref<8x128xi32, #tpu.memory_space<vmem>>, vector<16xi32>,
    %swap3A_2629 = arith.constant 0 : index
    %swap3A_2630 = tpu.vector_load %arg14[%swap3A_2629] {strides = array<i32>} : memref<128xi32, #tpu.memory_space<vmem>>, vector<16xi32>,
    tpu.vector_store %arg14[%swap3A_2629], %get3A_2628 {strides = array<i32>} : memref<128xi32, #tpu.memory_space<vmem>>, vector<16xi32>,
    %get3A_2631 = arith.constant 7 : i32
    %get3A_2632 = arith.index_cast %get3A_2631 : i32 to index
    %get3A_2633 = arith.constant 16 : index
    %get3A_2634 = tpu.vector_load %arg9[%get3A_2632, %get3A_2633] {strides = array<i32>} : memref<8x128xi32, #tpu.memory_space<vmem>>, vector<16xi32>,
    %swap3A_2635 = arith.constant 16 : index
    %swap3A_2636 = tpu.vector_load %arg14[%swap3A_2635] {strides = array<i32>} : memref<128xi32, #tpu.memory_space<vmem>>, vector<16xi32>,
    tpu.vector_store %arg14[%swap3A_2635], %get3A_2634 {strides = array<i32>} : memref<128xi32, #tpu.memory_space<vmem>>, vector<16xi32>,
    %get3A_2637 = arith.constant 7 : i32
    %get3A_2638 = arith.index_cast %get3A_2637 : i32 to index
    %get3A_2639 = arith.constant 32 : index
    %get3A_2640 = tpu.vector_load %arg9[%get3A_2638, %get3A_2639] {strides = array<i32>} : memref<8x128xi32, #tpu.memory_space<vmem>>, vector<16xi32>,
    %swap3A_2641 = arith.constant 32 : index
    %swap3A_2642 = tpu.vector_load %arg14[%swap3A_2641] {strides = array<i32>} : memref<128xi32, #tpu.memory_space<vmem>>, vector<16xi32>,
    tpu.vector_store %arg14[%swap3A_2641], %get3A_2640 {strides = array<i32>} : memref<128xi32, #tpu.memory_space<vmem>>, vector<16xi32>,
    %get3A_2643 = arith.constant 7 : i32
    %get3A_2644 = arith.index_cast %get3A_2643 : i32 to index
    %get3A_2645 = arith.constant 48 : index
    %get3A_2646 = tpu.vector_load %arg9[%get3A_2644, %get3A_2645] {strides = array<i32>} : memref<8x128xi32, #tpu.memory_space<vmem>>, vector<16xi32>,
    %swap3A_2647 = arith.constant 48 : index
    %swap3A_2648 = tpu.vector_load %arg14[%swap3A_2647] {strides = array<i32>} : memref<128xi32, #tpu.memory_space<vmem>>, vector<16xi32>,
    tpu.vector_store %arg14[%swap3A_2647], %get3A_2646 {strides = array<i32>} : memref<128xi32, #tpu.memory_space<vmem>>, vector<16xi32>,
    %get3A_2649 = arith.constant 7 : i32
    %get3A_2650 = arith.index_cast %get3A_2649 : i32 to index
    %get3A_2651 = arith.constant 64 : index
    %get3A_2652 = tpu.vector_load %arg9[%get3A_2650, %get3A_2651] {strides = array<i32>} : memref<8x128xi32, #tpu.memory_space<vmem>>, vector<16xi32>,
    %swap3A_2653 = arith.constant 64 : index
    %swap3A_2654 = tpu.vector_load %arg14[%swap3A_2653] {strides = array<i32>} : memref<128xi32, #tpu.memory_space<vmem>>, vector<16xi32>,
    tpu.vector_store %arg14[%swap3A_2653], %get3A_2652 {strides = array<i32>} : memref<128xi32, #tpu.memory_space<vmem>>, vector<16xi32>,
    %get3A_2655 = arith.constant 7 : i32
    %get3A_2656 = arith.index_cast %get3A_2655 : i32 to index
    %get3A_2657 = arith.constant 80 : index
    %get3A_2658 = tpu.vector_load %arg9[%get3A_2656, %get3A_2657] {strides = array<i32>} : memref<8x128xi32, #tpu.memory_space<vmem>>, vector<16xi32>,
    %swap3A_2659 = arith.constant 80 : index
    %swap3A_2660 = tpu.vector_load %arg14[%swap3A_2659] {strides = array<i32>} : memref<128xi32, #tpu.memory_space<vmem>>, vector<16xi32>,
    tpu.vector_store %arg14[%swap3A_2659], %get3A_2658 {strides = array<i32>} : memref<128xi32, #tpu.memory_space<vmem>>, vector<16xi32>,
    %get3A_2661 = arith.constant 7 : i32
    %get3A_2662 = arith.index_cast %get3A_2661 : i32 to index
    %get3A_2663 = arith.constant 96 : index
    %get3A_2664 = tpu.vector_load %arg9[%get3A_2662, %get3A_2663] {strides = array<i32>} : memref<8x128xi32, #tpu.memory_space<vmem>>, vector<16xi32>,
    %swap3A_2665 = arith.constant 96 : index
    %swap3A_2666 = tpu.vector_load %arg14[%swap3A_2665] {strides = array<i32>} : memref<128xi32, #tpu.memory_space<vmem>>, vector<16xi32>,
    tpu.vector_store %arg14[%swap3A_2665], %get3A_2664 {strides = array<i32>} : memref<128xi32, #tpu.memory_space<vmem>>, vector<16xi32>,
    %get3A_2667 = arith.constant 7 : i32
    %get3A_2668 = arith.index_cast %get3A_2667 : i32 to index
    %get3A_2669 = arith.constant 112 : index
    %get3A_2670 = tpu.vector_load %arg9[%get3A_2668, %get3A_2669] {strides = array<i32>} : memref<8x128xi32, #tpu.memory_space<vmem>>, vector<16xi32>,
    %swap3A_2671 = arith.constant 112 : index
    %swap3A_2672 = tpu.vector_load %arg14[%swap3A_2671] {strides = array<i32>} : memref<128xi32, #tpu.memory_space<vmem>>, vector<16xi32>,
    tpu.vector_store %arg14[%swap3A_2671], %get3A_2670 {strides = array<i32>} : memref<128xi32, #tpu.memory_space<vmem>>, vector<16xi32>,
    "tpu.region"() ({
      %run_scoped3A = tpu.sem_alloc : memref<!tpu.dma_semaphore, #tpu.memory_space<semaphore_mem>>
      %dma_start3A = arith.constant 0 : i32
      %dma_start3A_2675 = arith.constant 0 : i32
      %dma_start3A_2676 = tpu.memref_slice %arg7[%dma_start3A, %dma_start3A_2675] : memref<16384x64xf32, #tpu.memory_space<vmem_shared>> -> memref<16384x64xf32, #tpu.memory_space<vmem_shared>>
      tpu.enqueue_indirect_dma source(%dma_start3A_2676 : memref<16384x64xf32, #tpu.memory_space<vmem_shared>>) target(%arg11 : memref<128x64xf32, #tpu.memory_space<vmem>>) offsets(%arg14 : memref<128xi32, #tpu.memory_space<vmem>>) semaphore(%run_scoped3A : memref<!tpu.dma_semaphore, #tpu.memory_space<semaphore_mem>>)
      %dma_wait3A = arith.constant 0 : i32
      %dma_wait3A_2677 = arith.constant 0 : i32
      %dma_wait3A_2678 = tpu.memref_slice %arg7[%dma_wait3A, %dma_wait3A_2677] : memref<16384x64xf32, #tpu.memory_space<vmem_shared>> -> memref<16384x64xf32, #tpu.memory_space<vmem_shared>>
      tpu.wait_indirect_dma semaphore(%run_scoped3A : memref<!tpu.dma_semaphore, #tpu.memory_space<semaphore_mem>>) src(%dma_wait3A_2678 : memref<16384x64xf32, #tpu.memory_space<vmem_shared>>) dst(%arg11 : memref<128x64xf32, #tpu.memory_space<vmem>>)
      tpu.yield
    }) : () -> ()
    %add3A_2673 = arith.constant 896 : i32
    %add3A_2674 = arith.addi %mul3A_0, %add3A_2673 : i32
    "tpu.region"() ({
      %run_scoped3A = tpu.sem_alloc : memref<!tpu.dma_semaphore, #tpu.memory_space<semaphore_mem>>
      %dma_start3A = arith.constant 0 : i32
      %dma_start3A_2675 = tpu.memref_slice %arg5[%add3A_2674, %dma_start3A] : memref<16384x64xf32, #tpu.memory_space<hbm>> -> memref<128x64xf32, #tpu.memory_space<hbm>>
      %dma_start3A_2676 = arith.constant 0 : i32
      %dma_start3A_2677 = tpu.memref_slice %arg5[%add3A_2674, %dma_start3A_2676] : memref<16384x64xf32, #tpu.memory_space<hbm>> -> memref<128x64xf32, #tpu.memory_space<hbm>>
      tpu.enqueue_dma source(%arg11 : memref<128x64xf32, #tpu.memory_space<vmem>>) target(%dma_start3A_2677 : memref<128x64xf32, #tpu.memory_space<hbm>>) target_semaphore(%run_scoped3A : memref<!tpu.dma_semaphore, #tpu.memory_space<semaphore_mem>>)
      %dma_wait3A = arith.constant 0 : i32
      %dma_wait3A_2678 = tpu.memref_slice %arg5[%add3A_2674, %dma_wait3A] : memref<16384x64xf32, #tpu.memory_space<hbm>> -> memref<128x64xf32, #tpu.memory_space<hbm>>
      %dma_wait3A_2679 = arith.constant 0 : i32
      %dma_wait3A_2680 = tpu.memref_slice %arg5[%add3A_2674, %dma_wait3A_2679] : memref<16384x64xf32, #tpu.memory_space<hbm>> -> memref<128x64xf32, #tpu.memory_space<hbm>>
      tpu.wait_dma2 semaphore(%run_scoped3A : memref<!tpu.dma_semaphore, #tpu.memory_space<semaphore_mem>>) src(%arg11 : memref<128x64xf32, #tpu.memory_space<vmem>>) dst(%dma_wait3A_2680 : memref<128x64xf32, #tpu.memory_space<hbm>>)
      tpu.yield
    }) : () -> ()
    return
  }
}

module attributes {stable_mosaic.version = 14 : i64} {
  func.func @_matmul_body(%arg0: i32, %arg1: memref<512x128xf32, #tpu.memory_space<vmem>>, %arg2: memref<128x64xf32, #tpu.memory_space<vmem>>, %arg3: memref<512x64xf32, #tpu.memory_space<vmem>>) attributes {dimension_semantics = [#tpu.dimension_semantics<arbitrary>], iteration_bounds = array<i64: 32>, scalar_prefetch = 0 : i64, scratch_operands = 0 : i64, tpu.core_type = #tpu.core_type<tc>, window_params = [{transform_indices = @transform_0, window_bounds = array<i64: 512, 128>}, {pipeline_mode = #tpu.pipeline_mode<synchronous>, transform_indices = @transform_1, window_bounds = array<i64: 128, 64>}, {transform_indices = @transform_2, window_bounds = array<i64: 512, 64>}]} {
    %get3A = arith.constant 0 : index
    %get3A_0 = arith.constant 0 : index
    %get3A_1 = vector.load %arg1[%get3A, %get3A_0] : memref<512x128xf32, #tpu.memory_space<vmem>>, vector<512x128xf32>
    %get3A_2 = arith.constant 0 : index
    %get3A_3 = arith.constant 0 : index
    %get3A_4 = vector.load %arg2[%get3A_2, %get3A_3] : memref<128x64xf32, #tpu.memory_space<vmem>>, vector<128x64xf32>
    %dot_general3A = arith.constant dense<0.000000e+00> : vector<512x64xf32>
    %dot_general3A_5 = tpu.matmul %get3A_1, %get3A_4, %dot_general3A {dimension_numbers = #tpu.dot_dimension_numbers<[1], [0], [0], [1], [0, 0, 1, 1], [], []>, transpose_lhs_hint = false} : vector<512x128xf32>, vector<128x64xf32>, vector<512x64xf32> -> vector<512x64xf32>
    %swap3A = arith.constant 0 : index
    %swap3A_6 = arith.constant 0 : index
    %swap3A_7 = vector.load %arg3[%swap3A, %swap3A_6] : memref<512x64xf32, #tpu.memory_space<vmem>>, vector<512x64xf32>
    tpu.vector_store %arg3[%swap3A, %swap3A_6], %dot_general3A_5 {strides = array<i32>} : memref<512x64xf32, #tpu.memory_space<vmem>>, vector<512x64xf32>,
    return
  }
  func.func @transform_0(%arg0: i32) -> (i32, i32) {
    %c0_i32 = arith.constant 0 : i32
    %c0_i32_0 = arith.constant 0 : i32
    return %arg0, %c0_i32 : i32, i32
  }
  func.func @transform_1(%arg0: i32) -> (i32, i32) {
    %c0_i32 = arith.constant 0 : i32
    %c0_i32_0 = arith.constant 0 : i32
    %c0_i32_1 = arith.constant 0 : i32
    return %c0_i32, %c0_i32_0 : i32, i32
  }
  func.func @transform_2(%arg0: i32) -> (i32, i32) {
    %c0_i32 = arith.constant 0 : i32
    %c0_i32_0 = arith.constant 0 : i32
    return %arg0, %c0_i32 : i32, i32
  }
}

module attributes {stable_mosaic.version = 14 : i64} {
  func.func @_combine_body(%arg0: i32, %arg1: memref<2048x64xf32, #tpu.memory_space<vmem>>, %arg2: memref<2048x64xf32, #tpu.memory_space<vmem>>, %arg3: memref<2048x64xf32, #tpu.memory_space<vmem>>, %arg4: memref<2048x64xf32, #tpu.memory_space<vmem>>) attributes {dimension_semantics = [#tpu.dimension_semantics<arbitrary>], iteration_bounds = array<i64: 8>, scalar_prefetch = 0 : i64, scratch_operands = 0 : i64, tpu.core_type = #tpu.core_type<tc>, window_params = [{transform_indices = @transform_0, window_bounds = array<i64: 2048, 64>}, {transform_indices = @transform_1, window_bounds = array<i64: 2048, 64>}, {transform_indices = @transform_2, window_bounds = array<i64: 2048, 64>}, {transform_indices = @transform_3, window_bounds = array<i64: 2048, 64>}]} {
    %get3A = arith.constant 0 : index
    %get3A_0 = arith.constant 0 : index
    %get3A_1 = vector.load %arg1[%get3A, %get3A_0] : memref<2048x64xf32, #tpu.memory_space<vmem>>, vector<2048x64xf32>
    %get3A_2 = arith.constant 0 : index
    %get3A_3 = arith.constant 0 : index
    %get3A_4 = vector.load %arg2[%get3A_2, %get3A_3] : memref<2048x64xf32, #tpu.memory_space<vmem>>, vector<2048x64xf32>
    %add3A = arith.addf %get3A_1, %get3A_4 : vector<2048x64xf32>
    %get3A_5 = arith.constant 0 : index
    %get3A_6 = arith.constant 0 : index
    %get3A_7 = vector.load %arg3[%get3A_5, %get3A_6] : memref<2048x64xf32, #tpu.memory_space<vmem>>, vector<2048x64xf32>
    %add3A_8 = arith.constant 1.000000e+00 : f32
    %add3A_9 = vector.broadcast %add3A_8 : f32 to vector<2048x64xf32>
    %add3A_10 = arith.addf %get3A_7, %add3A_9 : vector<2048x64xf32>
    %mul3A = arith.mulf %add3A, %add3A_10 : vector<2048x64xf32>
    %swap3A = arith.constant 0 : index
    %swap3A_11 = arith.constant 0 : index
    %swap3A_12 = vector.load %arg4[%swap3A, %swap3A_11] : memref<2048x64xf32, #tpu.memory_space<vmem>>, vector<2048x64xf32>
    tpu.vector_store %arg4[%swap3A, %swap3A_11], %mul3A {strides = array<i32>} : memref<2048x64xf32, #tpu.memory_space<vmem>>, vector<2048x64xf32>,
    return
  }
  func.func @transform_0(%arg0: i32) -> (i32, i32) {
    %c0_i32 = arith.constant 0 : i32
    %c0_i32_0 = arith.constant 0 : i32
    return %arg0, %c0_i32 : i32, i32
  }
  func.func @transform_1(%arg0: i32) -> (i32, i32) {
    %c0_i32 = arith.constant 0 : i32
    %c0_i32_0 = arith.constant 0 : i32
    return %arg0, %c0_i32 : i32, i32
  }
  func.func @transform_2(%arg0: i32) -> (i32, i32) {
    %c0_i32 = arith.constant 0 : i32
    %c0_i32_0 = arith.constant 0 : i32
    return %arg0, %c0_i32 : i32, i32
  }
  func.func @transform_3(%arg0: i32) -> (i32, i32) {
    %c0_i32 = arith.constant 0 : i32
    %c0_i32_0 = arith.constant 0 : i32
    return %arg0, %c0_i32 : i32, i32
  }
}

</mosaic_0001>

<sc_bundles>
// kernel: gather_offload_async_start
scs
__scs_entry_jumppad:
0x0: {  	(pc) =	sbr.rel $0x88, $3  }
0x1: {  	(tag) =	ssettag $0x0;
	lr =	simm.s32 $0x1  }
0x2: {  	[smem:$0x3F9D] =	sst lr;
	_ =	strace $0xD0000000  }
0x3: {  	_ = 	snop  }
0x4: {  	_ = 	snop  }
0x5: {  	_ = 	snop  }
0x6: {  	_ = 	snop  }
0x7: {  	_ = 	snop  }
__scs_overlays_trampoline_lowered:
0x8: {  	[smem:$0x3FAC] =	sst s0  }
0x9: {  	[smem:$0x3FAD] =	sst s1  }
0xa: {  	[smem:$0x3FAE] =	sst s2  }
0xb: {  	[smem:$0x3FAF] =	sst s3  }
0xc: {  	[smem:$0x3FB0] =	sst s4  }
0xd: {  	[smem:$0x3FB1] =	sst s5  }
0xe: {  	[smem:$0x3FB2] =	sst s6  }
0xf: {  	[smem:$0x3FB3] =	sst s7  }
0x10: {  	[smem:$0x3FB4] =	sst s8  }
0x11: {  	[smem:$0x3FB5] =	sst s9;
	s0 =	simm.s32 @!p0 $0x0  }
0x12: {  	s1 =	sld [smem:$0x3F9B];
	s0 =	simm.s32 @p0 $0x1  }
0x13: {  	[smem:$0x3FB6] =	sst s0;
	s0 =	simm.s32 @!p1 $0x0  }
0x14: {  	s2 =	sld [smem:$0x3F9A];
	s0 =	simm.s32 @p1 $0x1  }
0x15: {  	[smem:$0x3FB7] =	sst s0;
	s0 =	simm.s32 @!p2 $0x0  }
0x16: {  	s3 =	sld [smem:$0x3FDB];
	s0 =	simm.s32 @p2 $0x1  }
0x17: {  	s4 =	simm.s32 $0x1BF5;
	[smem:$0x3FB9] =	sst s0  }
0x18: {  	s0 =	sld [smem:$0x3F9C];
	_ =	swait.ge [sflag:s4], $0x0  }
0x19: {  	s7 =	sld [smem:$0x3F9D]  }
0x1a: {  	s8 =	sadd.s32 $0xFFFFE003, lr  }
0x1b: {  	s9 =	sadd.s32 $0xFFFFFEF7, lr;
	s5 =	simm.s32 $0xFFFFFFFF;
	p2 =	slt.u32 s8, $0xFFFFF086  }
0x1c: {  	p1 =	slt.u32 s9, $0xF7A;
	s5 =	simm.s32 @!p2 $0x0  }
0x1d: {  	s5 =	simm.s32 @p1 $0x1;
	p0 =	seq.s32 s7, s2  }
0x1e: {  	s7 =	smul.u32 @!p0 $0xF7A, s2;
	p2 =	seq.s32 @!p0 s5, $0x0  }
0x1f: {  	s9 =	smul.u32 $0xF7A, s1;
	s8 =	simm.s32 @!p0 $0x1BF5;
	p2 =	por !p2, p0  }
0x20: {  	[sflag:s8] =	ssyncset.s32 @!p0 $0xFFFFF086;
	s6 =	sadd.s32 @!p0 s3, s7;
	s7 =	simm.s32 @!p0 $0x108  }
0x21: {  	s3 =	sadd.s32 s3, s9;
	s6 =	sadd.s32 @!p0 $0x88, s6;
	s7 =	simm.s32 @p2 $0x1082  }
0x22: {  	[simem:s7], [sflag:s8] =	dma.local @!p0 [hbm:s6], $0xF7A  }
0x23: {  	s9 =	sor.u32 $0xD0000000, s2;
	s6 =	simm.s32 $0x108;
	_ =	swait.ge @!p0 [sflag:s8], $0x0  }
0x24: {  	s3 =	sadd.s32 $0x88, s3;
	s6 =	simm.s32 @!p1 $0x1082;
	[sflag:s4] =	ssyncset.s32 $0xFFFFF086  }
0x25: {  	[simem:s6], [sflag:s4] =	dma.local [hbm:s3], $0xF7A  }
0x26: {  	[smem:$0x3F9D] =	sst s1;
	(tag) =	ssettag s2;
	_ =	strace s9  }
0x27: {  	s1 =	sld [smem:$0x3FAD]  }
0x28: {  	s2 =	sld [smem:$0x3FAE]  }
0x29: {  	s4 =	sld [smem:$0x3FB0]  }
0x2a: {  	p0 =	seq.s32 s5, $0x0;
	s5 =	sld [smem:$0x3FB1]  }
0x2b: {  	s6 =	sld [smem:$0x3FB2]  }
0x2c: {  	s7 =	sld [smem:$0x3FB3]  }
0x2d: {  	s3 =	simm.s32 $0x108;
	s8 =	sld [smem:$0x3FB4]  }
0x2e: {  	s3 =	simm.s32 @!p0 $0x1082;
	s9 =	sld [smem:$0x3FB5]  }
0x2f: {  	lr =	sadd.s32 s0, s3;
	s0 =	sld [smem:$0x3FAC]  }
0x30: {  	s3 =	sld [smem:$0x3FAF]  }
0x31: {  	[smem:$0x3FB8] =	sst s10  }
0x32: {  	s10 =	sld [smem:$0x3FB6];
	_ =	sdelay $0x3  }
0x33: {  	p0 =	seq.s32 s10, $0x1;
	s10 =	sld [smem:$0x3FB8];
	_ =	sdelay $0x3  }
0x34: {  	[smem:$0x3FB8] =	sst s10  }
0x35: {  	s10 =	sld [smem:$0x3FB7];
	_ =	sdelay $0x3  }
0x36: {  	p1 =	seq.s32 s10, $0x1;
	s10 =	sld [smem:$0x3FB8];
	_ =	sdelay $0x3  }
0x37: {  	[smem:$0x3FB8] =	sst s10  }
0x38: {  	s10 =	sld [smem:$0x3FB9]  }
0x39: {  	_ = 	snop;
	(pc) =	sbr.ind lr, $3  }
0x3a: {  	_ = 	snop  }
0x3b: {  	_ = 	snop  }
0x3c: {  	p2 =	seq.s32 s10, $0x1;
	s10 =	sld [smem:$0x3FB8]  }
0x3d: {  	_ =	shalt  }
0x3e: {  	_ =	shalt  }
0x3f: {  	_ =	shalt  }
0x40: {  	_ =	shalt  }
0x41: {  	_ =	shalt  }
0x42: {  	_ =	shalt  }
0x43: {  	_ =	shalt  }
0x44: {  	_ =	shalt  }
0x45: {  	_ =	shalt  }
0x46: {  	_ =	shalt  }
0x47: {  	_ =	shalt  }
0x48: {  	_ =	shalt  }
0x49: {  	_ =	shalt  }
0x4a: {  	_ =	shalt  }
0x4b: {  	_ =	shalt  }
0x4c: {  	_ =	shalt  }
0x4d: {  	_ =	shalt  }
0x4e: {  	_ =	shalt  }
0x4f: {  	_ =	shalt  }
0x50: {  	_ =	shalt  }
0x51: {  	_ =	shalt  }
0x52: {  	_ =	shalt  }
0x53: {  	_ =	shalt  }
0x54: {  	_ =	shalt  }
0x55: {  	_ =	shalt  }
0x56: {  	_ =	shalt  }
0x57: {  	_ =	shalt  }
0x58: {  	_ =	shalt  }
0x59: {  	_ =	shalt  }
0x5a: {  	_ =	shalt  }
0x5b: {  	_ =	shalt  }
0x5c: {  	_ =	shalt  }
0x5d: {  	_ =	shalt  }
0x5e: {  	_ =	shalt  }
0x5f: {  	_ =	shalt  }
0x60: {  	_ =	shalt  }
0x61: {  	_ =	shalt  }
0x62: {  	_ =	shalt  }
0x63: {  	_ =	shalt  }
0x64: {  	_ =	shalt  }
0x65: {  	_ =	shalt  }
0x66: {  	_ =	shalt  }
0x67: {  	_ =	shalt  }
0x68: {  	_ =	shalt  }
0x69: {  	_ =	shalt  }
0x6a: {  	_ =	shalt  }
0x6b: {  	_ =	shalt  }
0x6c: {  	_ =	shalt  }
0x6d: {  	_ =	shalt  }
0x6e: {  	_ =	shalt  }
0x6f: {  	_ =	shalt  }
0x70: {  	_ =	shalt  }
0x71: {  	_ =	shalt  }
0x72: {  	_ =	shalt  }
0x73: {  	_ =	shalt  }
0x74: {  	_ =	shalt  }
0x75: {  	_ =	shalt  }
0x76: {  	_ =	shalt  }
0x77: {  	_ =	shalt  }
0x78: {  	_ =	shalt  }
0x79: {  	_ =	shalt  }
0x7a: {  	_ =	shalt  }
0x7b: {  	_ =	shalt  }
0x7c: {  	_ =	shalt  }
0x7d: {  	_ =	shalt  }
0x7e: {  	_ =	shalt  }
0x7f: {  	_ =	shalt  }
0x80: {  	_ =	shalt  }
0x81: {  	_ =	shalt  }
0x82: {  	_ =	shalt  }
0x83: {  	_ =	shalt  }
0x84: {  	_ =	shalt  }
0x85: {  	_ =	shalt  }
0x86: {  	_ =	shalt  }
0x87: {  	_ =	shalt  }
.Lfunc_end0:
.L_simem_size_0:
called_computation_lowered:
.L_overlay_start_0:
0x88: {  	s2 =	sld [smem:$0x3FD9]  }
0x89: {  	s3 =	sld [smem:$0x3FFE];
	_ =	sdelay $0x1  }
0x8a: {  	s1 =	srdreg.scid  }
0x8b: {  	s0 =	sand.u32 $0x1, s1  }
0x8c: {  	s16 =	sshll.u32 s0, $0xA;
	s2 =	sadd.s32 s3, s2  }
0x8d: {  	s2 =	sadd.s32 s2, s16  }
0x8e: {  	[smem:$0x3FC4] =	sst s2  }
0x8f: {  	_ = 	snop  }
0x90: {  	(tm) =	ssettm $0x1  }
0x91: {  	s17 =	sld [smem:$0x3FFB];
	_ =	sdelay $0x3  }
0x92: {  	_ =	strace s17  }
0x93: {  	s2 =	sld [smem:$0x3FFC];
	_ =	sdelay $0x3  }
0x94: {  	_ =	strace s2  }
0x95: {  	s2 =	sld [smem:$0x3FFD];
	_ =	sdelay $0x3  }
0x96: {  	_ =	strace s2  }
0x97: {  	_ =	strace $0x8FFFFFFF  }
0x98: {  	s18 =	sld [smem:$0x3FDB];
	_ =	sdelay $0x1  }
0x99: {  	s19 =	simm.s32 $_scs_section_size  }
0x9a: {  	s4 =	simm.s32 $_size__tile_overlayer_lowered;
	s5 =	simm.s32 $_tile_overlayer_lowered  }
0x9b: {  	s22 =	simm.s32 $0x1BFF;
	s21 =	sshll.u32 s5, $0x1;
	s2 =	sadd.s32 s19, s18  }
0x9c: {  	s6 =	simm.s32 $0x0;
	s20 =	sshll.u32 s4, $0x1;
	s4 =	sadd.s32 s21, s2  }
0x9d: {  	[timem:s6], [sflag:s22] =	dma.local [hbm:s4], s20  }
0x9e: {  	_ =	swait.ge [sflag:s22], s20  }
0x9f: {  	s3 =	ssub.s32 $0x0, s20;
	[sflag:s22] =	ssyncset.done $0x0  }
0xa0: {  	[sflag:s22] =	ssyncadd.s32 s3;
	_ =	sdelay $0x1  }
0xa1: {  	s23 =	simm.s32 $0x1B8B  }
0xa2: {  	_ =	swait.ge [sflag:s23], $0x1  }
0xa3: {  	[sflag:s23] =	ssyncset.done $0x0  }
0xa4: {  	s25 =	simm.s32 $0x1B8E;
	s24 =	sld [smem:$0x3FFE];
	[sflag:s23] =	ssyncadd.s32 $0xFFFFFFFF  }
0xa5: {  	s26 =	simm.s32 $execute0_lowered;
	[smem:$0x3FD2] =	sst s25  }
0xa6: {  	s4 =	sshll.u32 s26, $0x1;
	_ =	strace $0x80000046;
	[dreg:$0x1] =	wrdreg $0xFFFFFFFF  }
0xa7: {  	s28 =	simm.s32 $_size_execute0_lowered;
	s2 =	sadd.s32 s2, s4;
	[dreg:$0x0] =	wrdreg $0x0  }
0xa8: {  	s4 =	sshll.u32 s28, $0x1;
	[dreg:$0x2] =	wrdreg s2  }
0xa9: {  	[dreg:$0x3] =	wrdreg s4  }
0xaa: {  	[dreg:$0x4] =	wrdreg $0xC0  }
0xab: {  	_ =	task [dreg:s6], $0x5FFFF  }
0xac: {  	[dreg:$0x1] =	wrdreg $0xFFFFFFFF  }
0xad: {  	[dreg:$0x0] =	wrdreg $0x60  }
0xae: {  	[dreg:$0x2] =	wrdreg s24  }
0xaf: {  	[dreg:$0x3] =	wrdreg $0x9  }
0xb0: {  	_ =	task.clear_ibuf [dreg:s6], $0x4FFFF;
	_ =	strace $0x90000046  }
0xb1: {  	s29 =	simm.s32 $0x9;
	_ =	strace $0x80000048  }
0xb2: {  	_ =	swait.ge [sflag:s29], $0x1  }
0xb3: {  	[sflag:s29] =	ssyncadd.s32 $0xFFFFFFFF  }
0xb4: {  	_ =	strace $0x90000048  }
0xb5: {  	_ =	sfence  }
0xb6: {  	s30 =	sld [smem:$0x0];
	_ =	sdelay $0x2  }
0xb7: {  	s31 =	sshll.u32 s1, $0xD;
	s1 =	sshrl.u32 s1, $0x2  }
0xb8: {  	s3 =	sand.u32 $0x4000, s31;
	s1 =	sadd.s32 s1, s30  }
0xb9: {  	s0 =	sor.u32 s3, s0;
	s1 =	sshll.u32 s1, $0x11  }
0xba: {  	s0 =	sor.u32 s1, s0  }
0xbb: {  	s0 =	sadd.s32 $0x8F2B, s0  }
0xbc: {  	[sflag:s0] =	ssyncadd.remote.s32 $0x1  }
0xbd: {  	_ =	sfence.sel $0xFFFF  }
0xbe: {  	[dreg:$0x0] =	wrdreg $0xFFFFFFFF;
	(pc) =	sbr.abs _section_cstart, $3  }
0xbf: {  	[dreg:$0x1] =	wrdreg $0xFFFFFFFF  }
0xc0: {  	_ =	task.clear_ibuf [dreg:s6], $0x2FFFF;
	_ =	strace $0x9FFFFFFF  }
0xc1: {  	(tm) =	ssettm $0x7FFFFFFF  }
tec
execute0_lowered:
.L_overlay_start_1:
0x0: {  	(tag) =	ssettag $0x1  }
0x1: {  	s7 =	rddreg [dreg:$0x0]  }
0x2: {  	s0 =	rddreg [dreg:$0x1];
	_ =	strace $0x80000047  }
0x3: {  	s1 =	srdreg.scid;
	s4 =	simm.s32 $0x1;
	s9 =	simm.s32 $0x3  }
0x4: {  	s11 =	simm.s32 $0x0;
	p0 =	por $0x0, $0x0;
	s5 =	sshll.u32 s1, $0x4  }
.Ltmp0:
0x5: {  	s1 =	stileid.u32;
	s5 =	sand.u32 $0x10, s5;
	(pc) =	sbr.rel .LBB2_1-.Ltmp0, $4  }
0x6: {  	s2 =	sadd.s32 $0x1600, s7;
	s3 =	sadd.s32 $0x1001600, s7;
	s6 =	sor.u32 s1, s5  }
0x7: {  	[sflag:s4] =	ssyncpa.u1 $0x0;
	s5 =	simm.s32 $0x2;
	s6 =	sshll.u32 s6, $0x9  }
0x8: {  	s7 =	sadd.s32 $0x1001E00, s7;
	[sflag:s5] =	ssyncpa.u1 $0x0;
	s8 =	sadd.s32 $0x200, s6  }
0x9: {  	vm0 =	vmmov $0xff;
	vm1 =	vcmask $0x3F20;
	[sflag:s9] =	ssyncpa.u1 $0x0;
	s10 =	smov.u32 s6;
	s9 =	simm.s32 $0x0  }
.LBB2_7:
0xa: {  	p1 =	slt.u32 s9, $0x2;
	s11 =	sadd.s32 $0x100, s10  }
0xb: {  	s13 =	smov.u32 s6;
	s9 =	sadd.s32 $0x1, s9;
	p2 =	slt.s32 s11, s8  }
0xc: {  	s13 =	smov.u32 @p2 s11;
	p2 =	sne.s32 s9, $0x4  }
.Ltmp1:
0xd: {  	_ = 	snop;
	(pc) =	sbr.rel @!p2 .LBB2_8-.Ltmp1, $4  }
0xe: {  	s12 =	simm.s32 @!p1 $0x3  }
0xf: {  	_ =	swait.ge @!p1 [sflag:s12], $0x8000  }
0x10: {  	p0 =	por !p0, !p0;
	[sflag:s12] =	ssyncset.done @!p1 $0x0  }
0x11: {  	s11 =	smov.u32 s10;
	s10 =	smov.u32 s13;
	[sflag:s12] =	ssyncadd.s32 @!p1 $0xFFFF8000  }
.LBB2_1:
0x12: {  	p1 =	sgt.u32 s9, $0x1  }
0x13: {  	s12 =	sshll.u32 @!p1 s9, $0x8;
	s13 =	sshrl.u32 @!p1 s10, $0x3  }
0x14: {  	s14 =	sand.u32 @!p1 $0x7, s10;
	s12 =	sxor.u32 @!p1 $0x100, s12;
	s13 =	sadd.s32 @!p1 s3, s13  }
0x15: {  	[tilespmem:s12], [sflag:$0x2] =	stream.linear.gather @!p1 [hbm4b:s13+s14], $0x100, $0x38;
	[tilespmem:$0x10200] =	vst v63  }
0x16: {  	p1 =	seq.s32 s9, $0x0  }
0x17: {  	p2 =	seq.s32 @!p1 s9, $0x3  }
0x18: {  	p1 =	por p1, p2  }
.Ltmp2:
0x19: {  	_ = 	snop;
	(pc) =	sbr.rel @p1 .LBB2_7-.Ltmp2, $1  }
0x1a: {  	_ =	sdelay $0x3  }
0x1b: {  	s12 =	simm.s32 $0x1  }
0x1c: {  	_ =	swait.ge [sflag:s5], $0x100;
	s12 =	simm.s32 @!p0 $0x0  }
0x1d: {  	[sflag:s5] =	ssyncset.done $0x0;
	s14 =	sshll.u32 s12, $0x8  }
0x1e: {  	[sflag:s5] =	ssyncadd.s32 $0xFFFFFF00;
	s13 =	sadd.s32 $0x0, s14  }
0x1f: {  	v0 =	vld.msk [tilespmem:s13+$0x0 ss:$0x1], $0xffff;
	_ =	sdelay $0x4  }
0x20: {  	vm2 =	vgt.s32 v0, $0x0  }
0x21: {  	v0 =	vnsel vm2, $0x0, v0  }
0x22: {  	v0 =	vmin.u32 v0, $0xFFFFF  }
0x23: {  	v0 =	vshll.u32 v0, $0x4;
	_ =	sdelay $0x2  }
0x24: {  	s12 =	sshll.u32 s12, $0xF  }
0x25: {  	s12 =	sor.u32 $0x200, s12  }
0x26: {  	[tilespmem:s12], [sflag:$0x1] =	stream.indirect_vreg.gather [hbm:s2], $0x80, v0, vm0, $0x38;
	[tilespmem:$0x10200] =	vst v63  }
0x27: {  	s15 =	sadd.s32 $0x10, s14;
	s13 =	sadd.s32 $0x400, s12  }
0x28: {  	[tilespmem:s13], [sflag:$0x1] =	stream.indirect_vreg.gather [hbm:s2], $0x80, v0, vm1, $0x38;
	[tilespmem:$0x10200] =	vst v63  }
0x29: {  	s16 =	simm.s32 $0x80;
	v0 =	vld.msk [tilespmem:s15+$0x0 ss:$0x1], $0xffff;
	s15 =	smov.u32 s12  }
.LBB2_3:
0x2a: {  	p1 =	sne.s32 s16, $0x3C0;
	_ =	sdelay $0x4  }
0x2b: {  	vm2 =	vgt.s32 v0, $0x0  }
0x2c: {  	v0 =	vnsel vm2, $0x0, v0  }
0x2d: {  	v0 =	vmin.u32 v0, $0xFFFFF  }
0x2e: {  	v0 =	vshll.u32 v0, $0x4;
	_ =	sdelay $0x3  }
.Ltmp3:
0x2f: {  	s17 =	sshra.s32 s16, $0x2;
	s15 =	sadd.s32 $0x800, s15;
	(pc) =	sbr.rel @p1 .LBB2_3-.Ltmp3, $4  }
0x30: {  	[tilespmem:s15], [sflag:$0x1] =	stream.indirect_vreg.gather [hbm:s2], $0x80, v0, vm0, $0x38;
	[tilespmem:$0x10200] =	vst v63  }
0x31: {  	s17 =	sadd.s32 s17, s14;
	s18 =	sadd.s32 $0x400, s15  }
0x32: {  	[tilespmem:s18], [sflag:$0x1] =	stream.indirect_vreg.gather [hbm:s2], $0x80, v0, vm1, $0x38;
	[tilespmem:$0x10200] =	vst v63  }
0x33: {  	s16 =	sadd.s32 $0x40, s16;
	v0 =	vld.msk [tilespmem:s17+$0x0 ss:$0x1], $0xffff  }
0x34: {  	_ =	sdelay $0x3  }
0x35: {  	vm2 =	vgt.s32 v0, $0x0  }
0x36: {  	v0 =	vnsel vm2, $0x0, v0  }
0x37: {  	v0 =	vmin.u32 v0, $0xFFFFF  }
0x38: {  	v0 =	vshll.u32 v0, $0x4;
	_ =	sdelay $0x3  }
0x39: {  	s14 =	sadd.s32 $0x800, s15  }
0x3a: {  	[tilespmem:s14], [sflag:$0x1] =	stream.indirect_vreg.gather [hbm:s2], $0x80, v0, vm0, $0x38;
	[tilespmem:$0x10200] =	vst v63  }
0x3b: {  	s14 =	sadd.s32 $0x400, s14  }
0x3c: {  	[tilespmem:s14], [sflag:$0x1] =	stream.indirect_vreg.gather [hbm:s2], $0x80, v0, vm1, $0x38;
	[tilespmem:$0x10200] =	vst v63  }
0x3d: {  	s11 =	sshll.u32 s11, $0x4;
	_ =	swait.ge [sflag:s4], $0x8000  }
0x3e: {  	s11 =	sadd.s32 s11, s7;
	[sflag:s4] =	ssyncset.done $0x0  }
0x3f: {  	s15 =	sadd.s32 $0x0, s11;
	s14 =	simm.s32 $0x80;
	[sflag:s4] =	ssyncadd.s32 $0xFFFF8000  }
.LBB2_5:
0x40: {  	[hbm:s15] =	stream.linear.scatter [tilespmem:s12], [sflag:$0x3], $0x400, $0x38;
	[tilespmem:$0x10200] =	vst v63  }
0x41: {  	s15 =	smov.u32 s14;
	s12 =	smov.u32 s13;
	p1 =	sne.s32 s14, $0xF80  }
.Ltmp4:
0x42: {  	s14 =	sadd.s32 $0x80, s14;
	(pc) =	sbr.rel @p1 .LBB2_5-.Ltmp4, $2  }
0x43: {  	_ =	sdelay $0x2  }
0x44: {  	s13 =	sadd.s32 $0x400, s13;
	s15 =	sadd.s32 s15, s11  }
.Ltmp5:
0x45: {  	(pc) =	sbr.rel .LBB2_7-.Ltmp5, $2  }
0x46: {  	_ =	sdelay $0x2  }
0x47: {  	[hbm:s15] =	stream.linear.scatter [tilespmem:s12], [sflag:$0x3], $0x400, $0x38;
	[tilespmem:$0x10200] =	vst v63  }
.LBB2_8:
0x48: {  	_ =	sfence.sel $0x180000  }
0x49: {  	s2 =	simm.s32 $0x2;
	[bflag:$0x0] =	sbarrier.arrive $0xFFFF  }
0x4a: {  	s30 =	simm.s32 $0x3;
	[sflag:s2] =	ssyncpa.u1 $0x1  }
0x4b: {  	s31 =	simm.s32 $0x1;
	[sflag:s30] =	ssyncpa.u1 $0x1  }
0x4c: {  	[sflag:s31] =	ssyncpa.u1 $0x1  }
0x4d: {  	p0 =	sne.s32 s1, $0x0;
	_ =	strace $0x90000047  }
0x4e: {  	s0 =	sadd.s32 @!p0 $0x100000, s0;
	[bflag:$0x2] =	sbarrier.arrive $0xFFFF  }
0x4f: {  	[sflag:s0] =	ssyncadd.tile.s32 @!p0 $0x1;
	_ =	shalt  }
.Lfunc_end2:
_tile_overlayer_lowered:
.L_overlay_start_2:
0x50: {  	(tag) =	ssettag $0x2  }
0x51: {  	s0 =	rddreg [dreg:$0x0];
	s2 =	stileid.u32  }
0x52: {  	s1 =	rddreg [dreg:$0x1];
	p0 =	sne.s32 s2, $0x0  }
0x53: {  	s3 =	rddreg [dreg:$0x2];
	[bflag:$0x3] =	sbarrier.arrive $0xFFFF;
	s2 =	simm.s32 @!p0 $0x1C01  }
0x54: {  	[timem:s3], [sflag:s2] =	dma.local @!p0 [hbm:s0], s1  }
0x55: {  	s0 =	simm.s32 @!p0 $0x1  }
0x56: {  	_ =	swait.ge @!p0 [sflag:s0], s1  }
0x57: {  	s1 =	ssub.s32 @!p0 $0x0, s1;
	[sflag:s0] =	ssyncset.done @!p0 $0x0  }
0x58: {  	[sflag:s0] =	ssyncadd.s32 @!p0 s1  }
0x59: {  	[bflag:$0x3] =	sbarrier.arrive $0xFFFF  }
0x5a: {  	_ =	shalt  }

// kernel: kernel.5.cloned.1.call-start
scs
__scs_entry_jumppad:
0x0: {  	(pc) =	sbr.rel $0x88, $3  }
0x1: {  	(tag) =	ssettag $0x0;
	lr =	simm.s32 $0x1  }
0x2: {  	[smem:$0x3F9D] =	sst lr;
	_ =	strace $0xD0000000  }
0x3: {  	_ = 	snop  }
0x4: {  	_ = 	snop  }
0x5: {  	_ = 	snop  }
0x6: {  	_ = 	snop  }
0x7: {  	_ = 	snop  }
__scs_overlays_trampoline_lowered:
0x8: {  	[smem:$0x3FAC] =	sst s0  }
0x9: {  	[smem:$0x3FAD] =	sst s1  }
0xa: {  	[smem:$0x3FAE] =	sst s2  }
0xb: {  	[smem:$0x3FAF] =	sst s3  }
0xc: {  	[smem:$0x3FB0] =	sst s4  }
0xd: {  	[smem:$0x3FB1] =	sst s5  }
0xe: {  	[smem:$0x3FB2] =	sst s6  }
0xf: {  	[smem:$0x3FB3] =	sst s7  }
0x10: {  	[smem:$0x3FB4] =	sst s8  }
0x11: {  	[smem:$0x3FB5] =	sst s9;
	s0 =	simm.s32 @!p0 $0x0  }
0x12: {  	s1 =	sld [smem:$0x3F9B];
	s0 =	simm.s32 @p0 $0x1  }
0x13: {  	[smem:$0x3FB6] =	sst s0;
	s0 =	simm.s32 @!p1 $0x0  }
0x14: {  	s2 =	sld [smem:$0x3F9A];
	s0 =	simm.s32 @p1 $0x1  }
0x15: {  	[smem:$0x3FB7] =	sst s0;
	s0 =	simm.s32 @!p2 $0x0  }
0x16: {  	s3 =	sld [smem:$0x3FDB];
	s0 =	simm.s32 @p2 $0x1  }
0x17: {  	s4 =	simm.s32 $0x1BF5;
	[smem:$0x3FB9] =	sst s0  }
0x18: {  	s0 =	sld [smem:$0x3F9C];
	_ =	swait.ge [sflag:s4], $0x0  }
0x19: {  	s7 =	sld [smem:$0x3F9D]  }
0x1a: {  	s8 =	sadd.s32 $0xFFFFE003, lr  }
0x1b: {  	s9 =	sadd.s32 $0xFFFFFEF7, lr;
	s5 =	simm.s32 $0xFFFFFFFF;
	p2 =	slt.u32 s8, $0xFFFFF086  }
0x1c: {  	p1 =	slt.u32 s9, $0xF7A;
	s5 =	simm.s32 @!p2 $0x0  }
0x1d: {  	s5 =	simm.s32 @p1 $0x1;
	p0 =	seq.s32 s7, s2  }
0x1e: {  	s7 =	smul.u32 @!p0 $0xF7A, s2;
	p2 =	seq.s32 @!p0 s5, $0x0  }
0x1f: {  	s9 =	smul.u32 $0xF7A, s1;
	s8 =	simm.s32 @!p0 $0x1BF5;
	p2 =	por !p2, p0  }
0x20: {  	[sflag:s8] =	ssyncset.s32 @!p0 $0xFFFFF086;
	s6 =	sadd.s32 @!p0 s3, s7;
	s7 =	simm.s32 @!p0 $0x108  }
0x21: {  	s3 =	sadd.s32 s3, s9;
	s6 =	sadd.s32 @!p0 $0x88, s6;
	s7 =	simm.s32 @p2 $0x1082  }
0x22: {  	[simem:s7], [sflag:s8] =	dma.local @!p0 [hbm:s6], $0xF7A  }
0x23: {  	s9 =	sor.u32 $0xD0000000, s2;
	s6 =	simm.s32 $0x108;
	_ =	swait.ge @!p0 [sflag:s8], $0x0  }
0x24: {  	s3 =	sadd.s32 $0x88, s3;
	s6 =	simm.s32 @!p1 $0x1082;
	[sflag:s4] =	ssyncset.s32 $0xFFFFF086  }
0x25: {  	[simem:s6], [sflag:s4] =	dma.local [hbm:s3], $0xF7A  }
0x26: {  	[smem:$0x3F9D] =	sst s1;
	(tag) =	ssettag s2;
	_ =	strace s9  }
0x27: {  	s1 =	sld [smem:$0x3FAD]  }
0x28: {  	s2 =	sld [smem:$0x3FAE]  }
0x29: {  	s4 =	sld [smem:$0x3FB0]  }
0x2a: {  	p0 =	seq.s32 s5, $0x0;
	s5 =	sld [smem:$0x3FB1]  }
0x2b: {  	s6 =	sld [smem:$0x3FB2]  }
0x2c: {  	s7 =	sld [smem:$0x3FB3]  }
0x2d: {  	s3 =	simm.s32 $0x108;
	s8 =	sld [smem:$0x3FB4]  }
0x2e: {  	s3 =	simm.s32 @!p0 $0x1082;
	s9 =	sld [smem:$0x3FB5]  }
0x2f: {  	lr =	sadd.s32 s0, s3;
	s0 =	sld [smem:$0x3FAC]  }
0x30: {  	s3 =	sld [smem:$0x3FAF]  }
0x31: {  	[smem:$0x3FB8] =	sst s10  }
0x32: {  	s10 =	sld [smem:$0x3FB6];
	_ =	sdelay $0x3  }
0x33: {  	p0 =	seq.s32 s10, $0x1;
	s10 =	sld [smem:$0x3FB8];
	_ =	sdelay $0x3  }
0x34: {  	[smem:$0x3FB8] =	sst s10  }
0x35: {  	s10 =	sld [smem:$0x3FB7];
	_ =	sdelay $0x3  }
0x36: {  	p1 =	seq.s32 s10, $0x1;
	s10 =	sld [smem:$0x3FB8];
	_ =	sdelay $0x3  }
0x37: {  	[smem:$0x3FB8] =	sst s10  }
0x38: {  	s10 =	sld [smem:$0x3FB9]  }
0x39: {  	_ = 	snop;
	(pc) =	sbr.ind lr, $3  }
0x3a: {  	_ = 	snop  }
0x3b: {  	_ = 	snop  }
0x3c: {  	p2 =	seq.s32 s10, $0x1;
	s10 =	sld [smem:$0x3FB8]  }
0x3d: {  	_ =	shalt  }
0x3e: {  	_ =	shalt  }
0x3f: {  	_ =	shalt  }
0x40: {  	_ =	shalt  }
0x41: {  	_ =	shalt  }
0x42: {  	_ =	shalt  }
0x43: {  	_ =	shalt  }
0x44: {  	_ =	shalt  }
0x45: {  	_ =	shalt  }
0x46: {  	_ =	shalt  }
0x47: {  	_ =	shalt  }
0x48: {  	_ =	shalt  }
0x49: {  	_ =	shalt  }
0x4a: {  	_ =	shalt  }
0x4b: {  	_ =	shalt  }
0x4c: {  	_ =	shalt  }
0x4d: {  	_ =	shalt  }
0x4e: {  	_ =	shalt  }
0x4f: {  	_ =	shalt  }
0x50: {  	_ =	shalt  }
0x51: {  	_ =	shalt  }
0x52: {  	_ =	shalt  }
0x53: {  	_ =	shalt  }
0x54: {  	_ =	shalt  }
0x55: {  	_ =	shalt  }
0x56: {  	_ =	shalt  }
0x57: {  	_ =	shalt  }
0x58: {  	_ =	shalt  }
0x59: {  	_ =	shalt  }
0x5a: {  	_ =	shalt  }
0x5b: {  	_ =	shalt  }
0x5c: {  	_ =	shalt  }
0x5d: {  	_ =	shalt  }
0x5e: {  	_ =	shalt  }
0x5f: {  	_ =	shalt  }
0x60: {  	_ =	shalt  }
0x61: {  	_ =	shalt  }
0x62: {  	_ =	shalt  }
0x63: {  	_ =	shalt  }
0x64: {  	_ =	shalt  }
0x65: {  	_ =	shalt  }
0x66: {  	_ =	shalt  }
0x67: {  	_ =	shalt  }
0x68: {  	_ =	shalt  }
0x69: {  	_ =	shalt  }
0x6a: {  	_ =	shalt  }
0x6b: {  	_ =	shalt  }
0x6c: {  	_ =	shalt  }
0x6d: {  	_ =	shalt  }
0x6e: {  	_ =	shalt  }
0x6f: {  	_ =	shalt  }
0x70: {  	_ =	shalt  }
0x71: {  	_ =	shalt  }
0x72: {  	_ =	shalt  }
0x73: {  	_ =	shalt  }
0x74: {  	_ =	shalt  }
0x75: {  	_ =	shalt  }
0x76: {  	_ =	shalt  }
0x77: {  	_ =	shalt  }
0x78: {  	_ =	shalt  }
0x79: {  	_ =	shalt  }
0x7a: {  	_ =	shalt  }
0x7b: {  	_ =	shalt  }
0x7c: {  	_ =	shalt  }
0x7d: {  	_ =	shalt  }
0x7e: {  	_ =	shalt  }
0x7f: {  	_ =	shalt  }
0x80: {  	_ =	shalt  }
0x81: {  	_ =	shalt  }
0x82: {  	_ =	shalt  }
0x83: {  	_ =	shalt  }
0x84: {  	_ =	shalt  }
0x85: {  	_ =	shalt  }
0x86: {  	_ =	shalt  }
0x87: {  	_ =	shalt  }
.Lfunc_end0:
.L_simem_size_0:
called_computation.1_lowered:
.L_overlay_start_0:
0x88: {  	s0 =	sld [smem:$0x3FD9]  }
0x89: {  	s1 =	sld [smem:$0x3FFE];
	_ =	sdelay $0x3  }
0x8a: {  	s0 =	sadd.s32 s1, s0  }
0x8b: {  	[smem:$0x3FC4] =	sst s0  }
0x8c: {  	_ = 	snop  }
0x8d: {  	s0 =	sld [smem:$0x3FC8]  }
0x8e: {  	s16 =	sld [smem:$0x3FD0];
	(tm) =	ssettm $0x1  }
0x8f: {  	s2 =	sld [smem:$0x3FFB];
	_ =	sdelay $0x3  }
0x90: {  	_ =	strace s2  }
0x91: {  	s2 =	sld [smem:$0x3FFC];
	_ =	sdelay $0x3  }
0x92: {  	_ =	strace s2  }
0x93: {  	s2 =	sld [smem:$0x3FFD];
	_ =	sdelay $0x3  }
0x94: {  	_ =	strace s2  }
0x95: {  	_ =	strace $0x8FFFFFFF  }
0x96: {  	s17 =	sld [smem:$0x3FDB];
	_ =	sdelay $0x1  }
0x97: {  	s3 =	simm.s32 $_scs_section_size  }
0x98: {  	s4 =	simm.s32 $_size__tile_overlayer_lowered;
	s5 =	simm.s32 $_tile_overlayer_lowered  }
0x99: {  	s20 =	simm.s32 $0x1BFF;
	s19 =	sshll.u32 s5, $0x1;
	s2 =	sadd.s32 s3, s17  }
0x9a: {  	s6 =	simm.s32 $0x0;
	s18 =	sshll.u32 s4, $0x1;
	s4 =	sadd.s32 s19, s2  }
0x9b: {  	[timem:s6], [sflag:s20] =	dma.local [hbm:s4], s18  }
0x9c: {  	_ =	swait.ge [sflag:s20], s18  }
0x9d: {  	s3 =	ssub.s32 $0x0, s18;
	[sflag:s20] =	ssyncset.done $0x0  }
0x9e: {  	[sflag:s20] =	ssyncadd.s32 s3;
	_ =	sdelay $0x1  }
0x9f: {  	s21 =	simm.s32 $0x1B8B  }
0xa0: {  	_ =	swait.ge [sflag:s21], $0x1  }
0xa1: {  	[sflag:s21] =	ssyncset.done $0x0  }
0xa2: {  	s23 =	simm.s32 $0x1B8E;
	s22 =	sld [smem:$0x3FFE];
	[sflag:s21] =	ssyncadd.s32 $0xFFFFFFFF  }
0xa3: {  	s24 =	simm.s32 $execute0_lowered;
	[smem:$0x3FD2] =	sst s23  }
0xa4: {  	s4 =	sshll.u32 s24, $0x1;
	_ =	strace $0x80000049;
	[dreg:$0x1] =	wrdreg $0xFFFFFFFF  }
0xa5: {  	s25 =	simm.s32 $_size_execute0_lowered;
	s2 =	sadd.s32 s2, s4;
	[dreg:$0x0] =	wrdreg $0x0  }
0xa6: {  	s4 =	sshll.u32 s25, $0x1;
	[dreg:$0x2] =	wrdreg s2  }
0xa7: {  	[dreg:$0x3] =	wrdreg s4  }
0xa8: {  	[dreg:$0x4] =	wrdreg $0xC0  }
0xa9: {  	_ =	task [dreg:s6], $0x5FFFF  }
0xaa: {  	[dreg:$0x1] =	wrdreg $0xFFFFFFFF  }
0xab: {  	[dreg:$0x0] =	wrdreg $0x60  }
0xac: {  	[dreg:$0x2] =	wrdreg s0  }
0xad: {  	[dreg:$0x3] =	wrdreg s22  }
0xae: {  	[dreg:$0x4] =	wrdreg s16  }
0xaf: {  	[dreg:$0x5] =	wrdreg $0x0  }
0xb0: {  	[dreg:$0x6] =	wrdreg $0xA  }
0xb1: {  	_ =	task.clear_ibuf [dreg:s6], $0x7FFFF;
	_ =	strace $0x90000049  }
0xb2: {  	s26 =	simm.s32 $0xA;
	_ =	strace $0x8000004B  }
0xb3: {  	_ =	swait.ge [sflag:s26], $0x1  }
0xb4: {  	[sflag:s26] =	ssyncadd.s32 $0xFFFFFFFF  }
0xb5: {  	_ =	strace $0x9000004B  }
0xb6: {  	_ =	sfence  }
0xb7: {  	s28 =	sld [smem:$0x0];
	_ =	sdelay $0x1  }
0xb8: {  	s29 =	srdreg.scid  }
0xb9: {  	s30 =	sshll.u32 s29, $0xD;
	s31 =	sshrl.u32 s29, $0x2  }
0xba: {  	s1 =	sand.u32 $0x1, s29;
	s2 =	sand.u32 $0x4000, s30;
	s0 =	sadd.s32 s31, s28  }
0xbb: {  	s1 =	sor.u32 s2, s1;
	s0 =	sshll.u32 s0, $0x11  }
0xbc: {  	s0 =	sor.u32 s0, s1  }
0xbd: {  	s0 =	sadd.s32 $0x8F2B, s0  }
0xbe: {  	[sflag:s0] =	ssyncadd.remote.s32 $0x1  }
0xbf: {  	_ =	sfence.sel $0xFFFF  }
0xc0: {  	[dreg:$0x0] =	wrdreg $0xFFFFFFFF;
	(pc) =	sbr.abs _section_cstart, $3  }
0xc1: {  	[dreg:$0x1] =	wrdreg $0xFFFFFFFF  }
0xc2: {  	_ =	task.clear_ibuf [dreg:s6], $0x2FFFF;
	_ =	strace $0x9FFFFFFF  }
0xc3: {  	(tm) =	ssettm $0x7FFFFFFF  }
tec
execute0_lowered:
.L_overlay_start_1:
0x0: {  	(tag) =	ssettag $0x1  }
0x1: {  	s4 =	rddreg [dreg:$0x0]  }
0x2: {  	s6 =	rddreg [dreg:$0x1]  }
0x3: {  	s7 =	rddreg [dreg:$0x2]  }
0x4: {  	s3 =	rddreg [dreg:$0x3]  }
0x5: {  	s0 =	rddreg [dreg:$0x4];
	s2 =	simm.s32 $0x0;
	s1 =	stileid.u32  }
0x6: {  	[smem:$0x7FF] =	sst s2;
	s5 =	sshll.u32 s1, $0x7  }
0x7: {  	s21 =	simm.s32 $0x10000;
	_ =	strace $0x8000004A;
	s4 =	sadd.s32 s4, s5  }
0x8: {  	[tilespmem:s21], [sflag:$0x1] =	stream.linear.gather [hbm4b:s4+s2], $0x400, $0x38;
	[tilespmem:$0x17900] =	vst v63  }
0x9: {  	s4 =	simm.s32 $0x1  }
0xa: {  	_ =	swait.ge [sflag:s4], $0x400  }
0xb: {  	[sflag:s4] =	ssyncset.done $0x0  }
0xc: {  	s17 =	simm.s32 $0x14800;
	s22 =	sadd.s32 $0x1081E00, s6;
	[sflag:s4] =	ssyncadd.s32 $0xFFFFFC00  }
0xd: {  	[tilespmem:s17], [sflag:$0x1] =	stream.linear.gather [hbm4b:s22+s2], $0x2000, $0x38;
	[tilespmem:$0x17900] =	vst v63  }
0xe: {  	_ =	swait.ge [sflag:s4], $0x2000  }
0xf: {  	[sflag:s4] =	ssyncset.done $0x0  }
0x10: {  	[sflag:s4] =	ssyncadd.s32 $0xFFFFE000  }
0x11: {  	v0 =	vld [tilespmem:$0x10000]  }
0x12: {  	v1 =	vld [tilespmem:$0x10010]  }
0x13: {  	v2 =	vld [tilespmem:$0x10020]  }
0x14: {  	v3 =	vld [tilespmem:$0x10030]  }
0x15: {  	v4 =	vld [tilespmem:$0x10040]  }
0x16: {  	v5 =	vld [tilespmem:$0x10050];
	[tilespmem:$0x16800] =	vst v0  }
0x17: {  	v8 =	vlaneseq.u32;
	v6 =	vld [tilespmem:$0x10060];
	[tilespmem:$0x16810] =	vst v1  }
0x18: {  	v7 =	vld [tilespmem:$0x10070];
	[tilespmem:$0x16820] =	vst v2;
	v0 =	vmul.u32 $0x10, v8  }
0x19: {  	[tilespmem:$0x16830] =	vst v3  }
0x1a: {  	[tilespmem:$0x16840] =	vst v4;
	v1 =	vor.u32 $0x100, v0  }
0x1b: {  	[tilespmem:$0x16850] =	vst v5;
	v2 =	vor.u32 $0x200, v0  }
0x1c: {  	s18 =	sshll.u32 s1, $0xA;
	[tilespmem:$0x16860] =	vst v6;
	v3 =	vor.u32 $0x300, v0  }
0x1d: {  	s19 =	simm.s32 $0x16900;
	v21 =	vor.u32 s18, v8;
	s23 =	sor.u32 $0x10, s18;
	[tilespmem:$0x16870] =	vst v7;
	v4 =	vor.u32 $0x400, v0  }
0x1e: {  	s24 =	sor.u32 $0x20, s18;
	v22 =	vor.u32 s23, v8;
	v5 =	vor.u32 $0x500, v0;
	[tilespmem:v0+s19+$0x0] =	vst.idx.msk $0xffff, v21  }
0x1f: {  	s25 =	sor.u32 $0x30, s18;
	v23 =	vor.u32 s24, v8;
	v6 =	vor.u32 $0x600, v0;
	[tilespmem:v1+s19+$0x0] =	vst.idx.msk $0xffff, v22  }
0x20: {  	s26 =	sor.u32 $0x40, s18;
	v9 =	vor.u32 s25, v8;
	v7 =	vor.u32 $0x700, v0;
	[tilespmem:v2+s19+$0x0] =	vst.idx.msk $0xffff, v23  }
0x21: {  	s28 =	sor.u32 $0x50, s18;
	v10 =	vor.u32 s26, v8;
	[tilespmem:v3+s19+$0x0] =	vst.idx.msk $0xffff, v9  }
0x22: {  	s29 =	sor.u32 $0x60, s18;
	v24 =	vor.u32 s28, v8;
	[tilespmem:v4+s19+$0x0] =	vst.idx.msk $0xffff, v10  }
0x23: {  	s30 =	sor.u32 $0x70, s18;
	v25 =	vor.u32 s29, v8;
	[tilespmem:v5+s19+$0x0] =	vst.idx.msk $0xffff, v24  }
0x24: {  	v26 =	vor.u32 s30, v8;
	[tilespmem:v6+s19+$0x0] =	vst.idx.msk $0xffff, v25  }
0x25: {  	s11 =	simm.s32 $0x16800;
	s10 =	sadd.s32 $0x1082200, s6;
	s5 =	simm.s32 $0x80;
	[tilespmem:v7+s19+$0x0] =	vst.idx.msk $0xffff, v26  }
0x26: {  	[hbm4b:s10+s5] =	stream.indirect.scatter [tilespmem:s19], [sflag:$0x1], $0x10, s11, s5, $0xb8;
	[tilespmem:$0x17900] =	vst v63  }
0x27: {  	_ =	swait.ge [sflag:s4], $0x800  }
0x28: {  	s8 =	sshll.u32 s1, $0x10;
	[sflag:s4] =	ssyncset.done $0x0  }
0x29: {  	s8 =	sadd.s32 s8, s3;
	[sflag:s4] =	ssyncadd.s32 $0xFFFFF800  }
0x2a: {  	[spmem:s8] =	stream.linear.scatter [tilespmem:s17], [sflag:$0x1], $0x2000, $0x38;
	[tilespmem:$0x17900] =	vst v63  }
0x2b: {  	_ =	swait.ge [sflag:s4], $0x2000  }
0x2c: {  	[sflag:s4] =	ssyncset.done $0x0  }
0x2d: {  	[sflag:s4] =	ssyncadd.s32 $0xFFFFE000  }
0x2e: {  	v27 =	vld [tilespmem:$0x10080]  }
0x2f: {  	v28 =	vld [tilespmem:$0x10090]  }
0x30: {  	v11 =	vld [tilespmem:$0x100A0]  }
0x31: {  	v12 =	vld [tilespmem:$0x100B0]  }
0x32: {  	v13 =	vld [tilespmem:$0x100C0]  }
0x33: {  	v29 =	vld [tilespmem:$0x100D0];
	[tilespmem:$0x16800] =	vst v27  }
0x34: {  	v30 =	vld [tilespmem:$0x100E0];
	[tilespmem:$0x16810] =	vst v28  }
0x35: {  	v31 =	vld [tilespmem:$0x100F0];
	[tilespmem:$0x16820] =	vst v11  }
0x36: {  	[tilespmem:$0x16830] =	vst v12  }
0x37: {  	[tilespmem:$0x16840] =	vst v13  }
0x38: {  	[tilespmem:$0x16850] =	vst v29  }
0x39: {  	s8 =	sor.u32 $0x80, s18;
	[tilespmem:$0x16860] =	vst v30  }
0x3a: {  	s9 =	sor.u32 $0x90, s18;
	v32 =	vor.u32 s8, v8;
	[tilespmem:$0x16870] =	vst v31  }
0x3b: {  	s31 =	sor.u32 $0xA0, s18;
	v33 =	vor.u32 s9, v8;
	[tilespmem:v0+s19+$0x0] =	vst.idx.msk $0xffff, v32  }
0x3c: {  	s12 =	sor.u32 $0xB0, s18;
	v34 =	vor.u32 s31, v8;
	[tilespmem:v1+s19+$0x0] =	vst.idx.msk $0xffff, v33  }
0x3d: {  	s13 =	sor.u32 $0xC0, s18;
	v35 =	vor.u32 s12, v8;
	[tilespmem:v2+s19+$0x0] =	vst.idx.msk $0xffff, v34  }
0x3e: {  	s14 =	sor.u32 $0xD0, s18;
	v36 =	vor.u32 s13, v8;
	[tilespmem:v3+s19+$0x0] =	vst.idx.msk $0xffff, v35  }
0x3f: {  	s15 =	sor.u32 $0xE0, s18;
	v37 =	vor.u32 s14, v8;
	[tilespmem:v4+s19+$0x0] =	vst.idx.msk $0xffff, v36  }
0x40: {  	s16 =	sor.u32 $0xF0, s18;
	v38 =	vor.u32 s15, v8;
	[tilespmem:v5+s19+$0x0] =	vst.idx.msk $0xffff, v37  }
0x41: {  	v39 =	vor.u32 s16, v8;
	[tilespmem:v6+s19+$0x0] =	vst.idx.msk $0xffff, v38  }
0x42: {  	[tilespmem:v7+s19+$0x0] =	vst.idx.msk $0xffff, v39  }
0x43: {  	[hbm4b:s10+s5] =	stream.indirect.scatter [tilespmem:s19], [sflag:$0x1], $0x10, s11, s5, $0xb8;
	[tilespmem:$0x17900] =	vst v63  }
0x44: {  	_ =	swait.ge [sflag:s4], $0x800  }
0x45: {  	s20 =	sshll.u32 s8, $0x6;
	[sflag:s4] =	ssyncset.done $0x0  }
0x46: {  	s9 =	sadd.s32 s20, s3;
	[sflag:s4] =	ssyncadd.s32 $0xFFFFF800  }
0x47: {  	[spmem:s9] =	stream.linear.scatter [tilespmem:s17], [sflag:$0x1], $0x2000, $0x38;
	[tilespmem:$0x17900] =	vst v63  }
0x48: {  	_ =	swait.ge [sflag:s4], $0x2000  }
0x49: {  	[sflag:s4] =	ssyncset.done $0x0  }
0x4a: {  	[sflag:s4] =	ssyncadd.s32 $0xFFFFE000  }
0x4b: {  	v40 =	vld [tilespmem:$0x10100]  }
0x4c: {  	v41 =	vld [tilespmem:$0x10110]  }
0x4d: {  	v42 =	vld [tilespmem:$0x10120]  }
0x4e: {  	v43 =	vld [tilespmem:$0x10130]  }
0x4f: {  	v44 =	vld [tilespmem:$0x10140]  }
0x50: {  	v45 =	vld [tilespmem:$0x10150];
	[tilespmem:$0x16800] =	vst v40  }
0x51: {  	v46 =	vld [tilespmem:$0x10160];
	[tilespmem:$0x16810] =	vst v41  }
0x52: {  	v47 =	vld [tilespmem:$0x10170];
	[tilespmem:$0x16820] =	vst v42  }
0x53: {  	[tilespmem:$0x16830] =	vst v43  }
0x54: {  	[tilespmem:$0x16840] =	vst v44  }
0x55: {  	[tilespmem:$0x16850] =	vst v45  }
0x56: {  	s9 =	sor.u32 $0x100, s18;
	[tilespmem:$0x16860] =	vst v46  }
0x57: {  	s12 =	sor.u32 $0x110, s18;
	v48 =	vor.u32 s9, v8;
	[tilespmem:$0x16870] =	vst v47  }
0x58: {  	s21 =	sor.u32 $0x120, s18;
	v49 =	vor.u32 s12, v8;
	[tilespmem:v0+s19+$0x0] =	vst.idx.msk $0xffff, v48  }
0x59: {  	v50 =	vor.u32 s21, v8;
	s22 =	sor.u32 $0x130, s18;
	[tilespmem:v1+s19+$0x0] =	vst.idx.msk $0xffff, v49  }
0x5a: {  	s23 =	sor.u32 $0x140, s18;
	v51 =	vor.u32 s22, v8;
	[tilespmem:v2+s19+$0x0] =	vst.idx.msk $0xffff, v50  }
0x5b: {  	s24 =	sor.u32 $0x150, s18;
	v52 =	vor.u32 s23, v8;
	[tilespmem:v3+s19+$0x0] =	vst.idx.msk $0xffff, v51  }
0x5c: {  	s25 =	sor.u32 $0x160, s18;
	v53 =	vor.u32 s24, v8;
	[tilespmem:v4+s19+$0x0] =	vst.idx.msk $0xffff, v52  }
0x5d: {  	s26 =	sor.u32 $0x170, s18;
	v54 =	vor.u32 s25, v8;
	[tilespmem:v5+s19+$0x0] =	vst.idx.msk $0xffff, v53  }
0x5e: {  	v55 =	vor.u32 s26, v8;
	[tilespmem:v6+s19+$0x0] =	vst.idx.msk $0xffff, v54  }
0x5f: {  	[tilespmem:v7+s19+$0x0] =	vst.idx.msk $0xffff, v55  }
0x60: {  	[hbm4b:s10+s5] =	stream.indirect.scatter [tilespmem:s19], [sflag:$0x1], $0x10, s11, s5, $0xb8;
	[tilespmem:$0x17900] =	vst v63  }
0x61: {  	_ =	swait.ge [sflag:s4], $0x800  }
0x62: {  	s28 =	sshll.u32 s9, $0x6;
	[sflag:s4] =	ssyncset.done $0x0  }
0x63: {  	s12 =	sadd.s32 s28, s3;
	[sflag:s4] =	ssyncadd.s32 $0xFFFFF800  }
0x64: {  	[spmem:s12] =	stream.linear.scatter [tilespmem:s17], [sflag:$0x1], $0x2000, $0x38;
	[tilespmem:$0x17900] =	vst v63  }
0x65: {  	_ =	swait.ge [sflag:s4], $0x2000  }
0x66: {  	[sflag:s4] =	ssyncset.done $0x0  }
0x67: {  	[sflag:s4] =	ssyncadd.s32 $0xFFFFE000  }
0x68: {  	v56 =	vld [tilespmem:$0x10180]  }
0x69: {  	v57 =	vld [tilespmem:$0x10190]  }
0x6a: {  	v58 =	vld [tilespmem:$0x101A0]  }
0x6b: {  	v59 =	vld [tilespmem:$0x101B0]  }
0x6c: {  	v60 =	vld [tilespmem:$0x101C0]  }
0x6d: {  	v61 =	vld [tilespmem:$0x101D0];
	[tilespmem:$0x16800] =	vst v56  }
0x6e: {  	v62 =	vld [tilespmem:$0x101E0];
	[tilespmem:$0x16810] =	vst v57  }
0x6f: {  	v63 =	vld [tilespmem:$0x101F0];
	[tilespmem:$0x16820] =	vst v58  }
0x70: {  	[tilespmem:$0x16830] =	vst v59  }
0x71: {  	[tilespmem:$0x16840] =	vst v60  }
0x72: {  	[tilespmem:$0x16850] =	vst v61  }
0x73: {  	s12 =	sor.u32 $0x180, s18;
	[tilespmem:$0x16860] =	vst v62  }
0x74: {  	s13 =	sor.u32 $0x190, s18;
	v12 =	vor.u32 s12, v8;
	[tilespmem:$0x16870] =	vst v63  }
0x75: {  	s29 =	sor.u32 $0x1A0, s18;
	v13 =	vor.u32 s13, v8;
	[tilespmem:v0+s19+$0x0] =	vst.idx.msk $0xffff, v12  }
0x76: {  	s30 =	sor.u32 $0x1B0, s18;
	v14 =	vor.u32 s29, v8;
	[tilespmem:v1+s19+$0x0] =	vst.idx.msk $0xffff, v13  }
0x77: {  	s31 =	sor.u32 $0x1C0, s18;
	v15 =	vor.u32 s30, v8;
	[tilespmem:v2+s19+$0x0] =	vst.idx.msk $0xffff, v14  }
0x78: {  	s14 =	sor.u32 $0x1D0, s18;
	v16 =	vor.u32 s31, v8;
	[tilespmem:v3+s19+$0x0] =	vst.idx.msk $0xffff, v15  }
0x79: {  	s15 =	sor.u32 $0x1E0, s18;
	v17 =	vor.u32 s14, v8;
	[tilespmem:v4+s19+$0x0] =	vst.idx.msk $0xffff, v16  }
0x7a: {  	s16 =	sor.u32 $0x1F0, s18;
	v18 =	vor.u32 s15, v8;
	[tilespmem:v5+s19+$0x0] =	vst.idx.msk $0xffff, v17  }
0x7b: {  	v19 =	vor.u32 s16, v8;
	[tilespmem:v6+s19+$0x0] =	vst.idx.msk $0xffff, v18  }
0x7c: {  	[tilespmem:v7+s19+$0x0] =	vst.idx.msk $0xffff, v19  }
0x7d: {  	[hbm4b:s10+s5] =	stream.indirect.scatter [tilespmem:s19], [sflag:$0x1], $0x10, s11, s5, $0xb8;
	[tilespmem:$0x17900] =	vst v63  }
0x7e: {  	_ =	swait.ge [sflag:s4], $0x800  }
0x7f: {  	s20 =	sshll.u32 s12, $0x6;
	[sflag:s4] =	ssyncset.done $0x0  }
0x80: {  	s13 =	sadd.s32 s20, s3;
	[sflag:s4] =	ssyncadd.s32 $0xFFFFF800  }
0x81: {  	[spmem:s13] =	stream.linear.scatter [tilespmem:s17], [sflag:$0x1], $0x2000, $0x38;
	[tilespmem:$0x17900] =	vst v63  }
0x82: {  	_ =	swait.ge [sflag:s4], $0x2000  }
0x83: {  	[sflag:s4] =	ssyncset.done $0x0  }
0x84: {  	[sflag:s4] =	ssyncadd.s32 $0xFFFFE000  }
0x85: {  	v20 =	vld [tilespmem:$0x10200]  }
0x86: {  	v21 =	vld [tilespmem:$0x10210]  }
0x87: {  	v22 =	vld [tilespmem:$0x10220]  }
0x88: {  	v23 =	vld [tilespmem:$0x10230]  }
0x89: {  	v24 =	vld [tilespmem:$0x10240]  }
0x8a: {  	v25 =	vld [tilespmem:$0x10250];
	[tilespmem:$0x16800] =	vst v20  }
0x8b: {  	v26 =	vld [tilespmem:$0x10260];
	[tilespmem:$0x16810] =	vst v21  }
0x8c: {  	v27 =	vld [tilespmem:$0x10270];
	[tilespmem:$0x16820] =	vst v22  }
0x8d: {  	[tilespmem:$0x16830] =	vst v23  }
0x8e: {  	[tilespmem:$0x16840] =	vst v24  }
0x8f: {  	[tilespmem:$0x16850] =	vst v25  }
0x90: {  	s13 =	sor.u32 $0x200, s18;
	[tilespmem:$0x16860] =	vst v26  }
0x91: {  	s14 =	sor.u32 $0x210, s18;
	v28 =	vor.u32 s13, v8;
	[tilespmem:$0x16870] =	vst v27  }
0x92: {  	s21 =	sor.u32 $0x220, s18;
	v29 =	vor.u32 s14, v8;
	[tilespmem:v0+s19+$0x0] =	vst.idx.msk $0xffff, v28  }
0x93: {  	s22 =	sor.u32 $0x230, s18;
	v30 =	vor.u32 s21, v8;
	[tilespmem:v1+s19+$0x0] =	vst.idx.msk $0xffff, v29  }
0x94: {  	s23 =	sor.u32 $0x240, s18;
	v31 =	vor.u32 s22, v8;
	[tilespmem:v2+s19+$0x0] =	vst.idx.msk $0xffff, v30  }
0x95: {  	s24 =	sor.u32 $0x250, s18;
	v32 =	vor.u32 s23, v8;
	[tilespmem:v3+s19+$0x0] =	vst.idx.msk $0xffff, v31  }
0x96: {  	s25 =	sor.u32 $0x260, s18;
	v33 =	vor.u32 s24, v8;
	[tilespmem:v4+s19+$0x0] =	vst.idx.msk $0xffff, v32  }
0x97: {  	s26 =	sor.u32 $0x270, s18;
	v34 =	vor.u32 s25, v8;
	[tilespmem:v5+s19+$0x0] =	vst.idx.msk $0xffff, v33  }
0x98: {  	v35 =	vor.u32 s26, v8;
	[tilespmem:v6+s19+$0x0] =	vst.idx.msk $0xffff, v34  }
0x99: {  	[tilespmem:v7+s19+$0x0] =	vst.idx.msk $0xffff, v35  }
0x9a: {  	[hbm4b:s10+s5] =	stream.indirect.scatter [tilespmem:s19], [sflag:$0x1], $0x10, s11, s5, $0xb8;
	[tilespmem:$0x17900] =	vst v63  }
0x9b: {  	_ =	swait.ge [sflag:s4], $0x800  }
0x9c: {  	s28 =	sshll.u32 s13, $0x6;
	[sflag:s4] =	ssyncset.done $0x0  }
0x9d: {  	s14 =	sadd.s32 s28, s3;
	[sflag:s4] =	ssyncadd.s32 $0xFFFFF800  }
0x9e: {  	[spmem:s14] =	stream.linear.scatter [tilespmem:s17], [sflag:$0x1], $0x2000, $0x38;
	[tilespmem:$0x17900] =	vst v63  }
0x9f: {  	_ =	swait.ge [sflag:s4], $0x2000  }
0xa0: {  	[sflag:s4] =	ssyncset.done $0x0  }
0xa1: {  	[sflag:s4] =	ssyncadd.s32 $0xFFFFE000  }
0xa2: {  	v36 =	vld [tilespmem:$0x10280]  }
0xa3: {  	v37 =	vld [tilespmem:$0x10290]  }
0xa4: {  	v38 =	vld [tilespmem:$0x102A0]  }
0xa5: {  	v39 =	vld [tilespmem:$0x102B0]  }
0xa6: {  	v40 =	vld [tilespmem:$0x102C0]  }
0xa7: {  	v41 =	vld [tilespmem:$0x102D0];
	[tilespmem:$0x16800] =	vst v36  }
0xa8: {  	v42 =	vld [tilespmem:$0x102E0];
	[tilespmem:$0x16810] =	vst v37  }
0xa9: {  	v43 =	vld [tilespmem:$0x102F0];
	[tilespmem:$0x16820] =	vst v38  }
0xaa: {  	[tilespmem:$0x16830] =	vst v39  }
0xab: {  	[tilespmem:$0x16840] =	vst v40  }
0xac: {  	[tilespmem:$0x16850] =	vst v41  }
0xad: {  	s14 =	sor.u32 $0x280, s18;
	[tilespmem:$0x16860] =	vst v42  }
0xae: {  	s15 =	sor.u32 $0x290, s18;
	v44 =	vor.u32 s14, v8;
	[tilespmem:$0x16870] =	vst v43  }
0xaf: {  	s29 =	sor.u32 $0x2A0, s18;
	v45 =	vor.u32 s15, v8;
	[tilespmem:v0+s19+$0x0] =	vst.idx.msk $0xffff, v44  }
0xb0: {  	s30 =	sor.u32 $0x2B0, s18;
	v46 =	vor.u32 s29, v8;
	[tilespmem:v1+s19+$0x0] =	vst.idx.msk $0xffff, v45  }
0xb1: {  	s31 =	sor.u32 $0x2C0, s18;
	v47 =	vor.u32 s30, v8;
	[tilespmem:v2+s19+$0x0] =	vst.idx.msk $0xffff, v46  }
0xb2: {  	s16 =	sor.u32 $0x2D0, s18;
	v48 =	vor.u32 s31, v8;
	[tilespmem:v3+s19+$0x0] =	vst.idx.msk $0xffff, v47  }
0xb3: {  	v49 =	vor.u32 s16, v8;
	s20 =	sor.u32 $0x2E0, s18;
	[tilespmem:v4+s19+$0x0] =	vst.idx.msk $0xffff, v48  }
0xb4: {  	s21 =	sor.u32 $0x2F0, s18;
	v50 =	vor.u32 s20, v8;
	[tilespmem:v5+s19+$0x0] =	vst.idx.msk $0xffff, v49  }
0xb5: {  	v51 =	vor.u32 s21, v8;
	[tilespmem:v6+s19+$0x0] =	vst.idx.msk $0xffff, v50  }
0xb6: {  	[tilespmem:v7+s19+$0x0] =	vst.idx.msk $0xffff, v51  }
0xb7: {  	[hbm4b:s10+s5] =	stream.indirect.scatter [tilespmem:s19], [sflag:$0x1], $0x10, s11, s5, $0xb8;
	[tilespmem:$0x17900] =	vst v63  }
0xb8: {  	_ =	swait.ge [sflag:s4], $0x800  }
0xb9: {  	s22 =	sshll.u32 s14, $0x6;
	[sflag:s4] =	ssyncset.done $0x0  }
0xba: {  	s15 =	sadd.s32 s22, s3;
	[sflag:s4] =	ssyncadd.s32 $0xFFFFF800  }
0xbb: {  	[spmem:s15] =	stream.linear.scatter [tilespmem:s17], [sflag:$0x1], $0x2000, $0x38;
	[tilespmem:$0x17900] =	vst v63  }
0xbc: {  	_ =	swait.ge [sflag:s4], $0x2000  }
0xbd: {  	[sflag:s4] =	ssyncset.done $0x0  }
0xbe: {  	[sflag:s4] =	ssyncadd.s32 $0xFFFFE000  }
0xbf: {  	v52 =	vld [tilespmem:$0x10300]  }
0xc0: {  	v53 =	vld [tilespmem:$0x10310]  }
0xc1: {  	v54 =	vld [tilespmem:$0x10320]  }
0xc2: {  	v55 =	vld [tilespmem:$0x10330]  }
0xc3: {  	v56 =	vld [tilespmem:$0x10340]  }
0xc4: {  	v57 =	vld [tilespmem:$0x10350];
	[tilespmem:$0x16800] =	vst v52  }
0xc5: {  	v58 =	vld [tilespmem:$0x10360];
	[tilespmem:$0x16810] =	vst v53  }
0xc6: {  	v59 =	vld [tilespmem:$0x10370];
	[tilespmem:$0x16820] =	vst v54  }
0xc7: {  	[tilespmem:$0x16830] =	vst v55  }
0xc8: {  	[tilespmem:$0x16840] =	vst v56  }
0xc9: {  	[tilespmem:$0x16850] =	vst v57  }
0xca: {  	s15 =	sor.u32 $0x300, s18;
	[tilespmem:$0x16860] =	vst v58  }
0xcb: {  	s16 =	sor.u32 $0x310, s18;
	v60 =	vor.u32 s15, v8;
	[tilespmem:$0x16870] =	vst v59  }
0xcc: {  	s23 =	sor.u32 $0x320, s18;
	v61 =	vor.u32 s16, v8;
	[tilespmem:v0+s19+$0x0] =	vst.idx.msk $0xffff, v60  }
0xcd: {  	s24 =	sor.u32 $0x330, s18;
	v62 =	vor.u32 s23, v8;
	[tilespmem:v1+s19+$0x0] =	vst.idx.msk $0xffff, v61  }
0xce: {  	s25 =	sor.u32 $0x340, s18;
	v63 =	vor.u32 s24, v8;
	[tilespmem:v2+s19+$0x0] =	vst.idx.msk $0xffff, v62  }
0xcf: {  	s26 =	sor.u32 $0x350, s18;
	v12 =	vor.u32 s25, v8;
	[tilespmem:v3+s19+$0x0] =	vst.idx.msk $0xffff, v63  }
0xd0: {  	v13 =	vor.u32 s26, v8;
	s28 =	sor.u32 $0x360, s18;
	[tilespmem:v4+s19+$0x0] =	vst.idx.msk $0xffff, v12  }
0xd1: {  	s29 =	sor.u32 $0x370, s18;
	v14 =	vor.u32 s28, v8;
	[tilespmem:v5+s19+$0x0] =	vst.idx.msk $0xffff, v13  }
0xd2: {  	v15 =	vor.u32 s29, v8;
	[tilespmem:v6+s19+$0x0] =	vst.idx.msk $0xffff, v14  }
0xd3: {  	[tilespmem:v7+s19+$0x0] =	vst.idx.msk $0xffff, v15  }
0xd4: {  	[hbm4b:s10+s5] =	stream.indirect.scatter [tilespmem:s19], [sflag:$0x1], $0x10, s11, s5, $0xb8;
	[tilespmem:$0x17900] =	vst v63  }
0xd5: {  	_ =	swait.ge [sflag:s4], $0x800  }
0xd6: {  	s30 =	sshll.u32 s15, $0x6;
	[sflag:s4] =	ssyncset.done $0x0  }
0xd7: {  	s16 =	sadd.s32 s30, s3;
	[sflag:s4] =	ssyncadd.s32 $0xFFFFF800  }
0xd8: {  	[spmem:s16] =	stream.linear.scatter [tilespmem:s17], [sflag:$0x1], $0x2000, $0x38;
	[tilespmem:$0x17900] =	vst v63  }
0xd9: {  	_ =	swait.ge [sflag:s4], $0x2000  }
0xda: {  	[sflag:s4] =	ssyncset.done $0x0  }
0xdb: {  	[sflag:s4] =	ssyncadd.s32 $0xFFFFE000  }
0xdc: {  	v16 =	vld [tilespmem:$0x10380]  }
0xdd: {  	v17 =	vld [tilespmem:$0x10390]  }
0xde: {  	v18 =	vld [tilespmem:$0x103A0]  }
0xdf: {  	v19 =	vld [tilespmem:$0x103B0]  }
0xe0: {  	v20 =	vld [tilespmem:$0x103C0]  }
0xe1: {  	v21 =	vld [tilespmem:$0x103D0];
	[tilespmem:$0x16800] =	vst v16  }
0xe2: {  	v22 =	vld [tilespmem:$0x103E0];
	[tilespmem:$0x16810] =	vst v17  }
0xe3: {  	v23 =	vld [tilespmem:$0x103F0];
	[tilespmem:$0x16820] =	vst v18  }
0xe4: {  	[tilespmem:$0x16830] =	vst v19  }
0xe5: {  	[tilespmem:$0x16840] =	vst v20  }
0xe6: {  	[tilespmem:$0x16850] =	vst v21  }
0xe7: {  	s16 =	sor.u32 $0x380, s18;
	[tilespmem:$0x16860] =	vst v22  }
0xe8: {  	s20 =	sor.u32 $0x390, s18;
	v24 =	vor.u32 s16, v8;
	[tilespmem:$0x16870] =	vst v23  }
0xe9: {  	s31 =	sor.u32 $0x3A0, s18;
	v25 =	vor.u32 s20, v8;
	[tilespmem:v0+s19+$0x0] =	vst.idx.msk $0xffff, v24  }
0xea: {  	s21 =	sor.u32 $0x3B0, s18;
	v26 =	vor.u32 s31, v8;
	[tilespmem:v1+s19+$0x0] =	vst.idx.msk $0xffff, v25  }
0xeb: {  	v27 =	vor.u32 s21, v8;
	s22 =	sor.u32 $0x3C0, s18;
	[tilespmem:v2+s19+$0x0] =	vst.idx.msk $0xffff, v26  }
0xec: {  	s23 =	sor.u32 $0x3D0, s18;
	v28 =	vor.u32 s22, v8;
	[tilespmem:v3+s19+$0x0] =	vst.idx.msk $0xffff, v27  }
0xed: {  	s24 =	sor.u32 $0x3E0, s18;
	v29 =	vor.u32 s23, v8;
	[tilespmem:v4+s19+$0x0] =	vst.idx.msk $0xffff, v28  }
0xee: {  	v30 =	vor.u32 s24, v8;
	s18 =	sor.u32 $0x3F0, s18;
	[tilespmem:v5+s19+$0x0] =	vst.idx.msk $0xffff, v29  }
0xef: {  	v8 =	vor.u32 s18, v8;
	[tilespmem:v6+s19+$0x0] =	vst.idx.msk $0xffff, v30  }
0xf0: {  	[tilespmem:v7+s19+$0x0] =	vst.idx.msk $0xffff, v8  }
0xf1: {  	[hbm4b:s10+s5] =	stream.indirect.scatter [tilespmem:s19], [sflag:$0x1], $0x10, s11, s5, $0xb8;
	[tilespmem:$0x17900] =	vst v63  }
0xf2: {  	_ =	swait.ge [sflag:s4], $0x800  }
0xf3: {  	s25 =	sshll.u32 s16, $0x6;
	[sflag:s4] =	ssyncset.done $0x0  }
0xf4: {  	s18 =	sadd.s32 s25, s3;
	[sflag:s4] =	ssyncadd.s32 $0xFFFFF800  }
0xf5: {  	[spmem:s18] =	stream.linear.scatter [tilespmem:s17], [sflag:$0x1], $0x2000, $0x38;
	[tilespmem:$0x17900] =	vst v63  }
0xf6: {  	_ =	swait.ge [sflag:s4], $0x2000  }
0xf7: {  	[sflag:s4] =	ssyncset.done $0x0  }
0xf8: {  	[sflag:s4] =	ssyncadd.s32 $0xFFFFE000  }
0xf9: {  	[bflag:$0x0] =	sbarrier.arrive $0xFFFF  }
0xfa: {  	v31 =	vld [tilespmem:$0x10000]  }
0xfb: {  	v32 =	vld [tilespmem:$0x10010]  }
0xfc: {  	v33 =	vld [tilespmem:$0x10020]  }
0xfd: {  	v34 =	vld [tilespmem:$0x10030]  }
0xfe: {  	v35 =	vld [tilespmem:$0x10040]  }
0xff: {  	v36 =	vld [tilespmem:$0x10050];
	[tilespmem:$0x16800] =	vst v31  }
0x100: {  	v37 =	vld [tilespmem:$0x10060];
	[tilespmem:$0x16810] =	vst v32  }
0x101: {  	v38 =	vld [tilespmem:$0x10070];
	[tilespmem:$0x16820] =	vst v33  }
0x102: {  	[tilespmem:$0x16830] =	vst v34  }
0x103: {  	[tilespmem:$0x16840] =	vst v35  }
0x104: {  	[tilespmem:$0x16850] =	vst v36  }
0x105: {  	[tilespmem:$0x16860] =	vst v37  }
0x106: {  	s26 =	simm.s32 $0x17100;
	[tilespmem:$0x16870] =	vst v38  }
0x107: {  	[tilespmem:s26], [sflag:$0x1] =	stream.indirect.gather [hbm4b:s10+s5], $0x10, s11, s5, $0xb8;
	[tilespmem:$0x17900] =	vst v63  }
0x108: {  	_ =	swait.ge [sflag:s4], $0x800  }
0x109: {  	[sflag:s4] =	ssyncset.done $0x0  }
0x10a: {  	[sflag:s4] =	ssyncadd.s32 $0xFFFFF800  }
0x10b: {  	v39 =	vld.idx.msk [tilespmem:v0+s26+$0x0], $0xffff;
	_ =	sdelay $0x4  }
0x10c: {  	[tilespmem:$0x10400] =	vst v39  }
0x10d: {  	v8 =	vld.idx.msk [tilespmem:v1+s26+$0x0], $0xffff;
	_ =	sdelay $0x4  }
0x10e: {  	[tilespmem:$0x10410] =	vst v8  }
0x10f: {  	v8 =	vld.idx.msk [tilespmem:v2+s26+$0x0], $0xffff;
	_ =	sdelay $0x4  }
0x110: {  	[tilespmem:$0x10420] =	vst v8  }
0x111: {  	v8 =	vld.idx.msk [tilespmem:v3+s26+$0x0], $0xffff;
	_ =	sdelay $0x4  }
0x112: {  	[tilespmem:$0x10430] =	vst v8  }
0x113: {  	v8 =	vld.idx.msk [tilespmem:v4+s26+$0x0], $0xffff;
	_ =	sdelay $0x4  }
0x114: {  	[tilespmem:$0x10440] =	vst v8  }
0x115: {  	v8 =	vld.idx.msk [tilespmem:v5+s26+$0x0], $0xffff;
	_ =	sdelay $0x4  }
0x116: {  	v40 =	vld [tilespmem:$0x10080];
	[tilespmem:$0x10450] =	vst v8  }
0x117: {  	v8 =	vld.idx.msk [tilespmem:v6+s26+$0x0], $0xffff  }
0x118: {  	v41 =	vld [tilespmem:$0x10090]  }
0x119: {  	v42 =	vld [tilespmem:$0x100A0]  }
0x11a: {  	v43 =	vld [tilespmem:$0x100B0]  }
0x11b: {  	v44 =	vld [tilespmem:$0x100C0]  }
0x11c: {  	v45 =	vld [tilespmem:$0x100D0];
	[tilespmem:$0x10460] =	vst v8  }
0x11d: {  	v8 =	vld.idx.msk [tilespmem:v7+s26+$0x0], $0xffff;
	[tilespmem:$0x16800] =	vst v40  }
0x11e: {  	v46 =	vld [tilespmem:$0x100E0];
	[tilespmem:$0x16810] =	vst v41  }
0x11f: {  	v47 =	vld [tilespmem:$0x100F0];
	[tilespmem:$0x16820] =	vst v42  }
0x120: {  	[tilespmem:$0x16830] =	vst v43  }
0x121: {  	[tilespmem:$0x16840] =	vst v44  }
0x122: {  	[tilespmem:$0x16850] =	vst v45  }
0x123: {  	[tilespmem:$0x16860] =	vst v46  }
0x124: {  	[tilespmem:$0x16870] =	vst v47  }
0x125: {  	[tilespmem:$0x10470] =	vst v8  }
0x126: {  	[tilespmem:s26], [sflag:$0x1] =	stream.indirect.gather [hbm4b:s10+s5], $0x10, s11, s5, $0xb8;
	[tilespmem:$0x17900] =	vst v63  }
0x127: {  	_ =	swait.ge [sflag:s4], $0x800  }
0x128: {  	[sflag:s4] =	ssyncset.done $0x0  }
0x129: {  	[sflag:s4] =	ssyncadd.s32 $0xFFFFF800  }
0x12a: {  	v48 =	vld.idx.msk [tilespmem:v0+s26+$0x0], $0xffff;
	_ =	sdelay $0x4  }
0x12b: {  	[tilespmem:$0x10480] =	vst v48  }
0x12c: {  	v8 =	vld.idx.msk [tilespmem:v1+s26+$0x0], $0xffff;
	_ =	sdelay $0x4  }
0x12d: {  	[tilespmem:$0x10490] =	vst v8  }
0x12e: {  	v8 =	vld.idx.msk [tilespmem:v2+s26+$0x0], $0xffff;
	_ =	sdelay $0x4  }
0x12f: {  	[tilespmem:$0x104A0] =	vst v8  }
0x130: {  	v8 =	vld.idx.msk [tilespmem:v3+s26+$0x0], $0xffff;
	_ =	sdelay $0x4  }
0x131: {  	[tilespmem:$0x104B0] =	vst v8  }
0x132: {  	v8 =	vld.idx.msk [tilespmem:v4+s26+$0x0], $0xffff;
	_ =	sdelay $0x4  }
0x133: {  	[tilespmem:$0x104C0] =	vst v8  }
0x134: {  	v8 =	vld.idx.msk [tilespmem:v5+s26+$0x0], $0xffff;
	_ =	sdelay $0x4  }
0x135: {  	v49 =	vld [tilespmem:$0x10100];
	[tilespmem:$0x104D0] =	vst v8  }
0x136: {  	v8 =	vld.idx.msk [tilespmem:v6+s26+$0x0], $0xffff  }
0x137: {  	v50 =	vld [tilespmem:$0x10110]  }
0x138: {  	v51 =	vld [tilespmem:$0x10120]  }
0x139: {  	v52 =	vld [tilespmem:$0x10130]  }
0x13a: {  	v53 =	vld [tilespmem:$0x10140]  }
0x13b: {  	v54 =	vld [tilespmem:$0x10150];
	[tilespmem:$0x104E0] =	vst v8  }
0x13c: {  	v8 =	vld.idx.msk [tilespmem:v7+s26+$0x0], $0xffff;
	[tilespmem:$0x16800] =	vst v49  }
0x13d: {  	v55 =	vld [tilespmem:$0x10160];
	[tilespmem:$0x16810] =	vst v50  }
0x13e: {  	v56 =	vld [tilespmem:$0x10170];
	[tilespmem:$0x16820] =	vst v51  }
0x13f: {  	[tilespmem:$0x16830] =	vst v52  }
0x140: {  	[tilespmem:$0x16840] =	vst v53  }
0x141: {  	[tilespmem:$0x16850] =	vst v54  }
0x142: {  	[tilespmem:$0x16860] =	vst v55  }
0x143: {  	[tilespmem:$0x16870] =	vst v56  }
0x144: {  	[tilespmem:$0x104F0] =	vst v8  }
0x145: {  	[tilespmem:s26], [sflag:$0x1] =	stream.indirect.gather [hbm4b:s10+s5], $0x10, s11, s5, $0xb8;
	[tilespmem:$0x17900] =	vst v63  }
0x146: {  	_ =	swait.ge [sflag:s4], $0x800  }
0x147: {  	[sflag:s4] =	ssyncset.done $0x0  }
0x148: {  	[sflag:s4] =	ssyncadd.s32 $0xFFFFF800  }
0x149: {  	v57 =	vld.idx.msk [tilespmem:v0+s26+$0x0], $0xffff;
	_ =	sdelay $0x4  }
0x14a: {  	[tilespmem:$0x10500] =	vst v57  }
0x14b: {  	v8 =	vld.idx.msk [tilespmem:v1+s26+$0x0], $0xffff;
	_ =	sdelay $0x4  }
0x14c: {  	[tilespmem:$0x10510] =	vst v8  }
0x14d: {  	v8 =	vld.idx.msk [tilespmem:v2+s26+$0x0], $0xffff;
	_ =	sdelay $0x4  }
0x14e: {  	[tilespmem:$0x10520] =	vst v8  }
0x14f: {  	v8 =	vld.idx.msk [tilespmem:v3+s26+$0x0], $0xffff;
	_ =	sdelay $0x4  }
0x150: {  	[tilespmem:$0x10530] =	vst v8  }
0x151: {  	v8 =	vld.idx.msk [tilespmem:v4+s26+$0x0], $0xffff;
	_ =	sdelay $0x4  }
0x152: {  	[tilespmem:$0x10540] =	vst v8  }
0x153: {  	v8 =	vld.idx.msk [tilespmem:v5+s26+$0x0], $0xffff;
	_ =	sdelay $0x4  }
0x154: {  	v58 =	vld [tilespmem:$0x10180];
	[tilespmem:$0x10550] =	vst v8  }
0x155: {  	v8 =	vld.idx.msk [tilespmem:v6+s26+$0x0], $0xffff  }
0x156: {  	v59 =	vld [tilespmem:$0x10190]  }
0x157: {  	v60 =	vld [tilespmem:$0x101A0]  }
0x158: {  	v61 =	vld [tilespmem:$0x101B0]  }
0x159: {  	v62 =	vld [tilespmem:$0x101C0]  }
0x15a: {  	v63 =	vld [tilespmem:$0x101D0];
	[tilespmem:$0x10560] =	vst v8  }
0x15b: {  	v8 =	vld.idx.msk [tilespmem:v7+s26+$0x0], $0xffff;
	[tilespmem:$0x16800] =	vst v58  }
0x15c: {  	v13 =	vld [tilespmem:$0x101E0];
	[tilespmem:$0x16810] =	vst v59  }
0x15d: {  	v14 =	vld [tilespmem:$0x101F0];
	[tilespmem:$0x16820] =	vst v60  }
0x15e: {  	[tilespmem:$0x16830] =	vst v61  }
0x15f: {  	[tilespmem:$0x16840] =	vst v62  }
0x160: {  	[tilespmem:$0x16850] =	vst v63  }
0x161: {  	[tilespmem:$0x16860] =	vst v13  }
0x162: {  	[tilespmem:$0x16870] =	vst v14  }
0x163: {  	[tilespmem:$0x10570] =	vst v8  }
0x164: {  	[tilespmem:s26], [sflag:$0x1] =	stream.indirect.gather [hbm4b:s10+s5], $0x10, s11, s5, $0xb8;
	[tilespmem:$0x17900] =	vst v63  }
0x165: {  	_ =	swait.ge [sflag:s4], $0x800  }
0x166: {  	[sflag:s4] =	ssyncset.done $0x0  }
0x167: {  	[sflag:s4] =	ssyncadd.s32 $0xFFFFF800  }
0x168: {  	v15 =	vld.idx.msk [tilespmem:v0+s26+$0x0], $0xffff;
	_ =	sdelay $0x4  }
0x169: {  	[tilespmem:$0x10580] =	vst v15  }
0x16a: {  	v8 =	vld.idx.msk [tilespmem:v1+s26+$0x0], $0xffff;
	_ =	sdelay $0x4  }
0x16b: {  	[tilespmem:$0x10590] =	vst v8  }
0x16c: {  	v8 =	vld.idx.msk [tilespmem:v2+s26+$0x0], $0xffff;
	_ =	sdelay $0x4  }
0x16d: {  	[tilespmem:$0x105A0] =	vst v8  }
0x16e: {  	v8 =	vld.idx.msk [tilespmem:v3+s26+$0x0], $0xffff;
	_ =	sdelay $0x4  }
0x16f: {  	[tilespmem:$0x105B0] =	vst v8  }
0x170: {  	v8 =	vld.idx.msk [tilespmem:v4+s26+$0x0], $0xffff;
	_ =	sdelay $0x4  }
0x171: {  	[tilespmem:$0x105C0] =	vst v8  }
0x172: {  	v8 =	vld.idx.msk [tilespmem:v5+s26+$0x0], $0xffff;
	_ =	sdelay $0x4  }
0x173: {  	v16 =	vld [tilespmem:$0x10200];
	[tilespmem:$0x105D0] =	vst v8  }
0x174: {  	v8 =	vld.idx.msk [tilespmem:v6+s26+$0x0], $0xffff  }
0x175: {  	v17 =	vld [tilespmem:$0x10210]  }
0x176: {  	v18 =	vld [tilespmem:$0x10220]  }
0x177: {  	v19 =	vld [tilespmem:$0x10230]  }
0x178: {  	v20 =	vld [tilespmem:$0x10240]  }
0x179: {  	v21 =	vld [tilespmem:$0x10250];
	[tilespmem:$0x105E0] =	vst v8  }
0x17a: {  	v8 =	vld.idx.msk [tilespmem:v7+s26+$0x0], $0xffff;
	[tilespmem:$0x16800] =	vst v16  }
0x17b: {  	v22 =	vld [tilespmem:$0x10260];
	[tilespmem:$0x16810] =	vst v17  }
0x17c: {  	v23 =	vld [tilespmem:$0x10270];
	[tilespmem:$0x16820] =	vst v18  }
0x17d: {  	[tilespmem:$0x16830] =	vst v19  }
0x17e: {  	[tilespmem:$0x16840] =	vst v20  }
0x17f: {  	[tilespmem:$0x16850] =	vst v21  }
0x180: {  	[tilespmem:$0x16860] =	vst v22  }
0x181: {  	[tilespmem:$0x16870] =	vst v23  }
0x182: {  	[tilespmem:$0x105F0] =	vst v8  }
0x183: {  	[tilespmem:s26], [sflag:$0x1] =	stream.indirect.gather [hbm4b:s10+s5], $0x10, s11, s5, $0xb8;
	[tilespmem:$0x17900] =	vst v63  }
0x184: {  	_ =	swait.ge [sflag:s4], $0x800  }
0x185: {  	[sflag:s4] =	ssyncset.done $0x0  }
0x186: {  	[sflag:s4] =	ssyncadd.s32 $0xFFFFF800  }
0x187: {  	v24 =	vld.idx.msk [tilespmem:v0+s26+$0x0], $0xffff;
	_ =	sdelay $0x4  }
0x188: {  	[tilespmem:$0x10600] =	vst v24  }
0x189: {  	v8 =	vld.idx.msk [tilespmem:v1+s26+$0x0], $0xffff;
	_ =	sdelay $0x4  }
0x18a: {  	[tilespmem:$0x10610] =	vst v8  }
0x18b: {  	v8 =	vld.idx.msk [tilespmem:v2+s26+$0x0], $0xffff;
	_ =	sdelay $0x4  }
0x18c: {  	[tilespmem:$0x10620] =	vst v8  }
0x18d: {  	v8 =	vld.idx.msk [tilespmem:v3+s26+$0x0], $0xffff;
	_ =	sdelay $0x4  }
0x18e: {  	[tilespmem:$0x10630] =	vst v8  }
0x18f: {  	v8 =	vld.idx.msk [tilespmem:v4+s26+$0x0], $0xffff;
	_ =	sdelay $0x4  }
0x190: {  	[tilespmem:$0x10640] =	vst v8  }
0x191: {  	v8 =	vld.idx.msk [tilespmem:v5+s26+$0x0], $0xffff;
	_ =	sdelay $0x4  }
0x192: {  	v25 =	vld [tilespmem:$0x10280];
	[tilespmem:$0x10650] =	vst v8  }
0x193: {  	v8 =	vld.idx.msk [tilespmem:v6+s26+$0x0], $0xffff  }
0x194: {  	v26 =	vld [tilespmem:$0x10290]  }
0x195: {  	v27 =	vld [tilespmem:$0x102A0]  }
0x196: {  	v28 =	vld [tilespmem:$0x102B0]  }
0x197: {  	v29 =	vld [tilespmem:$0x102C0]  }
0x198: {  	v30 =	vld [tilespmem:$0x102D0];
	[tilespmem:$0x10660] =	vst v8  }
0x199: {  	v8 =	vld.idx.msk [tilespmem:v7+s26+$0x0], $0xffff;
	[tilespmem:$0x16800] =	vst v25  }
0x19a: {  	v31 =	vld [tilespmem:$0x102E0];
	[tilespmem:$0x16810] =	vst v26  }
0x19b: {  	v32 =	vld [tilespmem:$0x102F0];
	[tilespmem:$0x16820] =	vst v27  }
0x19c: {  	[tilespmem:$0x16830] =	vst v28  }
0x19d: {  	[tilespmem:$0x16840] =	vst v29  }
0x19e: {  	[tilespmem:$0x16850] =	vst v30  }
0x19f: {  	[tilespmem:$0x16860] =	vst v31  }
0x1a0: {  	[tilespmem:$0x16870] =	vst v32  }
0x1a1: {  	[tilespmem:$0x10670] =	vst v8  }
0x1a2: {  	[tilespmem:s26], [sflag:$0x1] =	stream.indirect.gather [hbm4b:s10+s5], $0x10, s11, s5, $0xb8;
	[tilespmem:$0x17900] =	vst v63  }
0x1a3: {  	_ =	swait.ge [sflag:s4], $0x800  }
0x1a4: {  	[sflag:s4] =	ssyncset.done $0x0  }
0x1a5: {  	[sflag:s4] =	ssyncadd.s32 $0xFFFFF800  }
0x1a6: {  	v33 =	vld.idx.msk [tilespmem:v0+s26+$0x0], $0xffff;
	_ =	sdelay $0x4  }
0x1a7: {  	[tilespmem:$0x10680] =	vst v33  }
0x1a8: {  	v8 =	vld.idx.msk [tilespmem:v1+s26+$0x0], $0xffff;
	_ =	sdelay $0x4  }
0x1a9: {  	[tilespmem:$0x10690] =	vst v8  }
0x1aa: {  	v8 =	vld.idx.msk [tilespmem:v2+s26+$0x0], $0xffff;
	_ =	sdelay $0x4  }
0x1ab: {  	[tilespmem:$0x106A0] =	vst v8  }
0x1ac: {  	v8 =	vld.idx.msk [tilespmem:v3+s26+$0x0], $0xffff;
	_ =	sdelay $0x4  }
0x1ad: {  	[tilespmem:$0x106B0] =	vst v8  }
0x1ae: {  	v8 =	vld.idx.msk [tilespmem:v4+s26+$0x0], $0xffff;
	_ =	sdelay $0x4  }
0x1af: {  	[tilespmem:$0x106C0] =	vst v8  }
0x1b0: {  	v8 =	vld.idx.msk [tilespmem:v5+s26+$0x0], $0xffff;
	_ =	sdelay $0x4  }
0x1b1: {  	v34 =	vld [tilespmem:$0x10300];
	[tilespmem:$0x106D0] =	vst v8  }
0x1b2: {  	v8 =	vld.idx.msk [tilespmem:v6+s26+$0x0], $0xffff  }
0x1b3: {  	v35 =	vld [tilespmem:$0x10310]  }
0x1b4: {  	v36 =	vld [tilespmem:$0x10320]  }
0x1b5: {  	v37 =	vld [tilespmem:$0x10330]  }
0x1b6: {  	v38 =	vld [tilespmem:$0x10340]  }
0x1b7: {  	v39 =	vld [tilespmem:$0x10350];
	[tilespmem:$0x106E0] =	vst v8  }
0x1b8: {  	v8 =	vld.idx.msk [tilespmem:v7+s26+$0x0], $0xffff;
	[tilespmem:$0x16800] =	vst v34  }
0x1b9: {  	v40 =	vld [tilespmem:$0x10360];
	[tilespmem:$0x16810] =	vst v35  }
0x1ba: {  	v41 =	vld [tilespmem:$0x10370];
	[tilespmem:$0x16820] =	vst v36  }
0x1bb: {  	[tilespmem:$0x16830] =	vst v37  }
0x1bc: {  	[tilespmem:$0x16840] =	vst v38  }
0x1bd: {  	[tilespmem:$0x16850] =	vst v39  }
0x1be: {  	[tilespmem:$0x16860] =	vst v40  }
0x1bf: {  	[tilespmem:$0x16870] =	vst v41  }
0x1c0: {  	[tilespmem:$0x106F0] =	vst v8  }
0x1c1: {  	[tilespmem:s26], [sflag:$0x1] =	stream.indirect.gather [hbm4b:s10+s5], $0x10, s11, s5, $0xb8;
	[tilespmem:$0x17900] =	vst v63  }
0x1c2: {  	_ =	swait.ge [sflag:s4], $0x800  }
0x1c3: {  	[sflag:s4] =	ssyncset.done $0x0  }
0x1c4: {  	[sflag:s4] =	ssyncadd.s32 $0xFFFFF800  }
0x1c5: {  	v42 =	vld.idx.msk [tilespmem:v0+s26+$0x0], $0xffff;
	_ =	sdelay $0x4  }
0x1c6: {  	[tilespmem:$0x10700] =	vst v42  }
0x1c7: {  	v8 =	vld.idx.msk [tilespmem:v1+s26+$0x0], $0xffff;
	_ =	sdelay $0x4  }
0x1c8: {  	[tilespmem:$0x10710] =	vst v8  }
0x1c9: {  	v8 =	vld.idx.msk [tilespmem:v2+s26+$0x0], $0xffff;
	_ =	sdelay $0x4  }
0x1ca: {  	[tilespmem:$0x10720] =	vst v8  }
0x1cb: {  	v8 =	vld.idx.msk [tilespmem:v3+s26+$0x0], $0xffff;
	_ =	sdelay $0x4  }
0x1cc: {  	[tilespmem:$0x10730] =	vst v8  }
0x1cd: {  	v8 =	vld.idx.msk [tilespmem:v4+s26+$0x0], $0xffff;
	_ =	sdelay $0x4  }
0x1ce: {  	[tilespmem:$0x10740] =	vst v8  }
0x1cf: {  	v8 =	vld.idx.msk [tilespmem:v5+s26+$0x0], $0xffff;
	_ =	sdelay $0x4  }
0x1d0: {  	v43 =	vld [tilespmem:$0x10380];
	[tilespmem:$0x10750] =	vst v8  }
0x1d1: {  	v8 =	vld.idx.msk [tilespmem:v6+s26+$0x0], $0xffff  }
0x1d2: {  	v44 =	vld [tilespmem:$0x10390]  }
0x1d3: {  	v45 =	vld [tilespmem:$0x103A0]  }
0x1d4: {  	v46 =	vld [tilespmem:$0x103B0]  }
0x1d5: {  	v47 =	vld [tilespmem:$0x103C0]  }
0x1d6: {  	v48 =	vld [tilespmem:$0x103D0];
	[tilespmem:$0x10760] =	vst v8  }
0x1d7: {  	v8 =	vld.idx.msk [tilespmem:v7+s26+$0x0], $0xffff;
	[tilespmem:$0x16800] =	vst v43  }
0x1d8: {  	v49 =	vld [tilespmem:$0x103E0];
	[tilespmem:$0x16810] =	vst v44  }
0x1d9: {  	v50 =	vld [tilespmem:$0x103F0];
	[tilespmem:$0x16820] =	vst v45  }
0x1da: {  	[tilespmem:$0x16830] =	vst v46  }
0x1db: {  	[tilespmem:$0x16840] =	vst v47  }
0x1dc: {  	[tilespmem:$0x16850] =	vst v48  }
0x1dd: {  	[tilespmem:$0x16860] =	vst v49  }
0x1de: {  	[tilespmem:$0x16870] =	vst v50  }
0x1df: {  	[tilespmem:$0x10770] =	vst v8  }
0x1e0: {  	[tilespmem:s26], [sflag:$0x1] =	stream.indirect.gather [hbm4b:s10+s5], $0x10, s11, s5, $0xb8;
	[tilespmem:$0x17900] =	vst v63  }
0x1e1: {  	_ =	swait.ge [sflag:s4], $0x800  }
0x1e2: {  	[sflag:s4] =	ssyncset.done $0x0  }
0x1e3: {  	[sflag:s4] =	ssyncadd.s32 $0xFFFFF800  }
0x1e4: {  	v0 =	vld.idx.msk [tilespmem:v0+s26+$0x0], $0xffff;
	_ =	sdelay $0x4  }
0x1e5: {  	[tilespmem:$0x10780] =	vst v0  }
0x1e6: {  	v0 =	vld.idx.msk [tilespmem:v1+s26+$0x0], $0xffff;
	_ =	sdelay $0x4  }
0x1e7: {  	[tilespmem:$0x10790] =	vst v0  }
0x1e8: {  	v0 =	vld.idx.msk [tilespmem:v2+s26+$0x0], $0xffff;
	_ =	sdelay $0x4  }
0x1e9: {  	[tilespmem:$0x107A0] =	vst v0  }
0x1ea: {  	v0 =	vld.idx.msk [tilespmem:v3+s26+$0x0], $0xffff;
	_ =	sdelay $0x4  }
0x1eb: {  	[tilespmem:$0x107B0] =	vst v0  }
0x1ec: {  	v0 =	vld.idx.msk [tilespmem:v4+s26+$0x0], $0xffff;
	_ =	sdelay $0x4  }
0x1ed: {  	[tilespmem:$0x107C0] =	vst v0  }
0x1ee: {  	v0 =	vld.idx.msk [tilespmem:v5+s26+$0x0], $0xffff;
	_ =	sdelay $0x4  }
0x1ef: {  	v51 =	vld [tilespmem:$0x10400];
	[tilespmem:$0x107D0] =	vst v0  }
0x1f0: {  	v0 =	vld.idx.msk [tilespmem:v6+s26+$0x0], $0xffff  }
0x1f1: {  	v52 =	vld [tilespmem:$0x10410]  }
0x1f2: {  	v53 =	vld [tilespmem:$0x10420]  }
0x1f3: {  	v54 =	vld [tilespmem:$0x10430]  }
0x1f4: {  	v55 =	vld [tilespmem:$0x10440]  }
0x1f5: {  	v56 =	vld [tilespmem:$0x10450];
	[tilespmem:$0x107E0] =	vst v0  }
0x1f6: {  	v0 =	vld.idx.msk [tilespmem:v7+s26+$0x0], $0xffff;
	[tilespmem:$0x16880] =	vst v51  }
0x1f7: {  	v57 =	vld [tilespmem:$0x10460];
	[tilespmem:$0x16890] =	vst v52  }
0x1f8: {  	v58 =	vld [tilespmem:$0x10470];
	[tilespmem:$0x168A0] =	vst v53  }
0x1f9: {  	[tilespmem:$0x168B0] =	vst v54  }
0x1fa: {  	[tilespmem:$0x168C0] =	vst v55  }
0x1fb: {  	[tilespmem:$0x168D0] =	vst v56  }
0x1fc: {  	[tilespmem:$0x168E0] =	vst v57  }
0x1fd: {  	s28 =	sshll.u32 s1, $0xD;
	[tilespmem:$0x168F0] =	vst v58  }
0x1fe: {  	s29 =	sadd.s32 s7, s28;
	s30 =	simm.s32 $0x10800;
	[tilespmem:$0x107F0] =	vst v0  }
0x1ff: {  	[tilespmem:s30], [sflag:$0x1] =	stream.linear.gather [hbm4b:s29+s2], $0x2000, $0x38;
	[tilespmem:$0x17900] =	vst v63  }
0x200: {  	_ =	swait.ge [sflag:s4], $0x2000  }
0x201: {  	[sflag:s4] =	ssyncset.done $0x0  }
0x202: {  	s10 =	simm.s32 $0x16880;
	[sflag:s4] =	ssyncadd.s32 $0xFFFFE000  }
0x203: {  	[spmem:s3] =	stream.indirect.scatter.add.f32 [tilespmem:s30], [sflag:$0x1], $0x40, s10, s5, $0xb8;
	[tilespmem:$0x17900] =	vst v63  }
0x204: {  	_ =	swait.ge [sflag:s4], $0x2000  }
0x205: {  	[sflag:s4] =	ssyncset.done $0x0  }
0x206: {  	[sflag:s4] =	ssyncadd.s32 $0xFFFFE000  }
0x207: {  	v59 =	vld [tilespmem:$0x10480]  }
0x208: {  	v60 =	vld [tilespmem:$0x10490]  }
0x209: {  	v61 =	vld [tilespmem:$0x104A0]  }
0x20a: {  	v62 =	vld [tilespmem:$0x104B0]  }
0x20b: {  	v63 =	vld [tilespmem:$0x104C0]  }
0x20c: {  	v8 =	vld [tilespmem:$0x104D0];
	[tilespmem:$0x16880] =	vst v59  }
0x20d: {  	v9 =	vld [tilespmem:$0x104E0];
	[tilespmem:$0x16890] =	vst v60  }
0x20e: {  	v10 =	vld [tilespmem:$0x104F0];
	[tilespmem:$0x168A0] =	vst v61  }
0x20f: {  	[tilespmem:$0x168B0] =	vst v62  }
0x210: {  	[tilespmem:$0x168C0] =	vst v63  }
0x211: {  	[tilespmem:$0x168D0] =	vst v8  }
0x212: {  	s8 =	sshll.u32 s8, $0x3;
	[tilespmem:$0x168E0] =	vst v9  }
0x213: {  	s31 =	sadd.s32 s7, s8;
	[tilespmem:$0x168F0] =	vst v10  }
0x214: {  	[tilespmem:s30], [sflag:$0x1] =	stream.linear.gather [hbm4b:s31+s2], $0x2000, $0x38;
	[tilespmem:$0x17900] =	vst v63  }
0x215: {  	_ =	swait.ge [sflag:s4], $0x2000  }
0x216: {  	[sflag:s4] =	ssyncset.done $0x0  }
0x217: {  	[sflag:s4] =	ssyncadd.s32 $0xFFFFE000  }
0x218: {  	[spmem:s3] =	stream.indirect.scatter.add.f32 [tilespmem:s30], [sflag:$0x1], $0x40, s10, s5, $0xb8;
	[tilespmem:$0x17900] =	vst v63  }
0x219: {  	_ =	swait.ge [sflag:s4], $0x2000  }
0x21a: {  	[sflag:s4] =	ssyncset.done $0x0  }
0x21b: {  	[sflag:s4] =	ssyncadd.s32 $0xFFFFE000  }
0x21c: {  	v11 =	vld [tilespmem:$0x10500]  }
0x21d: {  	v12 =	vld [tilespmem:$0x10510]  }
0x21e: {  	v13 =	vld [tilespmem:$0x10520]  }
0x21f: {  	v14 =	vld [tilespmem:$0x10530]  }
0x220: {  	v15 =	vld [tilespmem:$0x10540]  }
0x221: {  	v16 =	vld [tilespmem:$0x10550];
	[tilespmem:$0x16880] =	vst v11  }
0x222: {  	v17 =	vld [tilespmem:$0x10560];
	[tilespmem:$0x16890] =	vst v12  }
0x223: {  	v18 =	vld [tilespmem:$0x10570];
	[tilespmem:$0x168A0] =	vst v13  }
0x224: {  	[tilespmem:$0x168B0] =	vst v14  }
0x225: {  	[tilespmem:$0x168C0] =	vst v15  }
0x226: {  	[tilespmem:$0x168D0] =	vst v16  }
0x227: {  	s9 =	sshll.u32 s9, $0x3;
	[tilespmem:$0x168E0] =	vst v17  }
0x228: {  	s19 =	sadd.s32 s7, s9;
	[tilespmem:$0x168F0] =	vst v18  }
0x229: {  	[tilespmem:s30], [sflag:$0x1] =	stream.linear.gather [hbm4b:s19+s2], $0x2000, $0x38;
	[tilespmem:$0x17900] =	vst v63  }
0x22a: {  	_ =	swait.ge [sflag:s4], $0x2000  }
0x22b: {  	[sflag:s4] =	ssyncset.done $0x0  }
0x22c: {  	[sflag:s4] =	ssyncadd.s32 $0xFFFFE000  }
0x22d: {  	[spmem:s3] =	stream.indirect.scatter.add.f32 [tilespmem:s30], [sflag:$0x1], $0x40, s10, s5, $0xb8;
	[tilespmem:$0x17900] =	vst v63  }
0x22e: {  	_ =	swait.ge [sflag:s4], $0x2000  }
0x22f: {  	[sflag:s4] =	ssyncset.done $0x0  }
0x230: {  	[sflag:s4] =	ssyncadd.s32 $0xFFFFE000  }
0x231: {  	v19 =	vld [tilespmem:$0x10580]  }
0x232: {  	v20 =	vld [tilespmem:$0x10590]  }
0x233: {  	v21 =	vld [tilespmem:$0x105A0]  }
0x234: {  	v22 =	vld [tilespmem:$0x105B0]  }
0x235: {  	v23 =	vld [tilespmem:$0x105C0]  }
0x236: {  	v24 =	vld [tilespmem:$0x105D0];
	[tilespmem:$0x16880] =	vst v19  }
0x237: {  	v25 =	vld [tilespmem:$0x105E0];
	[tilespmem:$0x16890] =	vst v20  }
0x238: {  	v26 =	vld [tilespmem:$0x105F0];
	[tilespmem:$0x168A0] =	vst v21  }
0x239: {  	[tilespmem:$0x168B0] =	vst v22  }
0x23a: {  	[tilespmem:$0x168C0] =	vst v23  }
0x23b: {  	[tilespmem:$0x168D0] =	vst v24  }
0x23c: {  	s12 =	sshll.u32 s12, $0x3;
	[tilespmem:$0x168E0] =	vst v25  }
0x23d: {  	s20 =	sadd.s32 s7, s12;
	[tilespmem:$0x168F0] =	vst v26  }
0x23e: {  	[tilespmem:s30], [sflag:$0x1] =	stream.linear.gather [hbm4b:s20+s2], $0x2000, $0x38;
	[tilespmem:$0x17900] =	vst v63  }
0x23f: {  	_ =	swait.ge [sflag:s4], $0x2000  }
0x240: {  	[sflag:s4] =	ssyncset.done $0x0  }
0x241: {  	[sflag:s4] =	ssyncadd.s32 $0xFFFFE000  }
0x242: {  	[spmem:s3] =	stream.indirect.scatter.add.f32 [tilespmem:s30], [sflag:$0x1], $0x40, s10, s5, $0xb8;
	[tilespmem:$0x17900] =	vst v63  }
0x243: {  	_ =	swait.ge [sflag:s4], $0x2000  }
0x244: {  	[sflag:s4] =	ssyncset.done $0x0  }
0x245: {  	[sflag:s4] =	ssyncadd.s32 $0xFFFFE000  }
0x246: {  	v27 =	vld [tilespmem:$0x10600]  }
0x247: {  	v28 =	vld [tilespmem:$0x10610]  }
0x248: {  	v29 =	vld [tilespmem:$0x10620]  }
0x249: {  	v30 =	vld [tilespmem:$0x10630]  }
0x24a: {  	v31 =	vld [tilespmem:$0x10640]  }
0x24b: {  	v32 =	vld [tilespmem:$0x10650];
	[tilespmem:$0x16880] =	vst v27  }
0x24c: {  	v33 =	vld [tilespmem:$0x10660];
	[tilespmem:$0x16890] =	vst v28  }
0x24d: {  	v34 =	vld [tilespmem:$0x10670];
	[tilespmem:$0x168A0] =	vst v29  }
0x24e: {  	[tilespmem:$0x168B0] =	vst v30  }
0x24f: {  	[tilespmem:$0x168C0] =	vst v31  }
0x250: {  	[tilespmem:$0x168D0] =	vst v32  }
0x251: {  	s13 =	sshll.u32 s13, $0x3;
	[tilespmem:$0x168E0] =	vst v33  }
0x252: {  	s21 =	sadd.s32 s7, s13;
	[tilespmem:$0x168F0] =	vst v34  }
0x253: {  	[tilespmem:s30], [sflag:$0x1] =	stream.linear.gather [hbm4b:s21+s2], $0x2000, $0x38;
	[tilespmem:$0x17900] =	vst v63  }
0x254: {  	_ =	swait.ge [sflag:s4], $0x2000  }
0x255: {  	[sflag:s4] =	ssyncset.done $0x0  }
0x256: {  	[sflag:s4] =	ssyncadd.s32 $0xFFFFE000  }
0x257: {  	[spmem:s3] =	stream.indirect.scatter.add.f32 [tilespmem:s30], [sflag:$0x1], $0x40, s10, s5, $0xb8;
	[tilespmem:$0x17900] =	vst v63  }
0x258: {  	_ =	swait.ge [sflag:s4], $0x2000  }
0x259: {  	[sflag:s4] =	ssyncset.done $0x0  }
0x25a: {  	[sflag:s4] =	ssyncadd.s32 $0xFFFFE000  }
0x25b: {  	v35 =	vld [tilespmem:$0x10680]  }
0x25c: {  	v36 =	vld [tilespmem:$0x10690]  }
0x25d: {  	v37 =	vld [tilespmem:$0x106A0]  }
0x25e: {  	v38 =	vld [tilespmem:$0x106B0]  }
0x25f: {  	v39 =	vld [tilespmem:$0x106C0]  }
0x260: {  	v40 =	vld [tilespmem:$0x106D0];
	[tilespmem:$0x16880] =	vst v35  }
0x261: {  	v41 =	vld [tilespmem:$0x106E0];
	[tilespmem:$0x16890] =	vst v36  }
0x262: {  	v42 =	vld [tilespmem:$0x106F0];
	[tilespmem:$0x168A0] =	vst v37  }
0x263: {  	[tilespmem:$0x168B0] =	vst v38  }
0x264: {  	[tilespmem:$0x168C0] =	vst v39  }
0x265: {  	[tilespmem:$0x168D0] =	vst v40  }
0x266: {  	s14 =	sshll.u32 s14, $0x3;
	[tilespmem:$0x168E0] =	vst v41  }
0x267: {  	s22 =	sadd.s32 s7, s14;
	[tilespmem:$0x168F0] =	vst v42  }
0x268: {  	[tilespmem:s30], [sflag:$0x1] =	stream.linear.gather [hbm4b:s22+s2], $0x2000, $0x38;
	[tilespmem:$0x17900] =	vst v63  }
0x269: {  	_ =	swait.ge [sflag:s4], $0x2000  }
0x26a: {  	[sflag:s4] =	ssyncset.done $0x0  }
0x26b: {  	[sflag:s4] =	ssyncadd.s32 $0xFFFFE000  }
0x26c: {  	[spmem:s3] =	stream.indirect.scatter.add.f32 [tilespmem:s30], [sflag:$0x1], $0x40, s10, s5, $0xb8;
	[tilespmem:$0x17900] =	vst v63  }
0x26d: {  	_ =	swait.ge [sflag:s4], $0x2000  }
0x26e: {  	[sflag:s4] =	ssyncset.done $0x0  }
0x26f: {  	[sflag:s4] =	ssyncadd.s32 $0xFFFFE000  }
0x270: {  	v43 =	vld [tilespmem:$0x10700]  }
0x271: {  	v44 =	vld [tilespmem:$0x10710]  }
0x272: {  	v45 =	vld [tilespmem:$0x10720]  }
0x273: {  	v46 =	vld [tilespmem:$0x10730]  }
0x274: {  	v47 =	vld [tilespmem:$0x10740]  }
0x275: {  	v48 =	vld [tilespmem:$0x10750];
	[tilespmem:$0x16880] =	vst v43  }
0x276: {  	v49 =	vld [tilespmem:$0x10760];
	[tilespmem:$0x16890] =	vst v44  }
0x277: {  	v50 =	vld [tilespmem:$0x10770];
	[tilespmem:$0x168A0] =	vst v45  }
0x278: {  	[tilespmem:$0x168B0] =	vst v46  }
0x279: {  	[tilespmem:$0x168C0] =	vst v47  }
0x27a: {  	[tilespmem:$0x168D0] =	vst v48  }
0x27b: {  	s15 =	sshll.u32 s15, $0x3;
	[tilespmem:$0x168E0] =	vst v49  }
0x27c: {  	s23 =	sadd.s32 s7, s15;
	[tilespmem:$0x168F0] =	vst v50  }
0x27d: {  	[tilespmem:s30], [sflag:$0x1] =	stream.linear.gather [hbm4b:s23+s2], $0x2000, $0x38;
	[tilespmem:$0x17900] =	vst v63  }
0x27e: {  	_ =	swait.ge [sflag:s4], $0x2000  }
0x27f: {  	[sflag:s4] =	ssyncset.done $0x0  }
0x280: {  	[sflag:s4] =	ssyncadd.s32 $0xFFFFE000  }
0x281: {  	[spmem:s3] =	stream.indirect.scatter.add.f32 [tilespmem:s30], [sflag:$0x1], $0x40, s10, s5, $0xb8;
	[tilespmem:$0x17900] =	vst v63  }
0x282: {  	_ =	swait.ge [sflag:s4], $0x2000  }
0x283: {  	[sflag:s4] =	ssyncset.done $0x0  }
0x284: {  	[sflag:s4] =	ssyncadd.s32 $0xFFFFE000  }
0x285: {  	v51 =	vld [tilespmem:$0x10780]  }
0x286: {  	v52 =	vld [tilespmem:$0x10790]  }
0x287: {  	v53 =	vld [tilespmem:$0x107A0]  }
0x288: {  	v54 =	vld [tilespmem:$0x107B0]  }
0x289: {  	v55 =	vld [tilespmem:$0x107C0]  }
0x28a: {  	v56 =	vld [tilespmem:$0x107D0];
	[tilespmem:$0x16880] =	vst v51  }
0x28b: {  	v57 =	vld [tilespmem:$0x107E0];
	[tilespmem:$0x16890] =	vst v52  }
0x28c: {  	v58 =	vld [tilespmem:$0x107F0];
	[tilespmem:$0x168A0] =	vst v53  }
0x28d: {  	[tilespmem:$0x168B0] =	vst v54  }
0x28e: {  	[tilespmem:$0x168C0] =	vst v55  }
0x28f: {  	[tilespmem:$0x168D0] =	vst v56  }
0x290: {  	s16 =	sshll.u32 s16, $0x3;
	[tilespmem:$0x168E0] =	vst v57  }
0x291: {  	s7 =	sadd.s32 s7, s16;
	[tilespmem:$0x168F0] =	vst v58  }
0x292: {  	[tilespmem:s30], [sflag:$0x1] =	stream.linear.gather [hbm4b:s7+s2], $0x2000, $0x38;
	[tilespmem:$0x17900] =	vst v63  }
0x293: {  	_ =	swait.ge [sflag:s4], $0x2000  }
0x294: {  	[sflag:s4] =	ssyncset.done $0x0  }
0x295: {  	[sflag:s4] =	ssyncadd.s32 $0xFFFFE000  }
0x296: {  	[spmem:s3] =	stream.indirect.scatter.add.f32 [tilespmem:s30], [sflag:$0x1], $0x40, s10, s5, $0xb8;
	[tilespmem:$0x17900] =	vst v63  }
0x297: {  	_ =	swait.ge [sflag:s4], $0x2000  }
0x298: {  	[sflag:s4] =	ssyncset.done $0x0  }
0x299: {  	[sflag:s4] =	ssyncadd.s32 $0xFFFFE000  }
0x29a: {  	[bflag:$0x0] =	sbarrier.arrive $0xFFFF  }
0x29b: {  	v59 =	vld [tilespmem:$0x10400]  }
0x29c: {  	v60 =	vld [tilespmem:$0x10410]  }
0x29d: {  	v61 =	vld [tilespmem:$0x10420]  }
0x29e: {  	v62 =	vld [tilespmem:$0x10430]  }
0x29f: {  	v63 =	vld [tilespmem:$0x10440]  }
0x2a0: {  	v5 =	vld [tilespmem:$0x10450];
	[tilespmem:$0x16880] =	vst v59  }
0x2a1: {  	v6 =	vld [tilespmem:$0x10460];
	[tilespmem:$0x16890] =	vst v60  }
0x2a2: {  	v7 =	vld [tilespmem:$0x10470];
	[tilespmem:$0x168A0] =	vst v61  }
0x2a3: {  	[tilespmem:$0x168B0] =	vst v62  }
0x2a4: {  	[tilespmem:$0x168C0] =	vst v63  }
0x2a5: {  	[tilespmem:$0x168D0] =	vst v5  }
0x2a6: {  	[tilespmem:$0x168E0] =	vst v6  }
0x2a7: {  	s24 =	simm.s32 $0x12800;
	[tilespmem:$0x168F0] =	vst v7  }
0x2a8: {  	[tilespmem:s24], [sflag:$0x1] =	stream.indirect.gather [spmem:s3], $0x40, s10, s5, $0xb8;
	[tilespmem:$0x17900] =	vst v63  }
0x2a9: {  	_ =	swait.ge [sflag:s4], $0x2000  }
0x2aa: {  	s6 =	sadd.s32 $0x1282200, s6;
	[sflag:s4] =	ssyncset.done $0x0  }
0x2ab: {  	s11 =	sadd.s32 s6, s28;
	[sflag:s4] =	ssyncadd.s32 $0xFFFFE000  }
0x2ac: {  	[hbm4b:s11+s2] =	stream.linear.scatter [tilespmem:s24], [sflag:$0x1], $0x2000, $0x38;
	[tilespmem:$0x17900] =	vst v63  }
0x2ad: {  	_ =	swait.ge [sflag:s4], $0x2000  }
0x2ae: {  	[sflag:s4] =	ssyncset.done $0x0  }
0x2af: {  	[sflag:s4] =	ssyncadd.s32 $0xFFFFE000  }
0x2b0: {  	v8 =	vld [tilespmem:$0x10480]  }
0x2b1: {  	v9 =	vld [tilespmem:$0x10490]  }
0x2b2: {  	v10 =	vld [tilespmem:$0x104A0]  }
0x2b3: {  	v11 =	vld [tilespmem:$0x104B0]  }
0x2b4: {  	v12 =	vld [tilespmem:$0x104C0]  }
0x2b5: {  	v13 =	vld [tilespmem:$0x104D0];
	[tilespmem:$0x16880] =	vst v8  }
0x2b6: {  	v14 =	vld [tilespmem:$0x104E0];
	[tilespmem:$0x16890] =	vst v9  }
0x2b7: {  	v15 =	vld [tilespmem:$0x104F0];
	[tilespmem:$0x168A0] =	vst v10  }
0x2b8: {  	[tilespmem:$0x168B0] =	vst v11  }
0x2b9: {  	[tilespmem:$0x168C0] =	vst v12  }
0x2ba: {  	[tilespmem:$0x168D0] =	vst v13  }
0x2bb: {  	[tilespmem:$0x168E0] =	vst v14  }
0x2bc: {  	[tilespmem:$0x168F0] =	vst v15  }
0x2bd: {  	[tilespmem:s24], [sflag:$0x1] =	stream.indirect.gather [spmem:s3], $0x40, s10, s5, $0xb8;
	[tilespmem:$0x17900] =	vst v63  }
0x2be: {  	_ =	swait.ge [sflag:s4], $0x2000  }
0x2bf: {  	[sflag:s4] =	ssyncset.done $0x0  }
0x2c0: {  	s8 =	sadd.s32 s6, s8;
	[sflag:s4] =	ssyncadd.s32 $0xFFFFE000  }
0x2c1: {  	[hbm4b:s8+s2] =	stream.linear.scatter [tilespmem:s24], [sflag:$0x1], $0x2000, $0x38;
	[tilespmem:$0x17900] =	vst v63  }
0x2c2: {  	_ =	swait.ge [sflag:s4], $0x2000  }
0x2c3: {  	[sflag:s4] =	ssyncset.done $0x0  }
0x2c4: {  	[sflag:s4] =	ssyncadd.s32 $0xFFFFE000  }
0x2c5: {  	v16 =	vld [tilespmem:$0x10500]  }
0x2c6: {  	v17 =	vld [tilespmem:$0x10510]  }
0x2c7: {  	v18 =	vld [tilespmem:$0x10520]  }
0x2c8: {  	v19 =	vld [tilespmem:$0x10530]  }
0x2c9: {  	v20 =	vld [tilespmem:$0x10540]  }
0x2ca: {  	v21 =	vld [tilespmem:$0x10550];
	[tilespmem:$0x16880] =	vst v16  }
0x2cb: {  	v22 =	vld [tilespmem:$0x10560];
	[tilespmem:$0x16890] =	vst v17  }
0x2cc: {  	v23 =	vld [tilespmem:$0x10570];
	[tilespmem:$0x168A0] =	vst v18  }
0x2cd: {  	[tilespmem:$0x168B0] =	vst v19  }
0x2ce: {  	[tilespmem:$0x168C0] =	vst v20  }
0x2cf: {  	[tilespmem:$0x168D0] =	vst v21  }
0x2d0: {  	[tilespmem:$0x168E0] =	vst v22  }
0x2d1: {  	[tilespmem:$0x168F0] =	vst v23  }
0x2d2: {  	[tilespmem:s24], [sflag:$0x1] =	stream.indirect.gather [spmem:s3], $0x40, s10, s5, $0xb8;
	[tilespmem:$0x17900] =	vst v63  }
0x2d3: {  	_ =	swait.ge [sflag:s4], $0x2000  }
0x2d4: {  	[sflag:s4] =	ssyncset.done $0x0  }
0x2d5: {  	s25 =	sadd.s32 s6, s9;
	[sflag:s4] =	ssyncadd.s32 $0xFFFFE000  }
0x2d6: {  	[hbm4b:s25+s2] =	stream.linear.scatter [tilespmem:s24], [sflag:$0x1], $0x2000, $0x38;
	[tilespmem:$0x17900] =	vst v63  }
0x2d7: {  	_ =	swait.ge [sflag:s4], $0x2000  }
0x2d8: {  	[sflag:s4] =	ssyncset.done $0x0  }
0x2d9: {  	[sflag:s4] =	ssyncadd.s32 $0xFFFFE000  }
0x2da: {  	v24 =	vld [tilespmem:$0x10580]  }
0x2db: {  	v25 =	vld [tilespmem:$0x10590]  }
0x2dc: {  	v26 =	vld [tilespmem:$0x105A0]  }
0x2dd: {  	v27 =	vld [tilespmem:$0x105B0]  }
0x2de: {  	v28 =	vld [tilespmem:$0x105C0]  }
0x2df: {  	v29 =	vld [tilespmem:$0x105D0];
	[tilespmem:$0x16880] =	vst v24  }
0x2e0: {  	v30 =	vld [tilespmem:$0x105E0];
	[tilespmem:$0x16890] =	vst v25  }
0x2e1: {  	v31 =	vld [tilespmem:$0x105F0];
	[tilespmem:$0x168A0] =	vst v26  }
0x2e2: {  	[tilespmem:$0x168B0] =	vst v27  }
0x2e3: {  	[tilespmem:$0x168C0] =	vst v28  }
0x2e4: {  	[tilespmem:$0x168D0] =	vst v29  }
0x2e5: {  	[tilespmem:$0x168E0] =	vst v30  }
0x2e6: {  	[tilespmem:$0x168F0] =	vst v31  }
0x2e7: {  	[tilespmem:s24], [sflag:$0x1] =	stream.indirect.gather [spmem:s3], $0x40, s10, s5, $0xb8;
	[tilespmem:$0x17900] =	vst v63  }
0x2e8: {  	_ =	swait.ge [sflag:s4], $0x2000  }
0x2e9: {  	[sflag:s4] =	ssyncset.done $0x0  }
0x2ea: {  	s26 =	sadd.s32 s6, s12;
	[sflag:s4] =	ssyncadd.s32 $0xFFFFE000  }
0x2eb: {  	[hbm4b:s26+s2] =	stream.linear.scatter [tilespmem:s24], [sflag:$0x1], $0x2000, $0x38;
	[tilespmem:$0x17900] =	vst v63  }
0x2ec: {  	_ =	swait.ge [sflag:s4], $0x2000  }
0x2ed: {  	[sflag:s4] =	ssyncset.done $0x0  }
0x2ee: {  	[sflag:s4] =	ssyncadd.s32 $0xFFFFE000  }
0x2ef: {  	v32 =	vld [tilespmem:$0x10600]  }
0x2f0: {  	v33 =	vld [tilespmem:$0x10610]  }
0x2f1: {  	v34 =	vld [tilespmem:$0x10620]  }
0x2f2: {  	v35 =	vld [tilespmem:$0x10630]  }
0x2f3: {  	v36 =	vld [tilespmem:$0x10640]  }
0x2f4: {  	v37 =	vld [tilespmem:$0x10650];
	[tilespmem:$0x16880] =	vst v32  }
0x2f5: {  	v38 =	vld [tilespmem:$0x10660];
	[tilespmem:$0x16890] =	vst v33  }
0x2f6: {  	v39 =	vld [tilespmem:$0x10670];
	[tilespmem:$0x168A0] =	vst v34  }
0x2f7: {  	[tilespmem:$0x168B0] =	vst v35  }
0x2f8: {  	[tilespmem:$0x168C0] =	vst v36  }
0x2f9: {  	[tilespmem:$0x168D0] =	vst v37  }
0x2fa: {  	[tilespmem:$0x168E0] =	vst v38  }
0x2fb: {  	[tilespmem:$0x168F0] =	vst v39  }
0x2fc: {  	[tilespmem:s24], [sflag:$0x1] =	stream.indirect.gather [spmem:s3], $0x40, s10, s5, $0xb8;
	[tilespmem:$0x17900] =	vst v63  }
0x2fd: {  	_ =	swait.ge [sflag:s4], $0x2000  }
0x2fe: {  	[sflag:s4] =	ssyncset.done $0x0  }
0x2ff: {  	s28 =	sadd.s32 s6, s13;
	[sflag:s4] =	ssyncadd.s32 $0xFFFFE000  }
0x300: {  	[hbm4b:s28+s2] =	stream.linear.scatter [tilespmem:s24], [sflag:$0x1], $0x2000, $0x38;
	[tilespmem:$0x17900] =	vst v63  }
0x301: {  	_ =	swait.ge [sflag:s4], $0x2000  }
0x302: {  	[sflag:s4] =	ssyncset.done $0x0  }
0x303: {  	[sflag:s4] =	ssyncadd.s32 $0xFFFFE000  }
0x304: {  	v40 =	vld [tilespmem:$0x10680]  }
0x305: {  	v41 =	vld [tilespmem:$0x10690]  }
0x306: {  	v42 =	vld [tilespmem:$0x106A0]  }
0x307: {  	v43 =	vld [tilespmem:$0x106B0]  }
0x308: {  	v44 =	vld [tilespmem:$0x106C0]  }
0x309: {  	v45 =	vld [tilespmem:$0x106D0];
	[tilespmem:$0x16880] =	vst v40  }
0x30a: {  	v46 =	vld [tilespmem:$0x106E0];
	[tilespmem:$0x16890] =	vst v41  }
0x30b: {  	v47 =	vld [tilespmem:$0x106F0];
	[tilespmem:$0x168A0] =	vst v42  }
0x30c: {  	[tilespmem:$0x168B0] =	vst v43  }
0x30d: {  	[tilespmem:$0x168C0] =	vst v44  }
0x30e: {  	[tilespmem:$0x168D0] =	vst v45  }
0x30f: {  	[tilespmem:$0x168E0] =	vst v46  }
0x310: {  	[tilespmem:$0x168F0] =	vst v47  }
0x311: {  	[tilespmem:s24], [sflag:$0x1] =	stream.indirect.gather [spmem:s3], $0x40, s10, s5, $0xb8;
	[tilespmem:$0x17900] =	vst v63  }
0x312: {  	_ =	swait.ge [sflag:s4], $0x2000  }
0x313: {  	[sflag:s4] =	ssyncset.done $0x0  }
0x314: {  	s29 =	sadd.s32 s6, s14;
	[sflag:s4] =	ssyncadd.s32 $0xFFFFE000  }
0x315: {  	[hbm4b:s29+s2] =	stream.linear.scatter [tilespmem:s24], [sflag:$0x1], $0x2000, $0x38;
	[tilespmem:$0x17900] =	vst v63  }
0x316: {  	_ =	swait.ge [sflag:s4], $0x2000  }
0x317: {  	[sflag:s4] =	ssyncset.done $0x0  }
0x318: {  	[sflag:s4] =	ssyncadd.s32 $0xFFFFE000  }
0x319: {  	v48 =	vld [tilespmem:$0x10700]  }
0x31a: {  	v49 =	vld [tilespmem:$0x10710]  }
0x31b: {  	v50 =	vld [tilespmem:$0x10720]  }
0x31c: {  	v51 =	vld [tilespmem:$0x10730]  }
0x31d: {  	v52 =	vld [tilespmem:$0x10740]  }
0x31e: {  	v53 =	vld [tilespmem:$0x10750];
	[tilespmem:$0x16880] =	vst v48  }
0x31f: {  	v54 =	vld [tilespmem:$0x10760];
	[tilespmem:$0x16890] =	vst v49  }
0x320: {  	v55 =	vld [tilespmem:$0x10770];
	[tilespmem:$0x168A0] =	vst v50  }
0x321: {  	[tilespmem:$0x168B0] =	vst v51  }
0x322: {  	[tilespmem:$0x168C0] =	vst v52  }
0x323: {  	[tilespmem:$0x168D0] =	vst v53  }
0x324: {  	[tilespmem:$0x168E0] =	vst v54  }
0x325: {  	[tilespmem:$0x168F0] =	vst v55  }
0x326: {  	[tilespmem:s24], [sflag:$0x1] =	stream.indirect.gather [spmem:s3], $0x40, s10, s5, $0xb8;
	[tilespmem:$0x17900] =	vst v63  }
0x327: {  	_ =	swait.ge [sflag:s4], $0x2000  }
0x328: {  	[sflag:s4] =	ssyncset.done $0x0  }
0x329: {  	s30 =	sadd.s32 s6, s15;
	[sflag:s4] =	ssyncadd.s32 $0xFFFFE000  }
0x32a: {  	[hbm4b:s30+s2] =	stream.linear.scatter [tilespmem:s24], [sflag:$0x1], $0x2000, $0x38;
	[tilespmem:$0x17900] =	vst v63  }
0x32b: {  	_ =	swait.ge [sflag:s4], $0x2000  }
0x32c: {  	[sflag:s4] =	ssyncset.done $0x0  }
0x32d: {  	[sflag:s4] =	ssyncadd.s32 $0xFFFFE000  }
0x32e: {  	v56 =	vld [tilespmem:$0x10780]  }
0x32f: {  	v57 =	vld [tilespmem:$0x10790]  }
0x330: {  	v58 =	vld [tilespmem:$0x107A0]  }
0x331: {  	v59 =	vld [tilespmem:$0x107B0]  }
0x332: {  	v60 =	vld [tilespmem:$0x107C0]  }
0x333: {  	v61 =	vld [tilespmem:$0x107D0];
	[tilespmem:$0x16880] =	vst v56  }
0x334: {  	v62 =	vld [tilespmem:$0x107E0];
	[tilespmem:$0x16890] =	vst v57  }
0x335: {  	v63 =	vld [tilespmem:$0x107F0];
	[tilespmem:$0x168A0] =	vst v58  }
0x336: {  	[tilespmem:$0x168B0] =	vst v59  }
0x337: {  	[tilespmem:$0x168C0] =	vst v60  }
0x338: {  	[tilespmem:$0x168D0] =	vst v61  }
0x339: {  	[tilespmem:$0x168E0] =	vst v62  }
0x33a: {  	[tilespmem:$0x168F0] =	vst v63  }
0x33b: {  	[tilespmem:s24], [sflag:$0x1] =	stream.indirect.gather [spmem:s3], $0x40, s10, s5, $0xb8;
	[tilespmem:$0x17900] =	vst v63  }
0x33c: {  	_ =	swait.ge [sflag:s4], $0x2000  }
0x33d: {  	[sflag:s4] =	ssyncset.done $0x0  }
0x33e: {  	s31 =	sadd.s32 s6, s16;
	[sflag:s4] =	ssyncadd.s32 $0xFFFFE000  }
0x33f: {  	[hbm4b:s31+s2] =	stream.linear.scatter [tilespmem:s24], [sflag:$0x1], $0x2000, $0x38;
	[tilespmem:$0x17900] =	vst v63  }
0x340: {  	_ =	swait.ge [sflag:s4], $0x2000  }
0x341: {  	[sflag:s4] =	ssyncset.done $0x0  }
0x342: {  	[sflag:s4] =	ssyncadd.s32 $0xFFFFE000  }
0x343: {  	_ =	sfence.sel $0x180000  }
0x344: {  	[bflag:$0x0] =	sbarrier.arrive $0xFFFF  }
0x345: {  	p0 =	sne.s32 s1, $0x0;
	_ =	strace $0x9000004A  }
0x346: {  	s0 =	sadd.s32 @!p0 $0x100000, s0;
	[bflag:$0x2] =	sbarrier.arrive $0xFFFF  }
0x347: {  	[sflag:s0] =	ssyncadd.tile.s32 @!p0 $0x1;
	_ =	shalt  }
.Lfunc_end2:
_tile_overlayer_lowered:
.L_overlay_start_2:
0x348: {  	(tag) =	ssettag $0x2  }
0x349: {  	s0 =	rddreg [dreg:$0x0];
	s2 =	stileid.u32  }
0x34a: {  	s1 =	rddreg [dreg:$0x1];
	p0 =	sne.s32 s2, $0x0  }
0x34b: {  	s3 =	rddreg [dreg:$0x2];
	[bflag:$0x3] =	sbarrier.arrive $0xFFFF;
	s2 =	simm.s32 @!p0 $0x1C01  }
0x34c: {  	[timem:s3], [sflag:s2] =	dma.local @!p0 [hbm:s0], s1  }
0x34d: {  	s0 =	simm.s32 @!p0 $0x1  }
0x34e: {  	_ =	swait.ge @!p0 [sflag:s0], s1  }
0x34f: {  	s1 =	ssub.s32 @!p0 $0x0, s1;
	[sflag:s0] =	ssyncset.done @!p0 $0x0  }
0x350: {  	[sflag:s0] =	ssyncadd.s32 @!p0 s1  }
0x351: {  	[bflag:$0x3] =	sbarrier.arrive $0xFFFF  }
0x352: {  	_ =	shalt  }

</sc_bundles>
